<compile_context>
chip_gen: v7x
topology: tpu7x:2x2x1
jax: 0.10.2.dev20260603
libtpu: 0.0.44.dev20260713+nightly
codegen_flags: <defaults>
</compile_context>

<pallas_src>
import functools

import jax
import jax.numpy as jnp
from jax import lax
from jax.experimental import pallas as pl
from jax.experimental.pallas import tpu as pltpu
from jax.experimental.pallas import tpu_sc as plsc

NC = 2
NS = 16
NW = NC * NS
L = 16
SUB = 128


def _wid():
  return lax.axis_index("s") * NC + lax.axis_index("c")


def _deg_body(n, kc, dst_hbm, ew_hbm, out_hbm, dst_v, ew_v, deg_v):
  wid = _wid()
  pltpu.sync_copy(dst_hbm.at[wid], dst_v)
  pltpu.sync_copy(ew_hbm.at[wid], ew_v)

  zero = jnp.zeros((L,), jnp.float32)

  def zbody(i, _):
    deg_v[pl.ds(i * L, L)] = zero
    return 0

  lax.fori_loop(0, n // L, zbody, 0)

  def ebody(i, _):
    j = i // (SUB // L)
    g = i % (SUB // L)
    idx = dst_v[j, pl.ds(g * L, L)]
    w = ew_v[j, pl.ds(g * L, L)]
    plsc.addupdate_scatter(deg_v, [idx], w)
    return 0

  lax.fori_loop(0, kc * (SUB // L), ebody, 0)
  pltpu.sync_copy(deg_v, out_hbm.at[wid])


def _deg_call(n, kc, dst3, ew3):
  mesh = plsc.VectorSubcoreMesh(core_axis_name="c", subcore_axis_name="s")
  return pl.kernel(
      functools.partial(_deg_body, n, kc),
      out_type=jax.ShapeDtypeStruct((NW, n), jnp.float32),
      mesh=mesh,
      compiler_params=pltpu.CompilerParams(needs_layout_passes=False),
      scratch_types=[
          pltpu.VMEM((kc, SUB), jnp.int32),
          pltpu.VMEM((kc, SUB), jnp.float32),
          pltpu.VMEM((n,), jnp.float32),
      ],
  )(dst3, ew3)


def _msg_body(n, d, kc, h_hbm, src_hbm, dst_hbm, ew_hbm, out_hbm,
              src_v, dst_v, ew_v, rows_v, acc_sp):
  c = lax.axis_index("c")
  s = lax.axis_index("s")
  wid = s * NC + c
  nv = d // L

  pltpu.sync_copy(src_hbm.at[wid], src_v)
  pltpu.sync_copy(dst_hbm.at[wid], dst_v)
  pltpu.sync_copy(ew_hbm.at[wid], ew_v)

  zero = jnp.zeros((L,), jnp.float32)

  def zbody(i, _):
    rows_v[i // nv, pl.ds((i % nv) * L, L)] = zero
    return 0

  lax.fori_loop(0, SUB * nv, zbody, 0)
  stride = (n // NS) // 8 * 8
  nwin = -(-(n - stride * (NS - 1)) // SUB)
  base = pl.multiple_of(s * stride, 8)
  for t in range(nwin):
    pltpu.sync_copy(rows_v, acc_sp.at[pl.ds(base + t * SUB, SUB)])
  plsc.subcore_barrier()

  lane_ids = [jnp.full((L,), l, jnp.int32) for l in range(L)]

  def chunk(j, _):
    pltpu.sync_copy(h_hbm.at[src_v.at[j]], rows_v)

    def grp(g, _):
      ewv = ew_v[j, pl.ds(g * L, L)]
      for l in range(L):
        b = jnp.take_along_axis(ewv, lane_ids[l], axis=0)
        e = g * L + l
        for k in range(nv):
          sl = pl.ds(k * L, L)
          rows_v[e, sl] = rows_v[e, sl] * b
      return 0

    lax.fori_loop(0, SUB // L, grp, 0)

    pltpu.sync_copy(rows_v, acc_sp.at[dst_v.at[j]], add=True)
    return 0

  lax.fori_loop(0, kc, chunk, 0)
  plsc.subcore_barrier()
  pltpu.sync_copy(acc_sp.at[pl.ds(base, nwin * SUB)],
                  out_hbm.at[c, pl.ds(base, nwin * SUB)])


def _msg_call(n, d, kc, h, src3, dst3, ew3):
  mesh = plsc.VectorSubcoreMesh(core_axis_name="c", subcore_axis_name="s")
  return pl.kernel(
      functools.partial(_msg_body, n, d, kc),
      out_type=jax.ShapeDtypeStruct((NC, n, d), jnp.float32),
      mesh=mesh,
      compiler_params=pltpu.CompilerParams(needs_layout_passes=False),
      scratch_types=[
          pltpu.VMEM((kc, SUB), jnp.int32),
          pltpu.VMEM((kc, SUB), jnp.int32),
          pltpu.VMEM((kc, SUB), jnp.float32),
          pltpu.VMEM((SUB, d), jnp.float32),
          pltpu.VMEM_SHARED((n, d), jnp.float32),
      ],
  )(h, src3, dst3, ew3)


def _stage0(degp):
  n = degp.shape[1]

  def body(degp_ref, out_ref):
    deg = jnp.sum(degp_ref[...], axis=0) + 1.0
    pos = deg > 0
    dis = jnp.where(pos, lax.rsqrt(jnp.where(pos, deg, 1.0)), 0.0)
    out_ref[...] = dis[:, None]

  return pl.pallas_call(
      body,
      out_shape=jax.ShapeDtypeStruct((n, 1), jnp.float32),
  )(degp)


def _stage1(x, W1, dis2, blk):
  n, di = x.shape
  dh = W1.shape[1]

  def body(x_ref, w_ref, dis_ref, out_ref):
    h = jnp.dot(x_ref[...], w_ref[...], precision=lax.Precision.HIGHEST,
                preferred_element_type=jnp.float32)
    out_ref[...] = h * dis_ref[...]

  return pl.pallas_call(
      body,
      grid=(n // blk,),
      in_specs=[
          pl.BlockSpec((blk, di), lambda i: (i, 0)),
          pl.BlockSpec((di, dh), lambda i: (0, 0)),
          pl.BlockSpec((blk, 1), lambda i: (i, 0)),
      ],
      out_specs=pl.BlockSpec((blk, dh), lambda i: (i, 0)),
      out_shape=jax.ShapeDtypeStruct((n, dh), jnp.float32),
  )(x, W1, dis2)


def _stage2(s1, hp1, dis2, b1, W2, blk):
  n, dh = hp1.shape
  do = W2.shape[1]

  def body(s_ref, hp_ref, dis_ref, b_ref, w_ref, out_ref):
    dis = dis_ref[...]
    z = dis * (s_ref[0] + s_ref[1] + hp_ref[...]) + b_ref[...]
    a = jnp.where(z >= 0, z, 0.01 * z)
    h2 = jnp.dot(a, w_ref[...], precision=lax.Precision.HIGHEST,
                 preferred_element_type=jnp.float32)
    out_ref[...] = h2 * dis

  return pl.pallas_call(
      body,
      grid=(n // blk,),
      in_specs=[
          pl.BlockSpec((NC, blk, dh), lambda i: (0, i, 0)),
          pl.BlockSpec((blk, dh), lambda i: (i, 0)),
          pl.BlockSpec((blk, 1), lambda i: (i, 0)),
          pl.BlockSpec((1, dh), lambda i: (0, 0)),
          pl.BlockSpec((dh, do), lambda i: (0, 0)),
      ],
      out_specs=pl.BlockSpec((blk, do), lambda i: (i, 0)),
      out_shape=jax.ShapeDtypeStruct((n, do), jnp.float32),
  )(s1, hp1, dis2, b1, W2)


def _stage3(s2, hp2, dis2, b2, gamma, beta, blk):
  n, do = hp2.shape

  def body(s_ref, hp_ref, dis_ref, b_ref, g_ref, be_ref, out_ref):
    z = dis_ref[...] * (s_ref[0] + s_ref[1] + hp_ref[...]) + b_ref[...]
    mu = jnp.mean(z, axis=-1, keepdims=True)
    var = jnp.mean((z - mu) ** 2, axis=-1, keepdims=True)
    out_ref[...] = (z - mu) * lax.rsqrt(var + 1e-5) * g_ref[...] + be_ref[...]

  return pl.pallas_call(
      body,
      grid=(n // blk,),
      in_specs=[
          pl.BlockSpec((NC, blk, do), lambda i: (0, i, 0)),
          pl.BlockSpec((blk, do), lambda i: (i, 0)),
          pl.BlockSpec((blk, 1), lambda i: (i, 0)),
          pl.BlockSpec((1, do), lambda i: (0, 0)),
          pl.BlockSpec((1, do), lambda i: (0, 0)),
          pl.BlockSpec((1, do), lambda i: (0, 0)),
      ],
      out_specs=pl.BlockSpec((blk, do), lambda i: (i, 0)),
      out_shape=jax.ShapeDtypeStruct((n, do), jnp.float32),
  )(s2, hp2, dis2, b2, gamma, beta)


def kernel(x, edge_index, edge_weight, W1, b1, W2, b2, gamma, beta):
  n = x.shape[0]
  e = edge_weight.shape[0]
  src, dst = edge_index[0], edge_index[1]

  kc = -(-e // (NW * SUB))
  ep = NW * kc * SUB
  pad = ep - e
  src3 = jnp.pad(src, (0, pad)).reshape(NW, kc, SUB)
  dst3 = jnp.pad(dst, (0, pad)).reshape(NW, kc, SUB)
  ew3 = jnp.pad(edge_weight, (0, pad)).reshape(NW, kc, SUB)

  blk = 1000

  degp = _deg_call(n, kc, dst3, ew3)
  dis2 = _stage0(degp)
  hp1 = _stage1(x, W1, dis2, blk)
  s1 = _msg_call(n, hp1.shape[1], kc, hp1, src3, dst3, ew3)
  hp2 = _stage2(s1, hp1, dis2, b1.reshape(1, -1), W2, blk)
  s2 = _msg_call(n, hp2.shape[1], kc, hp2, src3, dst3, ew3)
  return _stage3(s2, hp2, dis2, b2.reshape(1, -1),
                 gamma.reshape(1, -1), beta.reshape(1, -1), blk)

# --- scband reference (transcript-rebuilt; emitter-appended) ---
"""Pipeline reference for scband-gnnencoder-83614423318973 (READ-ONLY COPY).

The authoritative reference and input builder live on the scoring server;
editing this copy changes nothing except your own understanding.
"""

import jax, jax.numpy as jnp
import numpy as np

N = 10000
E = 320000
D_IN = 128
D_H = 128
D_OUT = 128


def setup_inputs(seed: int = 0):
    key = jax.random.key(seed)
    ks = jax.random.split(key, 9)
    x = jax.random.normal(ks[0], (N, D_IN), dtype=jnp.float32)
    edge_index = jax.random.randint(ks[1], (2, E), 0, N, dtype=jnp.int32)
    edge_weight = jax.random.uniform(ks[2], (E,), dtype=jnp.float32)
    W1 = jax.random.normal(ks[3], (D_IN, D_H), dtype=jnp.float32) / np.sqrt(D_IN)
    b1 = jnp.zeros((D_H,), dtype=jnp.float32)
    W2 = jax.random.normal(ks[4], (D_H, D_OUT), dtype=jnp.float32) / np.sqrt(D_H)
    b2 = jnp.zeros((D_OUT,), dtype=jnp.float32)
    gamma = jnp.ones((D_OUT,), dtype=jnp.float32)
    beta = jnp.zeros((D_OUT,), dtype=jnp.float32)
    return {"x": x, "edge_index": edge_index, "edge_weight": edge_weight,
            "W1": W1, "b1": b1, "W2": W2, "b2": b2, "gamma": gamma, "beta": beta}


def _gcn_conv(x, src, dst, edge_weight, W, b):
    n = x.shape[0]
    loop = jnp.arange(n, dtype=src.dtype)
    src_f = jnp.concatenate([src, loop])
    dst_f = jnp.concatenate([dst, loop])
    ew_f = jnp.concatenate([edge_weight, jnp.ones((n,), dtype=edge_weight.dtype)])
    deg = jnp.zeros((n,), dtype=x.dtype).at[dst_f].add(ew_f)
    dis = jnp.where(deg > 0, jax.lax.rsqrt(jnp.where(deg > 0, deg, 1.0)), 0.0)
    norm = dis[src_f] * ew_f * dis[dst_f]
    h = x @ W
    msg = jnp.take(h, src_f, axis=0) * norm[:, None]
    out = jnp.zeros((n, h.shape[1]), dtype=h.dtype).at[dst_f].add(msg)
    return out + b


def _layer_norm(x, gamma, beta, eps=1e-5):
    mu = jnp.mean(x, axis=-1, keepdims=True)
    var = jnp.mean((x - mu) ** 2, axis=-1, keepdims=True)
    return (x - mu) * jax.lax.rsqrt(var + eps) * gamma + beta


def reference(x, edge_index, edge_weight, W1, b1, W2, b2, gamma, beta):
    src, dst = edge_index[0], edge_index[1]
    h = _gcn_conv(x, src, dst, edge_weight, W1, b1)
    h = jax.nn.leaky_relu(h, negative_slope=0.01)
    h = _gcn_conv(h, src, dst, edge_weight, W2, b2)
    h = _layer_norm(h, gamma, beta)
    return h

if __name__ == "__main__":
    import jax
    _d = setup_inputs()
    print(jax.jit(kernel)(*tuple(_d.values())))

</pallas_src>

<mosaic_0001>
#map = affine_map<(d0, d1) -> (0, 0)>
#map1 = affine_map<(d0, d1) -> (0, 0, 0)>
module attributes {stable_mosaic.version = 14 : i64} {
  func.func @_msg_body(%arg0: i32, %arg1: i32, %arg2: memref<10000x128xf32, #tpu.memory_space<hbm>>, %arg3: memref<32x79x128xi32, #tpu.memory_space<hbm>>, %arg4: memref<32x79x128xi32, #tpu.memory_space<hbm>>, %arg5: memref<32x79x128xf32, #tpu.memory_space<hbm>>, %arg6: memref<2x10000x128xf32, #tpu.memory_space<hbm>>, %arg7: memref<79x128xi32, #tpu.memory_space<vmem>>, %arg8: memref<79x128xi32, #tpu.memory_space<vmem>>, %arg9: memref<79x128xf32, #tpu.memory_space<vmem>>, %arg10: memref<128x128xf32, #tpu.memory_space<vmem>>, %arg11: memref<10000x128xf32, #tpu.memory_space<vmem_shared>>) attributes {dimension_semantics = [#tpu.dimension_semantics<core_parallel>, #tpu.dimension_semantics<subcore_parallel>], iteration_bounds = array<i64: 2, 16>, scalar_prefetch = 0 : i64, scratch_operands = 5 : i64, tpu.core_type = #tpu.core_type<sc_vector_subcore>, window_params = [{transform_indices = #map}, {transform_indices = #map1}, {transform_indices = #map1}, {transform_indices = #map1}, {transform_indices = #map1}]} {
    %mul3A = arith.constant 2 : i32
    %mul3A_0 = arith.muli %arg1, %mul3A : i32
    %add3A = arith.addi %mul3A_0, %arg0 : i32
    "tpu.region"() ({
      %run_scoped3A = tpu.sem_alloc : memref<!tpu.dma_semaphore, #tpu.memory_space<semaphore_mem>>
      %dma_start3A = arith.constant 0 : i32
      %dma_start3A_60 = arith.constant 0 : i32
      %dma_start3A_61 = tpu.memref_slice %arg3[%add3A, %dma_start3A, %dma_start3A_60] : memref<32x79x128xi32, #tpu.memory_space<hbm>> -> memref<1x79x128xi32, #tpu.memory_space<hbm>>
      %dma_start3A_62 = tpu.memref_squeeze %dma_start3A_61 : memref<1x79x128xi32, #tpu.memory_space<hbm>> -> memref<79x128xi32, #tpu.memory_space<hbm>>
      %dma_start3A_63 = arith.constant 0 : i32
      %dma_start3A_64 = arith.constant 0 : i32
      %dma_start3A_65 = tpu.memref_slice %arg3[%add3A, %dma_start3A_63, %dma_start3A_64] : memref<32x79x128xi32, #tpu.memory_space<hbm>> -> memref<1x79x128xi32, #tpu.memory_space<hbm>>
      %dma_start3A_66 = tpu.memref_squeeze %dma_start3A_65 : memref<1x79x128xi32, #tpu.memory_space<hbm>> -> memref<79x128xi32, #tpu.memory_space<hbm>>
      tpu.enqueue_dma source(%dma_start3A_66 : memref<79x128xi32, #tpu.memory_space<hbm>>) target(%arg7 : memref<79x128xi32, #tpu.memory_space<vmem>>) target_semaphore(%run_scoped3A : memref<!tpu.dma_semaphore, #tpu.memory_space<semaphore_mem>>)
      %dma_wait3A = arith.constant 0 : i32
      %dma_wait3A_67 = arith.constant 0 : i32
      %dma_wait3A_68 = tpu.memref_slice %arg3[%add3A, %dma_wait3A, %dma_wait3A_67] : memref<32x79x128xi32, #tpu.memory_space<hbm>> -> memref<1x79x128xi32, #tpu.memory_space<hbm>>
      %dma_wait3A_69 = tpu.memref_squeeze %dma_wait3A_68 : memref<1x79x128xi32, #tpu.memory_space<hbm>> -> memref<79x128xi32, #tpu.memory_space<hbm>>
      %dma_wait3A_70 = arith.constant 0 : i32
      %dma_wait3A_71 = arith.constant 0 : i32
      %dma_wait3A_72 = tpu.memref_slice %arg3[%add3A, %dma_wait3A_70, %dma_wait3A_71] : memref<32x79x128xi32, #tpu.memory_space<hbm>> -> memref<1x79x128xi32, #tpu.memory_space<hbm>>
      %dma_wait3A_73 = tpu.memref_squeeze %dma_wait3A_72 : memref<1x79x128xi32, #tpu.memory_space<hbm>> -> memref<79x128xi32, #tpu.memory_space<hbm>>
      tpu.wait_dma2 semaphore(%run_scoped3A : memref<!tpu.dma_semaphore, #tpu.memory_space<semaphore_mem>>) src(%dma_wait3A_73 : memref<79x128xi32, #tpu.memory_space<hbm>>) dst(%arg7 : memref<79x128xi32, #tpu.memory_space<vmem>>)
      tpu.yield
    }) : () -> ()
    "tpu.region"() ({
      %run_scoped3A = tpu.sem_alloc : memref<!tpu.dma_semaphore, #tpu.memory_space<semaphore_mem>>
      %dma_start3A = arith.constant 0 : i32
      %dma_start3A_60 = arith.constant 0 : i32
      %dma_start3A_61 = tpu.memref_slice %arg4[%add3A, %dma_start3A, %dma_start3A_60] : memref<32x79x128xi32, #tpu.memory_space<hbm>> -> memref<1x79x128xi32, #tpu.memory_space<hbm>>
      %dma_start3A_62 = tpu.memref_squeeze %dma_start3A_61 : memref<1x79x128xi32, #tpu.memory_space<hbm>> -> memref<79x128xi32, #tpu.memory_space<hbm>>
      %dma_start3A_63 = arith.constant 0 : i32
      %dma_start3A_64 = arith.constant 0 : i32
      %dma_start3A_65 = tpu.memref_slice %arg4[%add3A, %dma_start3A_63, %dma_start3A_64] : memref<32x79x128xi32, #tpu.memory_space<hbm>> -> memref<1x79x128xi32, #tpu.memory_space<hbm>>
      %dma_start3A_66 = tpu.memref_squeeze %dma_start3A_65 : memref<1x79x128xi32, #tpu.memory_space<hbm>> -> memref<79x128xi32, #tpu.memory_space<hbm>>
      tpu.enqueue_dma source(%dma_start3A_66 : memref<79x128xi32, #tpu.memory_space<hbm>>) target(%arg8 : memref<79x128xi32, #tpu.memory_space<vmem>>) target_semaphore(%run_scoped3A : memref<!tpu.dma_semaphore, #tpu.memory_space<semaphore_mem>>)
      %dma_wait3A = arith.constant 0 : i32
      %dma_wait3A_67 = arith.constant 0 : i32
      %dma_wait3A_68 = tpu.memref_slice %arg4[%add3A, %dma_wait3A, %dma_wait3A_67] : memref<32x79x128xi32, #tpu.memory_space<hbm>> -> memref<1x79x128xi32, #tpu.memory_space<hbm>>
      %dma_wait3A_69 = tpu.memref_squeeze %dma_wait3A_68 : memref<1x79x128xi32, #tpu.memory_space<hbm>> -> memref<79x128xi32, #tpu.memory_space<hbm>>
      %dma_wait3A_70 = arith.constant 0 : i32
      %dma_wait3A_71 = arith.constant 0 : i32
      %dma_wait3A_72 = tpu.memref_slice %arg4[%add3A, %dma_wait3A_70, %dma_wait3A_71] : memref<32x79x128xi32, #tpu.memory_space<hbm>> -> memref<1x79x128xi32, #tpu.memory_space<hbm>>
      %dma_wait3A_73 = tpu.memref_squeeze %dma_wait3A_72 : memref<1x79x128xi32, #tpu.memory_space<hbm>> -> memref<79x128xi32, #tpu.memory_space<hbm>>
      tpu.wait_dma2 semaphore(%run_scoped3A : memref<!tpu.dma_semaphore, #tpu.memory_space<semaphore_mem>>) src(%dma_wait3A_73 : memref<79x128xi32, #tpu.memory_space<hbm>>) dst(%arg8 : memref<79x128xi32, #tpu.memory_space<vmem>>)
      tpu.yield
    }) : () -> ()
    "tpu.region"() ({
      %run_scoped3A = tpu.sem_alloc : memref<!tpu.dma_semaphore, #tpu.memory_space<semaphore_mem>>
      %dma_start3A = arith.constant 0 : i32
      %dma_start3A_60 = arith.constant 0 : i32
      %dma_start3A_61 = tpu.memref_slice %arg5[%add3A, %dma_start3A, %dma_start3A_60] : memref<32x79x128xf32, #tpu.memory_space<hbm>> -> memref<1x79x128xf32, #tpu.memory_space<hbm>>
      %dma_start3A_62 = tpu.memref_squeeze %dma_start3A_61 : memref<1x79x128xf32, #tpu.memory_space<hbm>> -> memref<79x128xf32, #tpu.memory_space<hbm>>
      %dma_start3A_63 = arith.constant 0 : i32
      %dma_start3A_64 = arith.constant 0 : i32
      %dma_start3A_65 = tpu.memref_slice %arg5[%add3A, %dma_start3A_63, %dma_start3A_64] : memref<32x79x128xf32, #tpu.memory_space<hbm>> -> memref<1x79x128xf32, #tpu.memory_space<hbm>>
      %dma_start3A_66 = tpu.memref_squeeze %dma_start3A_65 : memref<1x79x128xf32, #tpu.memory_space<hbm>> -> memref<79x128xf32, #tpu.memory_space<hbm>>
      tpu.enqueue_dma source(%dma_start3A_66 : memref<79x128xf32, #tpu.memory_space<hbm>>) target(%arg9 : memref<79x128xf32, #tpu.memory_space<vmem>>) target_semaphore(%run_scoped3A : memref<!tpu.dma_semaphore, #tpu.memory_space<semaphore_mem>>)
      %dma_wait3A = arith.constant 0 : i32
      %dma_wait3A_67 = arith.constant 0 : i32
      %dma_wait3A_68 = tpu.memref_slice %arg5[%add3A, %dma_wait3A, %dma_wait3A_67] : memref<32x79x128xf32, #tpu.memory_space<hbm>> -> memref<1x79x128xf32, #tpu.memory_space<hbm>>
      %dma_wait3A_69 = tpu.memref_squeeze %dma_wait3A_68 : memref<1x79x128xf32, #tpu.memory_space<hbm>> -> memref<79x128xf32, #tpu.memory_space<hbm>>
      %dma_wait3A_70 = arith.constant 0 : i32
      %dma_wait3A_71 = arith.constant 0 : i32
      %dma_wait3A_72 = tpu.memref_slice %arg5[%add3A, %dma_wait3A_70, %dma_wait3A_71] : memref<32x79x128xf32, #tpu.memory_space<hbm>> -> memref<1x79x128xf32, #tpu.memory_space<hbm>>
      %dma_wait3A_73 = tpu.memref_squeeze %dma_wait3A_72 : memref<1x79x128xf32, #tpu.memory_space<hbm>> -> memref<79x128xf32, #tpu.memory_space<hbm>>
      tpu.wait_dma2 semaphore(%run_scoped3A : memref<!tpu.dma_semaphore, #tpu.memory_space<semaphore_mem>>) src(%dma_wait3A_73 : memref<79x128xf32, #tpu.memory_space<hbm>>) dst(%arg9 : memref<79x128xf32, #tpu.memory_space<vmem>>)
      tpu.yield
    }) : () -> ()
    %broadcast_in_dim3A = arith.constant 0.000000e+00 : f32
    %broadcast_in_dim3A_1 = vector.broadcast %broadcast_in_dim3A : f32 to vector<16xf32>
    %scan3A = arith.constant 0 : i32
    %scan3A_2 = arith.constant 0 : i32
    %scan3A_3 = arith.constant 1024 : i32
    %scan3A_4 = arith.addi %scan3A_2, %scan3A_3 : i32
    %scan3A_5 = arith.constant 1 : i32
    %scan3A_6 = scf.for %scan3A_60 = %scan3A_2 to %scan3A_4 step %scan3A_5 iter_args(%scan3A_61 = %scan3A) -> (i32)  : i32 {
      %jit3A = arith.constant 8 : i32
      %div3A = arith.divsi %scan3A_60, %jit3A : i32
      %sign3A = arith.constant 0 : i32
      %sign3A_62 = arith.cmpi sgt, %scan3A_60, %sign3A : i32
      %sign3A_63 = arith.extui %sign3A_62 : i1 to i32
      %sign3A_64 = arith.constant 0 : i32
      %sign3A_65 = arith.cmpi slt, %scan3A_60, %sign3A_64 : i32
      %sign3A_66 = arith.extui %sign3A_65 : i1 to i32
      %sign3A_67 = arith.subi %sign3A_63, %sign3A_66 : i32
      %sign3A_68 = arith.constant 0 : i32
      %sign3A_69 = arith.cmpi sgt, %jit3A, %sign3A_68 : i32
      %sign3A_70 = arith.extui %sign3A_69 : i1 to i32
      %sign3A_71 = arith.constant 0 : i32
      %sign3A_72 = arith.cmpi slt, %jit3A, %sign3A_71 : i32
      %sign3A_73 = arith.extui %sign3A_72 : i1 to i32
      %sign3A_74 = arith.subi %sign3A_70, %sign3A_73 : i32
      %ne3A = arith.cmpi ne, %sign3A_67, %sign3A_74 : i32
      %rem3A = arith.remsi %scan3A_60, %jit3A : i32
      %ne3A_75 = arith.constant 0 : i32
      %ne3A_76 = arith.cmpi ne, %rem3A, %ne3A_75 : i32
      %and3A = arith.andi %ne3A, %ne3A_76 : i1
      %sub3A = arith.constant 1 : i32
      %sub3A_77 = arith.subi %div3A, %sub3A : i32
      %select_n3A = arith.select %and3A, %sub3A_77, %div3A : i32
      %jit3A_78 = arith.constant 8 : i32
      %eq3A = arith.constant 0 : i32
      %eq3A_79 = arith.cmpi eq, %jit3A_78, %eq3A : i32
      %jit3A_80 = arith.constant 1 : i32
      %select_n3A_81 = arith.select %eq3A_79, %jit3A_80, %jit3A_78 : i32
      %rem3A_82 = arith.remsi %scan3A_60, %select_n3A_81 : i32
      %ne3A_83 = arith.constant 0 : i32
      %ne3A_84 = arith.cmpi ne, %rem3A_82, %ne3A_83 : i32
      %lt3A = arith.constant 0 : i32
      %lt3A_85 = arith.cmpi slt, %rem3A_82, %lt3A : i32
      %lt3A_86 = arith.constant 0 : i32
      %lt3A_87 = arith.cmpi slt, %select_n3A_81, %lt3A_86 : i32
      %ne3A_88 = arith.xori %lt3A_85, %lt3A_87 : i1
      %and3A_89 = arith.andi %ne3A_88, %ne3A_84 : i1
      %add3A_90 = arith.addi %rem3A_82, %select_n3A_81 : i32
      %select_n3A_91 = arith.select %and3A_89, %add3A_90, %rem3A_82 : i32
      %mul3A_92 = arith.constant 16 : i32
      %mul3A_93 = arith.muli %select_n3A_91, %mul3A_92 : i32
      %swap3A = arith.index_cast %select_n3A : i32 to index
      %swap3A_94 = arith.index_cast %mul3A_93 : i32 to index
      %swap3A_95 = tpu.vector_load %arg10[%swap3A, %swap3A_94] {strides = array<i32>} : memref<128x128xf32, #tpu.memory_space<vmem>>, vector<16xf32>,
      tpu.vector_store %arg10[%swap3A, %swap3A_94], %broadcast_in_dim3A_1 {strides = array<i32>} : memref<128x128xf32, #tpu.memory_space<vmem>>, vector<16xf32>,
      %scan3A_96 = arith.constant 0 : i32
      scf.yield %scan3A_96 : i32
    }
    %scan3A_7 = arith.constant 1024 : i32
    %mul3A_8 = arith.constant 624 : i32
    %mul3A_9 = arith.muli %arg1, %mul3A_8 : i32
    %multiple_of3A = tpu.assume_multiple %mul3A_9, 8 : i32
    %add3A_10 = arith.constant 0 : i32
    %add3A_11 = arith.addi %multiple_of3A, %add3A_10 : i32
    "tpu.region"() ({
      %run_scoped3A = tpu.sem_alloc : memref<!tpu.dma_semaphore, #tpu.memory_space<semaphore_mem>>
      %dma_start3A = arith.constant 0 : i32
      %dma_start3A_60 = tpu.memref_slice %arg11[%add3A_11, %dma_start3A] : memref<10000x128xf32, #tpu.memory_space<vmem_shared>> -> memref<128x128xf32, #tpu.memory_space<vmem_shared>>
      %dma_start3A_61 = arith.constant 0 : i32
      %dma_start3A_62 = tpu.memref_slice %arg11[%add3A_11, %dma_start3A_61] : memref<10000x128xf32, #tpu.memory_space<vmem_shared>> -> memref<128x128xf32, #tpu.memory_space<vmem_shared>>
      tpu.enqueue_dma source(%arg10 : memref<128x128xf32, #tpu.memory_space<vmem>>) target(%dma_start3A_62 : memref<128x128xf32, #tpu.memory_space<vmem_shared>>) target_semaphore(%run_scoped3A : memref<!tpu.dma_semaphore, #tpu.memory_space<semaphore_mem>>)
      %dma_wait3A = arith.constant 0 : i32
      %dma_wait3A_63 = tpu.memref_slice %arg11[%add3A_11, %dma_wait3A] : memref<10000x128xf32, #tpu.memory_space<vmem_shared>> -> memref<128x128xf32, #tpu.memory_space<vmem_shared>>
      %dma_wait3A_64 = arith.constant 0 : i32
      %dma_wait3A_65 = tpu.memref_slice %arg11[%add3A_11, %dma_wait3A_64] : memref<10000x128xf32, #tpu.memory_space<vmem_shared>> -> memref<128x128xf32, #tpu.memory_space<vmem_shared>>
      tpu.wait_dma2 semaphore(%run_scoped3A : memref<!tpu.dma_semaphore, #tpu.memory_space<semaphore_mem>>) src(%arg10 : memref<128x128xf32, #tpu.memory_space<vmem>>) dst(%dma_wait3A_65 : memref<128x128xf32, #tpu.memory_space<vmem_shared>>)
      tpu.yield
    }) : () -> ()
    %add3A_12 = arith.constant 128 : i32
    %add3A_13 = arith.addi %multiple_of3A, %add3A_12 : i32
    "tpu.region"() ({
      %run_scoped3A = tpu.sem_alloc : memref<!tpu.dma_semaphore, #tpu.memory_space<semaphore_mem>>
      %dma_start3A = arith.constant 0 : i32
      %dma_start3A_60 = tpu.memref_slice %arg11[%add3A_13, %dma_start3A] : memref<10000x128xf32, #tpu.memory_space<vmem_shared>> -> memref<128x128xf32, #tpu.memory_space<vmem_shared>>
      %dma_start3A_61 = arith.constant 0 : i32
      %dma_start3A_62 = tpu.memref_slice %arg11[%add3A_13, %dma_start3A_61] : memref<10000x128xf32, #tpu.memory_space<vmem_shared>> -> memref<128x128xf32, #tpu.memory_space<vmem_shared>>
      tpu.enqueue_dma source(%arg10 : memref<128x128xf32, #tpu.memory_space<vmem>>) target(%dma_start3A_62 : memref<128x128xf32, #tpu.memory_space<vmem_shared>>) target_semaphore(%run_scoped3A : memref<!tpu.dma_semaphore, #tpu.memory_space<semaphore_mem>>)
      %dma_wait3A = arith.constant 0 : i32
      %dma_wait3A_63 = tpu.memref_slice %arg11[%add3A_13, %dma_wait3A] : memref<10000x128xf32, #tpu.memory_space<vmem_shared>> -> memref<128x128xf32, #tpu.memory_space<vmem_shared>>
      %dma_wait3A_64 = arith.constant 0 : i32
      %dma_wait3A_65 = tpu.memref_slice %arg11[%add3A_13, %dma_wait3A_64] : memref<10000x128xf32, #tpu.memory_space<vmem_shared>> -> memref<128x128xf32, #tpu.memory_space<vmem_shared>>
      tpu.wait_dma2 semaphore(%run_scoped3A : memref<!tpu.dma_semaphore, #tpu.memory_space<semaphore_mem>>) src(%arg10 : memref<128x128xf32, #tpu.memory_space<vmem>>) dst(%dma_wait3A_65 : memref<128x128xf32, #tpu.memory_space<vmem_shared>>)
      tpu.yield
    }) : () -> ()
    %add3A_14 = arith.constant 256 : i32
    %add3A_15 = arith.addi %multiple_of3A, %add3A_14 : i32
    "tpu.region"() ({
      %run_scoped3A = tpu.sem_alloc : memref<!tpu.dma_semaphore, #tpu.memory_space<semaphore_mem>>
      %dma_start3A = arith.constant 0 : i32
      %dma_start3A_60 = tpu.memref_slice %arg11[%add3A_15, %dma_start3A] : memref<10000x128xf32, #tpu.memory_space<vmem_shared>> -> memref<128x128xf32, #tpu.memory_space<vmem_shared>>
      %dma_start3A_61 = arith.constant 0 : i32
      %dma_start3A_62 = tpu.memref_slice %arg11[%add3A_15, %dma_start3A_61] : memref<10000x128xf32, #tpu.memory_space<vmem_shared>> -> memref<128x128xf32, #tpu.memory_space<vmem_shared>>
      tpu.enqueue_dma source(%arg10 : memref<128x128xf32, #tpu.memory_space<vmem>>) target(%dma_start3A_62 : memref<128x128xf32, #tpu.memory_space<vmem_shared>>) target_semaphore(%run_scoped3A : memref<!tpu.dma_semaphore, #tpu.memory_space<semaphore_mem>>)
      %dma_wait3A = arith.constant 0 : i32
      %dma_wait3A_63 = tpu.memref_slice %arg11[%add3A_15, %dma_wait3A] : memref<10000x128xf32, #tpu.memory_space<vmem_shared>> -> memref<128x128xf32, #tpu.memory_space<vmem_shared>>
      %dma_wait3A_64 = arith.constant 0 : i32
      %dma_wait3A_65 = tpu.memref_slice %arg11[%add3A_15, %dma_wait3A_64] : memref<10000x128xf32, #tpu.memory_space<vmem_shared>> -> memref<128x128xf32, #tpu.memory_space<vmem_shared>>
      tpu.wait_dma2 semaphore(%run_scoped3A : memref<!tpu.dma_semaphore, #tpu.memory_space<semaphore_mem>>) src(%arg10 : memref<128x128xf32, #tpu.memory_space<vmem>>) dst(%dma_wait3A_65 : memref<128x128xf32, #tpu.memory_space<vmem_shared>>)
      tpu.yield
    }) : () -> ()
    %add3A_16 = arith.constant 384 : i32
    %add3A_17 = arith.addi %multiple_of3A, %add3A_16 : i32
    "tpu.region"() ({
      %run_scoped3A = tpu.sem_alloc : memref<!tpu.dma_semaphore, #tpu.memory_space<semaphore_mem>>
      %dma_start3A = arith.constant 0 : i32
      %dma_start3A_60 = tpu.memref_slice %arg11[%add3A_17, %dma_start3A] : memref<10000x128xf32, #tpu.memory_space<vmem_shared>> -> memref<128x128xf32, #tpu.memory_space<vmem_shared>>
      %dma_start3A_61 = arith.constant 0 : i32
      %dma_start3A_62 = tpu.memref_slice %arg11[%add3A_17, %dma_start3A_61] : memref<10000x128xf32, #tpu.memory_space<vmem_shared>> -> memref<128x128xf32, #tpu.memory_space<vmem_shared>>
      tpu.enqueue_dma source(%arg10 : memref<128x128xf32, #tpu.memory_space<vmem>>) target(%dma_start3A_62 : memref<128x128xf32, #tpu.memory_space<vmem_shared>>) target_semaphore(%run_scoped3A : memref<!tpu.dma_semaphore, #tpu.memory_space<semaphore_mem>>)
      %dma_wait3A = arith.constant 0 : i32
      %dma_wait3A_63 = tpu.memref_slice %arg11[%add3A_17, %dma_wait3A] : memref<10000x128xf32, #tpu.memory_space<vmem_shared>> -> memref<128x128xf32, #tpu.memory_space<vmem_shared>>
      %dma_wait3A_64 = arith.constant 0 : i32
      %dma_wait3A_65 = tpu.memref_slice %arg11[%add3A_17, %dma_wait3A_64] : memref<10000x128xf32, #tpu.memory_space<vmem_shared>> -> memref<128x128xf32, #tpu.memory_space<vmem_shared>>
      tpu.wait_dma2 semaphore(%run_scoped3A : memref<!tpu.dma_semaphore, #tpu.memory_space<semaphore_mem>>) src(%arg10 : memref<128x128xf32, #tpu.memory_space<vmem>>) dst(%dma_wait3A_65 : memref<128x128xf32, #tpu.memory_space<vmem_shared>>)
      tpu.yield
    }) : () -> ()
    %add3A_18 = arith.constant 512 : i32
    %add3A_19 = arith.addi %multiple_of3A, %add3A_18 : i32
    "tpu.region"() ({
      %run_scoped3A = tpu.sem_alloc : memref<!tpu.dma_semaphore, #tpu.memory_space<semaphore_mem>>
      %dma_start3A = arith.constant 0 : i32
      %dma_start3A_60 = tpu.memref_slice %arg11[%add3A_19, %dma_start3A] : memref<10000x128xf32, #tpu.memory_space<vmem_shared>> -> memref<128x128xf32, #tpu.memory_space<vmem_shared>>
      %dma_start3A_61 = arith.constant 0 : i32
      %dma_start3A_62 = tpu.memref_slice %arg11[%add3A_19, %dma_start3A_61] : memref<10000x128xf32, #tpu.memory_space<vmem_shared>> -> memref<128x128xf32, #tpu.memory_space<vmem_shared>>
      tpu.enqueue_dma source(%arg10 : memref<128x128xf32, #tpu.memory_space<vmem>>) target(%dma_start3A_62 : memref<128x128xf32, #tpu.memory_space<vmem_shared>>) target_semaphore(%run_scoped3A : memref<!tpu.dma_semaphore, #tpu.memory_space<semaphore_mem>>)
      %dma_wait3A = arith.constant 0 : i32
      %dma_wait3A_63 = tpu.memref_slice %arg11[%add3A_19, %dma_wait3A] : memref<10000x128xf32, #tpu.memory_space<vmem_shared>> -> memref<128x128xf32, #tpu.memory_space<vmem_shared>>
      %dma_wait3A_64 = arith.constant 0 : i32
      %dma_wait3A_65 = tpu.memref_slice %arg11[%add3A_19, %dma_wait3A_64] : memref<10000x128xf32, #tpu.memory_space<vmem_shared>> -> memref<128x128xf32, #tpu.memory_space<vmem_shared>>
      tpu.wait_dma2 semaphore(%run_scoped3A : memref<!tpu.dma_semaphore, #tpu.memory_space<semaphore_mem>>) src(%arg10 : memref<128x128xf32, #tpu.memory_space<vmem>>) dst(%dma_wait3A_65 : memref<128x128xf32, #tpu.memory_space<vmem_shared>>)
      tpu.yield
    }) : () -> ()
    %barrier3A = arith.constant 0 : index
    tpu.barrier barrier_id(%barrier3A)
    %broadcast_in_dim3A_20 = arith.constant 0 : i32
    %broadcast_in_dim3A_21 = vector.broadcast %broadcast_in_dim3A_20 : i32 to vector<16xi32>
    %broadcast_in_dim3A_22 = arith.constant 1 : i32
    %broadcast_in_dim3A_23 = vector.broadcast %broadcast_in_dim3A_22 : i32 to vector<16xi32>
    %broadcast_in_dim3A_24 = arith.constant 2 : i32
    %broadcast_in_dim3A_25 = vector.broadcast %broadcast_in_dim3A_24 : i32 to vector<16xi32>
    %broadcast_in_dim3A_26 = arith.constant 3 : i32
    %broadcast_in_dim3A_27 = vector.broadcast %broadcast_in_dim3A_26 : i32 to vector<16xi32>
    %broadcast_in_dim3A_28 = arith.constant 4 : i32
    %broadcast_in_dim3A_29 = vector.broadcast %broadcast_in_dim3A_28 : i32 to vector<16xi32>
    %broadcast_in_dim3A_30 = arith.constant 5 : i32
    %broadcast_in_dim3A_31 = vector.broadcast %broadcast_in_dim3A_30 : i32 to vector<16xi32>
    %broadcast_in_dim3A_32 = arith.constant 6 : i32
    %broadcast_in_dim3A_33 = vector.broadcast %broadcast_in_dim3A_32 : i32 to vector<16xi32>
    %broadcast_in_dim3A_34 = arith.constant 7 : i32
    %broadcast_in_dim3A_35 = vector.broadcast %broadcast_in_dim3A_34 : i32 to vector<16xi32>
    %broadcast_in_dim3A_36 = arith.constant 8 : i32
    %broadcast_in_dim3A_37 = vector.broadcast %broadcast_in_dim3A_36 : i32 to vector<16xi32>
    %broadcast_in_dim3A_38 = arith.constant 9 : i32
    %broadcast_in_dim3A_39 = vector.broadcast %broadcast_in_dim3A_38 : i32 to vector<16xi32>
    %broadcast_in_dim3A_40 = arith.constant 10 : i32
    %broadcast_in_dim3A_41 = vector.broadcast %broadcast_in_dim3A_40 : i32 to vector<16xi32>
    %broadcast_in_dim3A_42 = arith.constant 11 : i32
    %broadcast_in_dim3A_43 = vector.broadcast %broadcast_in_dim3A_42 : i32 to vector<16xi32>
    %broadcast_in_dim3A_44 = arith.constant 12 : i32
    %broadcast_in_dim3A_45 = vector.broadcast %broadcast_in_dim3A_44 : i32 to vector<16xi32>
    %broadcast_in_dim3A_46 = arith.constant 13 : i32
    %broadcast_in_dim3A_47 = vector.broadcast %broadcast_in_dim3A_46 : i32 to vector<16xi32>
    %broadcast_in_dim3A_48 = arith.constant 14 : i32
    %broadcast_in_dim3A_49 = vector.broadcast %broadcast_in_dim3A_48 : i32 to vector<16xi32>
    %broadcast_in_dim3A_50 = arith.constant 15 : i32
    %broadcast_in_dim3A_51 = vector.broadcast %broadcast_in_dim3A_50 : i32 to vector<16xi32>
    %scan3A_52 = arith.constant 0 : i32
    %scan3A_53 = arith.constant 0 : i32
    %scan3A_54 = arith.constant 79 : i32
    %scan3A_55 = arith.addi %scan3A_53, %scan3A_54 : i32
    %scan3A_56 = arith.constant 1 : i32
    %scan3A_57 = scf.for %scan3A_60 = %scan3A_53 to %scan3A_55 step %scan3A_56 iter_args(%scan3A_61 = %scan3A_52) -> (i32)  : i32 {
      "tpu.region"() ({
        %run_scoped3A = tpu.sem_alloc : memref<!tpu.dma_semaphore, #tpu.memory_space<semaphore_mem>>
        %dma_start3A = arith.constant 0 : i32
        %dma_start3A_70 = tpu.memref_slice %arg7[%scan3A_60, %dma_start3A] : memref<79x128xi32, #tpu.memory_space<vmem>> -> memref<1x128xi32, #tpu.memory_space<vmem>>
        %dma_start3A_71 = tpu.memref_squeeze %dma_start3A_70 : memref<1x128xi32, #tpu.memory_space<vmem>> -> memref<128xi32, #tpu.memory_space<vmem>>
        %dma_start3A_72 = arith.constant 0 : i32
        %dma_start3A_73 = arith.constant 0 : i32
        %dma_start3A_74 = tpu.memref_slice %arg2[%dma_start3A_72, %dma_start3A_73] : memref<10000x128xf32, #tpu.memory_space<hbm>> -> memref<10000x128xf32, #tpu.memory_space<hbm>>
        tpu.enqueue_indirect_dma source(%dma_start3A_74 : memref<10000x128xf32, #tpu.memory_space<hbm>>) target(%arg10 : memref<128x128xf32, #tpu.memory_space<vmem>>) offsets(%dma_start3A_71 : memref<128xi32, #tpu.memory_space<vmem>>) semaphore(%run_scoped3A : memref<!tpu.dma_semaphore, #tpu.memory_space<semaphore_mem>>)
        %dma_wait3A = arith.constant 0 : i32
        %dma_wait3A_75 = tpu.memref_slice %arg7[%scan3A_60, %dma_wait3A] : memref<79x128xi32, #tpu.memory_space<vmem>> -> memref<1x128xi32, #tpu.memory_space<vmem>>
        %dma_wait3A_76 = tpu.memref_squeeze %dma_wait3A_75 : memref<1x128xi32, #tpu.memory_space<vmem>> -> memref<128xi32, #tpu.memory_space<vmem>>
        %dma_wait3A_77 = arith.constant 0 : i32
        %dma_wait3A_78 = arith.constant 0 : i32
        %dma_wait3A_79 = tpu.memref_slice %arg2[%dma_wait3A_77, %dma_wait3A_78] : memref<10000x128xf32, #tpu.memory_space<hbm>> -> memref<10000x128xf32, #tpu.memory_space<hbm>>
        tpu.wait_indirect_dma semaphore(%run_scoped3A : memref<!tpu.dma_semaphore, #tpu.memory_space<semaphore_mem>>) src(%dma_wait3A_79 : memref<10000x128xf32, #tpu.memory_space<hbm>>) dst(%arg10 : memref<128x128xf32, #tpu.memory_space<vmem>>)
        tpu.yield
      }) : () -> ()
      %scan3A_62 = arith.constant 0 : i32
      %scan3A_63 = arith.constant 0 : i32
      %scan3A_64 = arith.constant 8 : i32
      %scan3A_65 = arith.addi %scan3A_63, %scan3A_64 : i32
      %scan3A_66 = arith.constant 1 : i32
      %scan3A_67 = scf.for %scan3A_70 = %scan3A_63 to %scan3A_65 step %scan3A_66 iter_args(%scan3A_71 = %scan3A_62) -> (i32)  : i32 {
        %mul3A_72 = arith.constant 16 : i32
        %mul3A_73 = arith.muli %scan3A_70, %mul3A_72 : i32
        %get3A = arith.index_cast %scan3A_60 : i32 to index
        %get3A_74 = arith.index_cast %mul3A_73 : i32 to index
        %get3A_75 = tpu.vector_load %arg9[%get3A, %get3A_74] {strides = array<i32>} : memref<79x128xf32, #tpu.memory_space<vmem>>, vector<16xf32>,
        %lt3A = arith.constant 0 : i32
        %lt3A_76 = vector.broadcast %lt3A : i32 to vector<16xi32>
        %lt3A_77 = arith.cmpi slt, %broadcast_in_dim3A_21, %lt3A_76 : vector<16xi32>
        %add3A_78 = arith.constant 16 : i32
        %add3A_79 = vector.broadcast %add3A_78 : i32 to vector<16xi32>
        %add3A_80 = arith.addi %broadcast_in_dim3A_21, %add3A_79 : vector<16xi32>
        %select_n3A = arith.select %lt3A_77, %add3A_80, %broadcast_in_dim3A_21 : vector<16xi1>, vector<16xi32>
        %reshape3A = vector.shape_cast %select_n3A : vector<16xi32> to vector<16x1xi32>
        %gather3A = vector.shape_cast %reshape3A : vector<16x1xi32> to vector<16xi32>
        %gather3A_81 = tpu.dynamic_gather %get3A_75[%gather3A] in [0] : vector<16xf32>, vector<16xi32> -> vector<16xf32>
        %mul3A_82 = arith.constant 16 : i32
        %mul3A_83 = arith.muli %scan3A_70, %mul3A_82 : i32
        %add3A_84 = arith.constant 0 : i32
        %add3A_85 = arith.addi %mul3A_83, %add3A_84 : i32
        %get3A_86 = arith.index_cast %add3A_85 : i32 to index
        %get3A_87 = arith.constant 0 : index
        %get3A_88 = tpu.vector_load %arg10[%get3A_86, %get3A_87] {strides = array<i32>} : memref<128x128xf32, #tpu.memory_space<vmem>>, vector<16xf32>,
        %mul3A_89 = arith.mulf %get3A_88, %gather3A_81 : vector<16xf32>
        %swap3A = arith.index_cast %add3A_85 : i32 to index
        %swap3A_90 = arith.constant 0 : index
        %swap3A_91 = tpu.vector_load %arg10[%swap3A, %swap3A_90] {strides = array<i32>} : memref<128x128xf32, #tpu.memory_space<vmem>>, vector<16xf32>,
        tpu.vector_store %arg10[%swap3A, %swap3A_90], %mul3A_89 {strides = array<i32>} : memref<128x128xf32, #tpu.memory_space<vmem>>, vector<16xf32>,
        %get3A_92 = arith.index_cast %add3A_85 : i32 to index
        %get3A_93 = arith.constant 16 : index
        %get3A_94 = tpu.vector_load %arg10[%get3A_92, %get3A_93] {strides = array<i32>} : memref<128x128xf32, #tpu.memory_space<vmem>>, vector<16xf32>,
        %mul3A_95 = arith.mulf %get3A_94, %gather3A_81 : vector<16xf32>
        %swap3A_96 = arith.index_cast %add3A_85 : i32 to index
        %swap3A_97 = arith.constant 16 : index
        %swap3A_98 = tpu.vector_load %arg10[%swap3A_96, %swap3A_97] {strides = array<i32>} : memref<128x128xf32, #tpu.memory_space<vmem>>, vector<16xf32>,
        tpu.vector_store %arg10[%swap3A_96, %swap3A_97], %mul3A_95 {strides = array<i32>} : memref<128x128xf32, #tpu.memory_space<vmem>>, vector<16xf32>,
        %get3A_99 = arith.index_cast %add3A_85 : i32 to index
        %get3A_100 = arith.constant 32 : index
        %get3A_101 = tpu.vector_load %arg10[%get3A_99, %get3A_100] {strides = array<i32>} : memref<128x128xf32, #tpu.memory_space<vmem>>, vector<16xf32>,
        %mul3A_102 = arith.mulf %get3A_101, %gather3A_81 : vector<16xf32>
        %swap3A_103 = arith.index_cast %add3A_85 : i32 to index
        %swap3A_104 = arith.constant 32 : index
        %swap3A_105 = tpu.vector_load %arg10[%swap3A_103, %swap3A_104] {strides = array<i32>} : memref<128x128xf32, #tpu.memory_space<vmem>>, vector<16xf32>,
        tpu.vector_store %arg10[%swap3A_103, %swap3A_104], %mul3A_102 {strides = array<i32>} : memref<128x128xf32, #tpu.memory_space<vmem>>, vector<16xf32>,
        %get3A_106 = arith.index_cast %add3A_85 : i32 to index
        %get3A_107 = arith.constant 48 : index
        %get3A_108 = tpu.vector_load %arg10[%get3A_106, %get3A_107] {strides = array<i32>} : memref<128x128xf32, #tpu.memory_space<vmem>>, vector<16xf32>,
        %mul3A_109 = arith.mulf %get3A_108, %gather3A_81 : vector<16xf32>
        %swap3A_110 = arith.index_cast %add3A_85 : i32 to index
        %swap3A_111 = arith.constant 48 : index
        %swap3A_112 = tpu.vector_load %arg10[%swap3A_110, %swap3A_111] {strides = array<i32>} : memref<128x128xf32, #tpu.memory_space<vmem>>, vector<16xf32>,
        tpu.vector_store %arg10[%swap3A_110, %swap3A_111], %mul3A_109 {strides = array<i32>} : memref<128x128xf32, #tpu.memory_space<vmem>>, vector<16xf32>,
        %get3A_113 = arith.index_cast %add3A_85 : i32 to index
        %get3A_114 = arith.constant 64 : index
        %get3A_115 = tpu.vector_load %arg10[%get3A_113, %get3A_114] {strides = array<i32>} : memref<128x128xf32, #tpu.memory_space<vmem>>, vector<16xf32>,
        %mul3A_116 = arith.mulf %get3A_115, %gather3A_81 : vector<16xf32>
        %swap3A_117 = arith.index_cast %add3A_85 : i32 to index
        %swap3A_118 = arith.constant 64 : index
        %swap3A_119 = tpu.vector_load %arg10[%swap3A_117, %swap3A_118] {strides = array<i32>} : memref<128x128xf32, #tpu.memory_space<vmem>>, vector<16xf32>,
        tpu.vector_store %arg10[%swap3A_117, %swap3A_118], %mul3A_116 {strides = array<i32>} : memref<128x128xf32, #tpu.memory_space<vmem>>, vector<16xf32>,
        %get3A_120 = arith.index_cast %add3A_85 : i32 to index
        %get3A_121 = arith.constant 80 : index
        %get3A_122 = tpu.vector_load %arg10[%get3A_120, %get3A_121] {strides = array<i32>} : memref<128x128xf32, #tpu.memory_space<vmem>>, vector<16xf32>,
        %mul3A_123 = arith.mulf %get3A_122, %gather3A_81 : vector<16xf32>
        %swap3A_124 = arith.index_cast %add3A_85 : i32 to index
        %swap3A_125 = arith.constant 80 : index
        %swap3A_126 = tpu.vector_load %arg10[%swap3A_124, %swap3A_125] {strides = array<i32>} : memref<128x128xf32, #tpu.memory_space<vmem>>, vector<16xf32>,
        tpu.vector_store %arg10[%swap3A_124, %swap3A_125], %mul3A_123 {strides = array<i32>} : memref<128x128xf32, #tpu.memory_space<vmem>>, vector<16xf32>,
        %get3A_127 = arith.index_cast %add3A_85 : i32 to index
        %get3A_128 = arith.constant 96 : index
        %get3A_129 = tpu.vector_load %arg10[%get3A_127, %get3A_128] {strides = array<i32>} : memref<128x128xf32, #tpu.memory_space<vmem>>, vector<16xf32>,
        %mul3A_130 = arith.mulf %get3A_129, %gather3A_81 : vector<16xf32>
        %swap3A_131 = arith.index_cast %add3A_85 : i32 to index
        %swap3A_132 = arith.constant 96 : index
        %swap3A_133 = tpu.vector_load %arg10[%swap3A_131, %swap3A_132] {strides = array<i32>} : memref<128x128xf32, #tpu.memory_space<vmem>>, vector<16xf32>,
        tpu.vector_store %arg10[%swap3A_131, %swap3A_132], %mul3A_130 {strides = array<i32>} : memref<128x128xf32, #tpu.memory_space<vmem>>, vector<16xf32>,
        %get3A_134 = arith.index_cast %add3A_85 : i32 to index
        %get3A_135 = arith.constant 112 : index
        %get3A_136 = tpu.vector_load %arg10[%get3A_134, %get3A_135] {strides = array<i32>} : memref<128x128xf32, #tpu.memory_space<vmem>>, vector<16xf32>,
        %mul3A_137 = arith.mulf %get3A_136, %gather3A_81 : vector<16xf32>
        %swap3A_138 = arith.index_cast %add3A_85 : i32 to index
        %swap3A_139 = arith.constant 112 : index
        %swap3A_140 = tpu.vector_load %arg10[%swap3A_138, %swap3A_139] {strides = array<i32>} : memref<128x128xf32, #tpu.memory_space<vmem>>, vector<16xf32>,
        tpu.vector_store %arg10[%swap3A_138, %swap3A_139], %mul3A_137 {strides = array<i32>} : memref<128x128xf32, #tpu.memory_space<vmem>>, vector<16xf32>,
        %lt3A_141 = arith.constant 0 : i32
        %lt3A_142 = vector.broadcast %lt3A_141 : i32 to vector<16xi32>
        %lt3A_143 = arith.cmpi slt, %broadcast_in_dim3A_23, %lt3A_142 : vector<16xi32>
        %add3A_144 = arith.constant 16 : i32
        %add3A_145 = vector.broadcast %add3A_144 : i32 to vector<16xi32>
        %add3A_146 = arith.addi %broadcast_in_dim3A_23, %add3A_145 : vector<16xi32>
        %select_n3A_147 = arith.select %lt3A_143, %add3A_146, %broadcast_in_dim3A_23 : vector<16xi1>, vector<16xi32>
        %reshape3A_148 = vector.shape_cast %select_n3A_147 : vector<16xi32> to vector<16x1xi32>
        %gather3A_149 = vector.shape_cast %reshape3A_148 : vector<16x1xi32> to vector<16xi32>
        %gather3A_150 = tpu.dynamic_gather %get3A_75[%gather3A_149] in [0] : vector<16xf32>, vector<16xi32> -> vector<16xf32>
        %mul3A_151 = arith.constant 16 : i32
        %mul3A_152 = arith.muli %scan3A_70, %mul3A_151 : i32
        %add3A_153 = arith.constant 1 : i32
        %add3A_154 = arith.addi %mul3A_152, %add3A_153 : i32
        %get3A_155 = arith.index_cast %add3A_154 : i32 to index
        %get3A_156 = arith.constant 0 : index
        %get3A_157 = tpu.vector_load %arg10[%get3A_155, %get3A_156] {strides = array<i32>} : memref<128x128xf32, #tpu.memory_space<vmem>>, vector<16xf32>,
        %mul3A_158 = arith.mulf %get3A_157, %gather3A_150 : vector<16xf32>
        %swap3A_159 = arith.index_cast %add3A_154 : i32 to index
        %swap3A_160 = arith.constant 0 : index
        %swap3A_161 = tpu.vector_load %arg10[%swap3A_159, %swap3A_160] {strides = array<i32>} : memref<128x128xf32, #tpu.memory_space<vmem>>, vector<16xf32>,
        tpu.vector_store %arg10[%swap3A_159, %swap3A_160], %mul3A_158 {strides = array<i32>} : memref<128x128xf32, #tpu.memory_space<vmem>>, vector<16xf32>,
        %get3A_162 = arith.index_cast %add3A_154 : i32 to index
        %get3A_163 = arith.constant 16 : index
        %get3A_164 = tpu.vector_load %arg10[%get3A_162, %get3A_163] {strides = array<i32>} : memref<128x128xf32, #tpu.memory_space<vmem>>, vector<16xf32>,
        %mul3A_165 = arith.mulf %get3A_164, %gather3A_150 : vector<16xf32>
        %swap3A_166 = arith.index_cast %add3A_154 : i32 to index
        %swap3A_167 = arith.constant 16 : index
        %swap3A_168 = tpu.vector_load %arg10[%swap3A_166, %swap3A_167] {strides = array<i32>} : memref<128x128xf32, #tpu.memory_space<vmem>>, vector<16xf32>,
        tpu.vector_store %arg10[%swap3A_166, %swap3A_167], %mul3A_165 {strides = array<i32>} : memref<128x128xf32, #tpu.memory_space<vmem>>, vector<16xf32>,
        %get3A_169 = arith.index_cast %add3A_154 : i32 to index
        %get3A_170 = arith.constant 32 : index
        %get3A_171 = tpu.vector_load %arg10[%get3A_169, %get3A_170] {strides = array<i32>} : memref<128x128xf32, #tpu.memory_space<vmem>>, vector<16xf32>,
        %mul3A_172 = arith.mulf %get3A_171, %gather3A_150 : vector<16xf32>
        %swap3A_173 = arith.index_cast %add3A_154 : i32 to index
        %swap3A_174 = arith.constant 32 : index
        %swap3A_175 = tpu.vector_load %arg10[%swap3A_173, %swap3A_174] {strides = array<i32>} : memref<128x128xf32, #tpu.memory_space<vmem>>, vector<16xf32>,
        tpu.vector_store %arg10[%swap3A_173, %swap3A_174], %mul3A_172 {strides = array<i32>} : memref<128x128xf32, #tpu.memory_space<vmem>>, vector<16xf32>,
        %get3A_176 = arith.index_cast %add3A_154 : i32 to index
        %get3A_177 = arith.constant 48 : index
        %get3A_178 = tpu.vector_load %arg10[%get3A_176, %get3A_177] {strides = array<i32>} : memref<128x128xf32, #tpu.memory_space<vmem>>, vector<16xf32>,
        %mul3A_179 = arith.mulf %get3A_178, %gather3A_150 : vector<16xf32>
        %swap3A_180 = arith.index_cast %add3A_154 : i32 to index
        %swap3A_181 = arith.constant 48 : index
        %swap3A_182 = tpu.vector_load %arg10[%swap3A_180, %swap3A_181] {strides = array<i32>} : memref<128x128xf32, #tpu.memory_space<vmem>>, vector<16xf32>,
        tpu.vector_store %arg10[%swap3A_180, %swap3A_181], %mul3A_179 {strides = array<i32>} : memref<128x128xf32, #tpu.memory_space<vmem>>, vector<16xf32>,
        %get3A_183 = arith.index_cast %add3A_154 : i32 to index
        %get3A_184 = arith.constant 64 : index
        %get3A_185 = tpu.vector_load %arg10[%get3A_183, %get3A_184] {strides = array<i32>} : memref<128x128xf32, #tpu.memory_space<vmem>>, vector<16xf32>,
        %mul3A_186 = arith.mulf %get3A_185, %gather3A_150 : vector<16xf32>
        %swap3A_187 = arith.index_cast %add3A_154 : i32 to index
        %swap3A_188 = arith.constant 64 : index
        %swap3A_189 = tpu.vector_load %arg10[%swap3A_187, %swap3A_188] {strides = array<i32>} : memref<128x128xf32, #tpu.memory_space<vmem>>, vector<16xf32>,
        tpu.vector_store %arg10[%swap3A_187, %swap3A_188], %mul3A_186 {strides = array<i32>} : memref<128x128xf32, #tpu.memory_space<vmem>>, vector<16xf32>,
        %get3A_190 = arith.index_cast %add3A_154 : i32 to index
        %get3A_191 = arith.constant 80 : index
        %get3A_192 = tpu.vector_load %arg10[%get3A_190, %get3A_191] {strides = array<i32>} : memref<128x128xf32, #tpu.memory_space<vmem>>, vector<16xf32>,
        %mul3A_193 = arith.mulf %get3A_192, %gather3A_150 : vector<16xf32>
        %swap3A_194 = arith.index_cast %add3A_154 : i32 to index
        %swap3A_195 = arith.constant 80 : index
        %swap3A_196 = tpu.vector_load %arg10[%swap3A_194, %swap3A_195] {strides = array<i32>} : memref<128x128xf32, #tpu.memory_space<vmem>>, vector<16xf32>,
        tpu.vector_store %arg10[%swap3A_194, %swap3A_195], %mul3A_193 {strides = array<i32>} : memref<128x128xf32, #tpu.memory_space<vmem>>, vector<16xf32>,
        %get3A_197 = arith.index_cast %add3A_154 : i32 to index
        %get3A_198 = arith.constant 96 : index
        %get3A_199 = tpu.vector_load %arg10[%get3A_197, %get3A_198] {strides = array<i32>} : memref<128x128xf32, #tpu.memory_space<vmem>>, vector<16xf32>,
        %mul3A_200 = arith.mulf %get3A_199, %gather3A_150 : vector<16xf32>
        %swap3A_201 = arith.index_cast %add3A_154 : i32 to index
        %swap3A_202 = arith.constant 96 : index
        %swap3A_203 = tpu.vector_load %arg10[%swap3A_201, %swap3A_202] {strides = array<i32>} : memref<128x128xf32, #tpu.memory_space<vmem>>, vector<16xf32>,
        tpu.vector_store %arg10[%swap3A_201, %swap3A_202], %mul3A_200 {strides = array<i32>} : memref<128x128xf32, #tpu.memory_space<vmem>>, vector<16xf32>,
        %get3A_204 = arith.index_cast %add3A_154 : i32 to index
        %get3A_205 = arith.constant 112 : index
        %get3A_206 = tpu.vector_load %arg10[%get3A_204, %get3A_205] {strides = array<i32>} : memref<128x128xf32, #tpu.memory_space<vmem>>, vector<16xf32>,
        %mul3A_207 = arith.mulf %get3A_206, %gather3A_150 : vector<16xf32>
        %swap3A_208 = arith.index_cast %add3A_154 : i32 to index
        %swap3A_209 = arith.constant 112 : index
        %swap3A_210 = tpu.vector_load %arg10[%swap3A_208, %swap3A_209] {strides = array<i32>} : memref<128x128xf32, #tpu.memory_space<vmem>>, vector<16xf32>,
        tpu.vector_store %arg10[%swap3A_208, %swap3A_209], %mul3A_207 {strides = array<i32>} : memref<128x128xf32, #tpu.memory_space<vmem>>, vector<16xf32>,
        %lt3A_211 = arith.constant 0 : i32
        %lt3A_212 = vector.broadcast %lt3A_211 : i32 to vector<16xi32>
        %lt3A_213 = arith.cmpi slt, %broadcast_in_dim3A_25, %lt3A_212 : vector<16xi32>
        %add3A_214 = arith.constant 16 : i32
        %add3A_215 = vector.broadcast %add3A_214 : i32 to vector<16xi32>
        %add3A_216 = arith.addi %broadcast_in_dim3A_25, %add3A_215 : vector<16xi32>
        %select_n3A_217 = arith.select %lt3A_213, %add3A_216, %broadcast_in_dim3A_25 : vector<16xi1>, vector<16xi32>
        %reshape3A_218 = vector.shape_cast %select_n3A_217 : vector<16xi32> to vector<16x1xi32>
        %gather3A_219 = vector.shape_cast %reshape3A_218 : vector<16x1xi32> to vector<16xi32>
        %gather3A_220 = tpu.dynamic_gather %get3A_75[%gather3A_219] in [0] : vector<16xf32>, vector<16xi32> -> vector<16xf32>
        %mul3A_221 = arith.constant 16 : i32
        %mul3A_222 = arith.muli %scan3A_70, %mul3A_221 : i32
        %add3A_223 = arith.constant 2 : i32
        %add3A_224 = arith.addi %mul3A_222, %add3A_223 : i32
        %get3A_225 = arith.index_cast %add3A_224 : i32 to index
        %get3A_226 = arith.constant 0 : index
        %get3A_227 = tpu.vector_load %arg10[%get3A_225, %get3A_226] {strides = array<i32>} : memref<128x128xf32, #tpu.memory_space<vmem>>, vector<16xf32>,
        %mul3A_228 = arith.mulf %get3A_227, %gather3A_220 : vector<16xf32>
        %swap3A_229 = arith.index_cast %add3A_224 : i32 to index
        %swap3A_230 = arith.constant 0 : index
        %swap3A_231 = tpu.vector_load %arg10[%swap3A_229, %swap3A_230] {strides = array<i32>} : memref<128x128xf32, #tpu.memory_space<vmem>>, vector<16xf32>,
        tpu.vector_store %arg10[%swap3A_229, %swap3A_230], %mul3A_228 {strides = array<i32>} : memref<128x128xf32, #tpu.memory_space<vmem>>, vector<16xf32>,
        %get3A_232 = arith.index_cast %add3A_224 : i32 to index
        %get3A_233 = arith.constant 16 : index
        %get3A_234 = tpu.vector_load %arg10[%get3A_232, %get3A_233] {strides = array<i32>} : memref<128x128xf32, #tpu.memory_space<vmem>>, vector<16xf32>,
        %mul3A_235 = arith.mulf %get3A_234, %gather3A_220 : vector<16xf32>
        %swap3A_236 = arith.index_cast %add3A_224 : i32 to index
        %swap3A_237 = arith.constant 16 : index
        %swap3A_238 = tpu.vector_load %arg10[%swap3A_236, %swap3A_237] {strides = array<i32>} : memref<128x128xf32, #tpu.memory_space<vmem>>, vector<16xf32>,
        tpu.vector_store %arg10[%swap3A_236, %swap3A_237], %mul3A_235 {strides = array<i32>} : memref<128x128xf32, #tpu.memory_space<vmem>>, vector<16xf32>,
        %get3A_239 = arith.index_cast %add3A_224 : i32 to index
        %get3A_240 = arith.constant 32 : index
        %get3A_241 = tpu.vector_load %arg10[%get3A_239, %get3A_240] {strides = array<i32>} : memref<128x128xf32, #tpu.memory_space<vmem>>, vector<16xf32>,
        %mul3A_242 = arith.mulf %get3A_241, %gather3A_220 : vector<16xf32>
        %swap3A_243 = arith.index_cast %add3A_224 : i32 to index
        %swap3A_244 = arith.constant 32 : index
        %swap3A_245 = tpu.vector_load %arg10[%swap3A_243, %swap3A_244] {strides = array<i32>} : memref<128x128xf32, #tpu.memory_space<vmem>>, vector<16xf32>,
        tpu.vector_store %arg10[%swap3A_243, %swap3A_244], %mul3A_242 {strides = array<i32>} : memref<128x128xf32, #tpu.memory_space<vmem>>, vector<16xf32>,
        %get3A_246 = arith.index_cast %add3A_224 : i32 to index
        %get3A_247 = arith.constant 48 : index
        %get3A_248 = tpu.vector_load %arg10[%get3A_246, %get3A_247] {strides = array<i32>} : memref<128x128xf32, #tpu.memory_space<vmem>>, vector<16xf32>,
        %mul3A_249 = arith.mulf %get3A_248, %gather3A_220 : vector<16xf32>
        %swap3A_250 = arith.index_cast %add3A_224 : i32 to index
        %swap3A_251 = arith.constant 48 : index
        %swap3A_252 = tpu.vector_load %arg10[%swap3A_250, %swap3A_251] {strides = array<i32>} : memref<128x128xf32, #tpu.memory_space<vmem>>, vector<16xf32>,
        tpu.vector_store %arg10[%swap3A_250, %swap3A_251], %mul3A_249 {strides = array<i32>} : memref<128x128xf32, #tpu.memory_space<vmem>>, vector<16xf32>,
        %get3A_253 = arith.index_cast %add3A_224 : i32 to index
        %get3A_254 = arith.constant 64 : index
        %get3A_255 = tpu.vector_load %arg10[%get3A_253, %get3A_254] {strides = array<i32>} : memref<128x128xf32, #tpu.memory_space<vmem>>, vector<16xf32>,
        %mul3A_256 = arith.mulf %get3A_255, %gather3A_220 : vector<16xf32>
        %swap3A_257 = arith.index_cast %add3A_224 : i32 to index
        %swap3A_258 = arith.constant 64 : index
        %swap3A_259 = tpu.vector_load %arg10[%swap3A_257, %swap3A_258] {strides = array<i32>} : memref<128x128xf32, #tpu.memory_space<vmem>>, vector<16xf32>,
        tpu.vector_store %arg10[%swap3A_257, %swap3A_258], %mul3A_256 {strides = array<i32>} : memref<128x128xf32, #tpu.memory_space<vmem>>, vector<16xf32>,
        %get3A_260 = arith.index_cast %add3A_224 : i32 to index
        %get3A_261 = arith.constant 80 : index
        %get3A_262 = tpu.vector_load %arg10[%get3A_260, %get3A_261] {strides = array<i32>} : memref<128x128xf32, #tpu.memory_space<vmem>>, vector<16xf32>,
        %mul3A_263 = arith.mulf %get3A_262, %gather3A_220 : vector<16xf32>
        %swap3A_264 = arith.index_cast %add3A_224 : i32 to index
        %swap3A_265 = arith.constant 80 : index
        %swap3A_266 = tpu.vector_load %arg10[%swap3A_264, %swap3A_265] {strides = array<i32>} : memref<128x128xf32, #tpu.memory_space<vmem>>, vector<16xf32>,
        tpu.vector_store %arg10[%swap3A_264, %swap3A_265], %mul3A_263 {strides = array<i32>} : memref<128x128xf32, #tpu.memory_space<vmem>>, vector<16xf32>,
        %get3A_267 = arith.index_cast %add3A_224 : i32 to index
        %get3A_268 = arith.constant 96 : index
        %get3A_269 = tpu.vector_load %arg10[%get3A_267, %get3A_268] {strides = array<i32>} : memref<128x128xf32, #tpu.memory_space<vmem>>, vector<16xf32>,
        %mul3A_270 = arith.mulf %get3A_269, %gather3A_220 : vector<16xf32>
        %swap3A_271 = arith.index_cast %add3A_224 : i32 to index
        %swap3A_272 = arith.constant 96 : index
        %swap3A_273 = tpu.vector_load %arg10[%swap3A_271, %swap3A_272] {strides = array<i32>} : memref<128x128xf32, #tpu.memory_space<vmem>>, vector<16xf32>,
        tpu.vector_store %arg10[%swap3A_271, %swap3A_272], %mul3A_270 {strides = array<i32>} : memref<128x128xf32, #tpu.memory_space<vmem>>, vector<16xf32>,
        %get3A_274 = arith.index_cast %add3A_224 : i32 to index
        %get3A_275 = arith.constant 112 : index
        %get3A_276 = tpu.vector_load %arg10[%get3A_274, %get3A_275] {strides = array<i32>} : memref<128x128xf32, #tpu.memory_space<vmem>>, vector<16xf32>,
        %mul3A_277 = arith.mulf %get3A_276, %gather3A_220 : vector<16xf32>
        %swap3A_278 = arith.index_cast %add3A_224 : i32 to index
        %swap3A_279 = arith.constant 112 : index
        %swap3A_280 = tpu.vector_load %arg10[%swap3A_278, %swap3A_279] {strides = array<i32>} : memref<128x128xf32, #tpu.memory_space<vmem>>, vector<16xf32>,
        tpu.vector_store %arg10[%swap3A_278, %swap3A_279], %mul3A_277 {strides = array<i32>} : memref<128x128xf32, #tpu.memory_space<vmem>>, vector<16xf32>,
        %lt3A_281 = arith.constant 0 : i32
        %lt3A_282 = vector.broadcast %lt3A_281 : i32 to vector<16xi32>
        %lt3A_283 = arith.cmpi slt, %broadcast_in_dim3A_27, %lt3A_282 : vector<16xi32>
        %add3A_284 = arith.constant 16 : i32
        %add3A_285 = vector.broadcast %add3A_284 : i32 to vector<16xi32>
        %add3A_286 = arith.addi %broadcast_in_dim3A_27, %add3A_285 : vector<16xi32>
        %select_n3A_287 = arith.select %lt3A_283, %add3A_286, %broadcast_in_dim3A_27 : vector<16xi1>, vector<16xi32>
        %reshape3A_288 = vector.shape_cast %select_n3A_287 : vector<16xi32> to vector<16x1xi32>
        %gather3A_289 = vector.shape_cast %reshape3A_288 : vector<16x1xi32> to vector<16xi32>
        %gather3A_290 = tpu.dynamic_gather %get3A_75[%gather3A_289] in [0] : vector<16xf32>, vector<16xi32> -> vector<16xf32>
        %mul3A_291 = arith.constant 16 : i32
        %mul3A_292 = arith.muli %scan3A_70, %mul3A_291 : i32
        %add3A_293 = arith.constant 3 : i32
        %add3A_294 = arith.addi %mul3A_292, %add3A_293 : i32
        %get3A_295 = arith.index_cast %add3A_294 : i32 to index
        %get3A_296 = arith.constant 0 : index
        %get3A_297 = tpu.vector_load %arg10[%get3A_295, %get3A_296] {strides = array<i32>} : memref<128x128xf32, #tpu.memory_space<vmem>>, vector<16xf32>,
        %mul3A_298 = arith.mulf %get3A_297, %gather3A_290 : vector<16xf32>
        %swap3A_299 = arith.index_cast %add3A_294 : i32 to index
        %swap3A_300 = arith.constant 0 : index
        %swap3A_301 = tpu.vector_load %arg10[%swap3A_299, %swap3A_300] {strides = array<i32>} : memref<128x128xf32, #tpu.memory_space<vmem>>, vector<16xf32>,
        tpu.vector_store %arg10[%swap3A_299, %swap3A_300], %mul3A_298 {strides = array<i32>} : memref<128x128xf32, #tpu.memory_space<vmem>>, vector<16xf32>,
        %get3A_302 = arith.index_cast %add3A_294 : i32 to index
        %get3A_303 = arith.constant 16 : index
        %get3A_304 = tpu.vector_load %arg10[%get3A_302, %get3A_303] {strides = array<i32>} : memref<128x128xf32, #tpu.memory_space<vmem>>, vector<16xf32>,
        %mul3A_305 = arith.mulf %get3A_304, %gather3A_290 : vector<16xf32>
        %swap3A_306 = arith.index_cast %add3A_294 : i32 to index
        %swap3A_307 = arith.constant 16 : index
        %swap3A_308 = tpu.vector_load %arg10[%swap3A_306, %swap3A_307] {strides = array<i32>} : memref<128x128xf32, #tpu.memory_space<vmem>>, vector<16xf32>,
        tpu.vector_store %arg10[%swap3A_306, %swap3A_307], %mul3A_305 {strides = array<i32>} : memref<128x128xf32, #tpu.memory_space<vmem>>, vector<16xf32>,
        %get3A_309 = arith.index_cast %add3A_294 : i32 to index
        %get3A_310 = arith.constant 32 : index
        %get3A_311 = tpu.vector_load %arg10[%get3A_309, %get3A_310] {strides = array<i32>} : memref<128x128xf32, #tpu.memory_space<vmem>>, vector<16xf32>,
        %mul3A_312 = arith.mulf %get3A_311, %gather3A_290 : vector<16xf32>
        %swap3A_313 = arith.index_cast %add3A_294 : i32 to index
        %swap3A_314 = arith.constant 32 : index
        %swap3A_315 = tpu.vector_load %arg10[%swap3A_313, %swap3A_314] {strides = array<i32>} : memref<128x128xf32, #tpu.memory_space<vmem>>, vector<16xf32>,
        tpu.vector_store %arg10[%swap3A_313, %swap3A_314], %mul3A_312 {strides = array<i32>} : memref<128x128xf32, #tpu.memory_space<vmem>>, vector<16xf32>,
        %get3A_316 = arith.index_cast %add3A_294 : i32 to index
        %get3A_317 = arith.constant 48 : index
        %get3A_318 = tpu.vector_load %arg10[%get3A_316, %get3A_317] {strides = array<i32>} : memref<128x128xf32, #tpu.memory_space<vmem>>, vector<16xf32>,
        %mul3A_319 = arith.mulf %get3A_318, %gather3A_290 : vector<16xf32>
        %swap3A_320 = arith.index_cast %add3A_294 : i32 to index
        %swap3A_321 = arith.constant 48 : index
        %swap3A_322 = tpu.vector_load %arg10[%swap3A_320, %swap3A_321] {strides = array<i32>} : memref<128x128xf32, #tpu.memory_space<vmem>>, vector<16xf32>,
        tpu.vector_store %arg10[%swap3A_320, %swap3A_321], %mul3A_319 {strides = array<i32>} : memref<128x128xf32, #tpu.memory_space<vmem>>, vector<16xf32>,
        %get3A_323 = arith.index_cast %add3A_294 : i32 to index
        %get3A_324 = arith.constant 64 : index
        %get3A_325 = tpu.vector_load %arg10[%get3A_323, %get3A_324] {strides = array<i32>} : memref<128x128xf32, #tpu.memory_space<vmem>>, vector<16xf32>,
        %mul3A_326 = arith.mulf %get3A_325, %gather3A_290 : vector<16xf32>
        %swap3A_327 = arith.index_cast %add3A_294 : i32 to index
        %swap3A_328 = arith.constant 64 : index
        %swap3A_329 = tpu.vector_load %arg10[%swap3A_327, %swap3A_328] {strides = array<i32>} : memref<128x128xf32, #tpu.memory_space<vmem>>, vector<16xf32>,
        tpu.vector_store %arg10[%swap3A_327, %swap3A_328], %mul3A_326 {strides = array<i32>} : memref<128x128xf32, #tpu.memory_space<vmem>>, vector<16xf32>,
        %get3A_330 = arith.index_cast %add3A_294 : i32 to index
        %get3A_331 = arith.constant 80 : index
        %get3A_332 = tpu.vector_load %arg10[%get3A_330, %get3A_331] {strides = array<i32>} : memref<128x128xf32, #tpu.memory_space<vmem>>, vector<16xf32>,
        %mul3A_333 = arith.mulf %get3A_332, %gather3A_290 : vector<16xf32>
        %swap3A_334 = arith.index_cast %add3A_294 : i32 to index
        %swap3A_335 = arith.constant 80 : index
        %swap3A_336 = tpu.vector_load %arg10[%swap3A_334, %swap3A_335] {strides = array<i32>} : memref<128x128xf32, #tpu.memory_space<vmem>>, vector<16xf32>,
        tpu.vector_store %arg10[%swap3A_334, %swap3A_335], %mul3A_333 {strides = array<i32>} : memref<128x128xf32, #tpu.memory_space<vmem>>, vector<16xf32>,
        %get3A_337 = arith.index_cast %add3A_294 : i32 to index
        %get3A_338 = arith.constant 96 : index
        %get3A_339 = tpu.vector_load %arg10[%get3A_337, %get3A_338] {strides = array<i32>} : memref<128x128xf32, #tpu.memory_space<vmem>>, vector<16xf32>,
        %mul3A_340 = arith.mulf %get3A_339, %gather3A_290 : vector<16xf32>
        %swap3A_341 = arith.index_cast %add3A_294 : i32 to index
        %swap3A_342 = arith.constant 96 : index
        %swap3A_343 = tpu.vector_load %arg10[%swap3A_341, %swap3A_342] {strides = array<i32>} : memref<128x128xf32, #tpu.memory_space<vmem>>, vector<16xf32>,
        tpu.vector_store %arg10[%swap3A_341, %swap3A_342], %mul3A_340 {strides = array<i32>} : memref<128x128xf32, #tpu.memory_space<vmem>>, vector<16xf32>,
        %get3A_344 = arith.index_cast %add3A_294 : i32 to index
        %get3A_345 = arith.constant 112 : index
        %get3A_346 = tpu.vector_load %arg10[%get3A_344, %get3A_345] {strides = array<i32>} : memref<128x128xf32, #tpu.memory_space<vmem>>, vector<16xf32>,
        %mul3A_347 = arith.mulf %get3A_346, %gather3A_290 : vector<16xf32>
        %swap3A_348 = arith.index_cast %add3A_294 : i32 to index
        %swap3A_349 = arith.constant 112 : index
        %swap3A_350 = tpu.vector_load %arg10[%swap3A_348, %swap3A_349] {strides = array<i32>} : memref<128x128xf32, #tpu.memory_space<vmem>>, vector<16xf32>,
        tpu.vector_store %arg10[%swap3A_348, %swap3A_349], %mul3A_347 {strides = array<i32>} : memref<128x128xf32, #tpu.memory_space<vmem>>, vector<16xf32>,
        %lt3A_351 = arith.constant 0 : i32
        %lt3A_352 = vector.broadcast %lt3A_351 : i32 to vector<16xi32>
        %lt3A_353 = arith.cmpi slt, %broadcast_in_dim3A_29, %lt3A_352 : vector<16xi32>
        %add3A_354 = arith.constant 16 : i32
        %add3A_355 = vector.broadcast %add3A_354 : i32 to vector<16xi32>
        %add3A_356 = arith.addi %broadcast_in_dim3A_29, %add3A_355 : vector<16xi32>
        %select_n3A_357 = arith.select %lt3A_353, %add3A_356, %broadcast_in_dim3A_29 : vector<16xi1>, vector<16xi32>
        %reshape3A_358 = vector.shape_cast %select_n3A_357 : vector<16xi32> to vector<16x1xi32>
        %gather3A_359 = vector.shape_cast %reshape3A_358 : vector<16x1xi32> to vector<16xi32>
        %gather3A_360 = tpu.dynamic_gather %get3A_75[%gather3A_359] in [0] : vector<16xf32>, vector<16xi32> -> vector<16xf32>
        %mul3A_361 = arith.constant 16 : i32
        %mul3A_362 = arith.muli %scan3A_70, %mul3A_361 : i32
        %add3A_363 = arith.constant 4 : i32
        %add3A_364 = arith.addi %mul3A_362, %add3A_363 : i32
        %get3A_365 = arith.index_cast %add3A_364 : i32 to index
        %get3A_366 = arith.constant 0 : index
        %get3A_367 = tpu.vector_load %arg10[%get3A_365, %get3A_366] {strides = array<i32>} : memref<128x128xf32, #tpu.memory_space<vmem>>, vector<16xf32>,
        %mul3A_368 = arith.mulf %get3A_367, %gather3A_360 : vector<16xf32>
        %swap3A_369 = arith.index_cast %add3A_364 : i32 to index
        %swap3A_370 = arith.constant 0 : index
        %swap3A_371 = tpu.vector_load %arg10[%swap3A_369, %swap3A_370] {strides = array<i32>} : memref<128x128xf32, #tpu.memory_space<vmem>>, vector<16xf32>,
        tpu.vector_store %arg10[%swap3A_369, %swap3A_370], %mul3A_368 {strides = array<i32>} : memref<128x128xf32, #tpu.memory_space<vmem>>, vector<16xf32>,
        %get3A_372 = arith.index_cast %add3A_364 : i32 to index
        %get3A_373 = arith.constant 16 : index
        %get3A_374 = tpu.vector_load %arg10[%get3A_372, %get3A_373] {strides = array<i32>} : memref<128x128xf32, #tpu.memory_space<vmem>>, vector<16xf32>,
        %mul3A_375 = arith.mulf %get3A_374, %gather3A_360 : vector<16xf32>
        %swap3A_376 = arith.index_cast %add3A_364 : i32 to index
        %swap3A_377 = arith.constant 16 : index
        %swap3A_378 = tpu.vector_load %arg10[%swap3A_376, %swap3A_377] {strides = array<i32>} : memref<128x128xf32, #tpu.memory_space<vmem>>, vector<16xf32>,
        tpu.vector_store %arg10[%swap3A_376, %swap3A_377], %mul3A_375 {strides = array<i32>} : memref<128x128xf32, #tpu.memory_space<vmem>>, vector<16xf32>,
        %get3A_379 = arith.index_cast %add3A_364 : i32 to index
        %get3A_380 = arith.constant 32 : index
        %get3A_381 = tpu.vector_load %arg10[%get3A_379, %get3A_380] {strides = array<i32>} : memref<128x128xf32, #tpu.memory_space<vmem>>, vector<16xf32>,
        %mul3A_382 = arith.mulf %get3A_381, %gather3A_360 : vector<16xf32>
        %swap3A_383 = arith.index_cast %add3A_364 : i32 to index
        %swap3A_384 = arith.constant 32 : index
        %swap3A_385 = tpu.vector_load %arg10[%swap3A_383, %swap3A_384] {strides = array<i32>} : memref<128x128xf32, #tpu.memory_space<vmem>>, vector<16xf32>,
        tpu.vector_store %arg10[%swap3A_383, %swap3A_384], %mul3A_382 {strides = array<i32>} : memref<128x128xf32, #tpu.memory_space<vmem>>, vector<16xf32>,
        %get3A_386 = arith.index_cast %add3A_364 : i32 to index
        %get3A_387 = arith.constant 48 : index
        %get3A_388 = tpu.vector_load %arg10[%get3A_386, %get3A_387] {strides = array<i32>} : memref<128x128xf32, #tpu.memory_space<vmem>>, vector<16xf32>,
        %mul3A_389 = arith.mulf %get3A_388, %gather3A_360 : vector<16xf32>
        %swap3A_390 = arith.index_cast %add3A_364 : i32 to index
        %swap3A_391 = arith.constant 48 : index
        %swap3A_392 = tpu.vector_load %arg10[%swap3A_390, %swap3A_391] {strides = array<i32>} : memref<128x128xf32, #tpu.memory_space<vmem>>, vector<16xf32>,
        tpu.vector_store %arg10[%swap3A_390, %swap3A_391], %mul3A_389 {strides = array<i32>} : memref<128x128xf32, #tpu.memory_space<vmem>>, vector<16xf32>,
        %get3A_393 = arith.index_cast %add3A_364 : i32 to index
        %get3A_394 = arith.constant 64 : index
        %get3A_395 = tpu.vector_load %arg10[%get3A_393, %get3A_394] {strides = array<i32>} : memref<128x128xf32, #tpu.memory_space<vmem>>, vector<16xf32>,
        %mul3A_396 = arith.mulf %get3A_395, %gather3A_360 : vector<16xf32>
        %swap3A_397 = arith.index_cast %add3A_364 : i32 to index
        %swap3A_398 = arith.constant 64 : index
        %swap3A_399 = tpu.vector_load %arg10[%swap3A_397, %swap3A_398] {strides = array<i32>} : memref<128x128xf32, #tpu.memory_space<vmem>>, vector<16xf32>,
        tpu.vector_store %arg10[%swap3A_397, %swap3A_398], %mul3A_396 {strides = array<i32>} : memref<128x128xf32, #tpu.memory_space<vmem>>, vector<16xf32>,
        %get3A_400 = arith.index_cast %add3A_364 : i32 to index
        %get3A_401 = arith.constant 80 : index
        %get3A_402 = tpu.vector_load %arg10[%get3A_400, %get3A_401] {strides = array<i32>} : memref<128x128xf32, #tpu.memory_space<vmem>>, vector<16xf32>,
        %mul3A_403 = arith.mulf %get3A_402, %gather3A_360 : vector<16xf32>
        %swap3A_404 = arith.index_cast %add3A_364 : i32 to index
        %swap3A_405 = arith.constant 80 : index
        %swap3A_406 = tpu.vector_load %arg10[%swap3A_404, %swap3A_405] {strides = array<i32>} : memref<128x128xf32, #tpu.memory_space<vmem>>, vector<16xf32>,
        tpu.vector_store %arg10[%swap3A_404, %swap3A_405], %mul3A_403 {strides = array<i32>} : memref<128x128xf32, #tpu.memory_space<vmem>>, vector<16xf32>,
        %get3A_407 = arith.index_cast %add3A_364 : i32 to index
        %get3A_408 = arith.constant 96 : index
        %get3A_409 = tpu.vector_load %arg10[%get3A_407, %get3A_408] {strides = array<i32>} : memref<128x128xf32, #tpu.memory_space<vmem>>, vector<16xf32>,
        %mul3A_410 = arith.mulf %get3A_409, %gather3A_360 : vector<16xf32>
        %swap3A_411 = arith.index_cast %add3A_364 : i32 to index
        %swap3A_412 = arith.constant 96 : index
        %swap3A_413 = tpu.vector_load %arg10[%swap3A_411, %swap3A_412] {strides = array<i32>} : memref<128x128xf32, #tpu.memory_space<vmem>>, vector<16xf32>,
        tpu.vector_store %arg10[%swap3A_411, %swap3A_412], %mul3A_410 {strides = array<i32>} : memref<128x128xf32, #tpu.memory_space<vmem>>, vector<16xf32>,
        %get3A_414 = arith.index_cast %add3A_364 : i32 to index
        %get3A_415 = arith.constant 112 : index
        %get3A_416 = tpu.vector_load %arg10[%get3A_414, %get3A_415] {strides = array<i32>} : memref<128x128xf32, #tpu.memory_space<vmem>>, vector<16xf32>,
        %mul3A_417 = arith.mulf %get3A_416, %gather3A_360 : vector<16xf32>
        %swap3A_418 = arith.index_cast %add3A_364 : i32 to index
        %swap3A_419 = arith.constant 112 : index
        %swap3A_420 = tpu.vector_load %arg10[%swap3A_418, %swap3A_419] {strides = array<i32>} : memref<128x128xf32, #tpu.memory_space<vmem>>, vector<16xf32>,
        tpu.vector_store %arg10[%swap3A_418, %swap3A_419], %mul3A_417 {strides = array<i32>} : memref<128x128xf32, #tpu.memory_space<vmem>>, vector<16xf32>,
        %lt3A_421 = arith.constant 0 : i32
        %lt3A_422 = vector.broadcast %lt3A_421 : i32 to vector<16xi32>
        %lt3A_423 = arith.cmpi slt, %broadcast_in_dim3A_31, %lt3A_422 : vector<16xi32>
        %add3A_424 = arith.constant 16 : i32
        %add3A_425 = vector.broadcast %add3A_424 : i32 to vector<16xi32>
        %add3A_426 = arith.addi %broadcast_in_dim3A_31, %add3A_425 : vector<16xi32>
        %select_n3A_427 = arith.select %lt3A_423, %add3A_426, %broadcast_in_dim3A_31 : vector<16xi1>, vector<16xi32>
        %reshape3A_428 = vector.shape_cast %select_n3A_427 : vector<16xi32> to vector<16x1xi32>
        %gather3A_429 = vector.shape_cast %reshape3A_428 : vector<16x1xi32> to vector<16xi32>
        %gather3A_430 = tpu.dynamic_gather %get3A_75[%gather3A_429] in [0] : vector<16xf32>, vector<16xi32> -> vector<16xf32>
        %mul3A_431 = arith.constant 16 : i32
        %mul3A_432 = arith.muli %scan3A_70, %mul3A_431 : i32
        %add3A_433 = arith.constant 5 : i32
        %add3A_434 = arith.addi %mul3A_432, %add3A_433 : i32
        %get3A_435 = arith.index_cast %add3A_434 : i32 to index
        %get3A_436 = arith.constant 0 : index
        %get3A_437 = tpu.vector_load %arg10[%get3A_435, %get3A_436] {strides = array<i32>} : memref<128x128xf32, #tpu.memory_space<vmem>>, vector<16xf32>,
        %mul3A_438 = arith.mulf %get3A_437, %gather3A_430 : vector<16xf32>
        %swap3A_439 = arith.index_cast %add3A_434 : i32 to index
        %swap3A_440 = arith.constant 0 : index
        %swap3A_441 = tpu.vector_load %arg10[%swap3A_439, %swap3A_440] {strides = array<i32>} : memref<128x128xf32, #tpu.memory_space<vmem>>, vector<16xf32>,
        tpu.vector_store %arg10[%swap3A_439, %swap3A_440], %mul3A_438 {strides = array<i32>} : memref<128x128xf32, #tpu.memory_space<vmem>>, vector<16xf32>,
        %get3A_442 = arith.index_cast %add3A_434 : i32 to index
        %get3A_443 = arith.constant 16 : index
        %get3A_444 = tpu.vector_load %arg10[%get3A_442, %get3A_443] {strides = array<i32>} : memref<128x128xf32, #tpu.memory_space<vmem>>, vector<16xf32>,
        %mul3A_445 = arith.mulf %get3A_444, %gather3A_430 : vector<16xf32>
        %swap3A_446 = arith.index_cast %add3A_434 : i32 to index
        %swap3A_447 = arith.constant 16 : index
        %swap3A_448 = tpu.vector_load %arg10[%swap3A_446, %swap3A_447] {strides = array<i32>} : memref<128x128xf32, #tpu.memory_space<vmem>>, vector<16xf32>,
        tpu.vector_store %arg10[%swap3A_446, %swap3A_447], %mul3A_445 {strides = array<i32>} : memref<128x128xf32, #tpu.memory_space<vmem>>, vector<16xf32>,
        %get3A_449 = arith.index_cast %add3A_434 : i32 to index
        %get3A_450 = arith.constant 32 : index
        %get3A_451 = tpu.vector_load %arg10[%get3A_449, %get3A_450] {strides = array<i32>} : memref<128x128xf32, #tpu.memory_space<vmem>>, vector<16xf32>,
        %mul3A_452 = arith.mulf %get3A_451, %gather3A_430 : vector<16xf32>
        %swap3A_453 = arith.index_cast %add3A_434 : i32 to index
        %swap3A_454 = arith.constant 32 : index
        %swap3A_455 = tpu.vector_load %arg10[%swap3A_453, %swap3A_454] {strides = array<i32>} : memref<128x128xf32, #tpu.memory_space<vmem>>, vector<16xf32>,
        tpu.vector_store %arg10[%swap3A_453, %swap3A_454], %mul3A_452 {strides = array<i32>} : memref<128x128xf32, #tpu.memory_space<vmem>>, vector<16xf32>,
        %get3A_456 = arith.index_cast %add3A_434 : i32 to index
        %get3A_457 = arith.constant 48 : index
        %get3A_458 = tpu.vector_load %arg10[%get3A_456, %get3A_457] {strides = array<i32>} : memref<128x128xf32, #tpu.memory_space<vmem>>, vector<16xf32>,
        %mul3A_459 = arith.mulf %get3A_458, %gather3A_430 : vector<16xf32>
        %swap3A_460 = arith.index_cast %add3A_434 : i32 to index
        %swap3A_461 = arith.constant 48 : index
        %swap3A_462 = tpu.vector_load %arg10[%swap3A_460, %swap3A_461] {strides = array<i32>} : memref<128x128xf32, #tpu.memory_space<vmem>>, vector<16xf32>,
        tpu.vector_store %arg10[%swap3A_460, %swap3A_461], %mul3A_459 {strides = array<i32>} : memref<128x128xf32, #tpu.memory_space<vmem>>, vector<16xf32>,
        %get3A_463 = arith.index_cast %add3A_434 : i32 to index
        %get3A_464 = arith.constant 64 : index
        %get3A_465 = tpu.vector_load %arg10[%get3A_463, %get3A_464] {strides = array<i32>} : memref<128x128xf32, #tpu.memory_space<vmem>>, vector<16xf32>,
        %mul3A_466 = arith.mulf %get3A_465, %gather3A_430 : vector<16xf32>
        %swap3A_467 = arith.index_cast %add3A_434 : i32 to index
        %swap3A_468 = arith.constant 64 : index
        %swap3A_469 = tpu.vector_load %arg10[%swap3A_467, %swap3A_468] {strides = array<i32>} : memref<128x128xf32, #tpu.memory_space<vmem>>, vector<16xf32>,
        tpu.vector_store %arg10[%swap3A_467, %swap3A_468], %mul3A_466 {strides = array<i32>} : memref<128x128xf32, #tpu.memory_space<vmem>>, vector<16xf32>,
        %get3A_470 = arith.index_cast %add3A_434 : i32 to index
        %get3A_471 = arith.constant 80 : index
        %get3A_472 = tpu.vector_load %arg10[%get3A_470, %get3A_471] {strides = array<i32>} : memref<128x128xf32, #tpu.memory_space<vmem>>, vector<16xf32>,
        %mul3A_473 = arith.mulf %get3A_472, %gather3A_430 : vector<16xf32>
        %swap3A_474 = arith.index_cast %add3A_434 : i32 to index
        %swap3A_475 = arith.constant 80 : index
        %swap3A_476 = tpu.vector_load %arg10[%swap3A_474, %swap3A_475] {strides = array<i32>} : memref<128x128xf32, #tpu.memory_space<vmem>>, vector<16xf32>,
        tpu.vector_store %arg10[%swap3A_474, %swap3A_475], %mul3A_473 {strides = array<i32>} : memref<128x128xf32, #tpu.memory_space<vmem>>, vector<16xf32>,
        %get3A_477 = arith.index_cast %add3A_434 : i32 to index
        %get3A_478 = arith.constant 96 : index
        %get3A_479 = tpu.vector_load %arg10[%get3A_477, %get3A_478] {strides = array<i32>} : memref<128x128xf32, #tpu.memory_space<vmem>>, vector<16xf32>,
        %mul3A_480 = arith.mulf %get3A_479, %gather3A_430 : vector<16xf32>
        %swap3A_481 = arith.index_cast %add3A_434 : i32 to index
        %swap3A_482 = arith.constant 96 : index
        %swap3A_483 = tpu.vector_load %arg10[%swap3A_481, %swap3A_482] {strides = array<i32>} : memref<128x128xf32, #tpu.memory_space<vmem>>, vector<16xf32>,
        tpu.vector_store %arg10[%swap3A_481, %swap3A_482], %mul3A_480 {strides = array<i32>} : memref<128x128xf32, #tpu.memory_space<vmem>>, vector<16xf32>,
        %get3A_484 = arith.index_cast %add3A_434 : i32 to index
        %get3A_485 = arith.constant 112 : index
        %get3A_486 = tpu.vector_load %arg10[%get3A_484, %get3A_485] {strides = array<i32>} : memref<128x128xf32, #tpu.memory_space<vmem>>, vector<16xf32>,
        %mul3A_487 = arith.mulf %get3A_486, %gather3A_430 : vector<16xf32>
        %swap3A_488 = arith.index_cast %add3A_434 : i32 to index
        %swap3A_489 = arith.constant 112 : index
        %swap3A_490 = tpu.vector_load %arg10[%swap3A_488, %swap3A_489] {strides = array<i32>} : memref<128x128xf32, #tpu.memory_space<vmem>>, vector<16xf32>,
        tpu.vector_store %arg10[%swap3A_488, %swap3A_489], %mul3A_487 {strides = array<i32>} : memref<128x128xf32, #tpu.memory_space<vmem>>, vector<16xf32>,
        %lt3A_491 = arith.constant 0 : i32
        %lt3A_492 = vector.broadcast %lt3A_491 : i32 to vector<16xi32>
        %lt3A_493 = arith.cmpi slt, %broadcast_in_dim3A_33, %lt3A_492 : vector<16xi32>
        %add3A_494 = arith.constant 16 : i32
        %add3A_495 = vector.broadcast %add3A_494 : i32 to vector<16xi32>
        %add3A_496 = arith.addi %broadcast_in_dim3A_33, %add3A_495 : vector<16xi32>
        %select_n3A_497 = arith.select %lt3A_493, %add3A_496, %broadcast_in_dim3A_33 : vector<16xi1>, vector<16xi32>
        %reshape3A_498 = vector.shape_cast %select_n3A_497 : vector<16xi32> to vector<16x1xi32>
        %gather3A_499 = vector.shape_cast %reshape3A_498 : vector<16x1xi32> to vector<16xi32>
        %gather3A_500 = tpu.dynamic_gather %get3A_75[%gather3A_499] in [0] : vector<16xf32>, vector<16xi32> -> vector<16xf32>
        %mul3A_501 = arith.constant 16 : i32
        %mul3A_502 = arith.muli %scan3A_70, %mul3A_501 : i32
        %add3A_503 = arith.constant 6 : i32
        %add3A_504 = arith.addi %mul3A_502, %add3A_503 : i32
        %get3A_505 = arith.index_cast %add3A_504 : i32 to index
        %get3A_506 = arith.constant 0 : index
        %get3A_507 = tpu.vector_load %arg10[%get3A_505, %get3A_506] {strides = array<i32>} : memref<128x128xf32, #tpu.memory_space<vmem>>, vector<16xf32>,
        %mul3A_508 = arith.mulf %get3A_507, %gather3A_500 : vector<16xf32>
        %swap3A_509 = arith.index_cast %add3A_504 : i32 to index
        %swap3A_510 = arith.constant 0 : index
        %swap3A_511 = tpu.vector_load %arg10[%swap3A_509, %swap3A_510] {strides = array<i32>} : memref<128x128xf32, #tpu.memory_space<vmem>>, vector<16xf32>,
        tpu.vector_store %arg10[%swap3A_509, %swap3A_510], %mul3A_508 {strides = array<i32>} : memref<128x128xf32, #tpu.memory_space<vmem>>, vector<16xf32>,
        %get3A_512 = arith.index_cast %add3A_504 : i32 to index
        %get3A_513 = arith.constant 16 : index
        %get3A_514 = tpu.vector_load %arg10[%get3A_512, %get3A_513] {strides = array<i32>} : memref<128x128xf32, #tpu.memory_space<vmem>>, vector<16xf32>,
        %mul3A_515 = arith.mulf %get3A_514, %gather3A_500 : vector<16xf32>
        %swap3A_516 = arith.index_cast %add3A_504 : i32 to index
        %swap3A_517 = arith.constant 16 : index
        %swap3A_518 = tpu.vector_load %arg10[%swap3A_516, %swap3A_517] {strides = array<i32>} : memref<128x128xf32, #tpu.memory_space<vmem>>, vector<16xf32>,
        tpu.vector_store %arg10[%swap3A_516, %swap3A_517], %mul3A_515 {strides = array<i32>} : memref<128x128xf32, #tpu.memory_space<vmem>>, vector<16xf32>,
        %get3A_519 = arith.index_cast %add3A_504 : i32 to index
        %get3A_520 = arith.constant 32 : index
        %get3A_521 = tpu.vector_load %arg10[%get3A_519, %get3A_520] {strides = array<i32>} : memref<128x128xf32, #tpu.memory_space<vmem>>, vector<16xf32>,
        %mul3A_522 = arith.mulf %get3A_521, %gather3A_500 : vector<16xf32>
        %swap3A_523 = arith.index_cast %add3A_504 : i32 to index
        %swap3A_524 = arith.constant 32 : index
        %swap3A_525 = tpu.vector_load %arg10[%swap3A_523, %swap3A_524] {strides = array<i32>} : memref<128x128xf32, #tpu.memory_space<vmem>>, vector<16xf32>,
        tpu.vector_store %arg10[%swap3A_523, %swap3A_524], %mul3A_522 {strides = array<i32>} : memref<128x128xf32, #tpu.memory_space<vmem>>, vector<16xf32>,
        %get3A_526 = arith.index_cast %add3A_504 : i32 to index
        %get3A_527 = arith.constant 48 : index
        %get3A_528 = tpu.vector_load %arg10[%get3A_526, %get3A_527] {strides = array<i32>} : memref<128x128xf32, #tpu.memory_space<vmem>>, vector<16xf32>,
        %mul3A_529 = arith.mulf %get3A_528, %gather3A_500 : vector<16xf32>
        %swap3A_530 = arith.index_cast %add3A_504 : i32 to index
        %swap3A_531 = arith.constant 48 : index
        %swap3A_532 = tpu.vector_load %arg10[%swap3A_530, %swap3A_531] {strides = array<i32>} : memref<128x128xf32, #tpu.memory_space<vmem>>, vector<16xf32>,
        tpu.vector_store %arg10[%swap3A_530, %swap3A_531], %mul3A_529 {strides = array<i32>} : memref<128x128xf32, #tpu.memory_space<vmem>>, vector<16xf32>,
        %get3A_533 = arith.index_cast %add3A_504 : i32 to index
        %get3A_534 = arith.constant 64 : index
        %get3A_535 = tpu.vector_load %arg10[%get3A_533, %get3A_534] {strides = array<i32>} : memref<128x128xf32, #tpu.memory_space<vmem>>, vector<16xf32>,
        %mul3A_536 = arith.mulf %get3A_535, %gather3A_500 : vector<16xf32>
        %swap3A_537 = arith.index_cast %add3A_504 : i32 to index
        %swap3A_538 = arith.constant 64 : index
        %swap3A_539 = tpu.vector_load %arg10[%swap3A_537, %swap3A_538] {strides = array<i32>} : memref<128x128xf32, #tpu.memory_space<vmem>>, vector<16xf32>,
        tpu.vector_store %arg10[%swap3A_537, %swap3A_538], %mul3A_536 {strides = array<i32>} : memref<128x128xf32, #tpu.memory_space<vmem>>, vector<16xf32>,
        %get3A_540 = arith.index_cast %add3A_504 : i32 to index
        %get3A_541 = arith.constant 80 : index
        %get3A_542 = tpu.vector_load %arg10[%get3A_540, %get3A_541] {strides = array<i32>} : memref<128x128xf32, #tpu.memory_space<vmem>>, vector<16xf32>,
        %mul3A_543 = arith.mulf %get3A_542, %gather3A_500 : vector<16xf32>
        %swap3A_544 = arith.index_cast %add3A_504 : i32 to index
        %swap3A_545 = arith.constant 80 : index
        %swap3A_546 = tpu.vector_load %arg10[%swap3A_544, %swap3A_545] {strides = array<i32>} : memref<128x128xf32, #tpu.memory_space<vmem>>, vector<16xf32>,
        tpu.vector_store %arg10[%swap3A_544, %swap3A_545], %mul3A_543 {strides = array<i32>} : memref<128x128xf32, #tpu.memory_space<vmem>>, vector<16xf32>,
        %get3A_547 = arith.index_cast %add3A_504 : i32 to index
        %get3A_548 = arith.constant 96 : index
        %get3A_549 = tpu.vector_load %arg10[%get3A_547, %get3A_548] {strides = array<i32>} : memref<128x128xf32, #tpu.memory_space<vmem>>, vector<16xf32>,
        %mul3A_550 = arith.mulf %get3A_549, %gather3A_500 : vector<16xf32>
        %swap3A_551 = arith.index_cast %add3A_504 : i32 to index
        %swap3A_552 = arith.constant 96 : index
        %swap3A_553 = tpu.vector_load %arg10[%swap3A_551, %swap3A_552] {strides = array<i32>} : memref<128x128xf32, #tpu.memory_space<vmem>>, vector<16xf32>,
        tpu.vector_store %arg10[%swap3A_551, %swap3A_552], %mul3A_550 {strides = array<i32>} : memref<128x128xf32, #tpu.memory_space<vmem>>, vector<16xf32>,
        %get3A_554 = arith.index_cast %add3A_504 : i32 to index
        %get3A_555 = arith.constant 112 : index
        %get3A_556 = tpu.vector_load %arg10[%get3A_554, %get3A_555] {strides = array<i32>} : memref<128x128xf32, #tpu.memory_space<vmem>>, vector<16xf32>,
        %mul3A_557 = arith.mulf %get3A_556, %gather3A_500 : vector<16xf32>
        %swap3A_558 = arith.index_cast %add3A_504 : i32 to index
        %swap3A_559 = arith.constant 112 : index
        %swap3A_560 = tpu.vector_load %arg10[%swap3A_558, %swap3A_559] {strides = array<i32>} : memref<128x128xf32, #tpu.memory_space<vmem>>, vector<16xf32>,
        tpu.vector_store %arg10[%swap3A_558, %swap3A_559], %mul3A_557 {strides = array<i32>} : memref<128x128xf32, #tpu.memory_space<vmem>>, vector<16xf32>,
        %lt3A_561 = arith.constant 0 : i32
        %lt3A_562 = vector.broadcast %lt3A_561 : i32 to vector<16xi32>
        %lt3A_563 = arith.cmpi slt, %broadcast_in_dim3A_35, %lt3A_562 : vector<16xi32>
        %add3A_564 = arith.constant 16 : i32
        %add3A_565 = vector.broadcast %add3A_564 : i32 to vector<16xi32>
        %add3A_566 = arith.addi %broadcast_in_dim3A_35, %add3A_565 : vector<16xi32>
        %select_n3A_567 = arith.select %lt3A_563, %add3A_566, %broadcast_in_dim3A_35 : vector<16xi1>, vector<16xi32>
        %reshape3A_568 = vector.shape_cast %select_n3A_567 : vector<16xi32> to vector<16x1xi32>
        %gather3A_569 = vector.shape_cast %reshape3A_568 : vector<16x1xi32> to vector<16xi32>
        %gather3A_570 = tpu.dynamic_gather %get3A_75[%gather3A_569] in [0] : vector<16xf32>, vector<16xi32> -> vector<16xf32>
        %mul3A_571 = arith.constant 16 : i32
        %mul3A_572 = arith.muli %scan3A_70, %mul3A_571 : i32
        %add3A_573 = arith.constant 7 : i32
        %add3A_574 = arith.addi %mul3A_572, %add3A_573 : i32
        %get3A_575 = arith.index_cast %add3A_574 : i32 to index
        %get3A_576 = arith.constant 0 : index
        %get3A_577 = tpu.vector_load %arg10[%get3A_575, %get3A_576] {strides = array<i32>} : memref<128x128xf32, #tpu.memory_space<vmem>>, vector<16xf32>,
        %mul3A_578 = arith.mulf %get3A_577, %gather3A_570 : vector<16xf32>
        %swap3A_579 = arith.index_cast %add3A_574 : i32 to index
        %swap3A_580 = arith.constant 0 : index
        %swap3A_581 = tpu.vector_load %arg10[%swap3A_579, %swap3A_580] {strides = array<i32>} : memref<128x128xf32, #tpu.memory_space<vmem>>, vector<16xf32>,
        tpu.vector_store %arg10[%swap3A_579, %swap3A_580], %mul3A_578 {strides = array<i32>} : memref<128x128xf32, #tpu.memory_space<vmem>>, vector<16xf32>,
        %get3A_582 = arith.index_cast %add3A_574 : i32 to index
        %get3A_583 = arith.constant 16 : index
        %get3A_584 = tpu.vector_load %arg10[%get3A_582, %get3A_583] {strides = array<i32>} : memref<128x128xf32, #tpu.memory_space<vmem>>, vector<16xf32>,
        %mul3A_585 = arith.mulf %get3A_584, %gather3A_570 : vector<16xf32>
        %swap3A_586 = arith.index_cast %add3A_574 : i32 to index
        %swap3A_587 = arith.constant 16 : index
        %swap3A_588 = tpu.vector_load %arg10[%swap3A_586, %swap3A_587] {strides = array<i32>} : memref<128x128xf32, #tpu.memory_space<vmem>>, vector<16xf32>,
        tpu.vector_store %arg10[%swap3A_586, %swap3A_587], %mul3A_585 {strides = array<i32>} : memref<128x128xf32, #tpu.memory_space<vmem>>, vector<16xf32>,
        %get3A_589 = arith.index_cast %add3A_574 : i32 to index
        %get3A_590 = arith.constant 32 : index
        %get3A_591 = tpu.vector_load %arg10[%get3A_589, %get3A_590] {strides = array<i32>} : memref<128x128xf32, #tpu.memory_space<vmem>>, vector<16xf32>,
        %mul3A_592 = arith.mulf %get3A_591, %gather3A_570 : vector<16xf32>
        %swap3A_593 = arith.index_cast %add3A_574 : i32 to index
        %swap3A_594 = arith.constant 32 : index
        %swap3A_595 = tpu.vector_load %arg10[%swap3A_593, %swap3A_594] {strides = array<i32>} : memref<128x128xf32, #tpu.memory_space<vmem>>, vector<16xf32>,
        tpu.vector_store %arg10[%swap3A_593, %swap3A_594], %mul3A_592 {strides = array<i32>} : memref<128x128xf32, #tpu.memory_space<vmem>>, vector<16xf32>,
        %get3A_596 = arith.index_cast %add3A_574 : i32 to index
        %get3A_597 = arith.constant 48 : index
        %get3A_598 = tpu.vector_load %arg10[%get3A_596, %get3A_597] {strides = array<i32>} : memref<128x128xf32, #tpu.memory_space<vmem>>, vector<16xf32>,
        %mul3A_599 = arith.mulf %get3A_598, %gather3A_570 : vector<16xf32>
        %swap3A_600 = arith.index_cast %add3A_574 : i32 to index
        %swap3A_601 = arith.constant 48 : index
        %swap3A_602 = tpu.vector_load %arg10[%swap3A_600, %swap3A_601] {strides = array<i32>} : memref<128x128xf32, #tpu.memory_space<vmem>>, vector<16xf32>,
        tpu.vector_store %arg10[%swap3A_600, %swap3A_601], %mul3A_599 {strides = array<i32>} : memref<128x128xf32, #tpu.memory_space<vmem>>, vector<16xf32>,
        %get3A_603 = arith.index_cast %add3A_574 : i32 to index
        %get3A_604 = arith.constant 64 : index
        %get3A_605 = tpu.vector_load %arg10[%get3A_603, %get3A_604] {strides = array<i32>} : memref<128x128xf32, #tpu.memory_space<vmem>>, vector<16xf32>,
        %mul3A_606 = arith.mulf %get3A_605, %gather3A_570 : vector<16xf32>
        %swap3A_607 = arith.index_cast %add3A_574 : i32 to index
        %swap3A_608 = arith.constant 64 : index
        %swap3A_609 = tpu.vector_load %arg10[%swap3A_607, %swap3A_608] {strides = array<i32>} : memref<128x128xf32, #tpu.memory_space<vmem>>, vector<16xf32>,
        tpu.vector_store %arg10[%swap3A_607, %swap3A_608], %mul3A_606 {strides = array<i32>} : memref<128x128xf32, #tpu.memory_space<vmem>>, vector<16xf32>,
        %get3A_610 = arith.index_cast %add3A_574 : i32 to index
        %get3A_611 = arith.constant 80 : index
        %get3A_612 = tpu.vector_load %arg10[%get3A_610, %get3A_611] {strides = array<i32>} : memref<128x128xf32, #tpu.memory_space<vmem>>, vector<16xf32>,
        %mul3A_613 = arith.mulf %get3A_612, %gather3A_570 : vector<16xf32>
        %swap3A_614 = arith.index_cast %add3A_574 : i32 to index
        %swap3A_615 = arith.constant 80 : index
        %swap3A_616 = tpu.vector_load %arg10[%swap3A_614, %swap3A_615] {strides = array<i32>} : memref<128x128xf32, #tpu.memory_space<vmem>>, vector<16xf32>,
        tpu.vector_store %arg10[%swap3A_614, %swap3A_615], %mul3A_613 {strides = array<i32>} : memref<128x128xf32, #tpu.memory_space<vmem>>, vector<16xf32>,
        %get3A_617 = arith.index_cast %add3A_574 : i32 to index
        %get3A_618 = arith.constant 96 : index
        %get3A_619 = tpu.vector_load %arg10[%get3A_617, %get3A_618] {strides = array<i32>} : memref<128x128xf32, #tpu.memory_space<vmem>>, vector<16xf32>,
        %mul3A_620 = arith.mulf %get3A_619, %gather3A_570 : vector<16xf32>
        %swap3A_621 = arith.index_cast %add3A_574 : i32 to index
        %swap3A_622 = arith.constant 96 : index
        %swap3A_623 = tpu.vector_load %arg10[%swap3A_621, %swap3A_622] {strides = array<i32>} : memref<128x128xf32, #tpu.memory_space<vmem>>, vector<16xf32>,
        tpu.vector_store %arg10[%swap3A_621, %swap3A_622], %mul3A_620 {strides = array<i32>} : memref<128x128xf32, #tpu.memory_space<vmem>>, vector<16xf32>,
        %get3A_624 = arith.index_cast %add3A_574 : i32 to index
        %get3A_625 = arith.constant 112 : index
        %get3A_626 = tpu.vector_load %arg10[%get3A_624, %get3A_625] {strides = array<i32>} : memref<128x128xf32, #tpu.memory_space<vmem>>, vector<16xf32>,
        %mul3A_627 = arith.mulf %get3A_626, %gather3A_570 : vector<16xf32>
        %swap3A_628 = arith.index_cast %add3A_574 : i32 to index
        %swap3A_629 = arith.constant 112 : index
        %swap3A_630 = tpu.vector_load %arg10[%swap3A_628, %swap3A_629] {strides = array<i32>} : memref<128x128xf32, #tpu.memory_space<vmem>>, vector<16xf32>,
        tpu.vector_store %arg10[%swap3A_628, %swap3A_629], %mul3A_627 {strides = array<i32>} : memref<128x128xf32, #tpu.memory_space<vmem>>, vector<16xf32>,
        %lt3A_631 = arith.constant 0 : i32
        %lt3A_632 = vector.broadcast %lt3A_631 : i32 to vector<16xi32>
        %lt3A_633 = arith.cmpi slt, %broadcast_in_dim3A_37, %lt3A_632 : vector<16xi32>
        %add3A_634 = arith.constant 16 : i32
        %add3A_635 = vector.broadcast %add3A_634 : i32 to vector<16xi32>
        %add3A_636 = arith.addi %broadcast_in_dim3A_37, %add3A_635 : vector<16xi32>
        %select_n3A_637 = arith.select %lt3A_633, %add3A_636, %broadcast_in_dim3A_37 : vector<16xi1>, vector<16xi32>
        %reshape3A_638 = vector.shape_cast %select_n3A_637 : vector<16xi32> to vector<16x1xi32>
        %gather3A_639 = vector.shape_cast %reshape3A_638 : vector<16x1xi32> to vector<16xi32>
        %gather3A_640 = tpu.dynamic_gather %get3A_75[%gather3A_639] in [0] : vector<16xf32>, vector<16xi32> -> vector<16xf32>
        %mul3A_641 = arith.constant 16 : i32
        %mul3A_642 = arith.muli %scan3A_70, %mul3A_641 : i32
        %add3A_643 = arith.constant 8 : i32
        %add3A_644 = arith.addi %mul3A_642, %add3A_643 : i32
        %get3A_645 = arith.index_cast %add3A_644 : i32 to index
        %get3A_646 = arith.constant 0 : index
        %get3A_647 = tpu.vector_load %arg10[%get3A_645, %get3A_646] {strides = array<i32>} : memref<128x128xf32, #tpu.memory_space<vmem>>, vector<16xf32>,
        %mul3A_648 = arith.mulf %get3A_647, %gather3A_640 : vector<16xf32>
        %swap3A_649 = arith.index_cast %add3A_644 : i32 to index
        %swap3A_650 = arith.constant 0 : index
        %swap3A_651 = tpu.vector_load %arg10[%swap3A_649, %swap3A_650] {strides = array<i32>} : memref<128x128xf32, #tpu.memory_space<vmem>>, vector<16xf32>,
        tpu.vector_store %arg10[%swap3A_649, %swap3A_650], %mul3A_648 {strides = array<i32>} : memref<128x128xf32, #tpu.memory_space<vmem>>, vector<16xf32>,
        %get3A_652 = arith.index_cast %add3A_644 : i32 to index
        %get3A_653 = arith.constant 16 : index
        %get3A_654 = tpu.vector_load %arg10[%get3A_652, %get3A_653] {strides = array<i32>} : memref<128x128xf32, #tpu.memory_space<vmem>>, vector<16xf32>,
        %mul3A_655 = arith.mulf %get3A_654, %gather3A_640 : vector<16xf32>
        %swap3A_656 = arith.index_cast %add3A_644 : i32 to index
        %swap3A_657 = arith.constant 16 : index
        %swap3A_658 = tpu.vector_load %arg10[%swap3A_656, %swap3A_657] {strides = array<i32>} : memref<128x128xf32, #tpu.memory_space<vmem>>, vector<16xf32>,
        tpu.vector_store %arg10[%swap3A_656, %swap3A_657], %mul3A_655 {strides = array<i32>} : memref<128x128xf32, #tpu.memory_space<vmem>>, vector<16xf32>,
        %get3A_659 = arith.index_cast %add3A_644 : i32 to index
        %get3A_660 = arith.constant 32 : index
        %get3A_661 = tpu.vector_load %arg10[%get3A_659, %get3A_660] {strides = array<i32>} : memref<128x128xf32, #tpu.memory_space<vmem>>, vector<16xf32>,
        %mul3A_662 = arith.mulf %get3A_661, %gather3A_640 : vector<16xf32>
        %swap3A_663 = arith.index_cast %add3A_644 : i32 to index
        %swap3A_664 = arith.constant 32 : index
        %swap3A_665 = tpu.vector_load %arg10[%swap3A_663, %swap3A_664] {strides = array<i32>} : memref<128x128xf32, #tpu.memory_space<vmem>>, vector<16xf32>,
        tpu.vector_store %arg10[%swap3A_663, %swap3A_664], %mul3A_662 {strides = array<i32>} : memref<128x128xf32, #tpu.memory_space<vmem>>, vector<16xf32>,
        %get3A_666 = arith.index_cast %add3A_644 : i32 to index
        %get3A_667 = arith.constant 48 : index
        %get3A_668 = tpu.vector_load %arg10[%get3A_666, %get3A_667] {strides = array<i32>} : memref<128x128xf32, #tpu.memory_space<vmem>>, vector<16xf32>,
        %mul3A_669 = arith.mulf %get3A_668, %gather3A_640 : vector<16xf32>
        %swap3A_670 = arith.index_cast %add3A_644 : i32 to index
        %swap3A_671 = arith.constant 48 : index
        %swap3A_672 = tpu.vector_load %arg10[%swap3A_670, %swap3A_671] {strides = array<i32>} : memref<128x128xf32, #tpu.memory_space<vmem>>, vector<16xf32>,
        tpu.vector_store %arg10[%swap3A_670, %swap3A_671], %mul3A_669 {strides = array<i32>} : memref<128x128xf32, #tpu.memory_space<vmem>>, vector<16xf32>,
        %get3A_673 = arith.index_cast %add3A_644 : i32 to index
        %get3A_674 = arith.constant 64 : index
        %get3A_675 = tpu.vector_load %arg10[%get3A_673, %get3A_674] {strides = array<i32>} : memref<128x128xf32, #tpu.memory_space<vmem>>, vector<16xf32>,
        %mul3A_676 = arith.mulf %get3A_675, %gather3A_640 : vector<16xf32>
        %swap3A_677 = arith.index_cast %add3A_644 : i32 to index
        %swap3A_678 = arith.constant 64 : index
        %swap3A_679 = tpu.vector_load %arg10[%swap3A_677, %swap3A_678] {strides = array<i32>} : memref<128x128xf32, #tpu.memory_space<vmem>>, vector<16xf32>,
        tpu.vector_store %arg10[%swap3A_677, %swap3A_678], %mul3A_676 {strides = array<i32>} : memref<128x128xf32, #tpu.memory_space<vmem>>, vector<16xf32>,
        %get3A_680 = arith.index_cast %add3A_644 : i32 to index
        %get3A_681 = arith.constant 80 : index
        %get3A_682 = tpu.vector_load %arg10[%get3A_680, %get3A_681] {strides = array<i32>} : memref<128x128xf32, #tpu.memory_space<vmem>>, vector<16xf32>,
        %mul3A_683 = arith.mulf %get3A_682, %gather3A_640 : vector<16xf32>
        %swap3A_684 = arith.index_cast %add3A_644 : i32 to index
        %swap3A_685 = arith.constant 80 : index
        %swap3A_686 = tpu.vector_load %arg10[%swap3A_684, %swap3A_685] {strides = array<i32>} : memref<128x128xf32, #tpu.memory_space<vmem>>, vector<16xf32>,
        tpu.vector_store %arg10[%swap3A_684, %swap3A_685], %mul3A_683 {strides = array<i32>} : memref<128x128xf32, #tpu.memory_space<vmem>>, vector<16xf32>,
        %get3A_687 = arith.index_cast %add3A_644 : i32 to index
        %get3A_688 = arith.constant 96 : index
        %get3A_689 = tpu.vector_load %arg10[%get3A_687, %get3A_688] {strides = array<i32>} : memref<128x128xf32, #tpu.memory_space<vmem>>, vector<16xf32>,
        %mul3A_690 = arith.mulf %get3A_689, %gather3A_640 : vector<16xf32>
        %swap3A_691 = arith.index_cast %add3A_644 : i32 to index
        %swap3A_692 = arith.constant 96 : index
        %swap3A_693 = tpu.vector_load %arg10[%swap3A_691, %swap3A_692] {strides = array<i32>} : memref<128x128xf32, #tpu.memory_space<vmem>>, vector<16xf32>,
        tpu.vector_store %arg10[%swap3A_691, %swap3A_692], %mul3A_690 {strides = array<i32>} : memref<128x128xf32, #tpu.memory_space<vmem>>, vector<16xf32>,
        %get3A_694 = arith.index_cast %add3A_644 : i32 to index
        %get3A_695 = arith.constant 112 : index
        %get3A_696 = tpu.vector_load %arg10[%get3A_694, %get3A_695] {strides = array<i32>} : memref<128x128xf32, #tpu.memory_space<vmem>>, vector<16xf32>,
        %mul3A_697 = arith.mulf %get3A_696, %gather3A_640 : vector<16xf32>
        %swap3A_698 = arith.index_cast %add3A_644 : i32 to index
        %swap3A_699 = arith.constant 112 : index
        %swap3A_700 = tpu.vector_load %arg10[%swap3A_698, %swap3A_699] {strides = array<i32>} : memref<128x128xf32, #tpu.memory_space<vmem>>, vector<16xf32>,
        tpu.vector_store %arg10[%swap3A_698, %swap3A_699], %mul3A_697 {strides = array<i32>} : memref<128x128xf32, #tpu.memory_space<vmem>>, vector<16xf32>,
        %lt3A_701 = arith.constant 0 : i32
        %lt3A_702 = vector.broadcast %lt3A_701 : i32 to vector<16xi32>
        %lt3A_703 = arith.cmpi slt, %broadcast_in_dim3A_39, %lt3A_702 : vector<16xi32>
        %add3A_704 = arith.constant 16 : i32
        %add3A_705 = vector.broadcast %add3A_704 : i32 to vector<16xi32>
        %add3A_706 = arith.addi %broadcast_in_dim3A_39, %add3A_705 : vector<16xi32>
        %select_n3A_707 = arith.select %lt3A_703, %add3A_706, %broadcast_in_dim3A_39 : vector<16xi1>, vector<16xi32>
        %reshape3A_708 = vector.shape_cast %select_n3A_707 : vector<16xi32> to vector<16x1xi32>
        %gather3A_709 = vector.shape_cast %reshape3A_708 : vector<16x1xi32> to vector<16xi32>
        %gather3A_710 = tpu.dynamic_gather %get3A_75[%gather3A_709] in [0] : vector<16xf32>, vector<16xi32> -> vector<16xf32>
        %mul3A_711 = arith.constant 16 : i32
        %mul3A_712 = arith.muli %scan3A_70, %mul3A_711 : i32
        %add3A_713 = arith.constant 9 : i32
        %add3A_714 = arith.addi %mul3A_712, %add3A_713 : i32
        %get3A_715 = arith.index_cast %add3A_714 : i32 to index
        %get3A_716 = arith.constant 0 : index
        %get3A_717 = tpu.vector_load %arg10[%get3A_715, %get3A_716] {strides = array<i32>} : memref<128x128xf32, #tpu.memory_space<vmem>>, vector<16xf32>,
        %mul3A_718 = arith.mulf %get3A_717, %gather3A_710 : vector<16xf32>
        %swap3A_719 = arith.index_cast %add3A_714 : i32 to index
        %swap3A_720 = arith.constant 0 : index
        %swap3A_721 = tpu.vector_load %arg10[%swap3A_719, %swap3A_720] {strides = array<i32>} : memref<128x128xf32, #tpu.memory_space<vmem>>, vector<16xf32>,
        tpu.vector_store %arg10[%swap3A_719, %swap3A_720], %mul3A_718 {strides = array<i32>} : memref<128x128xf32, #tpu.memory_space<vmem>>, vector<16xf32>,
        %get3A_722 = arith.index_cast %add3A_714 : i32 to index
        %get3A_723 = arith.constant 16 : index
        %get3A_724 = tpu.vector_load %arg10[%get3A_722, %get3A_723] {strides = array<i32>} : memref<128x128xf32, #tpu.memory_space<vmem>>, vector<16xf32>,
        %mul3A_725 = arith.mulf %get3A_724, %gather3A_710 : vector<16xf32>
        %swap3A_726 = arith.index_cast %add3A_714 : i32 to index
        %swap3A_727 = arith.constant 16 : index
        %swap3A_728 = tpu.vector_load %arg10[%swap3A_726, %swap3A_727] {strides = array<i32>} : memref<128x128xf32, #tpu.memory_space<vmem>>, vector<16xf32>,
        tpu.vector_store %arg10[%swap3A_726, %swap3A_727], %mul3A_725 {strides = array<i32>} : memref<128x128xf32, #tpu.memory_space<vmem>>, vector<16xf32>,
        %get3A_729 = arith.index_cast %add3A_714 : i32 to index
        %get3A_730 = arith.constant 32 : index
        %get3A_731 = tpu.vector_load %arg10[%get3A_729, %get3A_730] {strides = array<i32>} : memref<128x128xf32, #tpu.memory_space<vmem>>, vector<16xf32>,
        %mul3A_732 = arith.mulf %get3A_731, %gather3A_710 : vector<16xf32>
        %swap3A_733 = arith.index_cast %add3A_714 : i32 to index
        %swap3A_734 = arith.constant 32 : index
        %swap3A_735 = tpu.vector_load %arg10[%swap3A_733, %swap3A_734] {strides = array<i32>} : memref<128x128xf32, #tpu.memory_space<vmem>>, vector<16xf32>,
        tpu.vector_store %arg10[%swap3A_733, %swap3A_734], %mul3A_732 {strides = array<i32>} : memref<128x128xf32, #tpu.memory_space<vmem>>, vector<16xf32>,
        %get3A_736 = arith.index_cast %add3A_714 : i32 to index
        %get3A_737 = arith.constant 48 : index
        %get3A_738 = tpu.vector_load %arg10[%get3A_736, %get3A_737] {strides = array<i32>} : memref<128x128xf32, #tpu.memory_space<vmem>>, vector<16xf32>,
        %mul3A_739 = arith.mulf %get3A_738, %gather3A_710 : vector<16xf32>
        %swap3A_740 = arith.index_cast %add3A_714 : i32 to index
        %swap3A_741 = arith.constant 48 : index
        %swap3A_742 = tpu.vector_load %arg10[%swap3A_740, %swap3A_741] {strides = array<i32>} : memref<128x128xf32, #tpu.memory_space<vmem>>, vector<16xf32>,
        tpu.vector_store %arg10[%swap3A_740, %swap3A_741], %mul3A_739 {strides = array<i32>} : memref<128x128xf32, #tpu.memory_space<vmem>>, vector<16xf32>,
        %get3A_743 = arith.index_cast %add3A_714 : i32 to index
        %get3A_744 = arith.constant 64 : index
        %get3A_745 = tpu.vector_load %arg10[%get3A_743, %get3A_744] {strides = array<i32>} : memref<128x128xf32, #tpu.memory_space<vmem>>, vector<16xf32>,
        %mul3A_746 = arith.mulf %get3A_745, %gather3A_710 : vector<16xf32>
        %swap3A_747 = arith.index_cast %add3A_714 : i32 to index
        %swap3A_748 = arith.constant 64 : index
        %swap3A_749 = tpu.vector_load %arg10[%swap3A_747, %swap3A_748] {strides = array<i32>} : memref<128x128xf32, #tpu.memory_space<vmem>>, vector<16xf32>,
        tpu.vector_store %arg10[%swap3A_747, %swap3A_748], %mul3A_746 {strides = array<i32>} : memref<128x128xf32, #tpu.memory_space<vmem>>, vector<16xf32>,
        %get3A_750 = arith.index_cast %add3A_714 : i32 to index
        %get3A_751 = arith.constant 80 : index
        %get3A_752 = tpu.vector_load %arg10[%get3A_750, %get3A_751] {strides = array<i32>} : memref<128x128xf32, #tpu.memory_space<vmem>>, vector<16xf32>,
        %mul3A_753 = arith.mulf %get3A_752, %gather3A_710 : vector<16xf32>
        %swap3A_754 = arith.index_cast %add3A_714 : i32 to index
        %swap3A_755 = arith.constant 80 : index
        %swap3A_756 = tpu.vector_load %arg10[%swap3A_754, %swap3A_755] {strides = array<i32>} : memref<128x128xf32, #tpu.memory_space<vmem>>, vector<16xf32>,
        tpu.vector_store %arg10[%swap3A_754, %swap3A_755], %mul3A_753 {strides = array<i32>} : memref<128x128xf32, #tpu.memory_space<vmem>>, vector<16xf32>,
        %get3A_757 = arith.index_cast %add3A_714 : i32 to index
        %get3A_758 = arith.constant 96 : index
        %get3A_759 = tpu.vector_load %arg10[%get3A_757, %get3A_758] {strides = array<i32>} : memref<128x128xf32, #tpu.memory_space<vmem>>, vector<16xf32>,
        %mul3A_760 = arith.mulf %get3A_759, %gather3A_710 : vector<16xf32>
        %swap3A_761 = arith.index_cast %add3A_714 : i32 to index
        %swap3A_762 = arith.constant 96 : index
        %swap3A_763 = tpu.vector_load %arg10[%swap3A_761, %swap3A_762] {strides = array<i32>} : memref<128x128xf32, #tpu.memory_space<vmem>>, vector<16xf32>,
        tpu.vector_store %arg10[%swap3A_761, %swap3A_762], %mul3A_760 {strides = array<i32>} : memref<128x128xf32, #tpu.memory_space<vmem>>, vector<16xf32>,
        %get3A_764 = arith.index_cast %add3A_714 : i32 to index
        %get3A_765 = arith.constant 112 : index
        %get3A_766 = tpu.vector_load %arg10[%get3A_764, %get3A_765] {strides = array<i32>} : memref<128x128xf32, #tpu.memory_space<vmem>>, vector<16xf32>,
        %mul3A_767 = arith.mulf %get3A_766, %gather3A_710 : vector<16xf32>
        %swap3A_768 = arith.index_cast %add3A_714 : i32 to index
        %swap3A_769 = arith.constant 112 : index
        %swap3A_770 = tpu.vector_load %arg10[%swap3A_768, %swap3A_769] {strides = array<i32>} : memref<128x128xf32, #tpu.memory_space<vmem>>, vector<16xf32>,
        tpu.vector_store %arg10[%swap3A_768, %swap3A_769], %mul3A_767 {strides = array<i32>} : memref<128x128xf32, #tpu.memory_space<vmem>>, vector<16xf32>,
        %lt3A_771 = arith.constant 0 : i32
        %lt3A_772 = vector.broadcast %lt3A_771 : i32 to vector<16xi32>
        %lt3A_773 = arith.cmpi slt, %broadcast_in_dim3A_41, %lt3A_772 : vector<16xi32>
        %add3A_774 = arith.constant 16 : i32
        %add3A_775 = vector.broadcast %add3A_774 : i32 to vector<16xi32>
        %add3A_776 = arith.addi %broadcast_in_dim3A_41, %add3A_775 : vector<16xi32>
        %select_n3A_777 = arith.select %lt3A_773, %add3A_776, %broadcast_in_dim3A_41 : vector<16xi1>, vector<16xi32>
        %reshape3A_778 = vector.shape_cast %select_n3A_777 : vector<16xi32> to vector<16x1xi32>
        %gather3A_779 = vector.shape_cast %reshape3A_778 : vector<16x1xi32> to vector<16xi32>
        %gather3A_780 = tpu.dynamic_gather %get3A_75[%gather3A_779] in [0] : vector<16xf32>, vector<16xi32> -> vector<16xf32>
        %mul3A_781 = arith.constant 16 : i32
        %mul3A_782 = arith.muli %scan3A_70, %mul3A_781 : i32
        %add3A_783 = arith.constant 10 : i32
        %add3A_784 = arith.addi %mul3A_782, %add3A_783 : i32
        %get3A_785 = arith.index_cast %add3A_784 : i32 to index
        %get3A_786 = arith.constant 0 : index
        %get3A_787 = tpu.vector_load %arg10[%get3A_785, %get3A_786] {strides = array<i32>} : memref<128x128xf32, #tpu.memory_space<vmem>>, vector<16xf32>,
        %mul3A_788 = arith.mulf %get3A_787, %gather3A_780 : vector<16xf32>
        %swap3A_789 = arith.index_cast %add3A_784 : i32 to index
        %swap3A_790 = arith.constant 0 : index
        %swap3A_791 = tpu.vector_load %arg10[%swap3A_789, %swap3A_790] {strides = array<i32>} : memref<128x128xf32, #tpu.memory_space<vmem>>, vector<16xf32>,
        tpu.vector_store %arg10[%swap3A_789, %swap3A_790], %mul3A_788 {strides = array<i32>} : memref<128x128xf32, #tpu.memory_space<vmem>>, vector<16xf32>,
        %get3A_792 = arith.index_cast %add3A_784 : i32 to index
        %get3A_793 = arith.constant 16 : index
        %get3A_794 = tpu.vector_load %arg10[%get3A_792, %get3A_793] {strides = array<i32>} : memref<128x128xf32, #tpu.memory_space<vmem>>, vector<16xf32>,
        %mul3A_795 = arith.mulf %get3A_794, %gather3A_780 : vector<16xf32>
        %swap3A_796 = arith.index_cast %add3A_784 : i32 to index
        %swap3A_797 = arith.constant 16 : index
        %swap3A_798 = tpu.vector_load %arg10[%swap3A_796, %swap3A_797] {strides = array<i32>} : memref<128x128xf32, #tpu.memory_space<vmem>>, vector<16xf32>,
        tpu.vector_store %arg10[%swap3A_796, %swap3A_797], %mul3A_795 {strides = array<i32>} : memref<128x128xf32, #tpu.memory_space<vmem>>, vector<16xf32>,
        %get3A_799 = arith.index_cast %add3A_784 : i32 to index
        %get3A_800 = arith.constant 32 : index
        %get3A_801 = tpu.vector_load %arg10[%get3A_799, %get3A_800] {strides = array<i32>} : memref<128x128xf32, #tpu.memory_space<vmem>>, vector<16xf32>,
        %mul3A_802 = arith.mulf %get3A_801, %gather3A_780 : vector<16xf32>
        %swap3A_803 = arith.index_cast %add3A_784 : i32 to index
        %swap3A_804 = arith.constant 32 : index
        %swap3A_805 = tpu.vector_load %arg10[%swap3A_803, %swap3A_804] {strides = array<i32>} : memref<128x128xf32, #tpu.memory_space<vmem>>, vector<16xf32>,
        tpu.vector_store %arg10[%swap3A_803, %swap3A_804], %mul3A_802 {strides = array<i32>} : memref<128x128xf32, #tpu.memory_space<vmem>>, vector<16xf32>,
        %get3A_806 = arith.index_cast %add3A_784 : i32 to index
        %get3A_807 = arith.constant 48 : index
        %get3A_808 = tpu.vector_load %arg10[%get3A_806, %get3A_807] {strides = array<i32>} : memref<128x128xf32, #tpu.memory_space<vmem>>, vector<16xf32>,
        %mul3A_809 = arith.mulf %get3A_808, %gather3A_780 : vector<16xf32>
        %swap3A_810 = arith.index_cast %add3A_784 : i32 to index
        %swap3A_811 = arith.constant 48 : index
        %swap3A_812 = tpu.vector_load %arg10[%swap3A_810, %swap3A_811] {strides = array<i32>} : memref<128x128xf32, #tpu.memory_space<vmem>>, vector<16xf32>,
        tpu.vector_store %arg10[%swap3A_810, %swap3A_811], %mul3A_809 {strides = array<i32>} : memref<128x128xf32, #tpu.memory_space<vmem>>, vector<16xf32>,
        %get3A_813 = arith.index_cast %add3A_784 : i32 to index
        %get3A_814 = arith.constant 64 : index
        %get3A_815 = tpu.vector_load %arg10[%get3A_813, %get3A_814] {strides = array<i32>} : memref<128x128xf32, #tpu.memory_space<vmem>>, vector<16xf32>,
        %mul3A_816 = arith.mulf %get3A_815, %gather3A_780 : vector<16xf32>
        %swap3A_817 = arith.index_cast %add3A_784 : i32 to index
        %swap3A_818 = arith.constant 64 : index
        %swap3A_819 = tpu.vector_load %arg10[%swap3A_817, %swap3A_818] {strides = array<i32>} : memref<128x128xf32, #tpu.memory_space<vmem>>, vector<16xf32>,
        tpu.vector_store %arg10[%swap3A_817, %swap3A_818], %mul3A_816 {strides = array<i32>} : memref<128x128xf32, #tpu.memory_space<vmem>>, vector<16xf32>,
        %get3A_820 = arith.index_cast %add3A_784 : i32 to index
        %get3A_821 = arith.constant 80 : index
        %get3A_822 = tpu.vector_load %arg10[%get3A_820, %get3A_821] {strides = array<i32>} : memref<128x128xf32, #tpu.memory_space<vmem>>, vector<16xf32>,
        %mul3A_823 = arith.mulf %get3A_822, %gather3A_780 : vector<16xf32>
        %swap3A_824 = arith.index_cast %add3A_784 : i32 to index
        %swap3A_825 = arith.constant 80 : index
        %swap3A_826 = tpu.vector_load %arg10[%swap3A_824, %swap3A_825] {strides = array<i32>} : memref<128x128xf32, #tpu.memory_space<vmem>>, vector<16xf32>,
        tpu.vector_store %arg10[%swap3A_824, %swap3A_825], %mul3A_823 {strides = array<i32>} : memref<128x128xf32, #tpu.memory_space<vmem>>, vector<16xf32>,
        %get3A_827 = arith.index_cast %add3A_784 : i32 to index
        %get3A_828 = arith.constant 96 : index
        %get3A_829 = tpu.vector_load %arg10[%get3A_827, %get3A_828] {strides = array<i32>} : memref<128x128xf32, #tpu.memory_space<vmem>>, vector<16xf32>,
        %mul3A_830 = arith.mulf %get3A_829, %gather3A_780 : vector<16xf32>
        %swap3A_831 = arith.index_cast %add3A_784 : i32 to index
        %swap3A_832 = arith.constant 96 : index
        %swap3A_833 = tpu.vector_load %arg10[%swap3A_831, %swap3A_832] {strides = array<i32>} : memref<128x128xf32, #tpu.memory_space<vmem>>, vector<16xf32>,
        tpu.vector_store %arg10[%swap3A_831, %swap3A_832], %mul3A_830 {strides = array<i32>} : memref<128x128xf32, #tpu.memory_space<vmem>>, vector<16xf32>,
        %get3A_834 = arith.index_cast %add3A_784 : i32 to index
        %get3A_835 = arith.constant 112 : index
        %get3A_836 = tpu.vector_load %arg10[%get3A_834, %get3A_835] {strides = array<i32>} : memref<128x128xf32, #tpu.memory_space<vmem>>, vector<16xf32>,
        %mul3A_837 = arith.mulf %get3A_836, %gather3A_780 : vector<16xf32>
        %swap3A_838 = arith.index_cast %add3A_784 : i32 to index
        %swap3A_839 = arith.constant 112 : index
        %swap3A_840 = tpu.vector_load %arg10[%swap3A_838, %swap3A_839] {strides = array<i32>} : memref<128x128xf32, #tpu.memory_space<vmem>>, vector<16xf32>,
        tpu.vector_store %arg10[%swap3A_838, %swap3A_839], %mul3A_837 {strides = array<i32>} : memref<128x128xf32, #tpu.memory_space<vmem>>, vector<16xf32>,
        %lt3A_841 = arith.constant 0 : i32
        %lt3A_842 = vector.broadcast %lt3A_841 : i32 to vector<16xi32>
        %lt3A_843 = arith.cmpi slt, %broadcast_in_dim3A_43, %lt3A_842 : vector<16xi32>
        %add3A_844 = arith.constant 16 : i32
        %add3A_845 = vector.broadcast %add3A_844 : i32 to vector<16xi32>
        %add3A_846 = arith.addi %broadcast_in_dim3A_43, %add3A_845 : vector<16xi32>
        %select_n3A_847 = arith.select %lt3A_843, %add3A_846, %broadcast_in_dim3A_43 : vector<16xi1>, vector<16xi32>
        %reshape3A_848 = vector.shape_cast %select_n3A_847 : vector<16xi32> to vector<16x1xi32>
        %gather3A_849 = vector.shape_cast %reshape3A_848 : vector<16x1xi32> to vector<16xi32>
        %gather3A_850 = tpu.dynamic_gather %get3A_75[%gather3A_849] in [0] : vector<16xf32>, vector<16xi32> -> vector<16xf32>
        %mul3A_851 = arith.constant 16 : i32
        %mul3A_852 = arith.muli %scan3A_70, %mul3A_851 : i32
        %add3A_853 = arith.constant 11 : i32
        %add3A_854 = arith.addi %mul3A_852, %add3A_853 : i32
        %get3A_855 = arith.index_cast %add3A_854 : i32 to index
        %get3A_856 = arith.constant 0 : index
        %get3A_857 = tpu.vector_load %arg10[%get3A_855, %get3A_856] {strides = array<i32>} : memref<128x128xf32, #tpu.memory_space<vmem>>, vector<16xf32>,
        %mul3A_858 = arith.mulf %get3A_857, %gather3A_850 : vector<16xf32>
        %swap3A_859 = arith.index_cast %add3A_854 : i32 to index
        %swap3A_860 = arith.constant 0 : index
        %swap3A_861 = tpu.vector_load %arg10[%swap3A_859, %swap3A_860] {strides = array<i32>} : memref<128x128xf32, #tpu.memory_space<vmem>>, vector<16xf32>,
        tpu.vector_store %arg10[%swap3A_859, %swap3A_860], %mul3A_858 {strides = array<i32>} : memref<128x128xf32, #tpu.memory_space<vmem>>, vector<16xf32>,
        %get3A_862 = arith.index_cast %add3A_854 : i32 to index
        %get3A_863 = arith.constant 16 : index
        %get3A_864 = tpu.vector_load %arg10[%get3A_862, %get3A_863] {strides = array<i32>} : memref<128x128xf32, #tpu.memory_space<vmem>>, vector<16xf32>,
        %mul3A_865 = arith.mulf %get3A_864, %gather3A_850 : vector<16xf32>
        %swap3A_866 = arith.index_cast %add3A_854 : i32 to index
        %swap3A_867 = arith.constant 16 : index
        %swap3A_868 = tpu.vector_load %arg10[%swap3A_866, %swap3A_867] {strides = array<i32>} : memref<128x128xf32, #tpu.memory_space<vmem>>, vector<16xf32>,
        tpu.vector_store %arg10[%swap3A_866, %swap3A_867], %mul3A_865 {strides = array<i32>} : memref<128x128xf32, #tpu.memory_space<vmem>>, vector<16xf32>,
        %get3A_869 = arith.index_cast %add3A_854 : i32 to index
        %get3A_870 = arith.constant 32 : index
        %get3A_871 = tpu.vector_load %arg10[%get3A_869, %get3A_870] {strides = array<i32>} : memref<128x128xf32, #tpu.memory_space<vmem>>, vector<16xf32>,
        %mul3A_872 = arith.mulf %get3A_871, %gather3A_850 : vector<16xf32>
        %swap3A_873 = arith.index_cast %add3A_854 : i32 to index
        %swap3A_874 = arith.constant 32 : index
        %swap3A_875 = tpu.vector_load %arg10[%swap3A_873, %swap3A_874] {strides = array<i32>} : memref<128x128xf32, #tpu.memory_space<vmem>>, vector<16xf32>,
        tpu.vector_store %arg10[%swap3A_873, %swap3A_874], %mul3A_872 {strides = array<i32>} : memref<128x128xf32, #tpu.memory_space<vmem>>, vector<16xf32>,
        %get3A_876 = arith.index_cast %add3A_854 : i32 to index
        %get3A_877 = arith.constant 48 : index
        %get3A_878 = tpu.vector_load %arg10[%get3A_876, %get3A_877] {strides = array<i32>} : memref<128x128xf32, #tpu.memory_space<vmem>>, vector<16xf32>,
        %mul3A_879 = arith.mulf %get3A_878, %gather3A_850 : vector<16xf32>
        %swap3A_880 = arith.index_cast %add3A_854 : i32 to index
        %swap3A_881 = arith.constant 48 : index
        %swap3A_882 = tpu.vector_load %arg10[%swap3A_880, %swap3A_881] {strides = array<i32>} : memref<128x128xf32, #tpu.memory_space<vmem>>, vector<16xf32>,
        tpu.vector_store %arg10[%swap3A_880, %swap3A_881], %mul3A_879 {strides = array<i32>} : memref<128x128xf32, #tpu.memory_space<vmem>>, vector<16xf32>,
        %get3A_883 = arith.index_cast %add3A_854 : i32 to index
        %get3A_884 = arith.constant 64 : index
        %get3A_885 = tpu.vector_load %arg10[%get3A_883, %get3A_884] {strides = array<i32>} : memref<128x128xf32, #tpu.memory_space<vmem>>, vector<16xf32>,
        %mul3A_886 = arith.mulf %get3A_885, %gather3A_850 : vector<16xf32>
        %swap3A_887 = arith.index_cast %add3A_854 : i32 to index
        %swap3A_888 = arith.constant 64 : index
        %swap3A_889 = tpu.vector_load %arg10[%swap3A_887, %swap3A_888] {strides = array<i32>} : memref<128x128xf32, #tpu.memory_space<vmem>>, vector<16xf32>,
        tpu.vector_store %arg10[%swap3A_887, %swap3A_888], %mul3A_886 {strides = array<i32>} : memref<128x128xf32, #tpu.memory_space<vmem>>, vector<16xf32>,
        %get3A_890 = arith.index_cast %add3A_854 : i32 to index
        %get3A_891 = arith.constant 80 : index
        %get3A_892 = tpu.vector_load %arg10[%get3A_890, %get3A_891] {strides = array<i32>} : memref<128x128xf32, #tpu.memory_space<vmem>>, vector<16xf32>,
        %mul3A_893 = arith.mulf %get3A_892, %gather3A_850 : vector<16xf32>
        %swap3A_894 = arith.index_cast %add3A_854 : i32 to index
        %swap3A_895 = arith.constant 80 : index
        %swap3A_896 = tpu.vector_load %arg10[%swap3A_894, %swap3A_895] {strides = array<i32>} : memref<128x128xf32, #tpu.memory_space<vmem>>, vector<16xf32>,
        tpu.vector_store %arg10[%swap3A_894, %swap3A_895], %mul3A_893 {strides = array<i32>} : memref<128x128xf32, #tpu.memory_space<vmem>>, vector<16xf32>,
        %get3A_897 = arith.index_cast %add3A_854 : i32 to index
        %get3A_898 = arith.constant 96 : index
        %get3A_899 = tpu.vector_load %arg10[%get3A_897, %get3A_898] {strides = array<i32>} : memref<128x128xf32, #tpu.memory_space<vmem>>, vector<16xf32>,
        %mul3A_900 = arith.mulf %get3A_899, %gather3A_850 : vector<16xf32>
        %swap3A_901 = arith.index_cast %add3A_854 : i32 to index
        %swap3A_902 = arith.constant 96 : index
        %swap3A_903 = tpu.vector_load %arg10[%swap3A_901, %swap3A_902] {strides = array<i32>} : memref<128x128xf32, #tpu.memory_space<vmem>>, vector<16xf32>,
        tpu.vector_store %arg10[%swap3A_901, %swap3A_902], %mul3A_900 {strides = array<i32>} : memref<128x128xf32, #tpu.memory_space<vmem>>, vector<16xf32>,
        %get3A_904 = arith.index_cast %add3A_854 : i32 to index
        %get3A_905 = arith.constant 112 : index
        %get3A_906 = tpu.vector_load %arg10[%get3A_904, %get3A_905] {strides = array<i32>} : memref<128x128xf32, #tpu.memory_space<vmem>>, vector<16xf32>,
        %mul3A_907 = arith.mulf %get3A_906, %gather3A_850 : vector<16xf32>
        %swap3A_908 = arith.index_cast %add3A_854 : i32 to index
        %swap3A_909 = arith.constant 112 : index
        %swap3A_910 = tpu.vector_load %arg10[%swap3A_908, %swap3A_909] {strides = array<i32>} : memref<128x128xf32, #tpu.memory_space<vmem>>, vector<16xf32>,
        tpu.vector_store %arg10[%swap3A_908, %swap3A_909], %mul3A_907 {strides = array<i32>} : memref<128x128xf32, #tpu.memory_space<vmem>>, vector<16xf32>,
        %lt3A_911 = arith.constant 0 : i32
        %lt3A_912 = vector.broadcast %lt3A_911 : i32 to vector<16xi32>
        %lt3A_913 = arith.cmpi slt, %broadcast_in_dim3A_45, %lt3A_912 : vector<16xi32>
        %add3A_914 = arith.constant 16 : i32
        %add3A_915 = vector.broadcast %add3A_914 : i32 to vector<16xi32>
        %add3A_916 = arith.addi %broadcast_in_dim3A_45, %add3A_915 : vector<16xi32>
        %select_n3A_917 = arith.select %lt3A_913, %add3A_916, %broadcast_in_dim3A_45 : vector<16xi1>, vector<16xi32>
        %reshape3A_918 = vector.shape_cast %select_n3A_917 : vector<16xi32> to vector<16x1xi32>
        %gather3A_919 = vector.shape_cast %reshape3A_918 : vector<16x1xi32> to vector<16xi32>
        %gather3A_920 = tpu.dynamic_gather %get3A_75[%gather3A_919] in [0] : vector<16xf32>, vector<16xi32> -> vector<16xf32>
        %mul3A_921 = arith.constant 16 : i32
        %mul3A_922 = arith.muli %scan3A_70, %mul3A_921 : i32
        %add3A_923 = arith.constant 12 : i32
        %add3A_924 = arith.addi %mul3A_922, %add3A_923 : i32
        %get3A_925 = arith.index_cast %add3A_924 : i32 to index
        %get3A_926 = arith.constant 0 : index
        %get3A_927 = tpu.vector_load %arg10[%get3A_925, %get3A_926] {strides = array<i32>} : memref<128x128xf32, #tpu.memory_space<vmem>>, vector<16xf32>,
        %mul3A_928 = arith.mulf %get3A_927, %gather3A_920 : vector<16xf32>
        %swap3A_929 = arith.index_cast %add3A_924 : i32 to index
        %swap3A_930 = arith.constant 0 : index
        %swap3A_931 = tpu.vector_load %arg10[%swap3A_929, %swap3A_930] {strides = array<i32>} : memref<128x128xf32, #tpu.memory_space<vmem>>, vector<16xf32>,
        tpu.vector_store %arg10[%swap3A_929, %swap3A_930], %mul3A_928 {strides = array<i32>} : memref<128x128xf32, #tpu.memory_space<vmem>>, vector<16xf32>,
        %get3A_932 = arith.index_cast %add3A_924 : i32 to index
        %get3A_933 = arith.constant 16 : index
        %get3A_934 = tpu.vector_load %arg10[%get3A_932, %get3A_933] {strides = array<i32>} : memref<128x128xf32, #tpu.memory_space<vmem>>, vector<16xf32>,
        %mul3A_935 = arith.mulf %get3A_934, %gather3A_920 : vector<16xf32>
        %swap3A_936 = arith.index_cast %add3A_924 : i32 to index
        %swap3A_937 = arith.constant 16 : index
        %swap3A_938 = tpu.vector_load %arg10[%swap3A_936, %swap3A_937] {strides = array<i32>} : memref<128x128xf32, #tpu.memory_space<vmem>>, vector<16xf32>,
        tpu.vector_store %arg10[%swap3A_936, %swap3A_937], %mul3A_935 {strides = array<i32>} : memref<128x128xf32, #tpu.memory_space<vmem>>, vector<16xf32>,
        %get3A_939 = arith.index_cast %add3A_924 : i32 to index
        %get3A_940 = arith.constant 32 : index
        %get3A_941 = tpu.vector_load %arg10[%get3A_939, %get3A_940] {strides = array<i32>} : memref<128x128xf32, #tpu.memory_space<vmem>>, vector<16xf32>,
        %mul3A_942 = arith.mulf %get3A_941, %gather3A_920 : vector<16xf32>
        %swap3A_943 = arith.index_cast %add3A_924 : i32 to index
        %swap3A_944 = arith.constant 32 : index
        %swap3A_945 = tpu.vector_load %arg10[%swap3A_943, %swap3A_944] {strides = array<i32>} : memref<128x128xf32, #tpu.memory_space<vmem>>, vector<16xf32>,
        tpu.vector_store %arg10[%swap3A_943, %swap3A_944], %mul3A_942 {strides = array<i32>} : memref<128x128xf32, #tpu.memory_space<vmem>>, vector<16xf32>,
        %get3A_946 = arith.index_cast %add3A_924 : i32 to index
        %get3A_947 = arith.constant 48 : index
        %get3A_948 = tpu.vector_load %arg10[%get3A_946, %get3A_947] {strides = array<i32>} : memref<128x128xf32, #tpu.memory_space<vmem>>, vector<16xf32>,
        %mul3A_949 = arith.mulf %get3A_948, %gather3A_920 : vector<16xf32>
        %swap3A_950 = arith.index_cast %add3A_924 : i32 to index
        %swap3A_951 = arith.constant 48 : index
        %swap3A_952 = tpu.vector_load %arg10[%swap3A_950, %swap3A_951] {strides = array<i32>} : memref<128x128xf32, #tpu.memory_space<vmem>>, vector<16xf32>,
        tpu.vector_store %arg10[%swap3A_950, %swap3A_951], %mul3A_949 {strides = array<i32>} : memref<128x128xf32, #tpu.memory_space<vmem>>, vector<16xf32>,
        %get3A_953 = arith.index_cast %add3A_924 : i32 to index
        %get3A_954 = arith.constant 64 : index
        %get3A_955 = tpu.vector_load %arg10[%get3A_953, %get3A_954] {strides = array<i32>} : memref<128x128xf32, #tpu.memory_space<vmem>>, vector<16xf32>,
        %mul3A_956 = arith.mulf %get3A_955, %gather3A_920 : vector<16xf32>
        %swap3A_957 = arith.index_cast %add3A_924 : i32 to index
        %swap3A_958 = arith.constant 64 : index
        %swap3A_959 = tpu.vector_load %arg10[%swap3A_957, %swap3A_958] {strides = array<i32>} : memref<128x128xf32, #tpu.memory_space<vmem>>, vector<16xf32>,
        tpu.vector_store %arg10[%swap3A_957, %swap3A_958], %mul3A_956 {strides = array<i32>} : memref<128x128xf32, #tpu.memory_space<vmem>>, vector<16xf32>,
        %get3A_960 = arith.index_cast %add3A_924 : i32 to index
        %get3A_961 = arith.constant 80 : index
        %get3A_962 = tpu.vector_load %arg10[%get3A_960, %get3A_961] {strides = array<i32>} : memref<128x128xf32, #tpu.memory_space<vmem>>, vector<16xf32>,
        %mul3A_963 = arith.mulf %get3A_962, %gather3A_920 : vector<16xf32>
        %swap3A_964 = arith.index_cast %add3A_924 : i32 to index
        %swap3A_965 = arith.constant 80 : index
        %swap3A_966 = tpu.vector_load %arg10[%swap3A_964, %swap3A_965] {strides = array<i32>} : memref<128x128xf32, #tpu.memory_space<vmem>>, vector<16xf32>,
        tpu.vector_store %arg10[%swap3A_964, %swap3A_965], %mul3A_963 {strides = array<i32>} : memref<128x128xf32, #tpu.memory_space<vmem>>, vector<16xf32>,
        %get3A_967 = arith.index_cast %add3A_924 : i32 to index
        %get3A_968 = arith.constant 96 : index
        %get3A_969 = tpu.vector_load %arg10[%get3A_967, %get3A_968] {strides = array<i32>} : memref<128x128xf32, #tpu.memory_space<vmem>>, vector<16xf32>,
        %mul3A_970 = arith.mulf %get3A_969, %gather3A_920 : vector<16xf32>
        %swap3A_971 = arith.index_cast %add3A_924 : i32 to index
        %swap3A_972 = arith.constant 96 : index
        %swap3A_973 = tpu.vector_load %arg10[%swap3A_971, %swap3A_972] {strides = array<i32>} : memref<128x128xf32, #tpu.memory_space<vmem>>, vector<16xf32>,
        tpu.vector_store %arg10[%swap3A_971, %swap3A_972], %mul3A_970 {strides = array<i32>} : memref<128x128xf32, #tpu.memory_space<vmem>>, vector<16xf32>,
        %get3A_974 = arith.index_cast %add3A_924 : i32 to index
        %get3A_975 = arith.constant 112 : index
        %get3A_976 = tpu.vector_load %arg10[%get3A_974, %get3A_975] {strides = array<i32>} : memref<128x128xf32, #tpu.memory_space<vmem>>, vector<16xf32>,
        %mul3A_977 = arith.mulf %get3A_976, %gather3A_920 : vector<16xf32>
        %swap3A_978 = arith.index_cast %add3A_924 : i32 to index
        %swap3A_979 = arith.constant 112 : index
        %swap3A_980 = tpu.vector_load %arg10[%swap3A_978, %swap3A_979] {strides = array<i32>} : memref<128x128xf32, #tpu.memory_space<vmem>>, vector<16xf32>,
        tpu.vector_store %arg10[%swap3A_978, %swap3A_979], %mul3A_977 {strides = array<i32>} : memref<128x128xf32, #tpu.memory_space<vmem>>, vector<16xf32>,
        %lt3A_981 = arith.constant 0 : i32
        %lt3A_982 = vector.broadcast %lt3A_981 : i32 to vector<16xi32>
        %lt3A_983 = arith.cmpi slt, %broadcast_in_dim3A_47, %lt3A_982 : vector<16xi32>
        %add3A_984 = arith.constant 16 : i32
        %add3A_985 = vector.broadcast %add3A_984 : i32 to vector<16xi32>
        %add3A_986 = arith.addi %broadcast_in_dim3A_47, %add3A_985 : vector<16xi32>
        %select_n3A_987 = arith.select %lt3A_983, %add3A_986, %broadcast_in_dim3A_47 : vector<16xi1>, vector<16xi32>
        %reshape3A_988 = vector.shape_cast %select_n3A_987 : vector<16xi32> to vector<16x1xi32>
        %gather3A_989 = vector.shape_cast %reshape3A_988 : vector<16x1xi32> to vector<16xi32>
        %gather3A_990 = tpu.dynamic_gather %get3A_75[%gather3A_989] in [0] : vector<16xf32>, vector<16xi32> -> vector<16xf32>
        %mul3A_991 = arith.constant 16 : i32
        %mul3A_992 = arith.muli %scan3A_70, %mul3A_991 : i32
        %add3A_993 = arith.constant 13 : i32
        %add3A_994 = arith.addi %mul3A_992, %add3A_993 : i32
        %get3A_995 = arith.index_cast %add3A_994 : i32 to index
        %get3A_996 = arith.constant 0 : index
        %get3A_997 = tpu.vector_load %arg10[%get3A_995, %get3A_996] {strides = array<i32>} : memref<128x128xf32, #tpu.memory_space<vmem>>, vector<16xf32>,
        %mul3A_998 = arith.mulf %get3A_997, %gather3A_990 : vector<16xf32>
        %swap3A_999 = arith.index_cast %add3A_994 : i32 to index
        %swap3A_1000 = arith.constant 0 : index
        %swap3A_1001 = tpu.vector_load %arg10[%swap3A_999, %swap3A_1000] {strides = array<i32>} : memref<128x128xf32, #tpu.memory_space<vmem>>, vector<16xf32>,
        tpu.vector_store %arg10[%swap3A_999, %swap3A_1000], %mul3A_998 {strides = array<i32>} : memref<128x128xf32, #tpu.memory_space<vmem>>, vector<16xf32>,
        %get3A_1002 = arith.index_cast %add3A_994 : i32 to index
        %get3A_1003 = arith.constant 16 : index
        %get3A_1004 = tpu.vector_load %arg10[%get3A_1002, %get3A_1003] {strides = array<i32>} : memref<128x128xf32, #tpu.memory_space<vmem>>, vector<16xf32>,
        %mul3A_1005 = arith.mulf %get3A_1004, %gather3A_990 : vector<16xf32>
        %swap3A_1006 = arith.index_cast %add3A_994 : i32 to index
        %swap3A_1007 = arith.constant 16 : index
        %swap3A_1008 = tpu.vector_load %arg10[%swap3A_1006, %swap3A_1007] {strides = array<i32>} : memref<128x128xf32, #tpu.memory_space<vmem>>, vector<16xf32>,
        tpu.vector_store %arg10[%swap3A_1006, %swap3A_1007], %mul3A_1005 {strides = array<i32>} : memref<128x128xf32, #tpu.memory_space<vmem>>, vector<16xf32>,
        %get3A_1009 = arith.index_cast %add3A_994 : i32 to index
        %get3A_1010 = arith.constant 32 : index
        %get3A_1011 = tpu.vector_load %arg10[%get3A_1009, %get3A_1010] {strides = array<i32>} : memref<128x128xf32, #tpu.memory_space<vmem>>, vector<16xf32>,
        %mul3A_1012 = arith.mulf %get3A_1011, %gather3A_990 : vector<16xf32>
        %swap3A_1013 = arith.index_cast %add3A_994 : i32 to index
        %swap3A_1014 = arith.constant 32 : index
        %swap3A_1015 = tpu.vector_load %arg10[%swap3A_1013, %swap3A_1014] {strides = array<i32>} : memref<128x128xf32, #tpu.memory_space<vmem>>, vector<16xf32>,
        tpu.vector_store %arg10[%swap3A_1013, %swap3A_1014], %mul3A_1012 {strides = array<i32>} : memref<128x128xf32, #tpu.memory_space<vmem>>, vector<16xf32>,
        %get3A_1016 = arith.index_cast %add3A_994 : i32 to index
        %get3A_1017 = arith.constant 48 : index
        %get3A_1018 = tpu.vector_load %arg10[%get3A_1016, %get3A_1017] {strides = array<i32>} : memref<128x128xf32, #tpu.memory_space<vmem>>, vector<16xf32>,
        %mul3A_1019 = arith.mulf %get3A_1018, %gather3A_990 : vector<16xf32>
        %swap3A_1020 = arith.index_cast %add3A_994 : i32 to index
        %swap3A_1021 = arith.constant 48 : index
        %swap3A_1022 = tpu.vector_load %arg10[%swap3A_1020, %swap3A_1021] {strides = array<i32>} : memref<128x128xf32, #tpu.memory_space<vmem>>, vector<16xf32>,
        tpu.vector_store %arg10[%swap3A_1020, %swap3A_1021], %mul3A_1019 {strides = array<i32>} : memref<128x128xf32, #tpu.memory_space<vmem>>, vector<16xf32>,
        %get3A_1023 = arith.index_cast %add3A_994 : i32 to index
        %get3A_1024 = arith.constant 64 : index
        %get3A_1025 = tpu.vector_load %arg10[%get3A_1023, %get3A_1024] {strides = array<i32>} : memref<128x128xf32, #tpu.memory_space<vmem>>, vector<16xf32>,
        %mul3A_1026 = arith.mulf %get3A_1025, %gather3A_990 : vector<16xf32>
        %swap3A_1027 = arith.index_cast %add3A_994 : i32 to index
        %swap3A_1028 = arith.constant 64 : index
        %swap3A_1029 = tpu.vector_load %arg10[%swap3A_1027, %swap3A_1028] {strides = array<i32>} : memref<128x128xf32, #tpu.memory_space<vmem>>, vector<16xf32>,
        tpu.vector_store %arg10[%swap3A_1027, %swap3A_1028], %mul3A_1026 {strides = array<i32>} : memref<128x128xf32, #tpu.memory_space<vmem>>, vector<16xf32>,
        %get3A_1030 = arith.index_cast %add3A_994 : i32 to index
        %get3A_1031 = arith.constant 80 : index
        %get3A_1032 = tpu.vector_load %arg10[%get3A_1030, %get3A_1031] {strides = array<i32>} : memref<128x128xf32, #tpu.memory_space<vmem>>, vector<16xf32>,
        %mul3A_1033 = arith.mulf %get3A_1032, %gather3A_990 : vector<16xf32>
        %swap3A_1034 = arith.index_cast %add3A_994 : i32 to index
        %swap3A_1035 = arith.constant 80 : index
        %swap3A_1036 = tpu.vector_load %arg10[%swap3A_1034, %swap3A_1035] {strides = array<i32>} : memref<128x128xf32, #tpu.memory_space<vmem>>, vector<16xf32>,
        tpu.vector_store %arg10[%swap3A_1034, %swap3A_1035], %mul3A_1033 {strides = array<i32>} : memref<128x128xf32, #tpu.memory_space<vmem>>, vector<16xf32>,
        %get3A_1037 = arith.index_cast %add3A_994 : i32 to index
        %get3A_1038 = arith.constant 96 : index
        %get3A_1039 = tpu.vector_load %arg10[%get3A_1037, %get3A_1038] {strides = array<i32>} : memref<128x128xf32, #tpu.memory_space<vmem>>, vector<16xf32>,
        %mul3A_1040 = arith.mulf %get3A_1039, %gather3A_990 : vector<16xf32>
        %swap3A_1041 = arith.index_cast %add3A_994 : i32 to index
        %swap3A_1042 = arith.constant 96 : index
        %swap3A_1043 = tpu.vector_load %arg10[%swap3A_1041, %swap3A_1042] {strides = array<i32>} : memref<128x128xf32, #tpu.memory_space<vmem>>, vector<16xf32>,
        tpu.vector_store %arg10[%swap3A_1041, %swap3A_1042], %mul3A_1040 {strides = array<i32>} : memref<128x128xf32, #tpu.memory_space<vmem>>, vector<16xf32>,
        %get3A_1044 = arith.index_cast %add3A_994 : i32 to index
        %get3A_1045 = arith.constant 112 : index
        %get3A_1046 = tpu.vector_load %arg10[%get3A_1044, %get3A_1045] {strides = array<i32>} : memref<128x128xf32, #tpu.memory_space<vmem>>, vector<16xf32>,
        %mul3A_1047 = arith.mulf %get3A_1046, %gather3A_990 : vector<16xf32>
        %swap3A_1048 = arith.index_cast %add3A_994 : i32 to index
        %swap3A_1049 = arith.constant 112 : index
        %swap3A_1050 = tpu.vector_load %arg10[%swap3A_1048, %swap3A_1049] {strides = array<i32>} : memref<128x128xf32, #tpu.memory_space<vmem>>, vector<16xf32>,
        tpu.vector_store %arg10[%swap3A_1048, %swap3A_1049], %mul3A_1047 {strides = array<i32>} : memref<128x128xf32, #tpu.memory_space<vmem>>, vector<16xf32>,
        %lt3A_1051 = arith.constant 0 : i32
        %lt3A_1052 = vector.broadcast %lt3A_1051 : i32 to vector<16xi32>
        %lt3A_1053 = arith.cmpi slt, %broadcast_in_dim3A_49, %lt3A_1052 : vector<16xi32>
        %add3A_1054 = arith.constant 16 : i32
        %add3A_1055 = vector.broadcast %add3A_1054 : i32 to vector<16xi32>
        %add3A_1056 = arith.addi %broadcast_in_dim3A_49, %add3A_1055 : vector<16xi32>
        %select_n3A_1057 = arith.select %lt3A_1053, %add3A_1056, %broadcast_in_dim3A_49 : vector<16xi1>, vector<16xi32>
        %reshape3A_1058 = vector.shape_cast %select_n3A_1057 : vector<16xi32> to vector<16x1xi32>
        %gather3A_1059 = vector.shape_cast %reshape3A_1058 : vector<16x1xi32> to vector<16xi32>
        %gather3A_1060 = tpu.dynamic_gather %get3A_75[%gather3A_1059] in [0] : vector<16xf32>, vector<16xi32> -> vector<16xf32>
        %mul3A_1061 = arith.constant 16 : i32
        %mul3A_1062 = arith.muli %scan3A_70, %mul3A_1061 : i32
        %add3A_1063 = arith.constant 14 : i32
        %add3A_1064 = arith.addi %mul3A_1062, %add3A_1063 : i32
        %get3A_1065 = arith.index_cast %add3A_1064 : i32 to index
        %get3A_1066 = arith.constant 0 : index
        %get3A_1067 = tpu.vector_load %arg10[%get3A_1065, %get3A_1066] {strides = array<i32>} : memref<128x128xf32, #tpu.memory_space<vmem>>, vector<16xf32>,
        %mul3A_1068 = arith.mulf %get3A_1067, %gather3A_1060 : vector<16xf32>
        %swap3A_1069 = arith.index_cast %add3A_1064 : i32 to index
        %swap3A_1070 = arith.constant 0 : index
        %swap3A_1071 = tpu.vector_load %arg10[%swap3A_1069, %swap3A_1070] {strides = array<i32>} : memref<128x128xf32, #tpu.memory_space<vmem>>, vector<16xf32>,
        tpu.vector_store %arg10[%swap3A_1069, %swap3A_1070], %mul3A_1068 {strides = array<i32>} : memref<128x128xf32, #tpu.memory_space<vmem>>, vector<16xf32>,
        %get3A_1072 = arith.index_cast %add3A_1064 : i32 to index
        %get3A_1073 = arith.constant 16 : index
        %get3A_1074 = tpu.vector_load %arg10[%get3A_1072, %get3A_1073] {strides = array<i32>} : memref<128x128xf32, #tpu.memory_space<vmem>>, vector<16xf32>,
        %mul3A_1075 = arith.mulf %get3A_1074, %gather3A_1060 : vector<16xf32>
        %swap3A_1076 = arith.index_cast %add3A_1064 : i32 to index
        %swap3A_1077 = arith.constant 16 : index
        %swap3A_1078 = tpu.vector_load %arg10[%swap3A_1076, %swap3A_1077] {strides = array<i32>} : memref<128x128xf32, #tpu.memory_space<vmem>>, vector<16xf32>,
        tpu.vector_store %arg10[%swap3A_1076, %swap3A_1077], %mul3A_1075 {strides = array<i32>} : memref<128x128xf32, #tpu.memory_space<vmem>>, vector<16xf32>,
        %get3A_1079 = arith.index_cast %add3A_1064 : i32 to index
        %get3A_1080 = arith.constant 32 : index
        %get3A_1081 = tpu.vector_load %arg10[%get3A_1079, %get3A_1080] {strides = array<i32>} : memref<128x128xf32, #tpu.memory_space<vmem>>, vector<16xf32>,
        %mul3A_1082 = arith.mulf %get3A_1081, %gather3A_1060 : vector<16xf32>
        %swap3A_1083 = arith.index_cast %add3A_1064 : i32 to index
        %swap3A_1084 = arith.constant 32 : index
        %swap3A_1085 = tpu.vector_load %arg10[%swap3A_1083, %swap3A_1084] {strides = array<i32>} : memref<128x128xf32, #tpu.memory_space<vmem>>, vector<16xf32>,
        tpu.vector_store %arg10[%swap3A_1083, %swap3A_1084], %mul3A_1082 {strides = array<i32>} : memref<128x128xf32, #tpu.memory_space<vmem>>, vector<16xf32>,
        %get3A_1086 = arith.index_cast %add3A_1064 : i32 to index
        %get3A_1087 = arith.constant 48 : index
        %get3A_1088 = tpu.vector_load %arg10[%get3A_1086, %get3A_1087] {strides = array<i32>} : memref<128x128xf32, #tpu.memory_space<vmem>>, vector<16xf32>,
        %mul3A_1089 = arith.mulf %get3A_1088, %gather3A_1060 : vector<16xf32>
        %swap3A_1090 = arith.index_cast %add3A_1064 : i32 to index
        %swap3A_1091 = arith.constant 48 : index
        %swap3A_1092 = tpu.vector_load %arg10[%swap3A_1090, %swap3A_1091] {strides = array<i32>} : memref<128x128xf32, #tpu.memory_space<vmem>>, vector<16xf32>,
        tpu.vector_store %arg10[%swap3A_1090, %swap3A_1091], %mul3A_1089 {strides = array<i32>} : memref<128x128xf32, #tpu.memory_space<vmem>>, vector<16xf32>,
        %get3A_1093 = arith.index_cast %add3A_1064 : i32 to index
        %get3A_1094 = arith.constant 64 : index
        %get3A_1095 = tpu.vector_load %arg10[%get3A_1093, %get3A_1094] {strides = array<i32>} : memref<128x128xf32, #tpu.memory_space<vmem>>, vector<16xf32>,
        %mul3A_1096 = arith.mulf %get3A_1095, %gather3A_1060 : vector<16xf32>
        %swap3A_1097 = arith.index_cast %add3A_1064 : i32 to index
        %swap3A_1098 = arith.constant 64 : index
        %swap3A_1099 = tpu.vector_load %arg10[%swap3A_1097, %swap3A_1098] {strides = array<i32>} : memref<128x128xf32, #tpu.memory_space<vmem>>, vector<16xf32>,
        tpu.vector_store %arg10[%swap3A_1097, %swap3A_1098], %mul3A_1096 {strides = array<i32>} : memref<128x128xf32, #tpu.memory_space<vmem>>, vector<16xf32>,
        %get3A_1100 = arith.index_cast %add3A_1064 : i32 to index
        %get3A_1101 = arith.constant 80 : index
        %get3A_1102 = tpu.vector_load %arg10[%get3A_1100, %get3A_1101] {strides = array<i32>} : memref<128x128xf32, #tpu.memory_space<vmem>>, vector<16xf32>,
        %mul3A_1103 = arith.mulf %get3A_1102, %gather3A_1060 : vector<16xf32>
        %swap3A_1104 = arith.index_cast %add3A_1064 : i32 to index
        %swap3A_1105 = arith.constant 80 : index
        %swap3A_1106 = tpu.vector_load %arg10[%swap3A_1104, %swap3A_1105] {strides = array<i32>} : memref<128x128xf32, #tpu.memory_space<vmem>>, vector<16xf32>,
        tpu.vector_store %arg10[%swap3A_1104, %swap3A_1105], %mul3A_1103 {strides = array<i32>} : memref<128x128xf32, #tpu.memory_space<vmem>>, vector<16xf32>,
        %get3A_1107 = arith.index_cast %add3A_1064 : i32 to index
        %get3A_1108 = arith.constant 96 : index
        %get3A_1109 = tpu.vector_load %arg10[%get3A_1107, %get3A_1108] {strides = array<i32>} : memref<128x128xf32, #tpu.memory_space<vmem>>, vector<16xf32>,
        %mul3A_1110 = arith.mulf %get3A_1109, %gather3A_1060 : vector<16xf32>
        %swap3A_1111 = arith.index_cast %add3A_1064 : i32 to index
        %swap3A_1112 = arith.constant 96 : index
        %swap3A_1113 = tpu.vector_load %arg10[%swap3A_1111, %swap3A_1112] {strides = array<i32>} : memref<128x128xf32, #tpu.memory_space<vmem>>, vector<16xf32>,
        tpu.vector_store %arg10[%swap3A_1111, %swap3A_1112], %mul3A_1110 {strides = array<i32>} : memref<128x128xf32, #tpu.memory_space<vmem>>, vector<16xf32>,
        %get3A_1114 = arith.index_cast %add3A_1064 : i32 to index
        %get3A_1115 = arith.constant 112 : index
        %get3A_1116 = tpu.vector_load %arg10[%get3A_1114, %get3A_1115] {strides = array<i32>} : memref<128x128xf32, #tpu.memory_space<vmem>>, vector<16xf32>,
        %mul3A_1117 = arith.mulf %get3A_1116, %gather3A_1060 : vector<16xf32>
        %swap3A_1118 = arith.index_cast %add3A_1064 : i32 to index
        %swap3A_1119 = arith.constant 112 : index
        %swap3A_1120 = tpu.vector_load %arg10[%swap3A_1118, %swap3A_1119] {strides = array<i32>} : memref<128x128xf32, #tpu.memory_space<vmem>>, vector<16xf32>,
        tpu.vector_store %arg10[%swap3A_1118, %swap3A_1119], %mul3A_1117 {strides = array<i32>} : memref<128x128xf32, #tpu.memory_space<vmem>>, vector<16xf32>,
        %lt3A_1121 = arith.constant 0 : i32
        %lt3A_1122 = vector.broadcast %lt3A_1121 : i32 to vector<16xi32>
        %lt3A_1123 = arith.cmpi slt, %broadcast_in_dim3A_51, %lt3A_1122 : vector<16xi32>
        %add3A_1124 = arith.constant 16 : i32
        %add3A_1125 = vector.broadcast %add3A_1124 : i32 to vector<16xi32>
        %add3A_1126 = arith.addi %broadcast_in_dim3A_51, %add3A_1125 : vector<16xi32>
        %select_n3A_1127 = arith.select %lt3A_1123, %add3A_1126, %broadcast_in_dim3A_51 : vector<16xi1>, vector<16xi32>
        %reshape3A_1128 = vector.shape_cast %select_n3A_1127 : vector<16xi32> to vector<16x1xi32>
        %gather3A_1129 = vector.shape_cast %reshape3A_1128 : vector<16x1xi32> to vector<16xi32>
        %gather3A_1130 = tpu.dynamic_gather %get3A_75[%gather3A_1129] in [0] : vector<16xf32>, vector<16xi32> -> vector<16xf32>
        %mul3A_1131 = arith.constant 16 : i32
        %mul3A_1132 = arith.muli %scan3A_70, %mul3A_1131 : i32
        %add3A_1133 = arith.constant 15 : i32
        %add3A_1134 = arith.addi %mul3A_1132, %add3A_1133 : i32
        %get3A_1135 = arith.index_cast %add3A_1134 : i32 to index
        %get3A_1136 = arith.constant 0 : index
        %get3A_1137 = tpu.vector_load %arg10[%get3A_1135, %get3A_1136] {strides = array<i32>} : memref<128x128xf32, #tpu.memory_space<vmem>>, vector<16xf32>,
        %mul3A_1138 = arith.mulf %get3A_1137, %gather3A_1130 : vector<16xf32>
        %swap3A_1139 = arith.index_cast %add3A_1134 : i32 to index
        %swap3A_1140 = arith.constant 0 : index
        %swap3A_1141 = tpu.vector_load %arg10[%swap3A_1139, %swap3A_1140] {strides = array<i32>} : memref<128x128xf32, #tpu.memory_space<vmem>>, vector<16xf32>,
        tpu.vector_store %arg10[%swap3A_1139, %swap3A_1140], %mul3A_1138 {strides = array<i32>} : memref<128x128xf32, #tpu.memory_space<vmem>>, vector<16xf32>,
        %get3A_1142 = arith.index_cast %add3A_1134 : i32 to index
        %get3A_1143 = arith.constant 16 : index
        %get3A_1144 = tpu.vector_load %arg10[%get3A_1142, %get3A_1143] {strides = array<i32>} : memref<128x128xf32, #tpu.memory_space<vmem>>, vector<16xf32>,
        %mul3A_1145 = arith.mulf %get3A_1144, %gather3A_1130 : vector<16xf32>
        %swap3A_1146 = arith.index_cast %add3A_1134 : i32 to index
        %swap3A_1147 = arith.constant 16 : index
        %swap3A_1148 = tpu.vector_load %arg10[%swap3A_1146, %swap3A_1147] {strides = array<i32>} : memref<128x128xf32, #tpu.memory_space<vmem>>, vector<16xf32>,
        tpu.vector_store %arg10[%swap3A_1146, %swap3A_1147], %mul3A_1145 {strides = array<i32>} : memref<128x128xf32, #tpu.memory_space<vmem>>, vector<16xf32>,
        %get3A_1149 = arith.index_cast %add3A_1134 : i32 to index
        %get3A_1150 = arith.constant 32 : index
        %get3A_1151 = tpu.vector_load %arg10[%get3A_1149, %get3A_1150] {strides = array<i32>} : memref<128x128xf32, #tpu.memory_space<vmem>>, vector<16xf32>,
        %mul3A_1152 = arith.mulf %get3A_1151, %gather3A_1130 : vector<16xf32>
        %swap3A_1153 = arith.index_cast %add3A_1134 : i32 to index
        %swap3A_1154 = arith.constant 32 : index
        %swap3A_1155 = tpu.vector_load %arg10[%swap3A_1153, %swap3A_1154] {strides = array<i32>} : memref<128x128xf32, #tpu.memory_space<vmem>>, vector<16xf32>,
        tpu.vector_store %arg10[%swap3A_1153, %swap3A_1154], %mul3A_1152 {strides = array<i32>} : memref<128x128xf32, #tpu.memory_space<vmem>>, vector<16xf32>,
        %get3A_1156 = arith.index_cast %add3A_1134 : i32 to index
        %get3A_1157 = arith.constant 48 : index
        %get3A_1158 = tpu.vector_load %arg10[%get3A_1156, %get3A_1157] {strides = array<i32>} : memref<128x128xf32, #tpu.memory_space<vmem>>, vector<16xf32>,
        %mul3A_1159 = arith.mulf %get3A_1158, %gather3A_1130 : vector<16xf32>
        %swap3A_1160 = arith.index_cast %add3A_1134 : i32 to index
        %swap3A_1161 = arith.constant 48 : index
        %swap3A_1162 = tpu.vector_load %arg10[%swap3A_1160, %swap3A_1161] {strides = array<i32>} : memref<128x128xf32, #tpu.memory_space<vmem>>, vector<16xf32>,
        tpu.vector_store %arg10[%swap3A_1160, %swap3A_1161], %mul3A_1159 {strides = array<i32>} : memref<128x128xf32, #tpu.memory_space<vmem>>, vector<16xf32>,
        %get3A_1163 = arith.index_cast %add3A_1134 : i32 to index
        %get3A_1164 = arith.constant 64 : index
        %get3A_1165 = tpu.vector_load %arg10[%get3A_1163, %get3A_1164] {strides = array<i32>} : memref<128x128xf32, #tpu.memory_space<vmem>>, vector<16xf32>,
        %mul3A_1166 = arith.mulf %get3A_1165, %gather3A_1130 : vector<16xf32>
        %swap3A_1167 = arith.index_cast %add3A_1134 : i32 to index
        %swap3A_1168 = arith.constant 64 : index
        %swap3A_1169 = tpu.vector_load %arg10[%swap3A_1167, %swap3A_1168] {strides = array<i32>} : memref<128x128xf32, #tpu.memory_space<vmem>>, vector<16xf32>,
        tpu.vector_store %arg10[%swap3A_1167, %swap3A_1168], %mul3A_1166 {strides = array<i32>} : memref<128x128xf32, #tpu.memory_space<vmem>>, vector<16xf32>,
        %get3A_1170 = arith.index_cast %add3A_1134 : i32 to index
        %get3A_1171 = arith.constant 80 : index
        %get3A_1172 = tpu.vector_load %arg10[%get3A_1170, %get3A_1171] {strides = array<i32>} : memref<128x128xf32, #tpu.memory_space<vmem>>, vector<16xf32>,
        %mul3A_1173 = arith.mulf %get3A_1172, %gather3A_1130 : vector<16xf32>
        %swap3A_1174 = arith.index_cast %add3A_1134 : i32 to index
        %swap3A_1175 = arith.constant 80 : index
        %swap3A_1176 = tpu.vector_load %arg10[%swap3A_1174, %swap3A_1175] {strides = array<i32>} : memref<128x128xf32, #tpu.memory_space<vmem>>, vector<16xf32>,
        tpu.vector_store %arg10[%swap3A_1174, %swap3A_1175], %mul3A_1173 {strides = array<i32>} : memref<128x128xf32, #tpu.memory_space<vmem>>, vector<16xf32>,
        %get3A_1177 = arith.index_cast %add3A_1134 : i32 to index
        %get3A_1178 = arith.constant 96 : index
        %get3A_1179 = tpu.vector_load %arg10[%get3A_1177, %get3A_1178] {strides = array<i32>} : memref<128x128xf32, #tpu.memory_space<vmem>>, vector<16xf32>,
        %mul3A_1180 = arith.mulf %get3A_1179, %gather3A_1130 : vector<16xf32>
        %swap3A_1181 = arith.index_cast %add3A_1134 : i32 to index
        %swap3A_1182 = arith.constant 96 : index
        %swap3A_1183 = tpu.vector_load %arg10[%swap3A_1181, %swap3A_1182] {strides = array<i32>} : memref<128x128xf32, #tpu.memory_space<vmem>>, vector<16xf32>,
        tpu.vector_store %arg10[%swap3A_1181, %swap3A_1182], %mul3A_1180 {strides = array<i32>} : memref<128x128xf32, #tpu.memory_space<vmem>>, vector<16xf32>,
        %get3A_1184 = arith.index_cast %add3A_1134 : i32 to index
        %get3A_1185 = arith.constant 112 : index
        %get3A_1186 = tpu.vector_load %arg10[%get3A_1184, %get3A_1185] {strides = array<i32>} : memref<128x128xf32, #tpu.memory_space<vmem>>, vector<16xf32>,
        %mul3A_1187 = arith.mulf %get3A_1186, %gather3A_1130 : vector<16xf32>
        %swap3A_1188 = arith.index_cast %add3A_1134 : i32 to index
        %swap3A_1189 = arith.constant 112 : index
        %swap3A_1190 = tpu.vector_load %arg10[%swap3A_1188, %swap3A_1189] {strides = array<i32>} : memref<128x128xf32, #tpu.memory_space<vmem>>, vector<16xf32>,
        tpu.vector_store %arg10[%swap3A_1188, %swap3A_1189], %mul3A_1187 {strides = array<i32>} : memref<128x128xf32, #tpu.memory_space<vmem>>, vector<16xf32>,
        %scan3A_1191 = arith.constant 0 : i32
        scf.yield %scan3A_1191 : i32
      }
      %scan3A_68 = arith.constant 8 : i32
      "tpu.region"() ({
        %run_scoped3A = tpu.sem_alloc : memref<!tpu.dma_semaphore, #tpu.memory_space<semaphore_mem>>
        %dma_start3A = arith.constant 0 : i32
        %dma_start3A_70 = tpu.memref_slice %arg8[%scan3A_60, %dma_start3A] : memref<79x128xi32, #tpu.memory_space<vmem>> -> memref<1x128xi32, #tpu.memory_space<vmem>>
        %dma_start3A_71 = tpu.memref_squeeze %dma_start3A_70 : memref<1x128xi32, #tpu.memory_space<vmem>> -> memref<128xi32, #tpu.memory_space<vmem>>
        %dma_start3A_72 = arith.constant 0 : i32
        %dma_start3A_73 = arith.constant 0 : i32
        %dma_start3A_74 = tpu.memref_slice %arg11[%dma_start3A_72, %dma_start3A_73] : memref<10000x128xf32, #tpu.memory_space<vmem_shared>> -> memref<10000x128xf32, #tpu.memory_space<vmem_shared>>
        tpu.enqueue_indirect_dma source(%arg10 : memref<128x128xf32, #tpu.memory_space<vmem>>) target(%dma_start3A_74 : memref<10000x128xf32, #tpu.memory_space<vmem_shared>>) offsets(%dma_start3A_71 : memref<128xi32, #tpu.memory_space<vmem>>) semaphore(%run_scoped3A : memref<!tpu.dma_semaphore, #tpu.memory_space<semaphore_mem>>) {add = true}
        %dma_wait3A = arith.constant 0 : i32
        %dma_wait3A_75 = tpu.memref_slice %arg8[%scan3A_60, %dma_wait3A] : memref<79x128xi32, #tpu.memory_space<vmem>> -> memref<1x128xi32, #tpu.memory_space<vmem>>
        %dma_wait3A_76 = tpu.memref_squeeze %dma_wait3A_75 : memref<1x128xi32, #tpu.memory_space<vmem>> -> memref<128xi32, #tpu.memory_space<vmem>>
        %dma_wait3A_77 = arith.constant 0 : i32
        %dma_wait3A_78 = arith.constant 0 : i32
        %dma_wait3A_79 = tpu.memref_slice %arg11[%dma_wait3A_77, %dma_wait3A_78] : memref<10000x128xf32, #tpu.memory_space<vmem_shared>> -> memref<10000x128xf32, #tpu.memory_space<vmem_shared>>
        tpu.wait_indirect_dma semaphore(%run_scoped3A : memref<!tpu.dma_semaphore, #tpu.memory_space<semaphore_mem>>) src(%arg10 : memref<128x128xf32, #tpu.memory_space<vmem>>) dst(%dma_wait3A_79 : memref<10000x128xf32, #tpu.memory_space<vmem_shared>>)
        tpu.yield
      }) : () -> ()
      %scan3A_69 = arith.constant 0 : i32
      scf.yield %scan3A_69 : i32
    }
    %scan3A_58 = arith.constant 79 : i32
    %barrier3A_59 = arith.constant 0 : index
    tpu.barrier barrier_id(%barrier3A_59)
    "tpu.region"() ({
      %run_scoped3A = tpu.sem_alloc : memref<!tpu.dma_semaphore, #tpu.memory_space<semaphore_mem>>
      %dma_start3A = arith.constant 0 : i32
      %dma_start3A_60 = tpu.memref_slice %arg6[%arg0, %multiple_of3A, %dma_start3A] : memref<2x10000x128xf32, #tpu.memory_space<hbm>> -> memref<1x640x128xf32, #tpu.memory_space<hbm>>
      %dma_start3A_61 = tpu.memref_squeeze %dma_start3A_60 : memref<1x640x128xf32, #tpu.memory_space<hbm>> -> memref<640x128xf32, #tpu.memory_space<hbm>>
      %dma_start3A_62 = arith.constant 0 : i32
      %dma_start3A_63 = tpu.memref_slice %arg11[%multiple_of3A, %dma_start3A_62] : memref<10000x128xf32, #tpu.memory_space<vmem_shared>> -> memref<640x128xf32, #tpu.memory_space<vmem_shared>>
      tpu.enqueue_dma source(%dma_start3A_63 : memref<640x128xf32, #tpu.memory_space<vmem_shared>>) target(%dma_start3A_61 : memref<640x128xf32, #tpu.memory_space<hbm>>) target_semaphore(%run_scoped3A : memref<!tpu.dma_semaphore, #tpu.memory_space<semaphore_mem>>)
      %dma_wait3A = arith.constant 0 : i32
      %dma_wait3A_64 = tpu.memref_slice %arg6[%arg0, %multiple_of3A, %dma_wait3A] : memref<2x10000x128xf32, #tpu.memory_space<hbm>> -> memref<1x640x128xf32, #tpu.memory_space<hbm>>
      %dma_wait3A_65 = tpu.memref_squeeze %dma_wait3A_64 : memref<1x640x128xf32, #tpu.memory_space<hbm>> -> memref<640x128xf32, #tpu.memory_space<hbm>>
      %dma_wait3A_66 = arith.constant 0 : i32
      %dma_wait3A_67 = tpu.memref_slice %arg11[%multiple_of3A, %dma_wait3A_66] : memref<10000x128xf32, #tpu.memory_space<vmem_shared>> -> memref<640x128xf32, #tpu.memory_space<vmem_shared>>
      tpu.wait_dma2 semaphore(%run_scoped3A : memref<!tpu.dma_semaphore, #tpu.memory_space<semaphore_mem>>) src(%dma_wait3A_67 : memref<640x128xf32, #tpu.memory_space<vmem_shared>>) dst(%dma_wait3A_65 : memref<640x128xf32, #tpu.memory_space<hbm>>)
      tpu.yield
    }) : () -> ()
    return
  }
}

#map = affine_map<(d0, d1) -> (0, 0, 0)>
#map1 = affine_map<(d0, d1) -> (0, 0)>
module attributes {stable_mosaic.version = 14 : i64} {
  func.func @_deg_body(%arg0: i32, %arg1: i32, %arg2: memref<32x79x128xi32, #tpu.memory_space<hbm>>, %arg3: memref<32x79x128xf32, #tpu.memory_space<hbm>>, %arg4: memref<32x10000xf32, #tpu.memory_space<hbm>>, %arg5: memref<79x128xi32, #tpu.memory_space<vmem>>, %arg6: memref<79x128xf32, #tpu.memory_space<vmem>>, %arg7: memref<10000xf32, #tpu.memory_space<vmem>>) attributes {dimension_semantics = [#tpu.dimension_semantics<core_parallel>, #tpu.dimension_semantics<subcore_parallel>], iteration_bounds = array<i64: 2, 16>, scalar_prefetch = 0 : i64, scratch_operands = 3 : i64, tpu.core_type = #tpu.core_type<sc_vector_subcore>, window_params = [{transform_indices = #map}, {transform_indices = #map}, {transform_indices = #map1}]} {
    %mul3A = arith.constant 2 : i32
    %mul3A_0 = arith.muli %arg1, %mul3A : i32
    %add3A = arith.addi %mul3A_0, %arg0 : i32
    "tpu.region"() ({
      %run_scoped3A = tpu.sem_alloc : memref<!tpu.dma_semaphore, #tpu.memory_space<semaphore_mem>>
      %dma_start3A = arith.constant 0 : i32
      %dma_start3A_15 = arith.constant 0 : i32
      %dma_start3A_16 = tpu.memref_slice %arg2[%add3A, %dma_start3A, %dma_start3A_15] : memref<32x79x128xi32, #tpu.memory_space<hbm>> -> memref<1x79x128xi32, #tpu.memory_space<hbm>>
      %dma_start3A_17 = tpu.memref_squeeze %dma_start3A_16 : memref<1x79x128xi32, #tpu.memory_space<hbm>> -> memref<79x128xi32, #tpu.memory_space<hbm>>
      %dma_start3A_18 = arith.constant 0 : i32
      %dma_start3A_19 = arith.constant 0 : i32
      %dma_start3A_20 = tpu.memref_slice %arg2[%add3A, %dma_start3A_18, %dma_start3A_19] : memref<32x79x128xi32, #tpu.memory_space<hbm>> -> memref<1x79x128xi32, #tpu.memory_space<hbm>>
      %dma_start3A_21 = tpu.memref_squeeze %dma_start3A_20 : memref<1x79x128xi32, #tpu.memory_space<hbm>> -> memref<79x128xi32, #tpu.memory_space<hbm>>
      tpu.enqueue_dma source(%dma_start3A_21 : memref<79x128xi32, #tpu.memory_space<hbm>>) target(%arg5 : memref<79x128xi32, #tpu.memory_space<vmem>>) target_semaphore(%run_scoped3A : memref<!tpu.dma_semaphore, #tpu.memory_space<semaphore_mem>>)
      %dma_wait3A = arith.constant 0 : i32
      %dma_wait3A_22 = arith.constant 0 : i32
      %dma_wait3A_23 = tpu.memref_slice %arg2[%add3A, %dma_wait3A, %dma_wait3A_22] : memref<32x79x128xi32, #tpu.memory_space<hbm>> -> memref<1x79x128xi32, #tpu.memory_space<hbm>>
      %dma_wait3A_24 = tpu.memref_squeeze %dma_wait3A_23 : memref<1x79x128xi32, #tpu.memory_space<hbm>> -> memref<79x128xi32, #tpu.memory_space<hbm>>
      %dma_wait3A_25 = arith.constant 0 : i32
      %dma_wait3A_26 = arith.constant 0 : i32
      %dma_wait3A_27 = tpu.memref_slice %arg2[%add3A, %dma_wait3A_25, %dma_wait3A_26] : memref<32x79x128xi32, #tpu.memory_space<hbm>> -> memref<1x79x128xi32, #tpu.memory_space<hbm>>
      %dma_wait3A_28 = tpu.memref_squeeze %dma_wait3A_27 : memref<1x79x128xi32, #tpu.memory_space<hbm>> -> memref<79x128xi32, #tpu.memory_space<hbm>>
      tpu.wait_dma2 semaphore(%run_scoped3A : memref<!tpu.dma_semaphore, #tpu.memory_space<semaphore_mem>>) src(%dma_wait3A_28 : memref<79x128xi32, #tpu.memory_space<hbm>>) dst(%arg5 : memref<79x128xi32, #tpu.memory_space<vmem>>)
      tpu.yield
    }) : () -> ()
    "tpu.region"() ({
      %run_scoped3A = tpu.sem_alloc : memref<!tpu.dma_semaphore, #tpu.memory_space<semaphore_mem>>
      %dma_start3A = arith.constant 0 : i32
      %dma_start3A_15 = arith.constant 0 : i32
      %dma_start3A_16 = tpu.memref_slice %arg3[%add3A, %dma_start3A, %dma_start3A_15] : memref<32x79x128xf32, #tpu.memory_space<hbm>> -> memref<1x79x128xf32, #tpu.memory_space<hbm>>
      %dma_start3A_17 = tpu.memref_squeeze %dma_start3A_16 : memref<1x79x128xf32, #tpu.memory_space<hbm>> -> memref<79x128xf32, #tpu.memory_space<hbm>>
      %dma_start3A_18 = arith.constant 0 : i32
      %dma_start3A_19 = arith.constant 0 : i32
      %dma_start3A_20 = tpu.memref_slice %arg3[%add3A, %dma_start3A_18, %dma_start3A_19] : memref<32x79x128xf32, #tpu.memory_space<hbm>> -> memref<1x79x128xf32, #tpu.memory_space<hbm>>
      %dma_start3A_21 = tpu.memref_squeeze %dma_start3A_20 : memref<1x79x128xf32, #tpu.memory_space<hbm>> -> memref<79x128xf32, #tpu.memory_space<hbm>>
      tpu.enqueue_dma source(%dma_start3A_21 : memref<79x128xf32, #tpu.memory_space<hbm>>) target(%arg6 : memref<79x128xf32, #tpu.memory_space<vmem>>) target_semaphore(%run_scoped3A : memref<!tpu.dma_semaphore, #tpu.memory_space<semaphore_mem>>)
      %dma_wait3A = arith.constant 0 : i32
      %dma_wait3A_22 = arith.constant 0 : i32
      %dma_wait3A_23 = tpu.memref_slice %arg3[%add3A, %dma_wait3A, %dma_wait3A_22] : memref<32x79x128xf32, #tpu.memory_space<hbm>> -> memref<1x79x128xf32, #tpu.memory_space<hbm>>
      %dma_wait3A_24 = tpu.memref_squeeze %dma_wait3A_23 : memref<1x79x128xf32, #tpu.memory_space<hbm>> -> memref<79x128xf32, #tpu.memory_space<hbm>>
      %dma_wait3A_25 = arith.constant 0 : i32
      %dma_wait3A_26 = arith.constant 0 : i32
      %dma_wait3A_27 = tpu.memref_slice %arg3[%add3A, %dma_wait3A_25, %dma_wait3A_26] : memref<32x79x128xf32, #tpu.memory_space<hbm>> -> memref<1x79x128xf32, #tpu.memory_space<hbm>>
      %dma_wait3A_28 = tpu.memref_squeeze %dma_wait3A_27 : memref<1x79x128xf32, #tpu.memory_space<hbm>> -> memref<79x128xf32, #tpu.memory_space<hbm>>
      tpu.wait_dma2 semaphore(%run_scoped3A : memref<!tpu.dma_semaphore, #tpu.memory_space<semaphore_mem>>) src(%dma_wait3A_28 : memref<79x128xf32, #tpu.memory_space<hbm>>) dst(%arg6 : memref<79x128xf32, #tpu.memory_space<vmem>>)
      tpu.yield
    }) : () -> ()
    %broadcast_in_dim3A = arith.constant 0.000000e+00 : f32
    %broadcast_in_dim3A_1 = vector.broadcast %broadcast_in_dim3A : f32 to vector<16xf32>
    %scan3A = arith.constant 0 : i32
    %scan3A_2 = arith.constant 0 : i32
    %scan3A_3 = arith.constant 625 : i32
    %scan3A_4 = arith.addi %scan3A_2, %scan3A_3 : i32
    %scan3A_5 = arith.constant 1 : i32
    %scan3A_6 = scf.for %scan3A_15 = %scan3A_2 to %scan3A_4 step %scan3A_5 iter_args(%scan3A_16 = %scan3A) -> (i32)  : i32 {
      %mul3A_17 = arith.constant 16 : i32
      %mul3A_18 = arith.muli %scan3A_15, %mul3A_17 : i32
      %swap3A = arith.index_cast %mul3A_18 : i32 to index
      %swap3A_19 = tpu.vector_load %arg7[%swap3A] {strides = array<i32>} : memref<10000xf32, #tpu.memory_space<vmem>>, vector<16xf32>,
      tpu.vector_store %arg7[%swap3A], %broadcast_in_dim3A_1 {strides = array<i32>} : memref<10000xf32, #tpu.memory_space<vmem>>, vector<16xf32>,
      %scan3A_20 = arith.constant 0 : i32
      scf.yield %scan3A_20 : i32
    }
    %scan3A_7 = arith.constant 625 : i32
    %scan3A_8 = arith.constant 0 : i32
    %scan3A_9 = arith.constant 0 : i32
    %scan3A_10 = arith.constant 632 : i32
    %scan3A_11 = arith.addi %scan3A_9, %scan3A_10 : i32
    %scan3A_12 = arith.constant 1 : i32
    %scan3A_13 = scf.for %scan3A_15 = %scan3A_9 to %scan3A_11 step %scan3A_12 iter_args(%scan3A_16 = %scan3A_8) -> (i32)  : i32 {
      %jit3A = arith.constant 8 : i32
      %div3A = arith.divsi %scan3A_15, %jit3A : i32
      %sign3A = arith.constant 0 : i32
      %sign3A_17 = arith.cmpi sgt, %scan3A_15, %sign3A : i32
      %sign3A_18 = arith.extui %sign3A_17 : i1 to i32
      %sign3A_19 = arith.constant 0 : i32
      %sign3A_20 = arith.cmpi slt, %scan3A_15, %sign3A_19 : i32
      %sign3A_21 = arith.extui %sign3A_20 : i1 to i32
      %sign3A_22 = arith.subi %sign3A_18, %sign3A_21 : i32
      %sign3A_23 = arith.constant 0 : i32
      %sign3A_24 = arith.cmpi sgt, %jit3A, %sign3A_23 : i32
      %sign3A_25 = arith.extui %sign3A_24 : i1 to i32
      %sign3A_26 = arith.constant 0 : i32
      %sign3A_27 = arith.cmpi slt, %jit3A, %sign3A_26 : i32
      %sign3A_28 = arith.extui %sign3A_27 : i1 to i32
      %sign3A_29 = arith.subi %sign3A_25, %sign3A_28 : i32
      %ne3A = arith.cmpi ne, %sign3A_22, %sign3A_29 : i32
      %rem3A = arith.remsi %scan3A_15, %jit3A : i32
      %ne3A_30 = arith.constant 0 : i32
      %ne3A_31 = arith.cmpi ne, %rem3A, %ne3A_30 : i32
      %and3A = arith.andi %ne3A, %ne3A_31 : i1
      %sub3A = arith.constant 1 : i32
      %sub3A_32 = arith.subi %div3A, %sub3A : i32
      %select_n3A = arith.select %and3A, %sub3A_32, %div3A : i32
      %jit3A_33 = arith.constant 8 : i32
      %eq3A = arith.constant 0 : i32
      %eq3A_34 = arith.cmpi eq, %jit3A_33, %eq3A : i32
      %jit3A_35 = arith.constant 1 : i32
      %select_n3A_36 = arith.select %eq3A_34, %jit3A_35, %jit3A_33 : i32
      %rem3A_37 = arith.remsi %scan3A_15, %select_n3A_36 : i32
      %ne3A_38 = arith.constant 0 : i32
      %ne3A_39 = arith.cmpi ne, %rem3A_37, %ne3A_38 : i32
      %lt3A = arith.constant 0 : i32
      %lt3A_40 = arith.cmpi slt, %rem3A_37, %lt3A : i32
      %lt3A_41 = arith.constant 0 : i32
      %lt3A_42 = arith.cmpi slt, %select_n3A_36, %lt3A_41 : i32
      %ne3A_43 = arith.xori %lt3A_40, %lt3A_42 : i1
      %and3A_44 = arith.andi %ne3A_43, %ne3A_39 : i1
      %add3A_45 = arith.addi %rem3A_37, %select_n3A_36 : i32
      %select_n3A_46 = arith.select %and3A_44, %add3A_45, %rem3A_37 : i32
      %mul3A_47 = arith.constant 16 : i32
      %mul3A_48 = arith.muli %select_n3A_46, %mul3A_47 : i32
      %get3A = arith.index_cast %select_n3A : i32 to index
      %get3A_49 = arith.index_cast %mul3A_48 : i32 to index
      %get3A_50 = tpu.vector_load %arg5[%get3A, %get3A_49] {strides = array<i32>} : memref<79x128xi32, #tpu.memory_space<vmem>>, vector<16xi32>,
      %mul3A_51 = arith.constant 16 : i32
      %mul3A_52 = arith.muli %select_n3A_46, %mul3A_51 : i32
      %get3A_53 = arith.index_cast %select_n3A : i32 to index
      %get3A_54 = arith.index_cast %mul3A_52 : i32 to index
      %get3A_55 = tpu.vector_load %arg6[%get3A_53, %get3A_54] {strides = array<i32>} : memref<79x128xf32, #tpu.memory_space<vmem>>, vector<16xf32>,
      tpu.vector_store_idx %arg7[%get3A_50], %get3A_55 {add = true} : memref<10000xf32, #tpu.memory_space<vmem>>[vector<16xi32>], vector<16xf32>,
      %scan3A_56 = arith.constant 0 : i32
      scf.yield %scan3A_56 : i32
    }
    %scan3A_14 = arith.constant 632 : i32
    "tpu.region"() ({
      %run_scoped3A = tpu.sem_alloc : memref<!tpu.dma_semaphore, #tpu.memory_space<semaphore_mem>>
      %dma_start3A = arith.constant 0 : i32
      %dma_start3A_15 = tpu.memref_slice %arg4[%add3A, %dma_start3A] : memref<32x10000xf32, #tpu.memory_space<hbm>> -> memref<1x10000xf32, #tpu.memory_space<hbm>>
      %dma_start3A_16 = tpu.memref_squeeze %dma_start3A_15 : memref<1x10000xf32, #tpu.memory_space<hbm>> -> memref<10000xf32, #tpu.memory_space<hbm>>
      %dma_start3A_17 = arith.constant 0 : i32
      %dma_start3A_18 = tpu.memref_slice %arg4[%add3A, %dma_start3A_17] : memref<32x10000xf32, #tpu.memory_space<hbm>> -> memref<1x10000xf32, #tpu.memory_space<hbm>>
      %dma_start3A_19 = tpu.memref_squeeze %dma_start3A_18 : memref<1x10000xf32, #tpu.memory_space<hbm>> -> memref<10000xf32, #tpu.memory_space<hbm>>
      tpu.enqueue_dma source(%arg7 : memref<10000xf32, #tpu.memory_space<vmem>>) target(%dma_start3A_19 : memref<10000xf32, #tpu.memory_space<hbm>>) target_semaphore(%run_scoped3A : memref<!tpu.dma_semaphore, #tpu.memory_space<semaphore_mem>>)
      %dma_wait3A = arith.constant 0 : i32
      %dma_wait3A_20 = tpu.memref_slice %arg4[%add3A, %dma_wait3A] : memref<32x10000xf32, #tpu.memory_space<hbm>> -> memref<1x10000xf32, #tpu.memory_space<hbm>>
      %dma_wait3A_21 = tpu.memref_squeeze %dma_wait3A_20 : memref<1x10000xf32, #tpu.memory_space<hbm>> -> memref<10000xf32, #tpu.memory_space<hbm>>
      %dma_wait3A_22 = arith.constant 0 : i32
      %dma_wait3A_23 = tpu.memref_slice %arg4[%add3A, %dma_wait3A_22] : memref<32x10000xf32, #tpu.memory_space<hbm>> -> memref<1x10000xf32, #tpu.memory_space<hbm>>
      %dma_wait3A_24 = tpu.memref_squeeze %dma_wait3A_23 : memref<1x10000xf32, #tpu.memory_space<hbm>> -> memref<10000xf32, #tpu.memory_space<hbm>>
      tpu.wait_dma2 semaphore(%run_scoped3A : memref<!tpu.dma_semaphore, #tpu.memory_space<semaphore_mem>>) src(%arg7 : memref<10000xf32, #tpu.memory_space<vmem>>) dst(%dma_wait3A_24 : memref<10000xf32, #tpu.memory_space<hbm>>)
      tpu.yield
    }) : () -> ()
    return
  }
}

#map = affine_map<(d0, d1) -> (0, 0)>
#map1 = affine_map<(d0, d1) -> (0, 0, 0)>
module attributes {stable_mosaic.version = 14 : i64} {
  func.func @_msg_body(%arg0: i32, %arg1: i32, %arg2: memref<10000x128xf32, #tpu.memory_space<hbm>>, %arg3: memref<32x79x128xi32, #tpu.memory_space<hbm>>, %arg4: memref<32x79x128xi32, #tpu.memory_space<hbm>>, %arg5: memref<32x79x128xf32, #tpu.memory_space<hbm>>, %arg6: memref<2x10000x128xf32, #tpu.memory_space<hbm>>, %arg7: memref<79x128xi32, #tpu.memory_space<vmem>>, %arg8: memref<79x128xi32, #tpu.memory_space<vmem>>, %arg9: memref<79x128xf32, #tpu.memory_space<vmem>>, %arg10: memref<128x128xf32, #tpu.memory_space<vmem>>, %arg11: memref<10000x128xf32, #tpu.memory_space<vmem_shared>>) attributes {dimension_semantics = [#tpu.dimension_semantics<core_parallel>, #tpu.dimension_semantics<subcore_parallel>], iteration_bounds = array<i64: 2, 16>, scalar_prefetch = 0 : i64, scratch_operands = 5 : i64, tpu.core_type = #tpu.core_type<sc_vector_subcore>, window_params = [{transform_indices = #map}, {transform_indices = #map1}, {transform_indices = #map1}, {transform_indices = #map1}, {transform_indices = #map1}]} {
    %mul3A = arith.constant 2 : i32
    %mul3A_0 = arith.muli %arg1, %mul3A : i32
    %add3A = arith.addi %mul3A_0, %arg0 : i32
    "tpu.region"() ({
      %run_scoped3A = tpu.sem_alloc : memref<!tpu.dma_semaphore, #tpu.memory_space<semaphore_mem>>
      %dma_start3A = arith.constant 0 : i32
      %dma_start3A_60 = arith.constant 0 : i32
      %dma_start3A_61 = tpu.memref_slice %arg3[%add3A, %dma_start3A, %dma_start3A_60] : memref<32x79x128xi32, #tpu.memory_space<hbm>> -> memref<1x79x128xi32, #tpu.memory_space<hbm>>
      %dma_start3A_62 = tpu.memref_squeeze %dma_start3A_61 : memref<1x79x128xi32, #tpu.memory_space<hbm>> -> memref<79x128xi32, #tpu.memory_space<hbm>>
      %dma_start3A_63 = arith.constant 0 : i32
      %dma_start3A_64 = arith.constant 0 : i32
      %dma_start3A_65 = tpu.memref_slice %arg3[%add3A, %dma_start3A_63, %dma_start3A_64] : memref<32x79x128xi32, #tpu.memory_space<hbm>> -> memref<1x79x128xi32, #tpu.memory_space<hbm>>
      %dma_start3A_66 = tpu.memref_squeeze %dma_start3A_65 : memref<1x79x128xi32, #tpu.memory_space<hbm>> -> memref<79x128xi32, #tpu.memory_space<hbm>>
      tpu.enqueue_dma source(%dma_start3A_66 : memref<79x128xi32, #tpu.memory_space<hbm>>) target(%arg7 : memref<79x128xi32, #tpu.memory_space<vmem>>) target_semaphore(%run_scoped3A : memref<!tpu.dma_semaphore, #tpu.memory_space<semaphore_mem>>)
      %dma_wait3A = arith.constant 0 : i32
      %dma_wait3A_67 = arith.constant 0 : i32
      %dma_wait3A_68 = tpu.memref_slice %arg3[%add3A, %dma_wait3A, %dma_wait3A_67] : memref<32x79x128xi32, #tpu.memory_space<hbm>> -> memref<1x79x128xi32, #tpu.memory_space<hbm>>
      %dma_wait3A_69 = tpu.memref_squeeze %dma_wait3A_68 : memref<1x79x128xi32, #tpu.memory_space<hbm>> -> memref<79x128xi32, #tpu.memory_space<hbm>>
      %dma_wait3A_70 = arith.constant 0 : i32
      %dma_wait3A_71 = arith.constant 0 : i32
      %dma_wait3A_72 = tpu.memref_slice %arg3[%add3A, %dma_wait3A_70, %dma_wait3A_71] : memref<32x79x128xi32, #tpu.memory_space<hbm>> -> memref<1x79x128xi32, #tpu.memory_space<hbm>>
      %dma_wait3A_73 = tpu.memref_squeeze %dma_wait3A_72 : memref<1x79x128xi32, #tpu.memory_space<hbm>> -> memref<79x128xi32, #tpu.memory_space<hbm>>
      tpu.wait_dma2 semaphore(%run_scoped3A : memref<!tpu.dma_semaphore, #tpu.memory_space<semaphore_mem>>) src(%dma_wait3A_73 : memref<79x128xi32, #tpu.memory_space<hbm>>) dst(%arg7 : memref<79x128xi32, #tpu.memory_space<vmem>>)
      tpu.yield
    }) : () -> ()
    "tpu.region"() ({
      %run_scoped3A = tpu.sem_alloc : memref<!tpu.dma_semaphore, #tpu.memory_space<semaphore_mem>>
      %dma_start3A = arith.constant 0 : i32
      %dma_start3A_60 = arith.constant 0 : i32
      %dma_start3A_61 = tpu.memref_slice %arg4[%add3A, %dma_start3A, %dma_start3A_60] : memref<32x79x128xi32, #tpu.memory_space<hbm>> -> memref<1x79x128xi32, #tpu.memory_space<hbm>>
      %dma_start3A_62 = tpu.memref_squeeze %dma_start3A_61 : memref<1x79x128xi32, #tpu.memory_space<hbm>> -> memref<79x128xi32, #tpu.memory_space<hbm>>
      %dma_start3A_63 = arith.constant 0 : i32
      %dma_start3A_64 = arith.constant 0 : i32
      %dma_start3A_65 = tpu.memref_slice %arg4[%add3A, %dma_start3A_63, %dma_start3A_64] : memref<32x79x128xi32, #tpu.memory_space<hbm>> -> memref<1x79x128xi32, #tpu.memory_space<hbm>>
      %dma_start3A_66 = tpu.memref_squeeze %dma_start3A_65 : memref<1x79x128xi32, #tpu.memory_space<hbm>> -> memref<79x128xi32, #tpu.memory_space<hbm>>
      tpu.enqueue_dma source(%dma_start3A_66 : memref<79x128xi32, #tpu.memory_space<hbm>>) target(%arg8 : memref<79x128xi32, #tpu.memory_space<vmem>>) target_semaphore(%run_scoped3A : memref<!tpu.dma_semaphore, #tpu.memory_space<semaphore_mem>>)
      %dma_wait3A = arith.constant 0 : i32
      %dma_wait3A_67 = arith.constant 0 : i32
      %dma_wait3A_68 = tpu.memref_slice %arg4[%add3A, %dma_wait3A, %dma_wait3A_67] : memref<32x79x128xi32, #tpu.memory_space<hbm>> -> memref<1x79x128xi32, #tpu.memory_space<hbm>>
      %dma_wait3A_69 = tpu.memref_squeeze %dma_wait3A_68 : memref<1x79x128xi32, #tpu.memory_space<hbm>> -> memref<79x128xi32, #tpu.memory_space<hbm>>
      %dma_wait3A_70 = arith.constant 0 : i32
      %dma_wait3A_71 = arith.constant 0 : i32
      %dma_wait3A_72 = tpu.memref_slice %arg4[%add3A, %dma_wait3A_70, %dma_wait3A_71] : memref<32x79x128xi32, #tpu.memory_space<hbm>> -> memref<1x79x128xi32, #tpu.memory_space<hbm>>
      %dma_wait3A_73 = tpu.memref_squeeze %dma_wait3A_72 : memref<1x79x128xi32, #tpu.memory_space<hbm>> -> memref<79x128xi32, #tpu.memory_space<hbm>>
      tpu.wait_dma2 semaphore(%run_scoped3A : memref<!tpu.dma_semaphore, #tpu.memory_space<semaphore_mem>>) src(%dma_wait3A_73 : memref<79x128xi32, #tpu.memory_space<hbm>>) dst(%arg8 : memref<79x128xi32, #tpu.memory_space<vmem>>)
      tpu.yield
    }) : () -> ()
    "tpu.region"() ({
      %run_scoped3A = tpu.sem_alloc : memref<!tpu.dma_semaphore, #tpu.memory_space<semaphore_mem>>
      %dma_start3A = arith.constant 0 : i32
      %dma_start3A_60 = arith.constant 0 : i32
      %dma_start3A_61 = tpu.memref_slice %arg5[%add3A, %dma_start3A, %dma_start3A_60] : memref<32x79x128xf32, #tpu.memory_space<hbm>> -> memref<1x79x128xf32, #tpu.memory_space<hbm>>
      %dma_start3A_62 = tpu.memref_squeeze %dma_start3A_61 : memref<1x79x128xf32, #tpu.memory_space<hbm>> -> memref<79x128xf32, #tpu.memory_space<hbm>>
      %dma_start3A_63 = arith.constant 0 : i32
      %dma_start3A_64 = arith.constant 0 : i32
      %dma_start3A_65 = tpu.memref_slice %arg5[%add3A, %dma_start3A_63, %dma_start3A_64] : memref<32x79x128xf32, #tpu.memory_space<hbm>> -> memref<1x79x128xf32, #tpu.memory_space<hbm>>
      %dma_start3A_66 = tpu.memref_squeeze %dma_start3A_65 : memref<1x79x128xf32, #tpu.memory_space<hbm>> -> memref<79x128xf32, #tpu.memory_space<hbm>>
      tpu.enqueue_dma source(%dma_start3A_66 : memref<79x128xf32, #tpu.memory_space<hbm>>) target(%arg9 : memref<79x128xf32, #tpu.memory_space<vmem>>) target_semaphore(%run_scoped3A : memref<!tpu.dma_semaphore, #tpu.memory_space<semaphore_mem>>)
      %dma_wait3A = arith.constant 0 : i32
      %dma_wait3A_67 = arith.constant 0 : i32
      %dma_wait3A_68 = tpu.memref_slice %arg5[%add3A, %dma_wait3A, %dma_wait3A_67] : memref<32x79x128xf32, #tpu.memory_space<hbm>> -> memref<1x79x128xf32, #tpu.memory_space<hbm>>
      %dma_wait3A_69 = tpu.memref_squeeze %dma_wait3A_68 : memref<1x79x128xf32, #tpu.memory_space<hbm>> -> memref<79x128xf32, #tpu.memory_space<hbm>>
      %dma_wait3A_70 = arith.constant 0 : i32
      %dma_wait3A_71 = arith.constant 0 : i32
      %dma_wait3A_72 = tpu.memref_slice %arg5[%add3A, %dma_wait3A_70, %dma_wait3A_71] : memref<32x79x128xf32, #tpu.memory_space<hbm>> -> memref<1x79x128xf32, #tpu.memory_space<hbm>>
      %dma_wait3A_73 = tpu.memref_squeeze %dma_wait3A_72 : memref<1x79x128xf32, #tpu.memory_space<hbm>> -> memref<79x128xf32, #tpu.memory_space<hbm>>
      tpu.wait_dma2 semaphore(%run_scoped3A : memref<!tpu.dma_semaphore, #tpu.memory_space<semaphore_mem>>) src(%dma_wait3A_73 : memref<79x128xf32, #tpu.memory_space<hbm>>) dst(%arg9 : memref<79x128xf32, #tpu.memory_space<vmem>>)
      tpu.yield
    }) : () -> ()
    %broadcast_in_dim3A = arith.constant 0.000000e+00 : f32
    %broadcast_in_dim3A_1 = vector.broadcast %broadcast_in_dim3A : f32 to vector<16xf32>
    %scan3A = arith.constant 0 : i32
    %scan3A_2 = arith.constant 0 : i32
    %scan3A_3 = arith.constant 1024 : i32
    %scan3A_4 = arith.addi %scan3A_2, %scan3A_3 : i32
    %scan3A_5 = arith.constant 1 : i32
    %scan3A_6 = scf.for %scan3A_60 = %scan3A_2 to %scan3A_4 step %scan3A_5 iter_args(%scan3A_61 = %scan3A) -> (i32)  : i32 {
      %jit3A = arith.constant 8 : i32
      %div3A = arith.divsi %scan3A_60, %jit3A : i32
      %sign3A = arith.constant 0 : i32
      %sign3A_62 = arith.cmpi sgt, %scan3A_60, %sign3A : i32
      %sign3A_63 = arith.extui %sign3A_62 : i1 to i32
      %sign3A_64 = arith.constant 0 : i32
      %sign3A_65 = arith.cmpi slt, %scan3A_60, %sign3A_64 : i32
      %sign3A_66 = arith.extui %sign3A_65 : i1 to i32
      %sign3A_67 = arith.subi %sign3A_63, %sign3A_66 : i32
      %sign3A_68 = arith.constant 0 : i32
      %sign3A_69 = arith.cmpi sgt, %jit3A, %sign3A_68 : i32
      %sign3A_70 = arith.extui %sign3A_69 : i1 to i32
      %sign3A_71 = arith.constant 0 : i32
      %sign3A_72 = arith.cmpi slt, %jit3A, %sign3A_71 : i32
      %sign3A_73 = arith.extui %sign3A_72 : i1 to i32
      %sign3A_74 = arith.subi %sign3A_70, %sign3A_73 : i32
      %ne3A = arith.cmpi ne, %sign3A_67, %sign3A_74 : i32
      %rem3A = arith.remsi %scan3A_60, %jit3A : i32
      %ne3A_75 = arith.constant 0 : i32
      %ne3A_76 = arith.cmpi ne, %rem3A, %ne3A_75 : i32
      %and3A = arith.andi %ne3A, %ne3A_76 : i1
      %sub3A = arith.constant 1 : i32
      %sub3A_77 = arith.subi %div3A, %sub3A : i32
      %select_n3A = arith.select %and3A, %sub3A_77, %div3A : i32
      %jit3A_78 = arith.constant 8 : i32
      %eq3A = arith.constant 0 : i32
      %eq3A_79 = arith.cmpi eq, %jit3A_78, %eq3A : i32
      %jit3A_80 = arith.constant 1 : i32
      %select_n3A_81 = arith.select %eq3A_79, %jit3A_80, %jit3A_78 : i32
      %rem3A_82 = arith.remsi %scan3A_60, %select_n3A_81 : i32
      %ne3A_83 = arith.constant 0 : i32
      %ne3A_84 = arith.cmpi ne, %rem3A_82, %ne3A_83 : i32
      %lt3A = arith.constant 0 : i32
      %lt3A_85 = arith.cmpi slt, %rem3A_82, %lt3A : i32
      %lt3A_86 = arith.constant 0 : i32
      %lt3A_87 = arith.cmpi slt, %select_n3A_81, %lt3A_86 : i32
      %ne3A_88 = arith.xori %lt3A_85, %lt3A_87 : i1
      %and3A_89 = arith.andi %ne3A_88, %ne3A_84 : i1
      %add3A_90 = arith.addi %rem3A_82, %select_n3A_81 : i32
      %select_n3A_91 = arith.select %and3A_89, %add3A_90, %rem3A_82 : i32
      %mul3A_92 = arith.constant 16 : i32
      %mul3A_93 = arith.muli %select_n3A_91, %mul3A_92 : i32
      %swap3A = arith.index_cast %select_n3A : i32 to index
      %swap3A_94 = arith.index_cast %mul3A_93 : i32 to index
      %swap3A_95 = tpu.vector_load %arg10[%swap3A, %swap3A_94] {strides = array<i32>} : memref<128x128xf32, #tpu.memory_space<vmem>>, vector<16xf32>,
      tpu.vector_store %arg10[%swap3A, %swap3A_94], %broadcast_in_dim3A_1 {strides = array<i32>} : memref<128x128xf32, #tpu.memory_space<vmem>>, vector<16xf32>,
      %scan3A_96 = arith.constant 0 : i32
      scf.yield %scan3A_96 : i32
    }
    %scan3A_7 = arith.constant 1024 : i32
    %mul3A_8 = arith.constant 624 : i32
    %mul3A_9 = arith.muli %arg1, %mul3A_8 : i32
    %multiple_of3A = tpu.assume_multiple %mul3A_9, 8 : i32
    %add3A_10 = arith.constant 0 : i32
    %add3A_11 = arith.addi %multiple_of3A, %add3A_10 : i32
    "tpu.region"() ({
      %run_scoped3A = tpu.sem_alloc : memref<!tpu.dma_semaphore, #tpu.memory_space<semaphore_mem>>
      %dma_start3A = arith.constant 0 : i32
      %dma_start3A_60 = tpu.memref_slice %arg11[%add3A_11, %dma_start3A] : memref<10000x128xf32, #tpu.memory_space<vmem_shared>> -> memref<128x128xf32, #tpu.memory_space<vmem_shared>>
      %dma_start3A_61 = arith.constant 0 : i32
      %dma_start3A_62 = tpu.memref_slice %arg11[%add3A_11, %dma_start3A_61] : memref<10000x128xf32, #tpu.memory_space<vmem_shared>> -> memref<128x128xf32, #tpu.memory_space<vmem_shared>>
      tpu.enqueue_dma source(%arg10 : memref<128x128xf32, #tpu.memory_space<vmem>>) target(%dma_start3A_62 : memref<128x128xf32, #tpu.memory_space<vmem_shared>>) target_semaphore(%run_scoped3A : memref<!tpu.dma_semaphore, #tpu.memory_space<semaphore_mem>>)
      %dma_wait3A = arith.constant 0 : i32
      %dma_wait3A_63 = tpu.memref_slice %arg11[%add3A_11, %dma_wait3A] : memref<10000x128xf32, #tpu.memory_space<vmem_shared>> -> memref<128x128xf32, #tpu.memory_space<vmem_shared>>
      %dma_wait3A_64 = arith.constant 0 : i32
      %dma_wait3A_65 = tpu.memref_slice %arg11[%add3A_11, %dma_wait3A_64] : memref<10000x128xf32, #tpu.memory_space<vmem_shared>> -> memref<128x128xf32, #tpu.memory_space<vmem_shared>>
      tpu.wait_dma2 semaphore(%run_scoped3A : memref<!tpu.dma_semaphore, #tpu.memory_space<semaphore_mem>>) src(%arg10 : memref<128x128xf32, #tpu.memory_space<vmem>>) dst(%dma_wait3A_65 : memref<128x128xf32, #tpu.memory_space<vmem_shared>>)
      tpu.yield
    }) : () -> ()
    %add3A_12 = arith.constant 128 : i32
    %add3A_13 = arith.addi %multiple_of3A, %add3A_12 : i32
    "tpu.region"() ({
      %run_scoped3A = tpu.sem_alloc : memref<!tpu.dma_semaphore, #tpu.memory_space<semaphore_mem>>
      %dma_start3A = arith.constant 0 : i32
      %dma_start3A_60 = tpu.memref_slice %arg11[%add3A_13, %dma_start3A] : memref<10000x128xf32, #tpu.memory_space<vmem_shared>> -> memref<128x128xf32, #tpu.memory_space<vmem_shared>>
      %dma_start3A_61 = arith.constant 0 : i32
      %dma_start3A_62 = tpu.memref_slice %arg11[%add3A_13, %dma_start3A_61] : memref<10000x128xf32, #tpu.memory_space<vmem_shared>> -> memref<128x128xf32, #tpu.memory_space<vmem_shared>>
      tpu.enqueue_dma source(%arg10 : memref<128x128xf32, #tpu.memory_space<vmem>>) target(%dma_start3A_62 : memref<128x128xf32, #tpu.memory_space<vmem_shared>>) target_semaphore(%run_scoped3A : memref<!tpu.dma_semaphore, #tpu.memory_space<semaphore_mem>>)
      %dma_wait3A = arith.constant 0 : i32
      %dma_wait3A_63 = tpu.memref_slice %arg11[%add3A_13, %dma_wait3A] : memref<10000x128xf32, #tpu.memory_space<vmem_shared>> -> memref<128x128xf32, #tpu.memory_space<vmem_shared>>
      %dma_wait3A_64 = arith.constant 0 : i32
      %dma_wait3A_65 = tpu.memref_slice %arg11[%add3A_13, %dma_wait3A_64] : memref<10000x128xf32, #tpu.memory_space<vmem_shared>> -> memref<128x128xf32, #tpu.memory_space<vmem_shared>>
      tpu.wait_dma2 semaphore(%run_scoped3A : memref<!tpu.dma_semaphore, #tpu.memory_space<semaphore_mem>>) src(%arg10 : memref<128x128xf32, #tpu.memory_space<vmem>>) dst(%dma_wait3A_65 : memref<128x128xf32, #tpu.memory_space<vmem_shared>>)
      tpu.yield
    }) : () -> ()
    %add3A_14 = arith.constant 256 : i32
    %add3A_15 = arith.addi %multiple_of3A, %add3A_14 : i32
    "tpu.region"() ({
      %run_scoped3A = tpu.sem_alloc : memref<!tpu.dma_semaphore, #tpu.memory_space<semaphore_mem>>
      %dma_start3A = arith.constant 0 : i32
      %dma_start3A_60 = tpu.memref_slice %arg11[%add3A_15, %dma_start3A] : memref<10000x128xf32, #tpu.memory_space<vmem_shared>> -> memref<128x128xf32, #tpu.memory_space<vmem_shared>>
      %dma_start3A_61 = arith.constant 0 : i32
      %dma_start3A_62 = tpu.memref_slice %arg11[%add3A_15, %dma_start3A_61] : memref<10000x128xf32, #tpu.memory_space<vmem_shared>> -> memref<128x128xf32, #tpu.memory_space<vmem_shared>>
      tpu.enqueue_dma source(%arg10 : memref<128x128xf32, #tpu.memory_space<vmem>>) target(%dma_start3A_62 : memref<128x128xf32, #tpu.memory_space<vmem_shared>>) target_semaphore(%run_scoped3A : memref<!tpu.dma_semaphore, #tpu.memory_space<semaphore_mem>>)
      %dma_wait3A = arith.constant 0 : i32
      %dma_wait3A_63 = tpu.memref_slice %arg11[%add3A_15, %dma_wait3A] : memref<10000x128xf32, #tpu.memory_space<vmem_shared>> -> memref<128x128xf32, #tpu.memory_space<vmem_shared>>
      %dma_wait3A_64 = arith.constant 0 : i32
      %dma_wait3A_65 = tpu.memref_slice %arg11[%add3A_15, %dma_wait3A_64] : memref<10000x128xf32, #tpu.memory_space<vmem_shared>> -> memref<128x128xf32, #tpu.memory_space<vmem_shared>>
      tpu.wait_dma2 semaphore(%run_scoped3A : memref<!tpu.dma_semaphore, #tpu.memory_space<semaphore_mem>>) src(%arg10 : memref<128x128xf32, #tpu.memory_space<vmem>>) dst(%dma_wait3A_65 : memref<128x128xf32, #tpu.memory_space<vmem_shared>>)
      tpu.yield
    }) : () -> ()
    %add3A_16 = arith.constant 384 : i32
    %add3A_17 = arith.addi %multiple_of3A, %add3A_16 : i32
    "tpu.region"() ({
      %run_scoped3A = tpu.sem_alloc : memref<!tpu.dma_semaphore, #tpu.memory_space<semaphore_mem>>
      %dma_start3A = arith.constant 0 : i32
      %dma_start3A_60 = tpu.memref_slice %arg11[%add3A_17, %dma_start3A] : memref<10000x128xf32, #tpu.memory_space<vmem_shared>> -> memref<128x128xf32, #tpu.memory_space<vmem_shared>>
      %dma_start3A_61 = arith.constant 0 : i32
      %dma_start3A_62 = tpu.memref_slice %arg11[%add3A_17, %dma_start3A_61] : memref<10000x128xf32, #tpu.memory_space<vmem_shared>> -> memref<128x128xf32, #tpu.memory_space<vmem_shared>>
      tpu.enqueue_dma source(%arg10 : memref<128x128xf32, #tpu.memory_space<vmem>>) target(%dma_start3A_62 : memref<128x128xf32, #tpu.memory_space<vmem_shared>>) target_semaphore(%run_scoped3A : memref<!tpu.dma_semaphore, #tpu.memory_space<semaphore_mem>>)
      %dma_wait3A = arith.constant 0 : i32
      %dma_wait3A_63 = tpu.memref_slice %arg11[%add3A_17, %dma_wait3A] : memref<10000x128xf32, #tpu.memory_space<vmem_shared>> -> memref<128x128xf32, #tpu.memory_space<vmem_shared>>
      %dma_wait3A_64 = arith.constant 0 : i32
      %dma_wait3A_65 = tpu.memref_slice %arg11[%add3A_17, %dma_wait3A_64] : memref<10000x128xf32, #tpu.memory_space<vmem_shared>> -> memref<128x128xf32, #tpu.memory_space<vmem_shared>>
      tpu.wait_dma2 semaphore(%run_scoped3A : memref<!tpu.dma_semaphore, #tpu.memory_space<semaphore_mem>>) src(%arg10 : memref<128x128xf32, #tpu.memory_space<vmem>>) dst(%dma_wait3A_65 : memref<128x128xf32, #tpu.memory_space<vmem_shared>>)
      tpu.yield
    }) : () -> ()
    %add3A_18 = arith.constant 512 : i32
    %add3A_19 = arith.addi %multiple_of3A, %add3A_18 : i32
    "tpu.region"() ({
      %run_scoped3A = tpu.sem_alloc : memref<!tpu.dma_semaphore, #tpu.memory_space<semaphore_mem>>
      %dma_start3A = arith.constant 0 : i32
      %dma_start3A_60 = tpu.memref_slice %arg11[%add3A_19, %dma_start3A] : memref<10000x128xf32, #tpu.memory_space<vmem_shared>> -> memref<128x128xf32, #tpu.memory_space<vmem_shared>>
      %dma_start3A_61 = arith.constant 0 : i32
      %dma_start3A_62 = tpu.memref_slice %arg11[%add3A_19, %dma_start3A_61] : memref<10000x128xf32, #tpu.memory_space<vmem_shared>> -> memref<128x128xf32, #tpu.memory_space<vmem_shared>>
      tpu.enqueue_dma source(%arg10 : memref<128x128xf32, #tpu.memory_space<vmem>>) target(%dma_start3A_62 : memref<128x128xf32, #tpu.memory_space<vmem_shared>>) target_semaphore(%run_scoped3A : memref<!tpu.dma_semaphore, #tpu.memory_space<semaphore_mem>>)
      %dma_wait3A = arith.constant 0 : i32
      %dma_wait3A_63 = tpu.memref_slice %arg11[%add3A_19, %dma_wait3A] : memref<10000x128xf32, #tpu.memory_space<vmem_shared>> -> memref<128x128xf32, #tpu.memory_space<vmem_shared>>
      %dma_wait3A_64 = arith.constant 0 : i32
      %dma_wait3A_65 = tpu.memref_slice %arg11[%add3A_19, %dma_wait3A_64] : memref<10000x128xf32, #tpu.memory_space<vmem_shared>> -> memref<128x128xf32, #tpu.memory_space<vmem_shared>>
      tpu.wait_dma2 semaphore(%run_scoped3A : memref<!tpu.dma_semaphore, #tpu.memory_space<semaphore_mem>>) src(%arg10 : memref<128x128xf32, #tpu.memory_space<vmem>>) dst(%dma_wait3A_65 : memref<128x128xf32, #tpu.memory_space<vmem_shared>>)
      tpu.yield
    }) : () -> ()
    %barrier3A = arith.constant 0 : index
    tpu.barrier barrier_id(%barrier3A)
    %broadcast_in_dim3A_20 = arith.constant 0 : i32
    %broadcast_in_dim3A_21 = vector.broadcast %broadcast_in_dim3A_20 : i32 to vector<16xi32>
    %broadcast_in_dim3A_22 = arith.constant 1 : i32
    %broadcast_in_dim3A_23 = vector.broadcast %broadcast_in_dim3A_22 : i32 to vector<16xi32>
    %broadcast_in_dim3A_24 = arith.constant 2 : i32
    %broadcast_in_dim3A_25 = vector.broadcast %broadcast_in_dim3A_24 : i32 to vector<16xi32>
    %broadcast_in_dim3A_26 = arith.constant 3 : i32
    %broadcast_in_dim3A_27 = vector.broadcast %broadcast_in_dim3A_26 : i32 to vector<16xi32>
    %broadcast_in_dim3A_28 = arith.constant 4 : i32
    %broadcast_in_dim3A_29 = vector.broadcast %broadcast_in_dim3A_28 : i32 to vector<16xi32>
    %broadcast_in_dim3A_30 = arith.constant 5 : i32
    %broadcast_in_dim3A_31 = vector.broadcast %broadcast_in_dim3A_30 : i32 to vector<16xi32>
    %broadcast_in_dim3A_32 = arith.constant 6 : i32
    %broadcast_in_dim3A_33 = vector.broadcast %broadcast_in_dim3A_32 : i32 to vector<16xi32>
    %broadcast_in_dim3A_34 = arith.constant 7 : i32
    %broadcast_in_dim3A_35 = vector.broadcast %broadcast_in_dim3A_34 : i32 to vector<16xi32>
    %broadcast_in_dim3A_36 = arith.constant 8 : i32
    %broadcast_in_dim3A_37 = vector.broadcast %broadcast_in_dim3A_36 : i32 to vector<16xi32>
    %broadcast_in_dim3A_38 = arith.constant 9 : i32
    %broadcast_in_dim3A_39 = vector.broadcast %broadcast_in_dim3A_38 : i32 to vector<16xi32>
    %broadcast_in_dim3A_40 = arith.constant 10 : i32
    %broadcast_in_dim3A_41 = vector.broadcast %broadcast_in_dim3A_40 : i32 to vector<16xi32>
    %broadcast_in_dim3A_42 = arith.constant 11 : i32
    %broadcast_in_dim3A_43 = vector.broadcast %broadcast_in_dim3A_42 : i32 to vector<16xi32>
    %broadcast_in_dim3A_44 = arith.constant 12 : i32
    %broadcast_in_dim3A_45 = vector.broadcast %broadcast_in_dim3A_44 : i32 to vector<16xi32>
    %broadcast_in_dim3A_46 = arith.constant 13 : i32
    %broadcast_in_dim3A_47 = vector.broadcast %broadcast_in_dim3A_46 : i32 to vector<16xi32>
    %broadcast_in_dim3A_48 = arith.constant 14 : i32
    %broadcast_in_dim3A_49 = vector.broadcast %broadcast_in_dim3A_48 : i32 to vector<16xi32>
    %broadcast_in_dim3A_50 = arith.constant 15 : i32
    %broadcast_in_dim3A_51 = vector.broadcast %broadcast_in_dim3A_50 : i32 to vector<16xi32>
    %scan3A_52 = arith.constant 0 : i32
    %scan3A_53 = arith.constant 0 : i32
    %scan3A_54 = arith.constant 79 : i32
    %scan3A_55 = arith.addi %scan3A_53, %scan3A_54 : i32
    %scan3A_56 = arith.constant 1 : i32
    %scan3A_57 = scf.for %scan3A_60 = %scan3A_53 to %scan3A_55 step %scan3A_56 iter_args(%scan3A_61 = %scan3A_52) -> (i32)  : i32 {
      "tpu.region"() ({
        %run_scoped3A = tpu.sem_alloc : memref<!tpu.dma_semaphore, #tpu.memory_space<semaphore_mem>>
        %dma_start3A = arith.constant 0 : i32
        %dma_start3A_70 = tpu.memref_slice %arg7[%scan3A_60, %dma_start3A] : memref<79x128xi32, #tpu.memory_space<vmem>> -> memref<1x128xi32, #tpu.memory_space<vmem>>
        %dma_start3A_71 = tpu.memref_squeeze %dma_start3A_70 : memref<1x128xi32, #tpu.memory_space<vmem>> -> memref<128xi32, #tpu.memory_space<vmem>>
        %dma_start3A_72 = arith.constant 0 : i32
        %dma_start3A_73 = arith.constant 0 : i32
        %dma_start3A_74 = tpu.memref_slice %arg2[%dma_start3A_72, %dma_start3A_73] : memref<10000x128xf32, #tpu.memory_space<hbm>> -> memref<10000x128xf32, #tpu.memory_space<hbm>>
        tpu.enqueue_indirect_dma source(%dma_start3A_74 : memref<10000x128xf32, #tpu.memory_space<hbm>>) target(%arg10 : memref<128x128xf32, #tpu.memory_space<vmem>>) offsets(%dma_start3A_71 : memref<128xi32, #tpu.memory_space<vmem>>) semaphore(%run_scoped3A : memref<!tpu.dma_semaphore, #tpu.memory_space<semaphore_mem>>)
        %dma_wait3A = arith.constant 0 : i32
        %dma_wait3A_75 = tpu.memref_slice %arg7[%scan3A_60, %dma_wait3A] : memref<79x128xi32, #tpu.memory_space<vmem>> -> memref<1x128xi32, #tpu.memory_space<vmem>>
        %dma_wait3A_76 = tpu.memref_squeeze %dma_wait3A_75 : memref<1x128xi32, #tpu.memory_space<vmem>> -> memref<128xi32, #tpu.memory_space<vmem>>
        %dma_wait3A_77 = arith.constant 0 : i32
        %dma_wait3A_78 = arith.constant 0 : i32
        %dma_wait3A_79 = tpu.memref_slice %arg2[%dma_wait3A_77, %dma_wait3A_78] : memref<10000x128xf32, #tpu.memory_space<hbm>> -> memref<10000x128xf32, #tpu.memory_space<hbm>>
        tpu.wait_indirect_dma semaphore(%run_scoped3A : memref<!tpu.dma_semaphore, #tpu.memory_space<semaphore_mem>>) src(%dma_wait3A_79 : memref<10000x128xf32, #tpu.memory_space<hbm>>) dst(%arg10 : memref<128x128xf32, #tpu.memory_space<vmem>>)
        tpu.yield
      }) : () -> ()
      %scan3A_62 = arith.constant 0 : i32
      %scan3A_63 = arith.constant 0 : i32
      %scan3A_64 = arith.constant 8 : i32
      %scan3A_65 = arith.addi %scan3A_63, %scan3A_64 : i32
      %scan3A_66 = arith.constant 1 : i32
      %scan3A_67 = scf.for %scan3A_70 = %scan3A_63 to %scan3A_65 step %scan3A_66 iter_args(%scan3A_71 = %scan3A_62) -> (i32)  : i32 {
        %mul3A_72 = arith.constant 16 : i32
        %mul3A_73 = arith.muli %scan3A_70, %mul3A_72 : i32
        %get3A = arith.index_cast %scan3A_60 : i32 to index
        %get3A_74 = arith.index_cast %mul3A_73 : i32 to index
        %get3A_75 = tpu.vector_load %arg9[%get3A, %get3A_74] {strides = array<i32>} : memref<79x128xf32, #tpu.memory_space<vmem>>, vector<16xf32>,
        %lt3A = arith.constant 0 : i32
        %lt3A_76 = vector.broadcast %lt3A : i32 to vector<16xi32>
        %lt3A_77 = arith.cmpi slt, %broadcast_in_dim3A_21, %lt3A_76 : vector<16xi32>
        %add3A_78 = arith.constant 16 : i32
        %add3A_79 = vector.broadcast %add3A_78 : i32 to vector<16xi32>
        %add3A_80 = arith.addi %broadcast_in_dim3A_21, %add3A_79 : vector<16xi32>
        %select_n3A = arith.select %lt3A_77, %add3A_80, %broadcast_in_dim3A_21 : vector<16xi1>, vector<16xi32>
        %reshape3A = vector.shape_cast %select_n3A : vector<16xi32> to vector<16x1xi32>
        %gather3A = vector.shape_cast %reshape3A : vector<16x1xi32> to vector<16xi32>
        %gather3A_81 = tpu.dynamic_gather %get3A_75[%gather3A] in [0] : vector<16xf32>, vector<16xi32> -> vector<16xf32>
        %mul3A_82 = arith.constant 16 : i32
        %mul3A_83 = arith.muli %scan3A_70, %mul3A_82 : i32
        %add3A_84 = arith.constant 0 : i32
        %add3A_85 = arith.addi %mul3A_83, %add3A_84 : i32
        %get3A_86 = arith.index_cast %add3A_85 : i32 to index
        %get3A_87 = arith.constant 0 : index
        %get3A_88 = tpu.vector_load %arg10[%get3A_86, %get3A_87] {strides = array<i32>} : memref<128x128xf32, #tpu.memory_space<vmem>>, vector<16xf32>,
        %mul3A_89 = arith.mulf %get3A_88, %gather3A_81 : vector<16xf32>
        %swap3A = arith.index_cast %add3A_85 : i32 to index
        %swap3A_90 = arith.constant 0 : index
        %swap3A_91 = tpu.vector_load %arg10[%swap3A, %swap3A_90] {strides = array<i32>} : memref<128x128xf32, #tpu.memory_space<vmem>>, vector<16xf32>,
        tpu.vector_store %arg10[%swap3A, %swap3A_90], %mul3A_89 {strides = array<i32>} : memref<128x128xf32, #tpu.memory_space<vmem>>, vector<16xf32>,
        %get3A_92 = arith.index_cast %add3A_85 : i32 to index
        %get3A_93 = arith.constant 16 : index
        %get3A_94 = tpu.vector_load %arg10[%get3A_92, %get3A_93] {strides = array<i32>} : memref<128x128xf32, #tpu.memory_space<vmem>>, vector<16xf32>,
        %mul3A_95 = arith.mulf %get3A_94, %gather3A_81 : vector<16xf32>
        %swap3A_96 = arith.index_cast %add3A_85 : i32 to index
        %swap3A_97 = arith.constant 16 : index
        %swap3A_98 = tpu.vector_load %arg10[%swap3A_96, %swap3A_97] {strides = array<i32>} : memref<128x128xf32, #tpu.memory_space<vmem>>, vector<16xf32>,
        tpu.vector_store %arg10[%swap3A_96, %swap3A_97], %mul3A_95 {strides = array<i32>} : memref<128x128xf32, #tpu.memory_space<vmem>>, vector<16xf32>,
        %get3A_99 = arith.index_cast %add3A_85 : i32 to index
        %get3A_100 = arith.constant 32 : index
        %get3A_101 = tpu.vector_load %arg10[%get3A_99, %get3A_100] {strides = array<i32>} : memref<128x128xf32, #tpu.memory_space<vmem>>, vector<16xf32>,
        %mul3A_102 = arith.mulf %get3A_101, %gather3A_81 : vector<16xf32>
        %swap3A_103 = arith.index_cast %add3A_85 : i32 to index
        %swap3A_104 = arith.constant 32 : index
        %swap3A_105 = tpu.vector_load %arg10[%swap3A_103, %swap3A_104] {strides = array<i32>} : memref<128x128xf32, #tpu.memory_space<vmem>>, vector<16xf32>,
        tpu.vector_store %arg10[%swap3A_103, %swap3A_104], %mul3A_102 {strides = array<i32>} : memref<128x128xf32, #tpu.memory_space<vmem>>, vector<16xf32>,
        %get3A_106 = arith.index_cast %add3A_85 : i32 to index
        %get3A_107 = arith.constant 48 : index
        %get3A_108 = tpu.vector_load %arg10[%get3A_106, %get3A_107] {strides = array<i32>} : memref<128x128xf32, #tpu.memory_space<vmem>>, vector<16xf32>,
        %mul3A_109 = arith.mulf %get3A_108, %gather3A_81 : vector<16xf32>
        %swap3A_110 = arith.index_cast %add3A_85 : i32 to index
        %swap3A_111 = arith.constant 48 : index
        %swap3A_112 = tpu.vector_load %arg10[%swap3A_110, %swap3A_111] {strides = array<i32>} : memref<128x128xf32, #tpu.memory_space<vmem>>, vector<16xf32>,
        tpu.vector_store %arg10[%swap3A_110, %swap3A_111], %mul3A_109 {strides = array<i32>} : memref<128x128xf32, #tpu.memory_space<vmem>>, vector<16xf32>,
        %get3A_113 = arith.index_cast %add3A_85 : i32 to index
        %get3A_114 = arith.constant 64 : index
        %get3A_115 = tpu.vector_load %arg10[%get3A_113, %get3A_114] {strides = array<i32>} : memref<128x128xf32, #tpu.memory_space<vmem>>, vector<16xf32>,
        %mul3A_116 = arith.mulf %get3A_115, %gather3A_81 : vector<16xf32>
        %swap3A_117 = arith.index_cast %add3A_85 : i32 to index
        %swap3A_118 = arith.constant 64 : index
        %swap3A_119 = tpu.vector_load %arg10[%swap3A_117, %swap3A_118] {strides = array<i32>} : memref<128x128xf32, #tpu.memory_space<vmem>>, vector<16xf32>,
        tpu.vector_store %arg10[%swap3A_117, %swap3A_118], %mul3A_116 {strides = array<i32>} : memref<128x128xf32, #tpu.memory_space<vmem>>, vector<16xf32>,
        %get3A_120 = arith.index_cast %add3A_85 : i32 to index
        %get3A_121 = arith.constant 80 : index
        %get3A_122 = tpu.vector_load %arg10[%get3A_120, %get3A_121] {strides = array<i32>} : memref<128x128xf32, #tpu.memory_space<vmem>>, vector<16xf32>,
        %mul3A_123 = arith.mulf %get3A_122, %gather3A_81 : vector<16xf32>
        %swap3A_124 = arith.index_cast %add3A_85 : i32 to index
        %swap3A_125 = arith.constant 80 : index
        %swap3A_126 = tpu.vector_load %arg10[%swap3A_124, %swap3A_125] {strides = array<i32>} : memref<128x128xf32, #tpu.memory_space<vmem>>, vector<16xf32>,
        tpu.vector_store %arg10[%swap3A_124, %swap3A_125], %mul3A_123 {strides = array<i32>} : memref<128x128xf32, #tpu.memory_space<vmem>>, vector<16xf32>,
        %get3A_127 = arith.index_cast %add3A_85 : i32 to index
        %get3A_128 = arith.constant 96 : index
        %get3A_129 = tpu.vector_load %arg10[%get3A_127, %get3A_128] {strides = array<i32>} : memref<128x128xf32, #tpu.memory_space<vmem>>, vector<16xf32>,
        %mul3A_130 = arith.mulf %get3A_129, %gather3A_81 : vector<16xf32>
        %swap3A_131 = arith.index_cast %add3A_85 : i32 to index
        %swap3A_132 = arith.constant 96 : index
        %swap3A_133 = tpu.vector_load %arg10[%swap3A_131, %swap3A_132] {strides = array<i32>} : memref<128x128xf32, #tpu.memory_space<vmem>>, vector<16xf32>,
        tpu.vector_store %arg10[%swap3A_131, %swap3A_132], %mul3A_130 {strides = array<i32>} : memref<128x128xf32, #tpu.memory_space<vmem>>, vector<16xf32>,
        %get3A_134 = arith.index_cast %add3A_85 : i32 to index
        %get3A_135 = arith.constant 112 : index
        %get3A_136 = tpu.vector_load %arg10[%get3A_134, %get3A_135] {strides = array<i32>} : memref<128x128xf32, #tpu.memory_space<vmem>>, vector<16xf32>,
        %mul3A_137 = arith.mulf %get3A_136, %gather3A_81 : vector<16xf32>
        %swap3A_138 = arith.index_cast %add3A_85 : i32 to index
        %swap3A_139 = arith.constant 112 : index
        %swap3A_140 = tpu.vector_load %arg10[%swap3A_138, %swap3A_139] {strides = array<i32>} : memref<128x128xf32, #tpu.memory_space<vmem>>, vector<16xf32>,
        tpu.vector_store %arg10[%swap3A_138, %swap3A_139], %mul3A_137 {strides = array<i32>} : memref<128x128xf32, #tpu.memory_space<vmem>>, vector<16xf32>,
        %lt3A_141 = arith.constant 0 : i32
        %lt3A_142 = vector.broadcast %lt3A_141 : i32 to vector<16xi32>
        %lt3A_143 = arith.cmpi slt, %broadcast_in_dim3A_23, %lt3A_142 : vector<16xi32>
        %add3A_144 = arith.constant 16 : i32
        %add3A_145 = vector.broadcast %add3A_144 : i32 to vector<16xi32>
        %add3A_146 = arith.addi %broadcast_in_dim3A_23, %add3A_145 : vector<16xi32>
        %select_n3A_147 = arith.select %lt3A_143, %add3A_146, %broadcast_in_dim3A_23 : vector<16xi1>, vector<16xi32>
        %reshape3A_148 = vector.shape_cast %select_n3A_147 : vector<16xi32> to vector<16x1xi32>
        %gather3A_149 = vector.shape_cast %reshape3A_148 : vector<16x1xi32> to vector<16xi32>
        %gather3A_150 = tpu.dynamic_gather %get3A_75[%gather3A_149] in [0] : vector<16xf32>, vector<16xi32> -> vector<16xf32>
        %mul3A_151 = arith.constant 16 : i32
        %mul3A_152 = arith.muli %scan3A_70, %mul3A_151 : i32
        %add3A_153 = arith.constant 1 : i32
        %add3A_154 = arith.addi %mul3A_152, %add3A_153 : i32
        %get3A_155 = arith.index_cast %add3A_154 : i32 to index
        %get3A_156 = arith.constant 0 : index
        %get3A_157 = tpu.vector_load %arg10[%get3A_155, %get3A_156] {strides = array<i32>} : memref<128x128xf32, #tpu.memory_space<vmem>>, vector<16xf32>,
        %mul3A_158 = arith.mulf %get3A_157, %gather3A_150 : vector<16xf32>
        %swap3A_159 = arith.index_cast %add3A_154 : i32 to index
        %swap3A_160 = arith.constant 0 : index
        %swap3A_161 = tpu.vector_load %arg10[%swap3A_159, %swap3A_160] {strides = array<i32>} : memref<128x128xf32, #tpu.memory_space<vmem>>, vector<16xf32>,
        tpu.vector_store %arg10[%swap3A_159, %swap3A_160], %mul3A_158 {strides = array<i32>} : memref<128x128xf32, #tpu.memory_space<vmem>>, vector<16xf32>,
        %get3A_162 = arith.index_cast %add3A_154 : i32 to index
        %get3A_163 = arith.constant 16 : index
        %get3A_164 = tpu.vector_load %arg10[%get3A_162, %get3A_163] {strides = array<i32>} : memref<128x128xf32, #tpu.memory_space<vmem>>, vector<16xf32>,
        %mul3A_165 = arith.mulf %get3A_164, %gather3A_150 : vector<16xf32>
        %swap3A_166 = arith.index_cast %add3A_154 : i32 to index
        %swap3A_167 = arith.constant 16 : index
        %swap3A_168 = tpu.vector_load %arg10[%swap3A_166, %swap3A_167] {strides = array<i32>} : memref<128x128xf32, #tpu.memory_space<vmem>>, vector<16xf32>,
        tpu.vector_store %arg10[%swap3A_166, %swap3A_167], %mul3A_165 {strides = array<i32>} : memref<128x128xf32, #tpu.memory_space<vmem>>, vector<16xf32>,
        %get3A_169 = arith.index_cast %add3A_154 : i32 to index
        %get3A_170 = arith.constant 32 : index
        %get3A_171 = tpu.vector_load %arg10[%get3A_169, %get3A_170] {strides = array<i32>} : memref<128x128xf32, #tpu.memory_space<vmem>>, vector<16xf32>,
        %mul3A_172 = arith.mulf %get3A_171, %gather3A_150 : vector<16xf32>
        %swap3A_173 = arith.index_cast %add3A_154 : i32 to index
        %swap3A_174 = arith.constant 32 : index
        %swap3A_175 = tpu.vector_load %arg10[%swap3A_173, %swap3A_174] {strides = array<i32>} : memref<128x128xf32, #tpu.memory_space<vmem>>, vector<16xf32>,
        tpu.vector_store %arg10[%swap3A_173, %swap3A_174], %mul3A_172 {strides = array<i32>} : memref<128x128xf32, #tpu.memory_space<vmem>>, vector<16xf32>,
        %get3A_176 = arith.index_cast %add3A_154 : i32 to index
        %get3A_177 = arith.constant 48 : index
        %get3A_178 = tpu.vector_load %arg10[%get3A_176, %get3A_177] {strides = array<i32>} : memref<128x128xf32, #tpu.memory_space<vmem>>, vector<16xf32>,
        %mul3A_179 = arith.mulf %get3A_178, %gather3A_150 : vector<16xf32>
        %swap3A_180 = arith.index_cast %add3A_154 : i32 to index
        %swap3A_181 = arith.constant 48 : index
        %swap3A_182 = tpu.vector_load %arg10[%swap3A_180, %swap3A_181] {strides = array<i32>} : memref<128x128xf32, #tpu.memory_space<vmem>>, vector<16xf32>,
        tpu.vector_store %arg10[%swap3A_180, %swap3A_181], %mul3A_179 {strides = array<i32>} : memref<128x128xf32, #tpu.memory_space<vmem>>, vector<16xf32>,
        %get3A_183 = arith.index_cast %add3A_154 : i32 to index
        %get3A_184 = arith.constant 64 : index
        %get3A_185 = tpu.vector_load %arg10[%get3A_183, %get3A_184] {strides = array<i32>} : memref<128x128xf32, #tpu.memory_space<vmem>>, vector<16xf32>,
        %mul3A_186 = arith.mulf %get3A_185, %gather3A_150 : vector<16xf32>
        %swap3A_187 = arith.index_cast %add3A_154 : i32 to index
        %swap3A_188 = arith.constant 64 : index
        %swap3A_189 = tpu.vector_load %arg10[%swap3A_187, %swap3A_188] {strides = array<i32>} : memref<128x128xf32, #tpu.memory_space<vmem>>, vector<16xf32>,
        tpu.vector_store %arg10[%swap3A_187, %swap3A_188], %mul3A_186 {strides = array<i32>} : memref<128x128xf32, #tpu.memory_space<vmem>>, vector<16xf32>,
        %get3A_190 = arith.index_cast %add3A_154 : i32 to index
        %get3A_191 = arith.constant 80 : index
        %get3A_192 = tpu.vector_load %arg10[%get3A_190, %get3A_191] {strides = array<i32>} : memref<128x128xf32, #tpu.memory_space<vmem>>, vector<16xf32>,
        %mul3A_193 = arith.mulf %get3A_192, %gather3A_150 : vector<16xf32>
        %swap3A_194 = arith.index_cast %add3A_154 : i32 to index
        %swap3A_195 = arith.constant 80 : index
        %swap3A_196 = tpu.vector_load %arg10[%swap3A_194, %swap3A_195] {strides = array<i32>} : memref<128x128xf32, #tpu.memory_space<vmem>>, vector<16xf32>,
        tpu.vector_store %arg10[%swap3A_194, %swap3A_195], %mul3A_193 {strides = array<i32>} : memref<128x128xf32, #tpu.memory_space<vmem>>, vector<16xf32>,
        %get3A_197 = arith.index_cast %add3A_154 : i32 to index
        %get3A_198 = arith.constant 96 : index
        %get3A_199 = tpu.vector_load %arg10[%get3A_197, %get3A_198] {strides = array<i32>} : memref<128x128xf32, #tpu.memory_space<vmem>>, vector<16xf32>,
        %mul3A_200 = arith.mulf %get3A_199, %gather3A_150 : vector<16xf32>
        %swap3A_201 = arith.index_cast %add3A_154 : i32 to index
        %swap3A_202 = arith.constant 96 : index
        %swap3A_203 = tpu.vector_load %arg10[%swap3A_201, %swap3A_202] {strides = array<i32>} : memref<128x128xf32, #tpu.memory_space<vmem>>, vector<16xf32>,
        tpu.vector_store %arg10[%swap3A_201, %swap3A_202], %mul3A_200 {strides = array<i32>} : memref<128x128xf32, #tpu.memory_space<vmem>>, vector<16xf32>,
        %get3A_204 = arith.index_cast %add3A_154 : i32 to index
        %get3A_205 = arith.constant 112 : index
        %get3A_206 = tpu.vector_load %arg10[%get3A_204, %get3A_205] {strides = array<i32>} : memref<128x128xf32, #tpu.memory_space<vmem>>, vector<16xf32>,
        %mul3A_207 = arith.mulf %get3A_206, %gather3A_150 : vector<16xf32>
        %swap3A_208 = arith.index_cast %add3A_154 : i32 to index
        %swap3A_209 = arith.constant 112 : index
        %swap3A_210 = tpu.vector_load %arg10[%swap3A_208, %swap3A_209] {strides = array<i32>} : memref<128x128xf32, #tpu.memory_space<vmem>>, vector<16xf32>,
        tpu.vector_store %arg10[%swap3A_208, %swap3A_209], %mul3A_207 {strides = array<i32>} : memref<128x128xf32, #tpu.memory_space<vmem>>, vector<16xf32>,
        %lt3A_211 = arith.constant 0 : i32
        %lt3A_212 = vector.broadcast %lt3A_211 : i32 to vector<16xi32>
        %lt3A_213 = arith.cmpi slt, %broadcast_in_dim3A_25, %lt3A_212 : vector<16xi32>
        %add3A_214 = arith.constant 16 : i32
        %add3A_215 = vector.broadcast %add3A_214 : i32 to vector<16xi32>
        %add3A_216 = arith.addi %broadcast_in_dim3A_25, %add3A_215 : vector<16xi32>
        %select_n3A_217 = arith.select %lt3A_213, %add3A_216, %broadcast_in_dim3A_25 : vector<16xi1>, vector<16xi32>
        %reshape3A_218 = vector.shape_cast %select_n3A_217 : vector<16xi32> to vector<16x1xi32>
        %gather3A_219 = vector.shape_cast %reshape3A_218 : vector<16x1xi32> to vector<16xi32>
        %gather3A_220 = tpu.dynamic_gather %get3A_75[%gather3A_219] in [0] : vector<16xf32>, vector<16xi32> -> vector<16xf32>
        %mul3A_221 = arith.constant 16 : i32
        %mul3A_222 = arith.muli %scan3A_70, %mul3A_221 : i32
        %add3A_223 = arith.constant 2 : i32
        %add3A_224 = arith.addi %mul3A_222, %add3A_223 : i32
        %get3A_225 = arith.index_cast %add3A_224 : i32 to index
        %get3A_226 = arith.constant 0 : index
        %get3A_227 = tpu.vector_load %arg10[%get3A_225, %get3A_226] {strides = array<i32>} : memref<128x128xf32, #tpu.memory_space<vmem>>, vector<16xf32>,
        %mul3A_228 = arith.mulf %get3A_227, %gather3A_220 : vector<16xf32>
        %swap3A_229 = arith.index_cast %add3A_224 : i32 to index
        %swap3A_230 = arith.constant 0 : index
        %swap3A_231 = tpu.vector_load %arg10[%swap3A_229, %swap3A_230] {strides = array<i32>} : memref<128x128xf32, #tpu.memory_space<vmem>>, vector<16xf32>,
        tpu.vector_store %arg10[%swap3A_229, %swap3A_230], %mul3A_228 {strides = array<i32>} : memref<128x128xf32, #tpu.memory_space<vmem>>, vector<16xf32>,
        %get3A_232 = arith.index_cast %add3A_224 : i32 to index
        %get3A_233 = arith.constant 16 : index
        %get3A_234 = tpu.vector_load %arg10[%get3A_232, %get3A_233] {strides = array<i32>} : memref<128x128xf32, #tpu.memory_space<vmem>>, vector<16xf32>,
        %mul3A_235 = arith.mulf %get3A_234, %gather3A_220 : vector<16xf32>
        %swap3A_236 = arith.index_cast %add3A_224 : i32 to index
        %swap3A_237 = arith.constant 16 : index
        %swap3A_238 = tpu.vector_load %arg10[%swap3A_236, %swap3A_237] {strides = array<i32>} : memref<128x128xf32, #tpu.memory_space<vmem>>, vector<16xf32>,
        tpu.vector_store %arg10[%swap3A_236, %swap3A_237], %mul3A_235 {strides = array<i32>} : memref<128x128xf32, #tpu.memory_space<vmem>>, vector<16xf32>,
        %get3A_239 = arith.index_cast %add3A_224 : i32 to index
        %get3A_240 = arith.constant 32 : index
        %get3A_241 = tpu.vector_load %arg10[%get3A_239, %get3A_240] {strides = array<i32>} : memref<128x128xf32, #tpu.memory_space<vmem>>, vector<16xf32>,
        %mul3A_242 = arith.mulf %get3A_241, %gather3A_220 : vector<16xf32>
        %swap3A_243 = arith.index_cast %add3A_224 : i32 to index
        %swap3A_244 = arith.constant 32 : index
        %swap3A_245 = tpu.vector_load %arg10[%swap3A_243, %swap3A_244] {strides = array<i32>} : memref<128x128xf32, #tpu.memory_space<vmem>>, vector<16xf32>,
        tpu.vector_store %arg10[%swap3A_243, %swap3A_244], %mul3A_242 {strides = array<i32>} : memref<128x128xf32, #tpu.memory_space<vmem>>, vector<16xf32>,
        %get3A_246 = arith.index_cast %add3A_224 : i32 to index
        %get3A_247 = arith.constant 48 : index
        %get3A_248 = tpu.vector_load %arg10[%get3A_246, %get3A_247] {strides = array<i32>} : memref<128x128xf32, #tpu.memory_space<vmem>>, vector<16xf32>,
        %mul3A_249 = arith.mulf %get3A_248, %gather3A_220 : vector<16xf32>
        %swap3A_250 = arith.index_cast %add3A_224 : i32 to index
        %swap3A_251 = arith.constant 48 : index
        %swap3A_252 = tpu.vector_load %arg10[%swap3A_250, %swap3A_251] {strides = array<i32>} : memref<128x128xf32, #tpu.memory_space<vmem>>, vector<16xf32>,
        tpu.vector_store %arg10[%swap3A_250, %swap3A_251], %mul3A_249 {strides = array<i32>} : memref<128x128xf32, #tpu.memory_space<vmem>>, vector<16xf32>,
        %get3A_253 = arith.index_cast %add3A_224 : i32 to index
        %get3A_254 = arith.constant 64 : index
        %get3A_255 = tpu.vector_load %arg10[%get3A_253, %get3A_254] {strides = array<i32>} : memref<128x128xf32, #tpu.memory_space<vmem>>, vector<16xf32>,
        %mul3A_256 = arith.mulf %get3A_255, %gather3A_220 : vector<16xf32>
        %swap3A_257 = arith.index_cast %add3A_224 : i32 to index
        %swap3A_258 = arith.constant 64 : index
        %swap3A_259 = tpu.vector_load %arg10[%swap3A_257, %swap3A_258] {strides = array<i32>} : memref<128x128xf32, #tpu.memory_space<vmem>>, vector<16xf32>,
        tpu.vector_store %arg10[%swap3A_257, %swap3A_258], %mul3A_256 {strides = array<i32>} : memref<128x128xf32, #tpu.memory_space<vmem>>, vector<16xf32>,
        %get3A_260 = arith.index_cast %add3A_224 : i32 to index
        %get3A_261 = arith.constant 80 : index
        %get3A_262 = tpu.vector_load %arg10[%get3A_260, %get3A_261] {strides = array<i32>} : memref<128x128xf32, #tpu.memory_space<vmem>>, vector<16xf32>,
        %mul3A_263 = arith.mulf %get3A_262, %gather3A_220 : vector<16xf32>
        %swap3A_264 = arith.index_cast %add3A_224 : i32 to index
        %swap3A_265 = arith.constant 80 : index
        %swap3A_266 = tpu.vector_load %arg10[%swap3A_264, %swap3A_265] {strides = array<i32>} : memref<128x128xf32, #tpu.memory_space<vmem>>, vector<16xf32>,
        tpu.vector_store %arg10[%swap3A_264, %swap3A_265], %mul3A_263 {strides = array<i32>} : memref<128x128xf32, #tpu.memory_space<vmem>>, vector<16xf32>,
        %get3A_267 = arith.index_cast %add3A_224 : i32 to index
        %get3A_268 = arith.constant 96 : index
        %get3A_269 = tpu.vector_load %arg10[%get3A_267, %get3A_268] {strides = array<i32>} : memref<128x128xf32, #tpu.memory_space<vmem>>, vector<16xf32>,
        %mul3A_270 = arith.mulf %get3A_269, %gather3A_220 : vector<16xf32>
        %swap3A_271 = arith.index_cast %add3A_224 : i32 to index
        %swap3A_272 = arith.constant 96 : index
        %swap3A_273 = tpu.vector_load %arg10[%swap3A_271, %swap3A_272] {strides = array<i32>} : memref<128x128xf32, #tpu.memory_space<vmem>>, vector<16xf32>,
        tpu.vector_store %arg10[%swap3A_271, %swap3A_272], %mul3A_270 {strides = array<i32>} : memref<128x128xf32, #tpu.memory_space<vmem>>, vector<16xf32>,
        %get3A_274 = arith.index_cast %add3A_224 : i32 to index
        %get3A_275 = arith.constant 112 : index
        %get3A_276 = tpu.vector_load %arg10[%get3A_274, %get3A_275] {strides = array<i32>} : memref<128x128xf32, #tpu.memory_space<vmem>>, vector<16xf32>,
        %mul3A_277 = arith.mulf %get3A_276, %gather3A_220 : vector<16xf32>
        %swap3A_278 = arith.index_cast %add3A_224 : i32 to index
        %swap3A_279 = arith.constant 112 : index
        %swap3A_280 = tpu.vector_load %arg10[%swap3A_278, %swap3A_279] {strides = array<i32>} : memref<128x128xf32, #tpu.memory_space<vmem>>, vector<16xf32>,
        tpu.vector_store %arg10[%swap3A_278, %swap3A_279], %mul3A_277 {strides = array<i32>} : memref<128x128xf32, #tpu.memory_space<vmem>>, vector<16xf32>,
        %lt3A_281 = arith.constant 0 : i32
        %lt3A_282 = vector.broadcast %lt3A_281 : i32 to vector<16xi32>
        %lt3A_283 = arith.cmpi slt, %broadcast_in_dim3A_27, %lt3A_282 : vector<16xi32>
        %add3A_284 = arith.constant 16 : i32
        %add3A_285 = vector.broadcast %add3A_284 : i32 to vector<16xi32>
        %add3A_286 = arith.addi %broadcast_in_dim3A_27, %add3A_285 : vector<16xi32>
        %select_n3A_287 = arith.select %lt3A_283, %add3A_286, %broadcast_in_dim3A_27 : vector<16xi1>, vector<16xi32>
        %reshape3A_288 = vector.shape_cast %select_n3A_287 : vector<16xi32> to vector<16x1xi32>
        %gather3A_289 = vector.shape_cast %reshape3A_288 : vector<16x1xi32> to vector<16xi32>
        %gather3A_290 = tpu.dynamic_gather %get3A_75[%gather3A_289] in [0] : vector<16xf32>, vector<16xi32> -> vector<16xf32>
        %mul3A_291 = arith.constant 16 : i32
        %mul3A_292 = arith.muli %scan3A_70, %mul3A_291 : i32
        %add3A_293 = arith.constant 3 : i32
        %add3A_294 = arith.addi %mul3A_292, %add3A_293 : i32
        %get3A_295 = arith.index_cast %add3A_294 : i32 to index
        %get3A_296 = arith.constant 0 : index
        %get3A_297 = tpu.vector_load %arg10[%get3A_295, %get3A_296] {strides = array<i32>} : memref<128x128xf32, #tpu.memory_space<vmem>>, vector<16xf32>,
        %mul3A_298 = arith.mulf %get3A_297, %gather3A_290 : vector<16xf32>
        %swap3A_299 = arith.index_cast %add3A_294 : i32 to index
        %swap3A_300 = arith.constant 0 : index
        %swap3A_301 = tpu.vector_load %arg10[%swap3A_299, %swap3A_300] {strides = array<i32>} : memref<128x128xf32, #tpu.memory_space<vmem>>, vector<16xf32>,
        tpu.vector_store %arg10[%swap3A_299, %swap3A_300], %mul3A_298 {strides = array<i32>} : memref<128x128xf32, #tpu.memory_space<vmem>>, vector<16xf32>,
        %get3A_302 = arith.index_cast %add3A_294 : i32 to index
        %get3A_303 = arith.constant 16 : index
        %get3A_304 = tpu.vector_load %arg10[%get3A_302, %get3A_303] {strides = array<i32>} : memref<128x128xf32, #tpu.memory_space<vmem>>, vector<16xf32>,
        %mul3A_305 = arith.mulf %get3A_304, %gather3A_290 : vector<16xf32>
        %swap3A_306 = arith.index_cast %add3A_294 : i32 to index
        %swap3A_307 = arith.constant 16 : index
        %swap3A_308 = tpu.vector_load %arg10[%swap3A_306, %swap3A_307] {strides = array<i32>} : memref<128x128xf32, #tpu.memory_space<vmem>>, vector<16xf32>,
        tpu.vector_store %arg10[%swap3A_306, %swap3A_307], %mul3A_305 {strides = array<i32>} : memref<128x128xf32, #tpu.memory_space<vmem>>, vector<16xf32>,
        %get3A_309 = arith.index_cast %add3A_294 : i32 to index
        %get3A_310 = arith.constant 32 : index
        %get3A_311 = tpu.vector_load %arg10[%get3A_309, %get3A_310] {strides = array<i32>} : memref<128x128xf32, #tpu.memory_space<vmem>>, vector<16xf32>,
        %mul3A_312 = arith.mulf %get3A_311, %gather3A_290 : vector<16xf32>
        %swap3A_313 = arith.index_cast %add3A_294 : i32 to index
        %swap3A_314 = arith.constant 32 : index
        %swap3A_315 = tpu.vector_load %arg10[%swap3A_313, %swap3A_314] {strides = array<i32>} : memref<128x128xf32, #tpu.memory_space<vmem>>, vector<16xf32>,
        tpu.vector_store %arg10[%swap3A_313, %swap3A_314], %mul3A_312 {strides = array<i32>} : memref<128x128xf32, #tpu.memory_space<vmem>>, vector<16xf32>,
        %get3A_316 = arith.index_cast %add3A_294 : i32 to index
        %get3A_317 = arith.constant 48 : index
        %get3A_318 = tpu.vector_load %arg10[%get3A_316, %get3A_317] {strides = array<i32>} : memref<128x128xf32, #tpu.memory_space<vmem>>, vector<16xf32>,
        %mul3A_319 = arith.mulf %get3A_318, %gather3A_290 : vector<16xf32>
        %swap3A_320 = arith.index_cast %add3A_294 : i32 to index
        %swap3A_321 = arith.constant 48 : index
        %swap3A_322 = tpu.vector_load %arg10[%swap3A_320, %swap3A_321] {strides = array<i32>} : memref<128x128xf32, #tpu.memory_space<vmem>>, vector<16xf32>,
        tpu.vector_store %arg10[%swap3A_320, %swap3A_321], %mul3A_319 {strides = array<i32>} : memref<128x128xf32, #tpu.memory_space<vmem>>, vector<16xf32>,
        %get3A_323 = arith.index_cast %add3A_294 : i32 to index
        %get3A_324 = arith.constant 64 : index
        %get3A_325 = tpu.vector_load %arg10[%get3A_323, %get3A_324] {strides = array<i32>} : memref<128x128xf32, #tpu.memory_space<vmem>>, vector<16xf32>,
        %mul3A_326 = arith.mulf %get3A_325, %gather3A_290 : vector<16xf32>
        %swap3A_327 = arith.index_cast %add3A_294 : i32 to index
        %swap3A_328 = arith.constant 64 : index
        %swap3A_329 = tpu.vector_load %arg10[%swap3A_327, %swap3A_328] {strides = array<i32>} : memref<128x128xf32, #tpu.memory_space<vmem>>, vector<16xf32>,
        tpu.vector_store %arg10[%swap3A_327, %swap3A_328], %mul3A_326 {strides = array<i32>} : memref<128x128xf32, #tpu.memory_space<vmem>>, vector<16xf32>,
        %get3A_330 = arith.index_cast %add3A_294 : i32 to index
        %get3A_331 = arith.constant 80 : index
        %get3A_332 = tpu.vector_load %arg10[%get3A_330, %get3A_331] {strides = array<i32>} : memref<128x128xf32, #tpu.memory_space<vmem>>, vector<16xf32>,
        %mul3A_333 = arith.mulf %get3A_332, %gather3A_290 : vector<16xf32>
        %swap3A_334 = arith.index_cast %add3A_294 : i32 to index
        %swap3A_335 = arith.constant 80 : index
        %swap3A_336 = tpu.vector_load %arg10[%swap3A_334, %swap3A_335] {strides = array<i32>} : memref<128x128xf32, #tpu.memory_space<vmem>>, vector<16xf32>,
        tpu.vector_store %arg10[%swap3A_334, %swap3A_335], %mul3A_333 {strides = array<i32>} : memref<128x128xf32, #tpu.memory_space<vmem>>, vector<16xf32>,
        %get3A_337 = arith.index_cast %add3A_294 : i32 to index
        %get3A_338 = arith.constant 96 : index
        %get3A_339 = tpu.vector_load %arg10[%get3A_337, %get3A_338] {strides = array<i32>} : memref<128x128xf32, #tpu.memory_space<vmem>>, vector<16xf32>,
        %mul3A_340 = arith.mulf %get3A_339, %gather3A_290 : vector<16xf32>
        %swap3A_341 = arith.index_cast %add3A_294 : i32 to index
        %swap3A_342 = arith.constant 96 : index
        %swap3A_343 = tpu.vector_load %arg10[%swap3A_341, %swap3A_342] {strides = array<i32>} : memref<128x128xf32, #tpu.memory_space<vmem>>, vector<16xf32>,
        tpu.vector_store %arg10[%swap3A_341, %swap3A_342], %mul3A_340 {strides = array<i32>} : memref<128x128xf32, #tpu.memory_space<vmem>>, vector<16xf32>,
        %get3A_344 = arith.index_cast %add3A_294 : i32 to index
        %get3A_345 = arith.constant 112 : index
        %get3A_346 = tpu.vector_load %arg10[%get3A_344, %get3A_345] {strides = array<i32>} : memref<128x128xf32, #tpu.memory_space<vmem>>, vector<16xf32>,
        %mul3A_347 = arith.mulf %get3A_346, %gather3A_290 : vector<16xf32>
        %swap3A_348 = arith.index_cast %add3A_294 : i32 to index
        %swap3A_349 = arith.constant 112 : index
        %swap3A_350 = tpu.vector_load %arg10[%swap3A_348, %swap3A_349] {strides = array<i32>} : memref<128x128xf32, #tpu.memory_space<vmem>>, vector<16xf32>,
        tpu.vector_store %arg10[%swap3A_348, %swap3A_349], %mul3A_347 {strides = array<i32>} : memref<128x128xf32, #tpu.memory_space<vmem>>, vector<16xf32>,
        %lt3A_351 = arith.constant 0 : i32
        %lt3A_352 = vector.broadcast %lt3A_351 : i32 to vector<16xi32>
        %lt3A_353 = arith.cmpi slt, %broadcast_in_dim3A_29, %lt3A_352 : vector<16xi32>
        %add3A_354 = arith.constant 16 : i32
        %add3A_355 = vector.broadcast %add3A_354 : i32 to vector<16xi32>
        %add3A_356 = arith.addi %broadcast_in_dim3A_29, %add3A_355 : vector<16xi32>
        %select_n3A_357 = arith.select %lt3A_353, %add3A_356, %broadcast_in_dim3A_29 : vector<16xi1>, vector<16xi32>
        %reshape3A_358 = vector.shape_cast %select_n3A_357 : vector<16xi32> to vector<16x1xi32>
        %gather3A_359 = vector.shape_cast %reshape3A_358 : vector<16x1xi32> to vector<16xi32>
        %gather3A_360 = tpu.dynamic_gather %get3A_75[%gather3A_359] in [0] : vector<16xf32>, vector<16xi32> -> vector<16xf32>
        %mul3A_361 = arith.constant 16 : i32
        %mul3A_362 = arith.muli %scan3A_70, %mul3A_361 : i32
        %add3A_363 = arith.constant 4 : i32
        %add3A_364 = arith.addi %mul3A_362, %add3A_363 : i32
        %get3A_365 = arith.index_cast %add3A_364 : i32 to index
        %get3A_366 = arith.constant 0 : index
        %get3A_367 = tpu.vector_load %arg10[%get3A_365, %get3A_366] {strides = array<i32>} : memref<128x128xf32, #tpu.memory_space<vmem>>, vector<16xf32>,
        %mul3A_368 = arith.mulf %get3A_367, %gather3A_360 : vector<16xf32>
        %swap3A_369 = arith.index_cast %add3A_364 : i32 to index
        %swap3A_370 = arith.constant 0 : index
        %swap3A_371 = tpu.vector_load %arg10[%swap3A_369, %swap3A_370] {strides = array<i32>} : memref<128x128xf32, #tpu.memory_space<vmem>>, vector<16xf32>,
        tpu.vector_store %arg10[%swap3A_369, %swap3A_370], %mul3A_368 {strides = array<i32>} : memref<128x128xf32, #tpu.memory_space<vmem>>, vector<16xf32>,
        %get3A_372 = arith.index_cast %add3A_364 : i32 to index
        %get3A_373 = arith.constant 16 : index
        %get3A_374 = tpu.vector_load %arg10[%get3A_372, %get3A_373] {strides = array<i32>} : memref<128x128xf32, #tpu.memory_space<vmem>>, vector<16xf32>,
        %mul3A_375 = arith.mulf %get3A_374, %gather3A_360 : vector<16xf32>
        %swap3A_376 = arith.index_cast %add3A_364 : i32 to index
        %swap3A_377 = arith.constant 16 : index
        %swap3A_378 = tpu.vector_load %arg10[%swap3A_376, %swap3A_377] {strides = array<i32>} : memref<128x128xf32, #tpu.memory_space<vmem>>, vector<16xf32>,
        tpu.vector_store %arg10[%swap3A_376, %swap3A_377], %mul3A_375 {strides = array<i32>} : memref<128x128xf32, #tpu.memory_space<vmem>>, vector<16xf32>,
        %get3A_379 = arith.index_cast %add3A_364 : i32 to index
        %get3A_380 = arith.constant 32 : index
        %get3A_381 = tpu.vector_load %arg10[%get3A_379, %get3A_380] {strides = array<i32>} : memref<128x128xf32, #tpu.memory_space<vmem>>, vector<16xf32>,
        %mul3A_382 = arith.mulf %get3A_381, %gather3A_360 : vector<16xf32>
        %swap3A_383 = arith.index_cast %add3A_364 : i32 to index
        %swap3A_384 = arith.constant 32 : index
        %swap3A_385 = tpu.vector_load %arg10[%swap3A_383, %swap3A_384] {strides = array<i32>} : memref<128x128xf32, #tpu.memory_space<vmem>>, vector<16xf32>,
        tpu.vector_store %arg10[%swap3A_383, %swap3A_384], %mul3A_382 {strides = array<i32>} : memref<128x128xf32, #tpu.memory_space<vmem>>, vector<16xf32>,
        %get3A_386 = arith.index_cast %add3A_364 : i32 to index
        %get3A_387 = arith.constant 48 : index
        %get3A_388 = tpu.vector_load %arg10[%get3A_386, %get3A_387] {strides = array<i32>} : memref<128x128xf32, #tpu.memory_space<vmem>>, vector<16xf32>,
        %mul3A_389 = arith.mulf %get3A_388, %gather3A_360 : vector<16xf32>
        %swap3A_390 = arith.index_cast %add3A_364 : i32 to index
        %swap3A_391 = arith.constant 48 : index
        %swap3A_392 = tpu.vector_load %arg10[%swap3A_390, %swap3A_391] {strides = array<i32>} : memref<128x128xf32, #tpu.memory_space<vmem>>, vector<16xf32>,
        tpu.vector_store %arg10[%swap3A_390, %swap3A_391], %mul3A_389 {strides = array<i32>} : memref<128x128xf32, #tpu.memory_space<vmem>>, vector<16xf32>,
        %get3A_393 = arith.index_cast %add3A_364 : i32 to index
        %get3A_394 = arith.constant 64 : index
        %get3A_395 = tpu.vector_load %arg10[%get3A_393, %get3A_394] {strides = array<i32>} : memref<128x128xf32, #tpu.memory_space<vmem>>, vector<16xf32>,
        %mul3A_396 = arith.mulf %get3A_395, %gather3A_360 : vector<16xf32>
        %swap3A_397 = arith.index_cast %add3A_364 : i32 to index
        %swap3A_398 = arith.constant 64 : index
        %swap3A_399 = tpu.vector_load %arg10[%swap3A_397, %swap3A_398] {strides = array<i32>} : memref<128x128xf32, #tpu.memory_space<vmem>>, vector<16xf32>,
        tpu.vector_store %arg10[%swap3A_397, %swap3A_398], %mul3A_396 {strides = array<i32>} : memref<128x128xf32, #tpu.memory_space<vmem>>, vector<16xf32>,
        %get3A_400 = arith.index_cast %add3A_364 : i32 to index
        %get3A_401 = arith.constant 80 : index
        %get3A_402 = tpu.vector_load %arg10[%get3A_400, %get3A_401] {strides = array<i32>} : memref<128x128xf32, #tpu.memory_space<vmem>>, vector<16xf32>,
        %mul3A_403 = arith.mulf %get3A_402, %gather3A_360 : vector<16xf32>
        %swap3A_404 = arith.index_cast %add3A_364 : i32 to index
        %swap3A_405 = arith.constant 80 : index
        %swap3A_406 = tpu.vector_load %arg10[%swap3A_404, %swap3A_405] {strides = array<i32>} : memref<128x128xf32, #tpu.memory_space<vmem>>, vector<16xf32>,
        tpu.vector_store %arg10[%swap3A_404, %swap3A_405], %mul3A_403 {strides = array<i32>} : memref<128x128xf32, #tpu.memory_space<vmem>>, vector<16xf32>,
        %get3A_407 = arith.index_cast %add3A_364 : i32 to index
        %get3A_408 = arith.constant 96 : index
        %get3A_409 = tpu.vector_load %arg10[%get3A_407, %get3A_408] {strides = array<i32>} : memref<128x128xf32, #tpu.memory_space<vmem>>, vector<16xf32>,
        %mul3A_410 = arith.mulf %get3A_409, %gather3A_360 : vector<16xf32>
        %swap3A_411 = arith.index_cast %add3A_364 : i32 to index
        %swap3A_412 = arith.constant 96 : index
        %swap3A_413 = tpu.vector_load %arg10[%swap3A_411, %swap3A_412] {strides = array<i32>} : memref<128x128xf32, #tpu.memory_space<vmem>>, vector<16xf32>,
        tpu.vector_store %arg10[%swap3A_411, %swap3A_412], %mul3A_410 {strides = array<i32>} : memref<128x128xf32, #tpu.memory_space<vmem>>, vector<16xf32>,
        %get3A_414 = arith.index_cast %add3A_364 : i32 to index
        %get3A_415 = arith.constant 112 : index
        %get3A_416 = tpu.vector_load %arg10[%get3A_414, %get3A_415] {strides = array<i32>} : memref<128x128xf32, #tpu.memory_space<vmem>>, vector<16xf32>,
        %mul3A_417 = arith.mulf %get3A_416, %gather3A_360 : vector<16xf32>
        %swap3A_418 = arith.index_cast %add3A_364 : i32 to index
        %swap3A_419 = arith.constant 112 : index
        %swap3A_420 = tpu.vector_load %arg10[%swap3A_418, %swap3A_419] {strides = array<i32>} : memref<128x128xf32, #tpu.memory_space<vmem>>, vector<16xf32>,
        tpu.vector_store %arg10[%swap3A_418, %swap3A_419], %mul3A_417 {strides = array<i32>} : memref<128x128xf32, #tpu.memory_space<vmem>>, vector<16xf32>,
        %lt3A_421 = arith.constant 0 : i32
        %lt3A_422 = vector.broadcast %lt3A_421 : i32 to vector<16xi32>
        %lt3A_423 = arith.cmpi slt, %broadcast_in_dim3A_31, %lt3A_422 : vector<16xi32>
        %add3A_424 = arith.constant 16 : i32
        %add3A_425 = vector.broadcast %add3A_424 : i32 to vector<16xi32>
        %add3A_426 = arith.addi %broadcast_in_dim3A_31, %add3A_425 : vector<16xi32>
        %select_n3A_427 = arith.select %lt3A_423, %add3A_426, %broadcast_in_dim3A_31 : vector<16xi1>, vector<16xi32>
        %reshape3A_428 = vector.shape_cast %select_n3A_427 : vector<16xi32> to vector<16x1xi32>
        %gather3A_429 = vector.shape_cast %reshape3A_428 : vector<16x1xi32> to vector<16xi32>
        %gather3A_430 = tpu.dynamic_gather %get3A_75[%gather3A_429] in [0] : vector<16xf32>, vector<16xi32> -> vector<16xf32>
        %mul3A_431 = arith.constant 16 : i32
        %mul3A_432 = arith.muli %scan3A_70, %mul3A_431 : i32
        %add3A_433 = arith.constant 5 : i32
        %add3A_434 = arith.addi %mul3A_432, %add3A_433 : i32
        %get3A_435 = arith.index_cast %add3A_434 : i32 to index
        %get3A_436 = arith.constant 0 : index
        %get3A_437 = tpu.vector_load %arg10[%get3A_435, %get3A_436] {strides = array<i32>} : memref<128x128xf32, #tpu.memory_space<vmem>>, vector<16xf32>,
        %mul3A_438 = arith.mulf %get3A_437, %gather3A_430 : vector<16xf32>
        %swap3A_439 = arith.index_cast %add3A_434 : i32 to index
        %swap3A_440 = arith.constant 0 : index
        %swap3A_441 = tpu.vector_load %arg10[%swap3A_439, %swap3A_440] {strides = array<i32>} : memref<128x128xf32, #tpu.memory_space<vmem>>, vector<16xf32>,
        tpu.vector_store %arg10[%swap3A_439, %swap3A_440], %mul3A_438 {strides = array<i32>} : memref<128x128xf32, #tpu.memory_space<vmem>>, vector<16xf32>,
        %get3A_442 = arith.index_cast %add3A_434 : i32 to index
        %get3A_443 = arith.constant 16 : index
        %get3A_444 = tpu.vector_load %arg10[%get3A_442, %get3A_443] {strides = array<i32>} : memref<128x128xf32, #tpu.memory_space<vmem>>, vector<16xf32>,
        %mul3A_445 = arith.mulf %get3A_444, %gather3A_430 : vector<16xf32>
        %swap3A_446 = arith.index_cast %add3A_434 : i32 to index
        %swap3A_447 = arith.constant 16 : index
        %swap3A_448 = tpu.vector_load %arg10[%swap3A_446, %swap3A_447] {strides = array<i32>} : memref<128x128xf32, #tpu.memory_space<vmem>>, vector<16xf32>,
        tpu.vector_store %arg10[%swap3A_446, %swap3A_447], %mul3A_445 {strides = array<i32>} : memref<128x128xf32, #tpu.memory_space<vmem>>, vector<16xf32>,
        %get3A_449 = arith.index_cast %add3A_434 : i32 to index
        %get3A_450 = arith.constant 32 : index
        %get3A_451 = tpu.vector_load %arg10[%get3A_449, %get3A_450] {strides = array<i32>} : memref<128x128xf32, #tpu.memory_space<vmem>>, vector<16xf32>,
        %mul3A_452 = arith.mulf %get3A_451, %gather3A_430 : vector<16xf32>
        %swap3A_453 = arith.index_cast %add3A_434 : i32 to index
        %swap3A_454 = arith.constant 32 : index
        %swap3A_455 = tpu.vector_load %arg10[%swap3A_453, %swap3A_454] {strides = array<i32>} : memref<128x128xf32, #tpu.memory_space<vmem>>, vector<16xf32>,
        tpu.vector_store %arg10[%swap3A_453, %swap3A_454], %mul3A_452 {strides = array<i32>} : memref<128x128xf32, #tpu.memory_space<vmem>>, vector<16xf32>,
        %get3A_456 = arith.index_cast %add3A_434 : i32 to index
        %get3A_457 = arith.constant 48 : index
        %get3A_458 = tpu.vector_load %arg10[%get3A_456, %get3A_457] {strides = array<i32>} : memref<128x128xf32, #tpu.memory_space<vmem>>, vector<16xf32>,
        %mul3A_459 = arith.mulf %get3A_458, %gather3A_430 : vector<16xf32>
        %swap3A_460 = arith.index_cast %add3A_434 : i32 to index
        %swap3A_461 = arith.constant 48 : index
        %swap3A_462 = tpu.vector_load %arg10[%swap3A_460, %swap3A_461] {strides = array<i32>} : memref<128x128xf32, #tpu.memory_space<vmem>>, vector<16xf32>,
        tpu.vector_store %arg10[%swap3A_460, %swap3A_461], %mul3A_459 {strides = array<i32>} : memref<128x128xf32, #tpu.memory_space<vmem>>, vector<16xf32>,
        %get3A_463 = arith.index_cast %add3A_434 : i32 to index
        %get3A_464 = arith.constant 64 : index
        %get3A_465 = tpu.vector_load %arg10[%get3A_463, %get3A_464] {strides = array<i32>} : memref<128x128xf32, #tpu.memory_space<vmem>>, vector<16xf32>,
        %mul3A_466 = arith.mulf %get3A_465, %gather3A_430 : vector<16xf32>
        %swap3A_467 = arith.index_cast %add3A_434 : i32 to index
        %swap3A_468 = arith.constant 64 : index
        %swap3A_469 = tpu.vector_load %arg10[%swap3A_467, %swap3A_468] {strides = array<i32>} : memref<128x128xf32, #tpu.memory_space<vmem>>, vector<16xf32>,
        tpu.vector_store %arg10[%swap3A_467, %swap3A_468], %mul3A_466 {strides = array<i32>} : memref<128x128xf32, #tpu.memory_space<vmem>>, vector<16xf32>,
        %get3A_470 = arith.index_cast %add3A_434 : i32 to index
        %get3A_471 = arith.constant 80 : index
        %get3A_472 = tpu.vector_load %arg10[%get3A_470, %get3A_471] {strides = array<i32>} : memref<128x128xf32, #tpu.memory_space<vmem>>, vector<16xf32>,
        %mul3A_473 = arith.mulf %get3A_472, %gather3A_430 : vector<16xf32>
        %swap3A_474 = arith.index_cast %add3A_434 : i32 to index
        %swap3A_475 = arith.constant 80 : index
        %swap3A_476 = tpu.vector_load %arg10[%swap3A_474, %swap3A_475] {strides = array<i32>} : memref<128x128xf32, #tpu.memory_space<vmem>>, vector<16xf32>,
        tpu.vector_store %arg10[%swap3A_474, %swap3A_475], %mul3A_473 {strides = array<i32>} : memref<128x128xf32, #tpu.memory_space<vmem>>, vector<16xf32>,
        %get3A_477 = arith.index_cast %add3A_434 : i32 to index
        %get3A_478 = arith.constant 96 : index
        %get3A_479 = tpu.vector_load %arg10[%get3A_477, %get3A_478] {strides = array<i32>} : memref<128x128xf32, #tpu.memory_space<vmem>>, vector<16xf32>,
        %mul3A_480 = arith.mulf %get3A_479, %gather3A_430 : vector<16xf32>
        %swap3A_481 = arith.index_cast %add3A_434 : i32 to index
        %swap3A_482 = arith.constant 96 : index
        %swap3A_483 = tpu.vector_load %arg10[%swap3A_481, %swap3A_482] {strides = array<i32>} : memref<128x128xf32, #tpu.memory_space<vmem>>, vector<16xf32>,
        tpu.vector_store %arg10[%swap3A_481, %swap3A_482], %mul3A_480 {strides = array<i32>} : memref<128x128xf32, #tpu.memory_space<vmem>>, vector<16xf32>,
        %get3A_484 = arith.index_cast %add3A_434 : i32 to index
        %get3A_485 = arith.constant 112 : index
        %get3A_486 = tpu.vector_load %arg10[%get3A_484, %get3A_485] {strides = array<i32>} : memref<128x128xf32, #tpu.memory_space<vmem>>, vector<16xf32>,
        %mul3A_487 = arith.mulf %get3A_486, %gather3A_430 : vector<16xf32>
        %swap3A_488 = arith.index_cast %add3A_434 : i32 to index
        %swap3A_489 = arith.constant 112 : index
        %swap3A_490 = tpu.vector_load %arg10[%swap3A_488, %swap3A_489] {strides = array<i32>} : memref<128x128xf32, #tpu.memory_space<vmem>>, vector<16xf32>,
        tpu.vector_store %arg10[%swap3A_488, %swap3A_489], %mul3A_487 {strides = array<i32>} : memref<128x128xf32, #tpu.memory_space<vmem>>, vector<16xf32>,
        %lt3A_491 = arith.constant 0 : i32
        %lt3A_492 = vector.broadcast %lt3A_491 : i32 to vector<16xi32>
        %lt3A_493 = arith.cmpi slt, %broadcast_in_dim3A_33, %lt3A_492 : vector<16xi32>
        %add3A_494 = arith.constant 16 : i32
        %add3A_495 = vector.broadcast %add3A_494 : i32 to vector<16xi32>
        %add3A_496 = arith.addi %broadcast_in_dim3A_33, %add3A_495 : vector<16xi32>
        %select_n3A_497 = arith.select %lt3A_493, %add3A_496, %broadcast_in_dim3A_33 : vector<16xi1>, vector<16xi32>
        %reshape3A_498 = vector.shape_cast %select_n3A_497 : vector<16xi32> to vector<16x1xi32>
        %gather3A_499 = vector.shape_cast %reshape3A_498 : vector<16x1xi32> to vector<16xi32>
        %gather3A_500 = tpu.dynamic_gather %get3A_75[%gather3A_499] in [0] : vector<16xf32>, vector<16xi32> -> vector<16xf32>
        %mul3A_501 = arith.constant 16 : i32
        %mul3A_502 = arith.muli %scan3A_70, %mul3A_501 : i32
        %add3A_503 = arith.constant 6 : i32
        %add3A_504 = arith.addi %mul3A_502, %add3A_503 : i32
        %get3A_505 = arith.index_cast %add3A_504 : i32 to index
        %get3A_506 = arith.constant 0 : index
        %get3A_507 = tpu.vector_load %arg10[%get3A_505, %get3A_506] {strides = array<i32>} : memref<128x128xf32, #tpu.memory_space<vmem>>, vector<16xf32>,
        %mul3A_508 = arith.mulf %get3A_507, %gather3A_500 : vector<16xf32>
        %swap3A_509 = arith.index_cast %add3A_504 : i32 to index
        %swap3A_510 = arith.constant 0 : index
        %swap3A_511 = tpu.vector_load %arg10[%swap3A_509, %swap3A_510] {strides = array<i32>} : memref<128x128xf32, #tpu.memory_space<vmem>>, vector<16xf32>,
        tpu.vector_store %arg10[%swap3A_509, %swap3A_510], %mul3A_508 {strides = array<i32>} : memref<128x128xf32, #tpu.memory_space<vmem>>, vector<16xf32>,
        %get3A_512 = arith.index_cast %add3A_504 : i32 to index
        %get3A_513 = arith.constant 16 : index
        %get3A_514 = tpu.vector_load %arg10[%get3A_512, %get3A_513] {strides = array<i32>} : memref<128x128xf32, #tpu.memory_space<vmem>>, vector<16xf32>,
        %mul3A_515 = arith.mulf %get3A_514, %gather3A_500 : vector<16xf32>
        %swap3A_516 = arith.index_cast %add3A_504 : i32 to index
        %swap3A_517 = arith.constant 16 : index
        %swap3A_518 = tpu.vector_load %arg10[%swap3A_516, %swap3A_517] {strides = array<i32>} : memref<128x128xf32, #tpu.memory_space<vmem>>, vector<16xf32>,
        tpu.vector_store %arg10[%swap3A_516, %swap3A_517], %mul3A_515 {strides = array<i32>} : memref<128x128xf32, #tpu.memory_space<vmem>>, vector<16xf32>,
        %get3A_519 = arith.index_cast %add3A_504 : i32 to index
        %get3A_520 = arith.constant 32 : index
        %get3A_521 = tpu.vector_load %arg10[%get3A_519, %get3A_520] {strides = array<i32>} : memref<128x128xf32, #tpu.memory_space<vmem>>, vector<16xf32>,
        %mul3A_522 = arith.mulf %get3A_521, %gather3A_500 : vector<16xf32>
        %swap3A_523 = arith.index_cast %add3A_504 : i32 to index
        %swap3A_524 = arith.constant 32 : index
        %swap3A_525 = tpu.vector_load %arg10[%swap3A_523, %swap3A_524] {strides = array<i32>} : memref<128x128xf32, #tpu.memory_space<vmem>>, vector<16xf32>,
        tpu.vector_store %arg10[%swap3A_523, %swap3A_524], %mul3A_522 {strides = array<i32>} : memref<128x128xf32, #tpu.memory_space<vmem>>, vector<16xf32>,
        %get3A_526 = arith.index_cast %add3A_504 : i32 to index
        %get3A_527 = arith.constant 48 : index
        %get3A_528 = tpu.vector_load %arg10[%get3A_526, %get3A_527] {strides = array<i32>} : memref<128x128xf32, #tpu.memory_space<vmem>>, vector<16xf32>,
        %mul3A_529 = arith.mulf %get3A_528, %gather3A_500 : vector<16xf32>
        %swap3A_530 = arith.index_cast %add3A_504 : i32 to index
        %swap3A_531 = arith.constant 48 : index
        %swap3A_532 = tpu.vector_load %arg10[%swap3A_530, %swap3A_531] {strides = array<i32>} : memref<128x128xf32, #tpu.memory_space<vmem>>, vector<16xf32>,
        tpu.vector_store %arg10[%swap3A_530, %swap3A_531], %mul3A_529 {strides = array<i32>} : memref<128x128xf32, #tpu.memory_space<vmem>>, vector<16xf32>,
        %get3A_533 = arith.index_cast %add3A_504 : i32 to index
        %get3A_534 = arith.constant 64 : index
        %get3A_535 = tpu.vector_load %arg10[%get3A_533, %get3A_534] {strides = array<i32>} : memref<128x128xf32, #tpu.memory_space<vmem>>, vector<16xf32>,
        %mul3A_536 = arith.mulf %get3A_535, %gather3A_500 : vector<16xf32>
        %swap3A_537 = arith.index_cast %add3A_504 : i32 to index
        %swap3A_538 = arith.constant 64 : index
        %swap3A_539 = tpu.vector_load %arg10[%swap3A_537, %swap3A_538] {strides = array<i32>} : memref<128x128xf32, #tpu.memory_space<vmem>>, vector<16xf32>,
        tpu.vector_store %arg10[%swap3A_537, %swap3A_538], %mul3A_536 {strides = array<i32>} : memref<128x128xf32, #tpu.memory_space<vmem>>, vector<16xf32>,
        %get3A_540 = arith.index_cast %add3A_504 : i32 to index
        %get3A_541 = arith.constant 80 : index
        %get3A_542 = tpu.vector_load %arg10[%get3A_540, %get3A_541] {strides = array<i32>} : memref<128x128xf32, #tpu.memory_space<vmem>>, vector<16xf32>,
        %mul3A_543 = arith.mulf %get3A_542, %gather3A_500 : vector<16xf32>
        %swap3A_544 = arith.index_cast %add3A_504 : i32 to index
        %swap3A_545 = arith.constant 80 : index
        %swap3A_546 = tpu.vector_load %arg10[%swap3A_544, %swap3A_545] {strides = array<i32>} : memref<128x128xf32, #tpu.memory_space<vmem>>, vector<16xf32>,
        tpu.vector_store %arg10[%swap3A_544, %swap3A_545], %mul3A_543 {strides = array<i32>} : memref<128x128xf32, #tpu.memory_space<vmem>>, vector<16xf32>,
        %get3A_547 = arith.index_cast %add3A_504 : i32 to index
        %get3A_548 = arith.constant 96 : index
        %get3A_549 = tpu.vector_load %arg10[%get3A_547, %get3A_548] {strides = array<i32>} : memref<128x128xf32, #tpu.memory_space<vmem>>, vector<16xf32>,
        %mul3A_550 = arith.mulf %get3A_549, %gather3A_500 : vector<16xf32>
        %swap3A_551 = arith.index_cast %add3A_504 : i32 to index
        %swap3A_552 = arith.constant 96 : index
        %swap3A_553 = tpu.vector_load %arg10[%swap3A_551, %swap3A_552] {strides = array<i32>} : memref<128x128xf32, #tpu.memory_space<vmem>>, vector<16xf32>,
        tpu.vector_store %arg10[%swap3A_551, %swap3A_552], %mul3A_550 {strides = array<i32>} : memref<128x128xf32, #tpu.memory_space<vmem>>, vector<16xf32>,
        %get3A_554 = arith.index_cast %add3A_504 : i32 to index
        %get3A_555 = arith.constant 112 : index
        %get3A_556 = tpu.vector_load %arg10[%get3A_554, %get3A_555] {strides = array<i32>} : memref<128x128xf32, #tpu.memory_space<vmem>>, vector<16xf32>,
        %mul3A_557 = arith.mulf %get3A_556, %gather3A_500 : vector<16xf32>
        %swap3A_558 = arith.index_cast %add3A_504 : i32 to index
        %swap3A_559 = arith.constant 112 : index
        %swap3A_560 = tpu.vector_load %arg10[%swap3A_558, %swap3A_559] {strides = array<i32>} : memref<128x128xf32, #tpu.memory_space<vmem>>, vector<16xf32>,
        tpu.vector_store %arg10[%swap3A_558, %swap3A_559], %mul3A_557 {strides = array<i32>} : memref<128x128xf32, #tpu.memory_space<vmem>>, vector<16xf32>,
        %lt3A_561 = arith.constant 0 : i32
        %lt3A_562 = vector.broadcast %lt3A_561 : i32 to vector<16xi32>
        %lt3A_563 = arith.cmpi slt, %broadcast_in_dim3A_35, %lt3A_562 : vector<16xi32>
        %add3A_564 = arith.constant 16 : i32
        %add3A_565 = vector.broadcast %add3A_564 : i32 to vector<16xi32>
        %add3A_566 = arith.addi %broadcast_in_dim3A_35, %add3A_565 : vector<16xi32>
        %select_n3A_567 = arith.select %lt3A_563, %add3A_566, %broadcast_in_dim3A_35 : vector<16xi1>, vector<16xi32>
        %reshape3A_568 = vector.shape_cast %select_n3A_567 : vector<16xi32> to vector<16x1xi32>
        %gather3A_569 = vector.shape_cast %reshape3A_568 : vector<16x1xi32> to vector<16xi32>
        %gather3A_570 = tpu.dynamic_gather %get3A_75[%gather3A_569] in [0] : vector<16xf32>, vector<16xi32> -> vector<16xf32>
        %mul3A_571 = arith.constant 16 : i32
        %mul3A_572 = arith.muli %scan3A_70, %mul3A_571 : i32
        %add3A_573 = arith.constant 7 : i32
        %add3A_574 = arith.addi %mul3A_572, %add3A_573 : i32
        %get3A_575 = arith.index_cast %add3A_574 : i32 to index
        %get3A_576 = arith.constant 0 : index
        %get3A_577 = tpu.vector_load %arg10[%get3A_575, %get3A_576] {strides = array<i32>} : memref<128x128xf32, #tpu.memory_space<vmem>>, vector<16xf32>,
        %mul3A_578 = arith.mulf %get3A_577, %gather3A_570 : vector<16xf32>
        %swap3A_579 = arith.index_cast %add3A_574 : i32 to index
        %swap3A_580 = arith.constant 0 : index
        %swap3A_581 = tpu.vector_load %arg10[%swap3A_579, %swap3A_580] {strides = array<i32>} : memref<128x128xf32, #tpu.memory_space<vmem>>, vector<16xf32>,
        tpu.vector_store %arg10[%swap3A_579, %swap3A_580], %mul3A_578 {strides = array<i32>} : memref<128x128xf32, #tpu.memory_space<vmem>>, vector<16xf32>,
        %get3A_582 = arith.index_cast %add3A_574 : i32 to index
        %get3A_583 = arith.constant 16 : index
        %get3A_584 = tpu.vector_load %arg10[%get3A_582, %get3A_583] {strides = array<i32>} : memref<128x128xf32, #tpu.memory_space<vmem>>, vector<16xf32>,
        %mul3A_585 = arith.mulf %get3A_584, %gather3A_570 : vector<16xf32>
        %swap3A_586 = arith.index_cast %add3A_574 : i32 to index
        %swap3A_587 = arith.constant 16 : index
        %swap3A_588 = tpu.vector_load %arg10[%swap3A_586, %swap3A_587] {strides = array<i32>} : memref<128x128xf32, #tpu.memory_space<vmem>>, vector<16xf32>,
        tpu.vector_store %arg10[%swap3A_586, %swap3A_587], %mul3A_585 {strides = array<i32>} : memref<128x128xf32, #tpu.memory_space<vmem>>, vector<16xf32>,
        %get3A_589 = arith.index_cast %add3A_574 : i32 to index
        %get3A_590 = arith.constant 32 : index
        %get3A_591 = tpu.vector_load %arg10[%get3A_589, %get3A_590] {strides = array<i32>} : memref<128x128xf32, #tpu.memory_space<vmem>>, vector<16xf32>,
        %mul3A_592 = arith.mulf %get3A_591, %gather3A_570 : vector<16xf32>
        %swap3A_593 = arith.index_cast %add3A_574 : i32 to index
        %swap3A_594 = arith.constant 32 : index
        %swap3A_595 = tpu.vector_load %arg10[%swap3A_593, %swap3A_594] {strides = array<i32>} : memref<128x128xf32, #tpu.memory_space<vmem>>, vector<16xf32>,
        tpu.vector_store %arg10[%swap3A_593, %swap3A_594], %mul3A_592 {strides = array<i32>} : memref<128x128xf32, #tpu.memory_space<vmem>>, vector<16xf32>,
        %get3A_596 = arith.index_cast %add3A_574 : i32 to index
        %get3A_597 = arith.constant 48 : index
        %get3A_598 = tpu.vector_load %arg10[%get3A_596, %get3A_597] {strides = array<i32>} : memref<128x128xf32, #tpu.memory_space<vmem>>, vector<16xf32>,
        %mul3A_599 = arith.mulf %get3A_598, %gather3A_570 : vector<16xf32>
        %swap3A_600 = arith.index_cast %add3A_574 : i32 to index
        %swap3A_601 = arith.constant 48 : index
        %swap3A_602 = tpu.vector_load %arg10[%swap3A_600, %swap3A_601] {strides = array<i32>} : memref<128x128xf32, #tpu.memory_space<vmem>>, vector<16xf32>,
        tpu.vector_store %arg10[%swap3A_600, %swap3A_601], %mul3A_599 {strides = array<i32>} : memref<128x128xf32, #tpu.memory_space<vmem>>, vector<16xf32>,
        %get3A_603 = arith.index_cast %add3A_574 : i32 to index
        %get3A_604 = arith.constant 64 : index
        %get3A_605 = tpu.vector_load %arg10[%get3A_603, %get3A_604] {strides = array<i32>} : memref<128x128xf32, #tpu.memory_space<vmem>>, vector<16xf32>,
        %mul3A_606 = arith.mulf %get3A_605, %gather3A_570 : vector<16xf32>
        %swap3A_607 = arith.index_cast %add3A_574 : i32 to index
        %swap3A_608 = arith.constant 64 : index
        %swap3A_609 = tpu.vector_load %arg10[%swap3A_607, %swap3A_608] {strides = array<i32>} : memref<128x128xf32, #tpu.memory_space<vmem>>, vector<16xf32>,
        tpu.vector_store %arg10[%swap3A_607, %swap3A_608], %mul3A_606 {strides = array<i32>} : memref<128x128xf32, #tpu.memory_space<vmem>>, vector<16xf32>,
        %get3A_610 = arith.index_cast %add3A_574 : i32 to index
        %get3A_611 = arith.constant 80 : index
        %get3A_612 = tpu.vector_load %arg10[%get3A_610, %get3A_611] {strides = array<i32>} : memref<128x128xf32, #tpu.memory_space<vmem>>, vector<16xf32>,
        %mul3A_613 = arith.mulf %get3A_612, %gather3A_570 : vector<16xf32>
        %swap3A_614 = arith.index_cast %add3A_574 : i32 to index
        %swap3A_615 = arith.constant 80 : index
        %swap3A_616 = tpu.vector_load %arg10[%swap3A_614, %swap3A_615] {strides = array<i32>} : memref<128x128xf32, #tpu.memory_space<vmem>>, vector<16xf32>,
        tpu.vector_store %arg10[%swap3A_614, %swap3A_615], %mul3A_613 {strides = array<i32>} : memref<128x128xf32, #tpu.memory_space<vmem>>, vector<16xf32>,
        %get3A_617 = arith.index_cast %add3A_574 : i32 to index
        %get3A_618 = arith.constant 96 : index
        %get3A_619 = tpu.vector_load %arg10[%get3A_617, %get3A_618] {strides = array<i32>} : memref<128x128xf32, #tpu.memory_space<vmem>>, vector<16xf32>,
        %mul3A_620 = arith.mulf %get3A_619, %gather3A_570 : vector<16xf32>
        %swap3A_621 = arith.index_cast %add3A_574 : i32 to index
        %swap3A_622 = arith.constant 96 : index
        %swap3A_623 = tpu.vector_load %arg10[%swap3A_621, %swap3A_622] {strides = array<i32>} : memref<128x128xf32, #tpu.memory_space<vmem>>, vector<16xf32>,
        tpu.vector_store %arg10[%swap3A_621, %swap3A_622], %mul3A_620 {strides = array<i32>} : memref<128x128xf32, #tpu.memory_space<vmem>>, vector<16xf32>,
        %get3A_624 = arith.index_cast %add3A_574 : i32 to index
        %get3A_625 = arith.constant 112 : index
        %get3A_626 = tpu.vector_load %arg10[%get3A_624, %get3A_625] {strides = array<i32>} : memref<128x128xf32, #tpu.memory_space<vmem>>, vector<16xf32>,
        %mul3A_627 = arith.mulf %get3A_626, %gather3A_570 : vector<16xf32>
        %swap3A_628 = arith.index_cast %add3A_574 : i32 to index
        %swap3A_629 = arith.constant 112 : index
        %swap3A_630 = tpu.vector_load %arg10[%swap3A_628, %swap3A_629] {strides = array<i32>} : memref<128x128xf32, #tpu.memory_space<vmem>>, vector<16xf32>,
        tpu.vector_store %arg10[%swap3A_628, %swap3A_629], %mul3A_627 {strides = array<i32>} : memref<128x128xf32, #tpu.memory_space<vmem>>, vector<16xf32>,
        %lt3A_631 = arith.constant 0 : i32
        %lt3A_632 = vector.broadcast %lt3A_631 : i32 to vector<16xi32>
        %lt3A_633 = arith.cmpi slt, %broadcast_in_dim3A_37, %lt3A_632 : vector<16xi32>
        %add3A_634 = arith.constant 16 : i32
        %add3A_635 = vector.broadcast %add3A_634 : i32 to vector<16xi32>
        %add3A_636 = arith.addi %broadcast_in_dim3A_37, %add3A_635 : vector<16xi32>
        %select_n3A_637 = arith.select %lt3A_633, %add3A_636, %broadcast_in_dim3A_37 : vector<16xi1>, vector<16xi32>
        %reshape3A_638 = vector.shape_cast %select_n3A_637 : vector<16xi32> to vector<16x1xi32>
        %gather3A_639 = vector.shape_cast %reshape3A_638 : vector<16x1xi32> to vector<16xi32>
        %gather3A_640 = tpu.dynamic_gather %get3A_75[%gather3A_639] in [0] : vector<16xf32>, vector<16xi32> -> vector<16xf32>
        %mul3A_641 = arith.constant 16 : i32
        %mul3A_642 = arith.muli %scan3A_70, %mul3A_641 : i32
        %add3A_643 = arith.constant 8 : i32
        %add3A_644 = arith.addi %mul3A_642, %add3A_643 : i32
        %get3A_645 = arith.index_cast %add3A_644 : i32 to index
        %get3A_646 = arith.constant 0 : index
        %get3A_647 = tpu.vector_load %arg10[%get3A_645, %get3A_646] {strides = array<i32>} : memref<128x128xf32, #tpu.memory_space<vmem>>, vector<16xf32>,
        %mul3A_648 = arith.mulf %get3A_647, %gather3A_640 : vector<16xf32>
        %swap3A_649 = arith.index_cast %add3A_644 : i32 to index
        %swap3A_650 = arith.constant 0 : index
        %swap3A_651 = tpu.vector_load %arg10[%swap3A_649, %swap3A_650] {strides = array<i32>} : memref<128x128xf32, #tpu.memory_space<vmem>>, vector<16xf32>,
        tpu.vector_store %arg10[%swap3A_649, %swap3A_650], %mul3A_648 {strides = array<i32>} : memref<128x128xf32, #tpu.memory_space<vmem>>, vector<16xf32>,
        %get3A_652 = arith.index_cast %add3A_644 : i32 to index
        %get3A_653 = arith.constant 16 : index
        %get3A_654 = tpu.vector_load %arg10[%get3A_652, %get3A_653] {strides = array<i32>} : memref<128x128xf32, #tpu.memory_space<vmem>>, vector<16xf32>,
        %mul3A_655 = arith.mulf %get3A_654, %gather3A_640 : vector<16xf32>
        %swap3A_656 = arith.index_cast %add3A_644 : i32 to index
        %swap3A_657 = arith.constant 16 : index
        %swap3A_658 = tpu.vector_load %arg10[%swap3A_656, %swap3A_657] {strides = array<i32>} : memref<128x128xf32, #tpu.memory_space<vmem>>, vector<16xf32>,
        tpu.vector_store %arg10[%swap3A_656, %swap3A_657], %mul3A_655 {strides = array<i32>} : memref<128x128xf32, #tpu.memory_space<vmem>>, vector<16xf32>,
        %get3A_659 = arith.index_cast %add3A_644 : i32 to index
        %get3A_660 = arith.constant 32 : index
        %get3A_661 = tpu.vector_load %arg10[%get3A_659, %get3A_660] {strides = array<i32>} : memref<128x128xf32, #tpu.memory_space<vmem>>, vector<16xf32>,
        %mul3A_662 = arith.mulf %get3A_661, %gather3A_640 : vector<16xf32>
        %swap3A_663 = arith.index_cast %add3A_644 : i32 to index
        %swap3A_664 = arith.constant 32 : index
        %swap3A_665 = tpu.vector_load %arg10[%swap3A_663, %swap3A_664] {strides = array<i32>} : memref<128x128xf32, #tpu.memory_space<vmem>>, vector<16xf32>,
        tpu.vector_store %arg10[%swap3A_663, %swap3A_664], %mul3A_662 {strides = array<i32>} : memref<128x128xf32, #tpu.memory_space<vmem>>, vector<16xf32>,
        %get3A_666 = arith.index_cast %add3A_644 : i32 to index
        %get3A_667 = arith.constant 48 : index
        %get3A_668 = tpu.vector_load %arg10[%get3A_666, %get3A_667] {strides = array<i32>} : memref<128x128xf32, #tpu.memory_space<vmem>>, vector<16xf32>,
        %mul3A_669 = arith.mulf %get3A_668, %gather3A_640 : vector<16xf32>
        %swap3A_670 = arith.index_cast %add3A_644 : i32 to index
        %swap3A_671 = arith.constant 48 : index
        %swap3A_672 = tpu.vector_load %arg10[%swap3A_670, %swap3A_671] {strides = array<i32>} : memref<128x128xf32, #tpu.memory_space<vmem>>, vector<16xf32>,
        tpu.vector_store %arg10[%swap3A_670, %swap3A_671], %mul3A_669 {strides = array<i32>} : memref<128x128xf32, #tpu.memory_space<vmem>>, vector<16xf32>,
        %get3A_673 = arith.index_cast %add3A_644 : i32 to index
        %get3A_674 = arith.constant 64 : index
        %get3A_675 = tpu.vector_load %arg10[%get3A_673, %get3A_674] {strides = array<i32>} : memref<128x128xf32, #tpu.memory_space<vmem>>, vector<16xf32>,
        %mul3A_676 = arith.mulf %get3A_675, %gather3A_640 : vector<16xf32>
        %swap3A_677 = arith.index_cast %add3A_644 : i32 to index
        %swap3A_678 = arith.constant 64 : index
        %swap3A_679 = tpu.vector_load %arg10[%swap3A_677, %swap3A_678] {strides = array<i32>} : memref<128x128xf32, #tpu.memory_space<vmem>>, vector<16xf32>,
        tpu.vector_store %arg10[%swap3A_677, %swap3A_678], %mul3A_676 {strides = array<i32>} : memref<128x128xf32, #tpu.memory_space<vmem>>, vector<16xf32>,
        %get3A_680 = arith.index_cast %add3A_644 : i32 to index
        %get3A_681 = arith.constant 80 : index
        %get3A_682 = tpu.vector_load %arg10[%get3A_680, %get3A_681] {strides = array<i32>} : memref<128x128xf32, #tpu.memory_space<vmem>>, vector<16xf32>,
        %mul3A_683 = arith.mulf %get3A_682, %gather3A_640 : vector<16xf32>
        %swap3A_684 = arith.index_cast %add3A_644 : i32 to index
        %swap3A_685 = arith.constant 80 : index
        %swap3A_686 = tpu.vector_load %arg10[%swap3A_684, %swap3A_685] {strides = array<i32>} : memref<128x128xf32, #tpu.memory_space<vmem>>, vector<16xf32>,
        tpu.vector_store %arg10[%swap3A_684, %swap3A_685], %mul3A_683 {strides = array<i32>} : memref<128x128xf32, #tpu.memory_space<vmem>>, vector<16xf32>,
        %get3A_687 = arith.index_cast %add3A_644 : i32 to index
        %get3A_688 = arith.constant 96 : index
        %get3A_689 = tpu.vector_load %arg10[%get3A_687, %get3A_688] {strides = array<i32>} : memref<128x128xf32, #tpu.memory_space<vmem>>, vector<16xf32>,
        %mul3A_690 = arith.mulf %get3A_689, %gather3A_640 : vector<16xf32>
        %swap3A_691 = arith.index_cast %add3A_644 : i32 to index
        %swap3A_692 = arith.constant 96 : index
        %swap3A_693 = tpu.vector_load %arg10[%swap3A_691, %swap3A_692] {strides = array<i32>} : memref<128x128xf32, #tpu.memory_space<vmem>>, vector<16xf32>,
        tpu.vector_store %arg10[%swap3A_691, %swap3A_692], %mul3A_690 {strides = array<i32>} : memref<128x128xf32, #tpu.memory_space<vmem>>, vector<16xf32>,
        %get3A_694 = arith.index_cast %add3A_644 : i32 to index
        %get3A_695 = arith.constant 112 : index
        %get3A_696 = tpu.vector_load %arg10[%get3A_694, %get3A_695] {strides = array<i32>} : memref<128x128xf32, #tpu.memory_space<vmem>>, vector<16xf32>,
        %mul3A_697 = arith.mulf %get3A_696, %gather3A_640 : vector<16xf32>
        %swap3A_698 = arith.index_cast %add3A_644 : i32 to index
        %swap3A_699 = arith.constant 112 : index
        %swap3A_700 = tpu.vector_load %arg10[%swap3A_698, %swap3A_699] {strides = array<i32>} : memref<128x128xf32, #tpu.memory_space<vmem>>, vector<16xf32>,
        tpu.vector_store %arg10[%swap3A_698, %swap3A_699], %mul3A_697 {strides = array<i32>} : memref<128x128xf32, #tpu.memory_space<vmem>>, vector<16xf32>,
        %lt3A_701 = arith.constant 0 : i32
        %lt3A_702 = vector.broadcast %lt3A_701 : i32 to vector<16xi32>
        %lt3A_703 = arith.cmpi slt, %broadcast_in_dim3A_39, %lt3A_702 : vector<16xi32>
        %add3A_704 = arith.constant 16 : i32
        %add3A_705 = vector.broadcast %add3A_704 : i32 to vector<16xi32>
        %add3A_706 = arith.addi %broadcast_in_dim3A_39, %add3A_705 : vector<16xi32>
        %select_n3A_707 = arith.select %lt3A_703, %add3A_706, %broadcast_in_dim3A_39 : vector<16xi1>, vector<16xi32>
        %reshape3A_708 = vector.shape_cast %select_n3A_707 : vector<16xi32> to vector<16x1xi32>
        %gather3A_709 = vector.shape_cast %reshape3A_708 : vector<16x1xi32> to vector<16xi32>
        %gather3A_710 = tpu.dynamic_gather %get3A_75[%gather3A_709] in [0] : vector<16xf32>, vector<16xi32> -> vector<16xf32>
        %mul3A_711 = arith.constant 16 : i32
        %mul3A_712 = arith.muli %scan3A_70, %mul3A_711 : i32
        %add3A_713 = arith.constant 9 : i32
        %add3A_714 = arith.addi %mul3A_712, %add3A_713 : i32
        %get3A_715 = arith.index_cast %add3A_714 : i32 to index
        %get3A_716 = arith.constant 0 : index
        %get3A_717 = tpu.vector_load %arg10[%get3A_715, %get3A_716] {strides = array<i32>} : memref<128x128xf32, #tpu.memory_space<vmem>>, vector<16xf32>,
        %mul3A_718 = arith.mulf %get3A_717, %gather3A_710 : vector<16xf32>
        %swap3A_719 = arith.index_cast %add3A_714 : i32 to index
        %swap3A_720 = arith.constant 0 : index
        %swap3A_721 = tpu.vector_load %arg10[%swap3A_719, %swap3A_720] {strides = array<i32>} : memref<128x128xf32, #tpu.memory_space<vmem>>, vector<16xf32>,
        tpu.vector_store %arg10[%swap3A_719, %swap3A_720], %mul3A_718 {strides = array<i32>} : memref<128x128xf32, #tpu.memory_space<vmem>>, vector<16xf32>,
        %get3A_722 = arith.index_cast %add3A_714 : i32 to index
        %get3A_723 = arith.constant 16 : index
        %get3A_724 = tpu.vector_load %arg10[%get3A_722, %get3A_723] {strides = array<i32>} : memref<128x128xf32, #tpu.memory_space<vmem>>, vector<16xf32>,
        %mul3A_725 = arith.mulf %get3A_724, %gather3A_710 : vector<16xf32>
        %swap3A_726 = arith.index_cast %add3A_714 : i32 to index
        %swap3A_727 = arith.constant 16 : index
        %swap3A_728 = tpu.vector_load %arg10[%swap3A_726, %swap3A_727] {strides = array<i32>} : memref<128x128xf32, #tpu.memory_space<vmem>>, vector<16xf32>,
        tpu.vector_store %arg10[%swap3A_726, %swap3A_727], %mul3A_725 {strides = array<i32>} : memref<128x128xf32, #tpu.memory_space<vmem>>, vector<16xf32>,
        %get3A_729 = arith.index_cast %add3A_714 : i32 to index
        %get3A_730 = arith.constant 32 : index
        %get3A_731 = tpu.vector_load %arg10[%get3A_729, %get3A_730] {strides = array<i32>} : memref<128x128xf32, #tpu.memory_space<vmem>>, vector<16xf32>,
        %mul3A_732 = arith.mulf %get3A_731, %gather3A_710 : vector<16xf32>
        %swap3A_733 = arith.index_cast %add3A_714 : i32 to index
        %swap3A_734 = arith.constant 32 : index
        %swap3A_735 = tpu.vector_load %arg10[%swap3A_733, %swap3A_734] {strides = array<i32>} : memref<128x128xf32, #tpu.memory_space<vmem>>, vector<16xf32>,
        tpu.vector_store %arg10[%swap3A_733, %swap3A_734], %mul3A_732 {strides = array<i32>} : memref<128x128xf32, #tpu.memory_space<vmem>>, vector<16xf32>,
        %get3A_736 = arith.index_cast %add3A_714 : i32 to index
        %get3A_737 = arith.constant 48 : index
        %get3A_738 = tpu.vector_load %arg10[%get3A_736, %get3A_737] {strides = array<i32>} : memref<128x128xf32, #tpu.memory_space<vmem>>, vector<16xf32>,
        %mul3A_739 = arith.mulf %get3A_738, %gather3A_710 : vector<16xf32>
        %swap3A_740 = arith.index_cast %add3A_714 : i32 to index
        %swap3A_741 = arith.constant 48 : index
        %swap3A_742 = tpu.vector_load %arg10[%swap3A_740, %swap3A_741] {strides = array<i32>} : memref<128x128xf32, #tpu.memory_space<vmem>>, vector<16xf32>,
        tpu.vector_store %arg10[%swap3A_740, %swap3A_741], %mul3A_739 {strides = array<i32>} : memref<128x128xf32, #tpu.memory_space<vmem>>, vector<16xf32>,
        %get3A_743 = arith.index_cast %add3A_714 : i32 to index
        %get3A_744 = arith.constant 64 : index
        %get3A_745 = tpu.vector_load %arg10[%get3A_743, %get3A_744] {strides = array<i32>} : memref<128x128xf32, #tpu.memory_space<vmem>>, vector<16xf32>,
        %mul3A_746 = arith.mulf %get3A_745, %gather3A_710 : vector<16xf32>
        %swap3A_747 = arith.index_cast %add3A_714 : i32 to index
        %swap3A_748 = arith.constant 64 : index
        %swap3A_749 = tpu.vector_load %arg10[%swap3A_747, %swap3A_748] {strides = array<i32>} : memref<128x128xf32, #tpu.memory_space<vmem>>, vector<16xf32>,
        tpu.vector_store %arg10[%swap3A_747, %swap3A_748], %mul3A_746 {strides = array<i32>} : memref<128x128xf32, #tpu.memory_space<vmem>>, vector<16xf32>,
        %get3A_750 = arith.index_cast %add3A_714 : i32 to index
        %get3A_751 = arith.constant 80 : index
        %get3A_752 = tpu.vector_load %arg10[%get3A_750, %get3A_751] {strides = array<i32>} : memref<128x128xf32, #tpu.memory_space<vmem>>, vector<16xf32>,
        %mul3A_753 = arith.mulf %get3A_752, %gather3A_710 : vector<16xf32>
        %swap3A_754 = arith.index_cast %add3A_714 : i32 to index
        %swap3A_755 = arith.constant 80 : index
        %swap3A_756 = tpu.vector_load %arg10[%swap3A_754, %swap3A_755] {strides = array<i32>} : memref<128x128xf32, #tpu.memory_space<vmem>>, vector<16xf32>,
        tpu.vector_store %arg10[%swap3A_754, %swap3A_755], %mul3A_753 {strides = array<i32>} : memref<128x128xf32, #tpu.memory_space<vmem>>, vector<16xf32>,
        %get3A_757 = arith.index_cast %add3A_714 : i32 to index
        %get3A_758 = arith.constant 96 : index
        %get3A_759 = tpu.vector_load %arg10[%get3A_757, %get3A_758] {strides = array<i32>} : memref<128x128xf32, #tpu.memory_space<vmem>>, vector<16xf32>,
        %mul3A_760 = arith.mulf %get3A_759, %gather3A_710 : vector<16xf32>
        %swap3A_761 = arith.index_cast %add3A_714 : i32 to index
        %swap3A_762 = arith.constant 96 : index
        %swap3A_763 = tpu.vector_load %arg10[%swap3A_761, %swap3A_762] {strides = array<i32>} : memref<128x128xf32, #tpu.memory_space<vmem>>, vector<16xf32>,
        tpu.vector_store %arg10[%swap3A_761, %swap3A_762], %mul3A_760 {strides = array<i32>} : memref<128x128xf32, #tpu.memory_space<vmem>>, vector<16xf32>,
        %get3A_764 = arith.index_cast %add3A_714 : i32 to index
        %get3A_765 = arith.constant 112 : index
        %get3A_766 = tpu.vector_load %arg10[%get3A_764, %get3A_765] {strides = array<i32>} : memref<128x128xf32, #tpu.memory_space<vmem>>, vector<16xf32>,
        %mul3A_767 = arith.mulf %get3A_766, %gather3A_710 : vector<16xf32>
        %swap3A_768 = arith.index_cast %add3A_714 : i32 to index
        %swap3A_769 = arith.constant 112 : index
        %swap3A_770 = tpu.vector_load %arg10[%swap3A_768, %swap3A_769] {strides = array<i32>} : memref<128x128xf32, #tpu.memory_space<vmem>>, vector<16xf32>,
        tpu.vector_store %arg10[%swap3A_768, %swap3A_769], %mul3A_767 {strides = array<i32>} : memref<128x128xf32, #tpu.memory_space<vmem>>, vector<16xf32>,
        %lt3A_771 = arith.constant 0 : i32
        %lt3A_772 = vector.broadcast %lt3A_771 : i32 to vector<16xi32>
        %lt3A_773 = arith.cmpi slt, %broadcast_in_dim3A_41, %lt3A_772 : vector<16xi32>
        %add3A_774 = arith.constant 16 : i32
        %add3A_775 = vector.broadcast %add3A_774 : i32 to vector<16xi32>
        %add3A_776 = arith.addi %broadcast_in_dim3A_41, %add3A_775 : vector<16xi32>
        %select_n3A_777 = arith.select %lt3A_773, %add3A_776, %broadcast_in_dim3A_41 : vector<16xi1>, vector<16xi32>
        %reshape3A_778 = vector.shape_cast %select_n3A_777 : vector<16xi32> to vector<16x1xi32>
        %gather3A_779 = vector.shape_cast %reshape3A_778 : vector<16x1xi32> to vector<16xi32>
        %gather3A_780 = tpu.dynamic_gather %get3A_75[%gather3A_779] in [0] : vector<16xf32>, vector<16xi32> -> vector<16xf32>
        %mul3A_781 = arith.constant 16 : i32
        %mul3A_782 = arith.muli %scan3A_70, %mul3A_781 : i32
        %add3A_783 = arith.constant 10 : i32
        %add3A_784 = arith.addi %mul3A_782, %add3A_783 : i32
        %get3A_785 = arith.index_cast %add3A_784 : i32 to index
        %get3A_786 = arith.constant 0 : index
        %get3A_787 = tpu.vector_load %arg10[%get3A_785, %get3A_786] {strides = array<i32>} : memref<128x128xf32, #tpu.memory_space<vmem>>, vector<16xf32>,
        %mul3A_788 = arith.mulf %get3A_787, %gather3A_780 : vector<16xf32>
        %swap3A_789 = arith.index_cast %add3A_784 : i32 to index
        %swap3A_790 = arith.constant 0 : index
        %swap3A_791 = tpu.vector_load %arg10[%swap3A_789, %swap3A_790] {strides = array<i32>} : memref<128x128xf32, #tpu.memory_space<vmem>>, vector<16xf32>,
        tpu.vector_store %arg10[%swap3A_789, %swap3A_790], %mul3A_788 {strides = array<i32>} : memref<128x128xf32, #tpu.memory_space<vmem>>, vector<16xf32>,
        %get3A_792 = arith.index_cast %add3A_784 : i32 to index
        %get3A_793 = arith.constant 16 : index
        %get3A_794 = tpu.vector_load %arg10[%get3A_792, %get3A_793] {strides = array<i32>} : memref<128x128xf32, #tpu.memory_space<vmem>>, vector<16xf32>,
        %mul3A_795 = arith.mulf %get3A_794, %gather3A_780 : vector<16xf32>
        %swap3A_796 = arith.index_cast %add3A_784 : i32 to index
        %swap3A_797 = arith.constant 16 : index
        %swap3A_798 = tpu.vector_load %arg10[%swap3A_796, %swap3A_797] {strides = array<i32>} : memref<128x128xf32, #tpu.memory_space<vmem>>, vector<16xf32>,
        tpu.vector_store %arg10[%swap3A_796, %swap3A_797], %mul3A_795 {strides = array<i32>} : memref<128x128xf32, #tpu.memory_space<vmem>>, vector<16xf32>,
        %get3A_799 = arith.index_cast %add3A_784 : i32 to index
        %get3A_800 = arith.constant 32 : index
        %get3A_801 = tpu.vector_load %arg10[%get3A_799, %get3A_800] {strides = array<i32>} : memref<128x128xf32, #tpu.memory_space<vmem>>, vector<16xf32>,
        %mul3A_802 = arith.mulf %get3A_801, %gather3A_780 : vector<16xf32>
        %swap3A_803 = arith.index_cast %add3A_784 : i32 to index
        %swap3A_804 = arith.constant 32 : index
        %swap3A_805 = tpu.vector_load %arg10[%swap3A_803, %swap3A_804] {strides = array<i32>} : memref<128x128xf32, #tpu.memory_space<vmem>>, vector<16xf32>,
        tpu.vector_store %arg10[%swap3A_803, %swap3A_804], %mul3A_802 {strides = array<i32>} : memref<128x128xf32, #tpu.memory_space<vmem>>, vector<16xf32>,
        %get3A_806 = arith.index_cast %add3A_784 : i32 to index
        %get3A_807 = arith.constant 48 : index
        %get3A_808 = tpu.vector_load %arg10[%get3A_806, %get3A_807] {strides = array<i32>} : memref<128x128xf32, #tpu.memory_space<vmem>>, vector<16xf32>,
        %mul3A_809 = arith.mulf %get3A_808, %gather3A_780 : vector<16xf32>
        %swap3A_810 = arith.index_cast %add3A_784 : i32 to index
        %swap3A_811 = arith.constant 48 : index
        %swap3A_812 = tpu.vector_load %arg10[%swap3A_810, %swap3A_811] {strides = array<i32>} : memref<128x128xf32, #tpu.memory_space<vmem>>, vector<16xf32>,
        tpu.vector_store %arg10[%swap3A_810, %swap3A_811], %mul3A_809 {strides = array<i32>} : memref<128x128xf32, #tpu.memory_space<vmem>>, vector<16xf32>,
        %get3A_813 = arith.index_cast %add3A_784 : i32 to index
        %get3A_814 = arith.constant 64 : index
        %get3A_815 = tpu.vector_load %arg10[%get3A_813, %get3A_814] {strides = array<i32>} : memref<128x128xf32, #tpu.memory_space<vmem>>, vector<16xf32>,
        %mul3A_816 = arith.mulf %get3A_815, %gather3A_780 : vector<16xf32>
        %swap3A_817 = arith.index_cast %add3A_784 : i32 to index
        %swap3A_818 = arith.constant 64 : index
        %swap3A_819 = tpu.vector_load %arg10[%swap3A_817, %swap3A_818] {strides = array<i32>} : memref<128x128xf32, #tpu.memory_space<vmem>>, vector<16xf32>,
        tpu.vector_store %arg10[%swap3A_817, %swap3A_818], %mul3A_816 {strides = array<i32>} : memref<128x128xf32, #tpu.memory_space<vmem>>, vector<16xf32>,
        %get3A_820 = arith.index_cast %add3A_784 : i32 to index
        %get3A_821 = arith.constant 80 : index
        %get3A_822 = tpu.vector_load %arg10[%get3A_820, %get3A_821] {strides = array<i32>} : memref<128x128xf32, #tpu.memory_space<vmem>>, vector<16xf32>,
        %mul3A_823 = arith.mulf %get3A_822, %gather3A_780 : vector<16xf32>
        %swap3A_824 = arith.index_cast %add3A_784 : i32 to index
        %swap3A_825 = arith.constant 80 : index
        %swap3A_826 = tpu.vector_load %arg10[%swap3A_824, %swap3A_825] {strides = array<i32>} : memref<128x128xf32, #tpu.memory_space<vmem>>, vector<16xf32>,
        tpu.vector_store %arg10[%swap3A_824, %swap3A_825], %mul3A_823 {strides = array<i32>} : memref<128x128xf32, #tpu.memory_space<vmem>>, vector<16xf32>,
        %get3A_827 = arith.index_cast %add3A_784 : i32 to index
        %get3A_828 = arith.constant 96 : index
        %get3A_829 = tpu.vector_load %arg10[%get3A_827, %get3A_828] {strides = array<i32>} : memref<128x128xf32, #tpu.memory_space<vmem>>, vector<16xf32>,
        %mul3A_830 = arith.mulf %get3A_829, %gather3A_780 : vector<16xf32>
        %swap3A_831 = arith.index_cast %add3A_784 : i32 to index
        %swap3A_832 = arith.constant 96 : index
        %swap3A_833 = tpu.vector_load %arg10[%swap3A_831, %swap3A_832] {strides = array<i32>} : memref<128x128xf32, #tpu.memory_space<vmem>>, vector<16xf32>,
        tpu.vector_store %arg10[%swap3A_831, %swap3A_832], %mul3A_830 {strides = array<i32>} : memref<128x128xf32, #tpu.memory_space<vmem>>, vector<16xf32>,
        %get3A_834 = arith.index_cast %add3A_784 : i32 to index
        %get3A_835 = arith.constant 112 : index
        %get3A_836 = tpu.vector_load %arg10[%get3A_834, %get3A_835] {strides = array<i32>} : memref<128x128xf32, #tpu.memory_space<vmem>>, vector<16xf32>,
        %mul3A_837 = arith.mulf %get3A_836, %gather3A_780 : vector<16xf32>
        %swap3A_838 = arith.index_cast %add3A_784 : i32 to index
        %swap3A_839 = arith.constant 112 : index
        %swap3A_840 = tpu.vector_load %arg10[%swap3A_838, %swap3A_839] {strides = array<i32>} : memref<128x128xf32, #tpu.memory_space<vmem>>, vector<16xf32>,
        tpu.vector_store %arg10[%swap3A_838, %swap3A_839], %mul3A_837 {strides = array<i32>} : memref<128x128xf32, #tpu.memory_space<vmem>>, vector<16xf32>,
        %lt3A_841 = arith.constant 0 : i32
        %lt3A_842 = vector.broadcast %lt3A_841 : i32 to vector<16xi32>
        %lt3A_843 = arith.cmpi slt, %broadcast_in_dim3A_43, %lt3A_842 : vector<16xi32>
        %add3A_844 = arith.constant 16 : i32
        %add3A_845 = vector.broadcast %add3A_844 : i32 to vector<16xi32>
        %add3A_846 = arith.addi %broadcast_in_dim3A_43, %add3A_845 : vector<16xi32>
        %select_n3A_847 = arith.select %lt3A_843, %add3A_846, %broadcast_in_dim3A_43 : vector<16xi1>, vector<16xi32>
        %reshape3A_848 = vector.shape_cast %select_n3A_847 : vector<16xi32> to vector<16x1xi32>
        %gather3A_849 = vector.shape_cast %reshape3A_848 : vector<16x1xi32> to vector<16xi32>
        %gather3A_850 = tpu.dynamic_gather %get3A_75[%gather3A_849] in [0] : vector<16xf32>, vector<16xi32> -> vector<16xf32>
        %mul3A_851 = arith.constant 16 : i32
        %mul3A_852 = arith.muli %scan3A_70, %mul3A_851 : i32
        %add3A_853 = arith.constant 11 : i32
        %add3A_854 = arith.addi %mul3A_852, %add3A_853 : i32
        %get3A_855 = arith.index_cast %add3A_854 : i32 to index
        %get3A_856 = arith.constant 0 : index
        %get3A_857 = tpu.vector_load %arg10[%get3A_855, %get3A_856] {strides = array<i32>} : memref<128x128xf32, #tpu.memory_space<vmem>>, vector<16xf32>,
        %mul3A_858 = arith.mulf %get3A_857, %gather3A_850 : vector<16xf32>
        %swap3A_859 = arith.index_cast %add3A_854 : i32 to index
        %swap3A_860 = arith.constant 0 : index
        %swap3A_861 = tpu.vector_load %arg10[%swap3A_859, %swap3A_860] {strides = array<i32>} : memref<128x128xf32, #tpu.memory_space<vmem>>, vector<16xf32>,
        tpu.vector_store %arg10[%swap3A_859, %swap3A_860], %mul3A_858 {strides = array<i32>} : memref<128x128xf32, #tpu.memory_space<vmem>>, vector<16xf32>,
        %get3A_862 = arith.index_cast %add3A_854 : i32 to index
        %get3A_863 = arith.constant 16 : index
        %get3A_864 = tpu.vector_load %arg10[%get3A_862, %get3A_863] {strides = array<i32>} : memref<128x128xf32, #tpu.memory_space<vmem>>, vector<16xf32>,
        %mul3A_865 = arith.mulf %get3A_864, %gather3A_850 : vector<16xf32>
        %swap3A_866 = arith.index_cast %add3A_854 : i32 to index
        %swap3A_867 = arith.constant 16 : index
        %swap3A_868 = tpu.vector_load %arg10[%swap3A_866, %swap3A_867] {strides = array<i32>} : memref<128x128xf32, #tpu.memory_space<vmem>>, vector<16xf32>,
        tpu.vector_store %arg10[%swap3A_866, %swap3A_867], %mul3A_865 {strides = array<i32>} : memref<128x128xf32, #tpu.memory_space<vmem>>, vector<16xf32>,
        %get3A_869 = arith.index_cast %add3A_854 : i32 to index
        %get3A_870 = arith.constant 32 : index
        %get3A_871 = tpu.vector_load %arg10[%get3A_869, %get3A_870] {strides = array<i32>} : memref<128x128xf32, #tpu.memory_space<vmem>>, vector<16xf32>,
        %mul3A_872 = arith.mulf %get3A_871, %gather3A_850 : vector<16xf32>
        %swap3A_873 = arith.index_cast %add3A_854 : i32 to index
        %swap3A_874 = arith.constant 32 : index
        %swap3A_875 = tpu.vector_load %arg10[%swap3A_873, %swap3A_874] {strides = array<i32>} : memref<128x128xf32, #tpu.memory_space<vmem>>, vector<16xf32>,
        tpu.vector_store %arg10[%swap3A_873, %swap3A_874], %mul3A_872 {strides = array<i32>} : memref<128x128xf32, #tpu.memory_space<vmem>>, vector<16xf32>,
        %get3A_876 = arith.index_cast %add3A_854 : i32 to index
        %get3A_877 = arith.constant 48 : index
        %get3A_878 = tpu.vector_load %arg10[%get3A_876, %get3A_877] {strides = array<i32>} : memref<128x128xf32, #tpu.memory_space<vmem>>, vector<16xf32>,
        %mul3A_879 = arith.mulf %get3A_878, %gather3A_850 : vector<16xf32>
        %swap3A_880 = arith.index_cast %add3A_854 : i32 to index
        %swap3A_881 = arith.constant 48 : index
        %swap3A_882 = tpu.vector_load %arg10[%swap3A_880, %swap3A_881] {strides = array<i32>} : memref<128x128xf32, #tpu.memory_space<vmem>>, vector<16xf32>,
        tpu.vector_store %arg10[%swap3A_880, %swap3A_881], %mul3A_879 {strides = array<i32>} : memref<128x128xf32, #tpu.memory_space<vmem>>, vector<16xf32>,
        %get3A_883 = arith.index_cast %add3A_854 : i32 to index
        %get3A_884 = arith.constant 64 : index
        %get3A_885 = tpu.vector_load %arg10[%get3A_883, %get3A_884] {strides = array<i32>} : memref<128x128xf32, #tpu.memory_space<vmem>>, vector<16xf32>,
        %mul3A_886 = arith.mulf %get3A_885, %gather3A_850 : vector<16xf32>
        %swap3A_887 = arith.index_cast %add3A_854 : i32 to index
        %swap3A_888 = arith.constant 64 : index
        %swap3A_889 = tpu.vector_load %arg10[%swap3A_887, %swap3A_888] {strides = array<i32>} : memref<128x128xf32, #tpu.memory_space<vmem>>, vector<16xf32>,
        tpu.vector_store %arg10[%swap3A_887, %swap3A_888], %mul3A_886 {strides = array<i32>} : memref<128x128xf32, #tpu.memory_space<vmem>>, vector<16xf32>,
        %get3A_890 = arith.index_cast %add3A_854 : i32 to index
        %get3A_891 = arith.constant 80 : index
        %get3A_892 = tpu.vector_load %arg10[%get3A_890, %get3A_891] {strides = array<i32>} : memref<128x128xf32, #tpu.memory_space<vmem>>, vector<16xf32>,
        %mul3A_893 = arith.mulf %get3A_892, %gather3A_850 : vector<16xf32>
        %swap3A_894 = arith.index_cast %add3A_854 : i32 to index
        %swap3A_895 = arith.constant 80 : index
        %swap3A_896 = tpu.vector_load %arg10[%swap3A_894, %swap3A_895] {strides = array<i32>} : memref<128x128xf32, #tpu.memory_space<vmem>>, vector<16xf32>,
        tpu.vector_store %arg10[%swap3A_894, %swap3A_895], %mul3A_893 {strides = array<i32>} : memref<128x128xf32, #tpu.memory_space<vmem>>, vector<16xf32>,
        %get3A_897 = arith.index_cast %add3A_854 : i32 to index
        %get3A_898 = arith.constant 96 : index
        %get3A_899 = tpu.vector_load %arg10[%get3A_897, %get3A_898] {strides = array<i32>} : memref<128x128xf32, #tpu.memory_space<vmem>>, vector<16xf32>,
        %mul3A_900 = arith.mulf %get3A_899, %gather3A_850 : vector<16xf32>
        %swap3A_901 = arith.index_cast %add3A_854 : i32 to index
        %swap3A_902 = arith.constant 96 : index
        %swap3A_903 = tpu.vector_load %arg10[%swap3A_901, %swap3A_902] {strides = array<i32>} : memref<128x128xf32, #tpu.memory_space<vmem>>, vector<16xf32>,
        tpu.vector_store %arg10[%swap3A_901, %swap3A_902], %mul3A_900 {strides = array<i32>} : memref<128x128xf32, #tpu.memory_space<vmem>>, vector<16xf32>,
        %get3A_904 = arith.index_cast %add3A_854 : i32 to index
        %get3A_905 = arith.constant 112 : index
        %get3A_906 = tpu.vector_load %arg10[%get3A_904, %get3A_905] {strides = array<i32>} : memref<128x128xf32, #tpu.memory_space<vmem>>, vector<16xf32>,
        %mul3A_907 = arith.mulf %get3A_906, %gather3A_850 : vector<16xf32>
        %swap3A_908 = arith.index_cast %add3A_854 : i32 to index
        %swap3A_909 = arith.constant 112 : index
        %swap3A_910 = tpu.vector_load %arg10[%swap3A_908, %swap3A_909] {strides = array<i32>} : memref<128x128xf32, #tpu.memory_space<vmem>>, vector<16xf32>,
        tpu.vector_store %arg10[%swap3A_908, %swap3A_909], %mul3A_907 {strides = array<i32>} : memref<128x128xf32, #tpu.memory_space<vmem>>, vector<16xf32>,
        %lt3A_911 = arith.constant 0 : i32
        %lt3A_912 = vector.broadcast %lt3A_911 : i32 to vector<16xi32>
        %lt3A_913 = arith.cmpi slt, %broadcast_in_dim3A_45, %lt3A_912 : vector<16xi32>
        %add3A_914 = arith.constant 16 : i32
        %add3A_915 = vector.broadcast %add3A_914 : i32 to vector<16xi32>
        %add3A_916 = arith.addi %broadcast_in_dim3A_45, %add3A_915 : vector<16xi32>
        %select_n3A_917 = arith.select %lt3A_913, %add3A_916, %broadcast_in_dim3A_45 : vector<16xi1>, vector<16xi32>
        %reshape3A_918 = vector.shape_cast %select_n3A_917 : vector<16xi32> to vector<16x1xi32>
        %gather3A_919 = vector.shape_cast %reshape3A_918 : vector<16x1xi32> to vector<16xi32>
        %gather3A_920 = tpu.dynamic_gather %get3A_75[%gather3A_919] in [0] : vector<16xf32>, vector<16xi32> -> vector<16xf32>
        %mul3A_921 = arith.constant 16 : i32
        %mul3A_922 = arith.muli %scan3A_70, %mul3A_921 : i32
        %add3A_923 = arith.constant 12 : i32
        %add3A_924 = arith.addi %mul3A_922, %add3A_923 : i32
        %get3A_925 = arith.index_cast %add3A_924 : i32 to index
        %get3A_926 = arith.constant 0 : index
        %get3A_927 = tpu.vector_load %arg10[%get3A_925, %get3A_926] {strides = array<i32>} : memref<128x128xf32, #tpu.memory_space<vmem>>, vector<16xf32>,
        %mul3A_928 = arith.mulf %get3A_927, %gather3A_920 : vector<16xf32>
        %swap3A_929 = arith.index_cast %add3A_924 : i32 to index
        %swap3A_930 = arith.constant 0 : index
        %swap3A_931 = tpu.vector_load %arg10[%swap3A_929, %swap3A_930] {strides = array<i32>} : memref<128x128xf32, #tpu.memory_space<vmem>>, vector<16xf32>,
        tpu.vector_store %arg10[%swap3A_929, %swap3A_930], %mul3A_928 {strides = array<i32>} : memref<128x128xf32, #tpu.memory_space<vmem>>, vector<16xf32>,
        %get3A_932 = arith.index_cast %add3A_924 : i32 to index
        %get3A_933 = arith.constant 16 : index
        %get3A_934 = tpu.vector_load %arg10[%get3A_932, %get3A_933] {strides = array<i32>} : memref<128x128xf32, #tpu.memory_space<vmem>>, vector<16xf32>,
        %mul3A_935 = arith.mulf %get3A_934, %gather3A_920 : vector<16xf32>
        %swap3A_936 = arith.index_cast %add3A_924 : i32 to index
        %swap3A_937 = arith.constant 16 : index
        %swap3A_938 = tpu.vector_load %arg10[%swap3A_936, %swap3A_937] {strides = array<i32>} : memref<128x128xf32, #tpu.memory_space<vmem>>, vector<16xf32>,
        tpu.vector_store %arg10[%swap3A_936, %swap3A_937], %mul3A_935 {strides = array<i32>} : memref<128x128xf32, #tpu.memory_space<vmem>>, vector<16xf32>,
        %get3A_939 = arith.index_cast %add3A_924 : i32 to index
        %get3A_940 = arith.constant 32 : index
        %get3A_941 = tpu.vector_load %arg10[%get3A_939, %get3A_940] {strides = array<i32>} : memref<128x128xf32, #tpu.memory_space<vmem>>, vector<16xf32>,
        %mul3A_942 = arith.mulf %get3A_941, %gather3A_920 : vector<16xf32>
        %swap3A_943 = arith.index_cast %add3A_924 : i32 to index
        %swap3A_944 = arith.constant 32 : index
        %swap3A_945 = tpu.vector_load %arg10[%swap3A_943, %swap3A_944] {strides = array<i32>} : memref<128x128xf32, #tpu.memory_space<vmem>>, vector<16xf32>,
        tpu.vector_store %arg10[%swap3A_943, %swap3A_944], %mul3A_942 {strides = array<i32>} : memref<128x128xf32, #tpu.memory_space<vmem>>, vector<16xf32>,
        %get3A_946 = arith.index_cast %add3A_924 : i32 to index
        %get3A_947 = arith.constant 48 : index
        %get3A_948 = tpu.vector_load %arg10[%get3A_946, %get3A_947] {strides = array<i32>} : memref<128x128xf32, #tpu.memory_space<vmem>>, vector<16xf32>,
        %mul3A_949 = arith.mulf %get3A_948, %gather3A_920 : vector<16xf32>
        %swap3A_950 = arith.index_cast %add3A_924 : i32 to index
        %swap3A_951 = arith.constant 48 : index
        %swap3A_952 = tpu.vector_load %arg10[%swap3A_950, %swap3A_951] {strides = array<i32>} : memref<128x128xf32, #tpu.memory_space<vmem>>, vector<16xf32>,
        tpu.vector_store %arg10[%swap3A_950, %swap3A_951], %mul3A_949 {strides = array<i32>} : memref<128x128xf32, #tpu.memory_space<vmem>>, vector<16xf32>,
        %get3A_953 = arith.index_cast %add3A_924 : i32 to index
        %get3A_954 = arith.constant 64 : index
        %get3A_955 = tpu.vector_load %arg10[%get3A_953, %get3A_954] {strides = array<i32>} : memref<128x128xf32, #tpu.memory_space<vmem>>, vector<16xf32>,
        %mul3A_956 = arith.mulf %get3A_955, %gather3A_920 : vector<16xf32>
        %swap3A_957 = arith.index_cast %add3A_924 : i32 to index
        %swap3A_958 = arith.constant 64 : index
        %swap3A_959 = tpu.vector_load %arg10[%swap3A_957, %swap3A_958] {strides = array<i32>} : memref<128x128xf32, #tpu.memory_space<vmem>>, vector<16xf32>,
        tpu.vector_store %arg10[%swap3A_957, %swap3A_958], %mul3A_956 {strides = array<i32>} : memref<128x128xf32, #tpu.memory_space<vmem>>, vector<16xf32>,
        %get3A_960 = arith.index_cast %add3A_924 : i32 to index
        %get3A_961 = arith.constant 80 : index
        %get3A_962 = tpu.vector_load %arg10[%get3A_960, %get3A_961] {strides = array<i32>} : memref<128x128xf32, #tpu.memory_space<vmem>>, vector<16xf32>,
        %mul3A_963 = arith.mulf %get3A_962, %gather3A_920 : vector<16xf32>
        %swap3A_964 = arith.index_cast %add3A_924 : i32 to index
        %swap3A_965 = arith.constant 80 : index
        %swap3A_966 = tpu.vector_load %arg10[%swap3A_964, %swap3A_965] {strides = array<i32>} : memref<128x128xf32, #tpu.memory_space<vmem>>, vector<16xf32>,
        tpu.vector_store %arg10[%swap3A_964, %swap3A_965], %mul3A_963 {strides = array<i32>} : memref<128x128xf32, #tpu.memory_space<vmem>>, vector<16xf32>,
        %get3A_967 = arith.index_cast %add3A_924 : i32 to index
        %get3A_968 = arith.constant 96 : index
        %get3A_969 = tpu.vector_load %arg10[%get3A_967, %get3A_968] {strides = array<i32>} : memref<128x128xf32, #tpu.memory_space<vmem>>, vector<16xf32>,
        %mul3A_970 = arith.mulf %get3A_969, %gather3A_920 : vector<16xf32>
        %swap3A_971 = arith.index_cast %add3A_924 : i32 to index
        %swap3A_972 = arith.constant 96 : index
        %swap3A_973 = tpu.vector_load %arg10[%swap3A_971, %swap3A_972] {strides = array<i32>} : memref<128x128xf32, #tpu.memory_space<vmem>>, vector<16xf32>,
        tpu.vector_store %arg10[%swap3A_971, %swap3A_972], %mul3A_970 {strides = array<i32>} : memref<128x128xf32, #tpu.memory_space<vmem>>, vector<16xf32>,
        %get3A_974 = arith.index_cast %add3A_924 : i32 to index
        %get3A_975 = arith.constant 112 : index
        %get3A_976 = tpu.vector_load %arg10[%get3A_974, %get3A_975] {strides = array<i32>} : memref<128x128xf32, #tpu.memory_space<vmem>>, vector<16xf32>,
        %mul3A_977 = arith.mulf %get3A_976, %gather3A_920 : vector<16xf32>
        %swap3A_978 = arith.index_cast %add3A_924 : i32 to index
        %swap3A_979 = arith.constant 112 : index
        %swap3A_980 = tpu.vector_load %arg10[%swap3A_978, %swap3A_979] {strides = array<i32>} : memref<128x128xf32, #tpu.memory_space<vmem>>, vector<16xf32>,
        tpu.vector_store %arg10[%swap3A_978, %swap3A_979], %mul3A_977 {strides = array<i32>} : memref<128x128xf32, #tpu.memory_space<vmem>>, vector<16xf32>,
        %lt3A_981 = arith.constant 0 : i32
        %lt3A_982 = vector.broadcast %lt3A_981 : i32 to vector<16xi32>
        %lt3A_983 = arith.cmpi slt, %broadcast_in_dim3A_47, %lt3A_982 : vector<16xi32>
        %add3A_984 = arith.constant 16 : i32
        %add3A_985 = vector.broadcast %add3A_984 : i32 to vector<16xi32>
        %add3A_986 = arith.addi %broadcast_in_dim3A_47, %add3A_985 : vector<16xi32>
        %select_n3A_987 = arith.select %lt3A_983, %add3A_986, %broadcast_in_dim3A_47 : vector<16xi1>, vector<16xi32>
        %reshape3A_988 = vector.shape_cast %select_n3A_987 : vector<16xi32> to vector<16x1xi32>
        %gather3A_989 = vector.shape_cast %reshape3A_988 : vector<16x1xi32> to vector<16xi32>
        %gather3A_990 = tpu.dynamic_gather %get3A_75[%gather3A_989] in [0] : vector<16xf32>, vector<16xi32> -> vector<16xf32>
        %mul3A_991 = arith.constant 16 : i32
        %mul3A_992 = arith.muli %scan3A_70, %mul3A_991 : i32
        %add3A_993 = arith.constant 13 : i32
        %add3A_994 = arith.addi %mul3A_992, %add3A_993 : i32
        %get3A_995 = arith.index_cast %add3A_994 : i32 to index
        %get3A_996 = arith.constant 0 : index
        %get3A_997 = tpu.vector_load %arg10[%get3A_995, %get3A_996] {strides = array<i32>} : memref<128x128xf32, #tpu.memory_space<vmem>>, vector<16xf32>,
        %mul3A_998 = arith.mulf %get3A_997, %gather3A_990 : vector<16xf32>
        %swap3A_999 = arith.index_cast %add3A_994 : i32 to index
        %swap3A_1000 = arith.constant 0 : index
        %swap3A_1001 = tpu.vector_load %arg10[%swap3A_999, %swap3A_1000] {strides = array<i32>} : memref<128x128xf32, #tpu.memory_space<vmem>>, vector<16xf32>,
        tpu.vector_store %arg10[%swap3A_999, %swap3A_1000], %mul3A_998 {strides = array<i32>} : memref<128x128xf32, #tpu.memory_space<vmem>>, vector<16xf32>,
        %get3A_1002 = arith.index_cast %add3A_994 : i32 to index
        %get3A_1003 = arith.constant 16 : index
        %get3A_1004 = tpu.vector_load %arg10[%get3A_1002, %get3A_1003] {strides = array<i32>} : memref<128x128xf32, #tpu.memory_space<vmem>>, vector<16xf32>,
        %mul3A_1005 = arith.mulf %get3A_1004, %gather3A_990 : vector<16xf32>
        %swap3A_1006 = arith.index_cast %add3A_994 : i32 to index
        %swap3A_1007 = arith.constant 16 : index
        %swap3A_1008 = tpu.vector_load %arg10[%swap3A_1006, %swap3A_1007] {strides = array<i32>} : memref<128x128xf32, #tpu.memory_space<vmem>>, vector<16xf32>,
        tpu.vector_store %arg10[%swap3A_1006, %swap3A_1007], %mul3A_1005 {strides = array<i32>} : memref<128x128xf32, #tpu.memory_space<vmem>>, vector<16xf32>,
        %get3A_1009 = arith.index_cast %add3A_994 : i32 to index
        %get3A_1010 = arith.constant 32 : index
        %get3A_1011 = tpu.vector_load %arg10[%get3A_1009, %get3A_1010] {strides = array<i32>} : memref<128x128xf32, #tpu.memory_space<vmem>>, vector<16xf32>,
        %mul3A_1012 = arith.mulf %get3A_1011, %gather3A_990 : vector<16xf32>
        %swap3A_1013 = arith.index_cast %add3A_994 : i32 to index
        %swap3A_1014 = arith.constant 32 : index
        %swap3A_1015 = tpu.vector_load %arg10[%swap3A_1013, %swap3A_1014] {strides = array<i32>} : memref<128x128xf32, #tpu.memory_space<vmem>>, vector<16xf32>,
        tpu.vector_store %arg10[%swap3A_1013, %swap3A_1014], %mul3A_1012 {strides = array<i32>} : memref<128x128xf32, #tpu.memory_space<vmem>>, vector<16xf32>,
        %get3A_1016 = arith.index_cast %add3A_994 : i32 to index
        %get3A_1017 = arith.constant 48 : index
        %get3A_1018 = tpu.vector_load %arg10[%get3A_1016, %get3A_1017] {strides = array<i32>} : memref<128x128xf32, #tpu.memory_space<vmem>>, vector<16xf32>,
        %mul3A_1019 = arith.mulf %get3A_1018, %gather3A_990 : vector<16xf32>
        %swap3A_1020 = arith.index_cast %add3A_994 : i32 to index
        %swap3A_1021 = arith.constant 48 : index
        %swap3A_1022 = tpu.vector_load %arg10[%swap3A_1020, %swap3A_1021] {strides = array<i32>} : memref<128x128xf32, #tpu.memory_space<vmem>>, vector<16xf32>,
        tpu.vector_store %arg10[%swap3A_1020, %swap3A_1021], %mul3A_1019 {strides = array<i32>} : memref<128x128xf32, #tpu.memory_space<vmem>>, vector<16xf32>,
        %get3A_1023 = arith.index_cast %add3A_994 : i32 to index
        %get3A_1024 = arith.constant 64 : index
        %get3A_1025 = tpu.vector_load %arg10[%get3A_1023, %get3A_1024] {strides = array<i32>} : memref<128x128xf32, #tpu.memory_space<vmem>>, vector<16xf32>,
        %mul3A_1026 = arith.mulf %get3A_1025, %gather3A_990 : vector<16xf32>
        %swap3A_1027 = arith.index_cast %add3A_994 : i32 to index
        %swap3A_1028 = arith.constant 64 : index
        %swap3A_1029 = tpu.vector_load %arg10[%swap3A_1027, %swap3A_1028] {strides = array<i32>} : memref<128x128xf32, #tpu.memory_space<vmem>>, vector<16xf32>,
        tpu.vector_store %arg10[%swap3A_1027, %swap3A_1028], %mul3A_1026 {strides = array<i32>} : memref<128x128xf32, #tpu.memory_space<vmem>>, vector<16xf32>,
        %get3A_1030 = arith.index_cast %add3A_994 : i32 to index
        %get3A_1031 = arith.constant 80 : index
        %get3A_1032 = tpu.vector_load %arg10[%get3A_1030, %get3A_1031] {strides = array<i32>} : memref<128x128xf32, #tpu.memory_space<vmem>>, vector<16xf32>,
        %mul3A_1033 = arith.mulf %get3A_1032, %gather3A_990 : vector<16xf32>
        %swap3A_1034 = arith.index_cast %add3A_994 : i32 to index
        %swap3A_1035 = arith.constant 80 : index
        %swap3A_1036 = tpu.vector_load %arg10[%swap3A_1034, %swap3A_1035] {strides = array<i32>} : memref<128x128xf32, #tpu.memory_space<vmem>>, vector<16xf32>,
        tpu.vector_store %arg10[%swap3A_1034, %swap3A_1035], %mul3A_1033 {strides = array<i32>} : memref<128x128xf32, #tpu.memory_space<vmem>>, vector<16xf32>,
        %get3A_1037 = arith.index_cast %add3A_994 : i32 to index
        %get3A_1038 = arith.constant 96 : index
        %get3A_1039 = tpu.vector_load %arg10[%get3A_1037, %get3A_1038] {strides = array<i32>} : memref<128x128xf32, #tpu.memory_space<vmem>>, vector<16xf32>,
        %mul3A_1040 = arith.mulf %get3A_1039, %gather3A_990 : vector<16xf32>
        %swap3A_1041 = arith.index_cast %add3A_994 : i32 to index
        %swap3A_1042 = arith.constant 96 : index
        %swap3A_1043 = tpu.vector_load %arg10[%swap3A_1041, %swap3A_1042] {strides = array<i32>} : memref<128x128xf32, #tpu.memory_space<vmem>>, vector<16xf32>,
        tpu.vector_store %arg10[%swap3A_1041, %swap3A_1042], %mul3A_1040 {strides = array<i32>} : memref<128x128xf32, #tpu.memory_space<vmem>>, vector<16xf32>,
        %get3A_1044 = arith.index_cast %add3A_994 : i32 to index
        %get3A_1045 = arith.constant 112 : index
        %get3A_1046 = tpu.vector_load %arg10[%get3A_1044, %get3A_1045] {strides = array<i32>} : memref<128x128xf32, #tpu.memory_space<vmem>>, vector<16xf32>,
        %mul3A_1047 = arith.mulf %get3A_1046, %gather3A_990 : vector<16xf32>
        %swap3A_1048 = arith.index_cast %add3A_994 : i32 to index
        %swap3A_1049 = arith.constant 112 : index
        %swap3A_1050 = tpu.vector_load %arg10[%swap3A_1048, %swap3A_1049] {strides = array<i32>} : memref<128x128xf32, #tpu.memory_space<vmem>>, vector<16xf32>,
        tpu.vector_store %arg10[%swap3A_1048, %swap3A_1049], %mul3A_1047 {strides = array<i32>} : memref<128x128xf32, #tpu.memory_space<vmem>>, vector<16xf32>,
        %lt3A_1051 = arith.constant 0 : i32
        %lt3A_1052 = vector.broadcast %lt3A_1051 : i32 to vector<16xi32>
        %lt3A_1053 = arith.cmpi slt, %broadcast_in_dim3A_49, %lt3A_1052 : vector<16xi32>
        %add3A_1054 = arith.constant 16 : i32
        %add3A_1055 = vector.broadcast %add3A_1054 : i32 to vector<16xi32>
        %add3A_1056 = arith.addi %broadcast_in_dim3A_49, %add3A_1055 : vector<16xi32>
        %select_n3A_1057 = arith.select %lt3A_1053, %add3A_1056, %broadcast_in_dim3A_49 : vector<16xi1>, vector<16xi32>
        %reshape3A_1058 = vector.shape_cast %select_n3A_1057 : vector<16xi32> to vector<16x1xi32>
        %gather3A_1059 = vector.shape_cast %reshape3A_1058 : vector<16x1xi32> to vector<16xi32>
        %gather3A_1060 = tpu.dynamic_gather %get3A_75[%gather3A_1059] in [0] : vector<16xf32>, vector<16xi32> -> vector<16xf32>
        %mul3A_1061 = arith.constant 16 : i32
        %mul3A_1062 = arith.muli %scan3A_70, %mul3A_1061 : i32
        %add3A_1063 = arith.constant 14 : i32
        %add3A_1064 = arith.addi %mul3A_1062, %add3A_1063 : i32
        %get3A_1065 = arith.index_cast %add3A_1064 : i32 to index
        %get3A_1066 = arith.constant 0 : index
        %get3A_1067 = tpu.vector_load %arg10[%get3A_1065, %get3A_1066] {strides = array<i32>} : memref<128x128xf32, #tpu.memory_space<vmem>>, vector<16xf32>,
        %mul3A_1068 = arith.mulf %get3A_1067, %gather3A_1060 : vector<16xf32>
        %swap3A_1069 = arith.index_cast %add3A_1064 : i32 to index
        %swap3A_1070 = arith.constant 0 : index
        %swap3A_1071 = tpu.vector_load %arg10[%swap3A_1069, %swap3A_1070] {strides = array<i32>} : memref<128x128xf32, #tpu.memory_space<vmem>>, vector<16xf32>,
        tpu.vector_store %arg10[%swap3A_1069, %swap3A_1070], %mul3A_1068 {strides = array<i32>} : memref<128x128xf32, #tpu.memory_space<vmem>>, vector<16xf32>,
        %get3A_1072 = arith.index_cast %add3A_1064 : i32 to index
        %get3A_1073 = arith.constant 16 : index
        %get3A_1074 = tpu.vector_load %arg10[%get3A_1072, %get3A_1073] {strides = array<i32>} : memref<128x128xf32, #tpu.memory_space<vmem>>, vector<16xf32>,
        %mul3A_1075 = arith.mulf %get3A_1074, %gather3A_1060 : vector<16xf32>
        %swap3A_1076 = arith.index_cast %add3A_1064 : i32 to index
        %swap3A_1077 = arith.constant 16 : index
        %swap3A_1078 = tpu.vector_load %arg10[%swap3A_1076, %swap3A_1077] {strides = array<i32>} : memref<128x128xf32, #tpu.memory_space<vmem>>, vector<16xf32>,
        tpu.vector_store %arg10[%swap3A_1076, %swap3A_1077], %mul3A_1075 {strides = array<i32>} : memref<128x128xf32, #tpu.memory_space<vmem>>, vector<16xf32>,
        %get3A_1079 = arith.index_cast %add3A_1064 : i32 to index
        %get3A_1080 = arith.constant 32 : index
        %get3A_1081 = tpu.vector_load %arg10[%get3A_1079, %get3A_1080] {strides = array<i32>} : memref<128x128xf32, #tpu.memory_space<vmem>>, vector<16xf32>,
        %mul3A_1082 = arith.mulf %get3A_1081, %gather3A_1060 : vector<16xf32>
        %swap3A_1083 = arith.index_cast %add3A_1064 : i32 to index
        %swap3A_1084 = arith.constant 32 : index
        %swap3A_1085 = tpu.vector_load %arg10[%swap3A_1083, %swap3A_1084] {strides = array<i32>} : memref<128x128xf32, #tpu.memory_space<vmem>>, vector<16xf32>,
        tpu.vector_store %arg10[%swap3A_1083, %swap3A_1084], %mul3A_1082 {strides = array<i32>} : memref<128x128xf32, #tpu.memory_space<vmem>>, vector<16xf32>,
        %get3A_1086 = arith.index_cast %add3A_1064 : i32 to index
        %get3A_1087 = arith.constant 48 : index
        %get3A_1088 = tpu.vector_load %arg10[%get3A_1086, %get3A_1087] {strides = array<i32>} : memref<128x128xf32, #tpu.memory_space<vmem>>, vector<16xf32>,
        %mul3A_1089 = arith.mulf %get3A_1088, %gather3A_1060 : vector<16xf32>
        %swap3A_1090 = arith.index_cast %add3A_1064 : i32 to index
        %swap3A_1091 = arith.constant 48 : index
        %swap3A_1092 = tpu.vector_load %arg10[%swap3A_1090, %swap3A_1091] {strides = array<i32>} : memref<128x128xf32, #tpu.memory_space<vmem>>, vector<16xf32>,
        tpu.vector_store %arg10[%swap3A_1090, %swap3A_1091], %mul3A_1089 {strides = array<i32>} : memref<128x128xf32, #tpu.memory_space<vmem>>, vector<16xf32>,
        %get3A_1093 = arith.index_cast %add3A_1064 : i32 to index
        %get3A_1094 = arith.constant 64 : index
        %get3A_1095 = tpu.vector_load %arg10[%get3A_1093, %get3A_1094] {strides = array<i32>} : memref<128x128xf32, #tpu.memory_space<vmem>>, vector<16xf32>,
        %mul3A_1096 = arith.mulf %get3A_1095, %gather3A_1060 : vector<16xf32>
        %swap3A_1097 = arith.index_cast %add3A_1064 : i32 to index
        %swap3A_1098 = arith.constant 64 : index
        %swap3A_1099 = tpu.vector_load %arg10[%swap3A_1097, %swap3A_1098] {strides = array<i32>} : memref<128x128xf32, #tpu.memory_space<vmem>>, vector<16xf32>,
        tpu.vector_store %arg10[%swap3A_1097, %swap3A_1098], %mul3A_1096 {strides = array<i32>} : memref<128x128xf32, #tpu.memory_space<vmem>>, vector<16xf32>,
        %get3A_1100 = arith.index_cast %add3A_1064 : i32 to index
        %get3A_1101 = arith.constant 80 : index
        %get3A_1102 = tpu.vector_load %arg10[%get3A_1100, %get3A_1101] {strides = array<i32>} : memref<128x128xf32, #tpu.memory_space<vmem>>, vector<16xf32>,
        %mul3A_1103 = arith.mulf %get3A_1102, %gather3A_1060 : vector<16xf32>
        %swap3A_1104 = arith.index_cast %add3A_1064 : i32 to index
        %swap3A_1105 = arith.constant 80 : index
        %swap3A_1106 = tpu.vector_load %arg10[%swap3A_1104, %swap3A_1105] {strides = array<i32>} : memref<128x128xf32, #tpu.memory_space<vmem>>, vector<16xf32>,
        tpu.vector_store %arg10[%swap3A_1104, %swap3A_1105], %mul3A_1103 {strides = array<i32>} : memref<128x128xf32, #tpu.memory_space<vmem>>, vector<16xf32>,
        %get3A_1107 = arith.index_cast %add3A_1064 : i32 to index
        %get3A_1108 = arith.constant 96 : index
        %get3A_1109 = tpu.vector_load %arg10[%get3A_1107, %get3A_1108] {strides = array<i32>} : memref<128x128xf32, #tpu.memory_space<vmem>>, vector<16xf32>,
        %mul3A_1110 = arith.mulf %get3A_1109, %gather3A_1060 : vector<16xf32>
        %swap3A_1111 = arith.index_cast %add3A_1064 : i32 to index
        %swap3A_1112 = arith.constant 96 : index
        %swap3A_1113 = tpu.vector_load %arg10[%swap3A_1111, %swap3A_1112] {strides = array<i32>} : memref<128x128xf32, #tpu.memory_space<vmem>>, vector<16xf32>,
        tpu.vector_store %arg10[%swap3A_1111, %swap3A_1112], %mul3A_1110 {strides = array<i32>} : memref<128x128xf32, #tpu.memory_space<vmem>>, vector<16xf32>,
        %get3A_1114 = arith.index_cast %add3A_1064 : i32 to index
        %get3A_1115 = arith.constant 112 : index
        %get3A_1116 = tpu.vector_load %arg10[%get3A_1114, %get3A_1115] {strides = array<i32>} : memref<128x128xf32, #tpu.memory_space<vmem>>, vector<16xf32>,
        %mul3A_1117 = arith.mulf %get3A_1116, %gather3A_1060 : vector<16xf32>
        %swap3A_1118 = arith.index_cast %add3A_1064 : i32 to index
        %swap3A_1119 = arith.constant 112 : index
        %swap3A_1120 = tpu.vector_load %arg10[%swap3A_1118, %swap3A_1119] {strides = array<i32>} : memref<128x128xf32, #tpu.memory_space<vmem>>, vector<16xf32>,
        tpu.vector_store %arg10[%swap3A_1118, %swap3A_1119], %mul3A_1117 {strides = array<i32>} : memref<128x128xf32, #tpu.memory_space<vmem>>, vector<16xf32>,
        %lt3A_1121 = arith.constant 0 : i32
        %lt3A_1122 = vector.broadcast %lt3A_1121 : i32 to vector<16xi32>
        %lt3A_1123 = arith.cmpi slt, %broadcast_in_dim3A_51, %lt3A_1122 : vector<16xi32>
        %add3A_1124 = arith.constant 16 : i32
        %add3A_1125 = vector.broadcast %add3A_1124 : i32 to vector<16xi32>
        %add3A_1126 = arith.addi %broadcast_in_dim3A_51, %add3A_1125 : vector<16xi32>
        %select_n3A_1127 = arith.select %lt3A_1123, %add3A_1126, %broadcast_in_dim3A_51 : vector<16xi1>, vector<16xi32>
        %reshape3A_1128 = vector.shape_cast %select_n3A_1127 : vector<16xi32> to vector<16x1xi32>
        %gather3A_1129 = vector.shape_cast %reshape3A_1128 : vector<16x1xi32> to vector<16xi32>
        %gather3A_1130 = tpu.dynamic_gather %get3A_75[%gather3A_1129] in [0] : vector<16xf32>, vector<16xi32> -> vector<16xf32>
        %mul3A_1131 = arith.constant 16 : i32
        %mul3A_1132 = arith.muli %scan3A_70, %mul3A_1131 : i32
        %add3A_1133 = arith.constant 15 : i32
        %add3A_1134 = arith.addi %mul3A_1132, %add3A_1133 : i32
        %get3A_1135 = arith.index_cast %add3A_1134 : i32 to index
        %get3A_1136 = arith.constant 0 : index
        %get3A_1137 = tpu.vector_load %arg10[%get3A_1135, %get3A_1136] {strides = array<i32>} : memref<128x128xf32, #tpu.memory_space<vmem>>, vector<16xf32>,
        %mul3A_1138 = arith.mulf %get3A_1137, %gather3A_1130 : vector<16xf32>
        %swap3A_1139 = arith.index_cast %add3A_1134 : i32 to index
        %swap3A_1140 = arith.constant 0 : index
        %swap3A_1141 = tpu.vector_load %arg10[%swap3A_1139, %swap3A_1140] {strides = array<i32>} : memref<128x128xf32, #tpu.memory_space<vmem>>, vector<16xf32>,
        tpu.vector_store %arg10[%swap3A_1139, %swap3A_1140], %mul3A_1138 {strides = array<i32>} : memref<128x128xf32, #tpu.memory_space<vmem>>, vector<16xf32>,
        %get3A_1142 = arith.index_cast %add3A_1134 : i32 to index
        %get3A_1143 = arith.constant 16 : index
        %get3A_1144 = tpu.vector_load %arg10[%get3A_1142, %get3A_1143] {strides = array<i32>} : memref<128x128xf32, #tpu.memory_space<vmem>>, vector<16xf32>,
        %mul3A_1145 = arith.mulf %get3A_1144, %gather3A_1130 : vector<16xf32>
        %swap3A_1146 = arith.index_cast %add3A_1134 : i32 to index
        %swap3A_1147 = arith.constant 16 : index
        %swap3A_1148 = tpu.vector_load %arg10[%swap3A_1146, %swap3A_1147] {strides = array<i32>} : memref<128x128xf32, #tpu.memory_space<vmem>>, vector<16xf32>,
        tpu.vector_store %arg10[%swap3A_1146, %swap3A_1147], %mul3A_1145 {strides = array<i32>} : memref<128x128xf32, #tpu.memory_space<vmem>>, vector<16xf32>,
        %get3A_1149 = arith.index_cast %add3A_1134 : i32 to index
        %get3A_1150 = arith.constant 32 : index
        %get3A_1151 = tpu.vector_load %arg10[%get3A_1149, %get3A_1150] {strides = array<i32>} : memref<128x128xf32, #tpu.memory_space<vmem>>, vector<16xf32>,
        %mul3A_1152 = arith.mulf %get3A_1151, %gather3A_1130 : vector<16xf32>
        %swap3A_1153 = arith.index_cast %add3A_1134 : i32 to index
        %swap3A_1154 = arith.constant 32 : index
        %swap3A_1155 = tpu.vector_load %arg10[%swap3A_1153, %swap3A_1154] {strides = array<i32>} : memref<128x128xf32, #tpu.memory_space<vmem>>, vector<16xf32>,
        tpu.vector_store %arg10[%swap3A_1153, %swap3A_1154], %mul3A_1152 {strides = array<i32>} : memref<128x128xf32, #tpu.memory_space<vmem>>, vector<16xf32>,
        %get3A_1156 = arith.index_cast %add3A_1134 : i32 to index
        %get3A_1157 = arith.constant 48 : index
        %get3A_1158 = tpu.vector_load %arg10[%get3A_1156, %get3A_1157] {strides = array<i32>} : memref<128x128xf32, #tpu.memory_space<vmem>>, vector<16xf32>,
        %mul3A_1159 = arith.mulf %get3A_1158, %gather3A_1130 : vector<16xf32>
        %swap3A_1160 = arith.index_cast %add3A_1134 : i32 to index
        %swap3A_1161 = arith.constant 48 : index
        %swap3A_1162 = tpu.vector_load %arg10[%swap3A_1160, %swap3A_1161] {strides = array<i32>} : memref<128x128xf32, #tpu.memory_space<vmem>>, vector<16xf32>,
        tpu.vector_store %arg10[%swap3A_1160, %swap3A_1161], %mul3A_1159 {strides = array<i32>} : memref<128x128xf32, #tpu.memory_space<vmem>>, vector<16xf32>,
        %get3A_1163 = arith.index_cast %add3A_1134 : i32 to index
        %get3A_1164 = arith.constant 64 : index
        %get3A_1165 = tpu.vector_load %arg10[%get3A_1163, %get3A_1164] {strides = array<i32>} : memref<128x128xf32, #tpu.memory_space<vmem>>, vector<16xf32>,
        %mul3A_1166 = arith.mulf %get3A_1165, %gather3A_1130 : vector<16xf32>
        %swap3A_1167 = arith.index_cast %add3A_1134 : i32 to index
        %swap3A_1168 = arith.constant 64 : index
        %swap3A_1169 = tpu.vector_load %arg10[%swap3A_1167, %swap3A_1168] {strides = array<i32>} : memref<128x128xf32, #tpu.memory_space<vmem>>, vector<16xf32>,
        tpu.vector_store %arg10[%swap3A_1167, %swap3A_1168], %mul3A_1166 {strides = array<i32>} : memref<128x128xf32, #tpu.memory_space<vmem>>, vector<16xf32>,
        %get3A_1170 = arith.index_cast %add3A_1134 : i32 to index
        %get3A_1171 = arith.constant 80 : index
        %get3A_1172 = tpu.vector_load %arg10[%get3A_1170, %get3A_1171] {strides = array<i32>} : memref<128x128xf32, #tpu.memory_space<vmem>>, vector<16xf32>,
        %mul3A_1173 = arith.mulf %get3A_1172, %gather3A_1130 : vector<16xf32>
        %swap3A_1174 = arith.index_cast %add3A_1134 : i32 to index
        %swap3A_1175 = arith.constant 80 : index
        %swap3A_1176 = tpu.vector_load %arg10[%swap3A_1174, %swap3A_1175] {strides = array<i32>} : memref<128x128xf32, #tpu.memory_space<vmem>>, vector<16xf32>,
        tpu.vector_store %arg10[%swap3A_1174, %swap3A_1175], %mul3A_1173 {strides = array<i32>} : memref<128x128xf32, #tpu.memory_space<vmem>>, vector<16xf32>,
        %get3A_1177 = arith.index_cast %add3A_1134 : i32 to index
        %get3A_1178 = arith.constant 96 : index
        %get3A_1179 = tpu.vector_load %arg10[%get3A_1177, %get3A_1178] {strides = array<i32>} : memref<128x128xf32, #tpu.memory_space<vmem>>, vector<16xf32>,
        %mul3A_1180 = arith.mulf %get3A_1179, %gather3A_1130 : vector<16xf32>
        %swap3A_1181 = arith.index_cast %add3A_1134 : i32 to index
        %swap3A_1182 = arith.constant 96 : index
        %swap3A_1183 = tpu.vector_load %arg10[%swap3A_1181, %swap3A_1182] {strides = array<i32>} : memref<128x128xf32, #tpu.memory_space<vmem>>, vector<16xf32>,
        tpu.vector_store %arg10[%swap3A_1181, %swap3A_1182], %mul3A_1180 {strides = array<i32>} : memref<128x128xf32, #tpu.memory_space<vmem>>, vector<16xf32>,
        %get3A_1184 = arith.index_cast %add3A_1134 : i32 to index
        %get3A_1185 = arith.constant 112 : index
        %get3A_1186 = tpu.vector_load %arg10[%get3A_1184, %get3A_1185] {strides = array<i32>} : memref<128x128xf32, #tpu.memory_space<vmem>>, vector<16xf32>,
        %mul3A_1187 = arith.mulf %get3A_1186, %gather3A_1130 : vector<16xf32>
        %swap3A_1188 = arith.index_cast %add3A_1134 : i32 to index
        %swap3A_1189 = arith.constant 112 : index
        %swap3A_1190 = tpu.vector_load %arg10[%swap3A_1188, %swap3A_1189] {strides = array<i32>} : memref<128x128xf32, #tpu.memory_space<vmem>>, vector<16xf32>,
        tpu.vector_store %arg10[%swap3A_1188, %swap3A_1189], %mul3A_1187 {strides = array<i32>} : memref<128x128xf32, #tpu.memory_space<vmem>>, vector<16xf32>,
        %scan3A_1191 = arith.constant 0 : i32
        scf.yield %scan3A_1191 : i32
      }
      %scan3A_68 = arith.constant 8 : i32
      "tpu.region"() ({
        %run_scoped3A = tpu.sem_alloc : memref<!tpu.dma_semaphore, #tpu.memory_space<semaphore_mem>>
        %dma_start3A = arith.constant 0 : i32
        %dma_start3A_70 = tpu.memref_slice %arg8[%scan3A_60, %dma_start3A] : memref<79x128xi32, #tpu.memory_space<vmem>> -> memref<1x128xi32, #tpu.memory_space<vmem>>
        %dma_start3A_71 = tpu.memref_squeeze %dma_start3A_70 : memref<1x128xi32, #tpu.memory_space<vmem>> -> memref<128xi32, #tpu.memory_space<vmem>>
        %dma_start3A_72 = arith.constant 0 : i32
        %dma_start3A_73 = arith.constant 0 : i32
        %dma_start3A_74 = tpu.memref_slice %arg11[%dma_start3A_72, %dma_start3A_73] : memref<10000x128xf32, #tpu.memory_space<vmem_shared>> -> memref<10000x128xf32, #tpu.memory_space<vmem_shared>>
        tpu.enqueue_indirect_dma source(%arg10 : memref<128x128xf32, #tpu.memory_space<vmem>>) target(%dma_start3A_74 : memref<10000x128xf32, #tpu.memory_space<vmem_shared>>) offsets(%dma_start3A_71 : memref<128xi32, #tpu.memory_space<vmem>>) semaphore(%run_scoped3A : memref<!tpu.dma_semaphore, #tpu.memory_space<semaphore_mem>>) {add = true}
        %dma_wait3A = arith.constant 0 : i32
        %dma_wait3A_75 = tpu.memref_slice %arg8[%scan3A_60, %dma_wait3A] : memref<79x128xi32, #tpu.memory_space<vmem>> -> memref<1x128xi32, #tpu.memory_space<vmem>>
        %dma_wait3A_76 = tpu.memref_squeeze %dma_wait3A_75 : memref<1x128xi32, #tpu.memory_space<vmem>> -> memref<128xi32, #tpu.memory_space<vmem>>
        %dma_wait3A_77 = arith.constant 0 : i32
        %dma_wait3A_78 = arith.constant 0 : i32
        %dma_wait3A_79 = tpu.memref_slice %arg11[%dma_wait3A_77, %dma_wait3A_78] : memref<10000x128xf32, #tpu.memory_space<vmem_shared>> -> memref<10000x128xf32, #tpu.memory_space<vmem_shared>>
        tpu.wait_indirect_dma semaphore(%run_scoped3A : memref<!tpu.dma_semaphore, #tpu.memory_space<semaphore_mem>>) src(%arg10 : memref<128x128xf32, #tpu.memory_space<vmem>>) dst(%dma_wait3A_79 : memref<10000x128xf32, #tpu.memory_space<vmem_shared>>)
        tpu.yield
      }) : () -> ()
      %scan3A_69 = arith.constant 0 : i32
      scf.yield %scan3A_69 : i32
    }
    %scan3A_58 = arith.constant 79 : i32
    %barrier3A_59 = arith.constant 0 : index
    tpu.barrier barrier_id(%barrier3A_59)
    "tpu.region"() ({
      %run_scoped3A = tpu.sem_alloc : memref<!tpu.dma_semaphore, #tpu.memory_space<semaphore_mem>>
      %dma_start3A = arith.constant 0 : i32
      %dma_start3A_60 = tpu.memref_slice %arg6[%arg0, %multiple_of3A, %dma_start3A] : memref<2x10000x128xf32, #tpu.memory_space<hbm>> -> memref<1x640x128xf32, #tpu.memory_space<hbm>>
      %dma_start3A_61 = tpu.memref_squeeze %dma_start3A_60 : memref<1x640x128xf32, #tpu.memory_space<hbm>> -> memref<640x128xf32, #tpu.memory_space<hbm>>
      %dma_start3A_62 = arith.constant 0 : i32
      %dma_start3A_63 = tpu.memref_slice %arg11[%multiple_of3A, %dma_start3A_62] : memref<10000x128xf32, #tpu.memory_space<vmem_shared>> -> memref<640x128xf32, #tpu.memory_space<vmem_shared>>
      tpu.enqueue_dma source(%dma_start3A_63 : memref<640x128xf32, #tpu.memory_space<vmem_shared>>) target(%dma_start3A_61 : memref<640x128xf32, #tpu.memory_space<hbm>>) target_semaphore(%run_scoped3A : memref<!tpu.dma_semaphore, #tpu.memory_space<semaphore_mem>>)
      %dma_wait3A = arith.constant 0 : i32
      %dma_wait3A_64 = tpu.memref_slice %arg6[%arg0, %multiple_of3A, %dma_wait3A] : memref<2x10000x128xf32, #tpu.memory_space<hbm>> -> memref<1x640x128xf32, #tpu.memory_space<hbm>>
      %dma_wait3A_65 = tpu.memref_squeeze %dma_wait3A_64 : memref<1x640x128xf32, #tpu.memory_space<hbm>> -> memref<640x128xf32, #tpu.memory_space<hbm>>
      %dma_wait3A_66 = arith.constant 0 : i32
      %dma_wait3A_67 = tpu.memref_slice %arg11[%multiple_of3A, %dma_wait3A_66] : memref<10000x128xf32, #tpu.memory_space<vmem_shared>> -> memref<640x128xf32, #tpu.memory_space<vmem_shared>>
      tpu.wait_dma2 semaphore(%run_scoped3A : memref<!tpu.dma_semaphore, #tpu.memory_space<semaphore_mem>>) src(%dma_wait3A_67 : memref<640x128xf32, #tpu.memory_space<vmem_shared>>) dst(%dma_wait3A_65 : memref<640x128xf32, #tpu.memory_space<hbm>>)
      tpu.yield
    }) : () -> ()
    return
  }
}

module attributes {stable_mosaic.version = 14 : i64} {
  func.func @body(%arg0: i32, %arg1: memref<1000x128xf32, #tpu.memory_space<vmem>>, %arg2: memref<128x128xf32, #tpu.memory_space<vmem>>, %arg3: memref<1000x1xf32, #tpu.memory_space<vmem>>, %arg4: memref<1000x128xf32, #tpu.memory_space<vmem>>) attributes {dimension_semantics = [#tpu.dimension_semantics<arbitrary>], iteration_bounds = array<i64: 10>, scalar_prefetch = 0 : i64, scratch_operands = 0 : i64, tpu.core_type = #tpu.core_type<tc>, window_params = [{transform_indices = @transform_0, window_bounds = array<i64: 1000, 128>}, {pipeline_mode = #tpu.pipeline_mode<synchronous>, transform_indices = @transform_1, window_bounds = array<i64: 128, 128>}, {transform_indices = @transform_2, window_bounds = array<i64: 1000, 1>}, {transform_indices = @transform_3, window_bounds = array<i64: 1000, 128>}]} {
    %get3A = arith.constant 0 : index
    %get3A_0 = arith.constant 0 : index
    %get3A_1 = vector.load %arg1[%get3A, %get3A_0] : memref<1000x128xf32, #tpu.memory_space<vmem>>, vector<1000x128xf32>
    %get3A_2 = arith.constant 0 : index
    %get3A_3 = arith.constant 0 : index
    %get3A_4 = vector.load %arg2[%get3A_2, %get3A_3] : memref<128x128xf32, #tpu.memory_space<vmem>>, vector<128x128xf32>
    %dot_general3A = arith.constant dense<0.000000e+00> : vector<1000x128xf32>
    %dot_general3A_5 = tpu.matmul %get3A_1, %get3A_4, %dot_general3A {dimension_numbers = #tpu.dot_dimension_numbers<[1], [0], [0], [1], [0, 0, 1, 1], [], []>, precision = #tpu.contract_precision<fp32>, transpose_lhs_hint = false} : vector<1000x128xf32>, vector<128x128xf32>, vector<1000x128xf32> -> vector<1000x128xf32>
    %get3A_6 = arith.constant 0 : index
    %get3A_7 = arith.constant 0 : index
    %get3A_8 = vector.load %arg3[%get3A_6, %get3A_7] : memref<1000x1xf32, #tpu.memory_space<vmem>>, vector<1000x1xf32>
    %mul3A = vector.broadcast %get3A_8 : vector<1000x1xf32> to vector<1000x128xf32>
    %mul3A_9 = arith.mulf %dot_general3A_5, %mul3A : vector<1000x128xf32>
    %swap3A = arith.constant 0 : index
    %swap3A_10 = arith.constant 0 : index
    %swap3A_11 = vector.load %arg4[%swap3A, %swap3A_10] : memref<1000x128xf32, #tpu.memory_space<vmem>>, vector<1000x128xf32>
    tpu.vector_store %arg4[%swap3A, %swap3A_10], %mul3A_9 {strides = array<i32>} : memref<1000x128xf32, #tpu.memory_space<vmem>>, vector<1000x128xf32>,
    return
  }
  func.func @transform_0(%arg0: i32) -> (i32, i32) {
    %c0_i32 = arith.constant 0 : i32
    %c0_i32_0 = arith.constant 0 : i32
    return %arg0, %c0_i32 : i32, i32
  }
  func.func @transform_1(%arg0: i32) -> (i32, i32) {
    %c0_i32 = arith.constant 0 : i32
    %c0_i32_0 = arith.constant 0 : i32
    %c0_i32_1 = arith.constant 0 : i32
    return %c0_i32, %c0_i32_0 : i32, i32
  }
  func.func @transform_2(%arg0: i32) -> (i32, i32) {
    %c0_i32 = arith.constant 0 : i32
    %c0_i32_0 = arith.constant 0 : i32
    return %arg0, %c0_i32 : i32, i32
  }
  func.func @transform_3(%arg0: i32) -> (i32, i32) {
    %c0_i32 = arith.constant 0 : i32
    %c0_i32_0 = arith.constant 0 : i32
    return %arg0, %c0_i32 : i32, i32
  }
}

module attributes {stable_mosaic.version = 14 : i64} {
  func.func @body(%arg0: memref<32x10000xf32, #tpu.memory_space<vmem>>, %arg1: memref<10000x1xf32, #tpu.memory_space<vmem>>) attributes {dimension_semantics = [], scalar_prefetch = 0 : i64, scratch_operands = 0 : i64, tpu.core_type = #tpu.core_type<tc>} {
    %get3A = arith.constant 0 : index
    %get3A_0 = arith.constant 0 : index
    %get3A_1 = vector.load %arg0[%get3A, %get3A_0] : memref<32x10000xf32, #tpu.memory_space<vmem>>, vector<32x10000xf32>
    %reduce_sum3A = arith.constant dense<0.000000e+00> : vector<10000xf32>
    %reduce_sum3A_2 = vector.multi_reduction <add>, %get3A_1, %reduce_sum3A [0] : vector<32x10000xf32> to vector<10000xf32>
    %add3A = arith.constant 1.000000e+00 : f32
    %add3A_3 = vector.broadcast %add3A : f32 to vector<10000xf32>
    %add3A_4 = arith.addf %reduce_sum3A_2, %add3A_3 : vector<10000xf32>
    %gt3A = arith.constant 0.000000e+00 : f32
    %gt3A_5 = vector.broadcast %gt3A : f32 to vector<10000xf32>
    %gt3A_6 = arith.cmpf ogt, %add3A_4, %gt3A_5 : vector<10000xf32>
    %jit3A = arith.constant 1.000000e+00 : f32
    %broadcast_in_dim3A = vector.broadcast %jit3A : f32 to vector<10000xf32>
    %select_n3A = arith.select %gt3A_6, %add3A_4, %broadcast_in_dim3A : vector<10000xi1>, vector<10000xf32>
    %rsqrt3A = math.rsqrt %select_n3A : vector<10000xf32>
    %jit3A_7 = arith.constant 0.000000e+00 : f32
    %broadcast_in_dim3A_8 = vector.broadcast %jit3A_7 : f32 to vector<10000xf32>
    %select_n3A_9 = arith.select %gt3A_6, %rsqrt3A, %broadcast_in_dim3A_8 : vector<10000xi1>, vector<10000xf32>
    %broadcast_in_dim3A_10 = vector.shape_cast %select_n3A_9 : vector<10000xf32> to vector<10000x1xf32>
    %swap3A = arith.constant 0 : index
    %swap3A_11 = arith.constant 0 : index
    %swap3A_12 = vector.load %arg1[%swap3A, %swap3A_11] : memref<10000x1xf32, #tpu.memory_space<vmem>>, vector<10000x1xf32>
    tpu.vector_store %arg1[%swap3A, %swap3A_11], %broadcast_in_dim3A_10 {strides = array<i32>} : memref<10000x1xf32, #tpu.memory_space<vmem>>, vector<10000x1xf32>,
    return
  }
}

module attributes {stable_mosaic.version = 14 : i64} {
  func.func @body(%arg0: i32, %arg1: memref<2x1000x128xf32, #tpu.memory_space<vmem>>, %arg2: memref<1000x128xf32, #tpu.memory_space<vmem>>, %arg3: memref<1000x1xf32, #tpu.memory_space<vmem>>, %arg4: memref<1x128xf32, #tpu.memory_space<vmem>>, %arg5: memref<128x128xf32, #tpu.memory_space<vmem>>, %arg6: memref<1000x128xf32, #tpu.memory_space<vmem>>) attributes {dimension_semantics = [#tpu.dimension_semantics<arbitrary>], iteration_bounds = array<i64: 10>, scalar_prefetch = 0 : i64, scratch_operands = 0 : i64, tpu.core_type = #tpu.core_type<tc>, window_params = [{transform_indices = @transform_0, window_bounds = array<i64: 2, 1000, 128>}, {transform_indices = @transform_1, window_bounds = array<i64: 1000, 128>}, {transform_indices = @transform_2, window_bounds = array<i64: 1000, 1>}, {pipeline_mode = #tpu.pipeline_mode<synchronous>, transform_indices = @transform_3, window_bounds = array<i64: 1, 128>}, {pipeline_mode = #tpu.pipeline_mode<synchronous>, transform_indices = @transform_4, window_bounds = array<i64: 128, 128>}, {transform_indices = @transform_5, window_bounds = array<i64: 1000, 128>}]} {
    %get3A = arith.constant 0 : index
    %get3A_0 = arith.constant 0 : index
    %get3A_1 = vector.load %arg3[%get3A, %get3A_0] : memref<1000x1xf32, #tpu.memory_space<vmem>>, vector<1000x1xf32>
    %get3A_2 = arith.constant 0 : index
    %get3A_3 = arith.constant 0 : index
    %get3A_4 = arith.constant 0 : index
    %get3A_5 = vector.load %arg1[%get3A_2, %get3A_3, %get3A_4] : memref<2x1000x128xf32, #tpu.memory_space<vmem>>, vector<1x1000x128xf32>
    %get3A_6 = vector.shape_cast %get3A_5 : vector<1x1000x128xf32> to vector<1000x128xf32>
    %get3A_7 = arith.constant 1 : index
    %get3A_8 = arith.constant 0 : index
    %get3A_9 = arith.constant 0 : index
    %get3A_10 = vector.load %arg1[%get3A_7, %get3A_8, %get3A_9] : memref<2x1000x128xf32, #tpu.memory_space<vmem>>, vector<1x1000x128xf32>
    %get3A_11 = vector.shape_cast %get3A_10 : vector<1x1000x128xf32> to vector<1000x128xf32>
    %add3A = arith.addf %get3A_6, %get3A_11 : vector<1000x128xf32>
    %get3A_12 = arith.constant 0 : index
    %get3A_13 = arith.constant 0 : index
    %get3A_14 = vector.load %arg2[%get3A_12, %get3A_13] : memref<1000x128xf32, #tpu.memory_space<vmem>>, vector<1000x128xf32>
    %add3A_15 = arith.addf %add3A, %get3A_14 : vector<1000x128xf32>
    %mul3A = vector.broadcast %get3A_1 : vector<1000x1xf32> to vector<1000x128xf32>
    %mul3A_16 = arith.mulf %mul3A, %add3A_15 : vector<1000x128xf32>
    %get3A_17 = arith.constant 0 : index
    %get3A_18 = arith.constant 0 : index
    %get3A_19 = vector.load %arg4[%get3A_17, %get3A_18] : memref<1x128xf32, #tpu.memory_space<vmem>>, vector<1x128xf32>
    %add3A_20 = vector.broadcast %get3A_19 : vector<1x128xf32> to vector<1000x128xf32>
    %add3A_21 = arith.addf %mul3A_16, %add3A_20 : vector<1000x128xf32>
    %ge3A = arith.constant 0.000000e+00 : f32
    %ge3A_22 = vector.broadcast %ge3A : f32 to vector<1000x128xf32>
    %ge3A_23 = arith.cmpf oge, %add3A_21, %ge3A_22 : vector<1000x128xf32>
    %mul3A_24 = arith.constant 0.00999999977 : f32
    %mul3A_25 = vector.broadcast %mul3A_24 : f32 to vector<1000x128xf32>
    %mul3A_26 = arith.mulf %mul3A_25, %add3A_21 : vector<1000x128xf32>
    %select_n3A = arith.select %ge3A_23, %add3A_21, %mul3A_26 : vector<1000x128xi1>, vector<1000x128xf32>
    %get3A_27 = arith.constant 0 : index
    %get3A_28 = arith.constant 0 : index
    %get3A_29 = vector.load %arg5[%get3A_27, %get3A_28] : memref<128x128xf32, #tpu.memory_space<vmem>>, vector<128x128xf32>
    %dot_general3A = arith.constant dense<0.000000e+00> : vector<1000x128xf32>
    %dot_general3A_30 = tpu.matmul %select_n3A, %get3A_29, %dot_general3A {dimension_numbers = #tpu.dot_dimension_numbers<[1], [0], [0], [1], [0, 0, 1, 1], [], []>, precision = #tpu.contract_precision<fp32>, transpose_lhs_hint = false} : vector<1000x128xf32>, vector<128x128xf32>, vector<1000x128xf32> -> vector<1000x128xf32>
    %mul3A_31 = vector.broadcast %get3A_1 : vector<1000x1xf32> to vector<1000x128xf32>
    %mul3A_32 = arith.mulf %dot_general3A_30, %mul3A_31 : vector<1000x128xf32>
    %swap3A = arith.constant 0 : index
    %swap3A_33 = arith.constant 0 : index
    %swap3A_34 = vector.load %arg6[%swap3A, %swap3A_33] : memref<1000x128xf32, #tpu.memory_space<vmem>>, vector<1000x128xf32>
    tpu.vector_store %arg6[%swap3A, %swap3A_33], %mul3A_32 {strides = array<i32>} : memref<1000x128xf32, #tpu.memory_space<vmem>>, vector<1000x128xf32>,
    return
  }
  func.func @transform_0(%arg0: i32) -> (i32, i32, i32) {
    %c0_i32 = arith.constant 0 : i32
    %c0_i32_0 = arith.constant 0 : i32
    %c0_i32_1 = arith.constant 0 : i32
    return %c0_i32, %arg0, %c0_i32_0 : i32, i32, i32
  }
  func.func @transform_1(%arg0: i32) -> (i32, i32) {
    %c0_i32 = arith.constant 0 : i32
    %c0_i32_0 = arith.constant 0 : i32
    return %arg0, %c0_i32 : i32, i32
  }
  func.func @transform_2(%arg0: i32) -> (i32, i32) {
    %c0_i32 = arith.constant 0 : i32
    %c0_i32_0 = arith.constant 0 : i32
    return %arg0, %c0_i32 : i32, i32
  }
  func.func @transform_3(%arg0: i32) -> (i32, i32) {
    %c0_i32 = arith.constant 0 : i32
    %c0_i32_0 = arith.constant 0 : i32
    %c0_i32_1 = arith.constant 0 : i32
    return %c0_i32, %c0_i32_0 : i32, i32
  }
  func.func @transform_4(%arg0: i32) -> (i32, i32) {
    %c0_i32 = arith.constant 0 : i32
    %c0_i32_0 = arith.constant 0 : i32
    %c0_i32_1 = arith.constant 0 : i32
    return %c0_i32, %c0_i32_0 : i32, i32
  }
  func.func @transform_5(%arg0: i32) -> (i32, i32) {
    %c0_i32 = arith.constant 0 : i32
    %c0_i32_0 = arith.constant 0 : i32
    return %arg0, %c0_i32 : i32, i32
  }
}

module attributes {stable_mosaic.version = 14 : i64} {
  func.func @body(%arg0: i32, %arg1: memref<2x1000x128xf32, #tpu.memory_space<vmem>>, %arg2: memref<1000x128xf32, #tpu.memory_space<vmem>>, %arg3: memref<1000x1xf32, #tpu.memory_space<vmem>>, %arg4: memref<1x128xf32, #tpu.memory_space<vmem>>, %arg5: memref<1x128xf32, #tpu.memory_space<vmem>>, %arg6: memref<1x128xf32, #tpu.memory_space<vmem>>, %arg7: memref<1000x128xf32, #tpu.memory_space<vmem>>) attributes {dimension_semantics = [#tpu.dimension_semantics<arbitrary>], iteration_bounds = array<i64: 10>, scalar_prefetch = 0 : i64, scratch_operands = 0 : i64, tpu.core_type = #tpu.core_type<tc>, window_params = [{transform_indices = @transform_0, window_bounds = array<i64: 2, 1000, 128>}, {transform_indices = @transform_1, window_bounds = array<i64: 1000, 128>}, {transform_indices = @transform_2, window_bounds = array<i64: 1000, 1>}, {pipeline_mode = #tpu.pipeline_mode<synchronous>, transform_indices = @transform_3, window_bounds = array<i64: 1, 128>}, {pipeline_mode = #tpu.pipeline_mode<synchronous>, transform_indices = @transform_4, window_bounds = array<i64: 1, 128>}, {pipeline_mode = #tpu.pipeline_mode<synchronous>, transform_indices = @transform_5, window_bounds = array<i64: 1, 128>}, {transform_indices = @transform_6, window_bounds = array<i64: 1000, 128>}]} {
    %get3A = arith.constant 0 : index
    %get3A_0 = arith.constant 0 : index
    %get3A_1 = vector.load %arg3[%get3A, %get3A_0] : memref<1000x1xf32, #tpu.memory_space<vmem>>, vector<1000x1xf32>
    %get3A_2 = arith.constant 0 : index
    %get3A_3 = arith.constant 0 : index
    %get3A_4 = arith.constant 0 : index
    %get3A_5 = vector.load %arg1[%get3A_2, %get3A_3, %get3A_4] : memref<2x1000x128xf32, #tpu.memory_space<vmem>>, vector<1x1000x128xf32>
    %get3A_6 = vector.shape_cast %get3A_5 : vector<1x1000x128xf32> to vector<1000x128xf32>
    %get3A_7 = arith.constant 1 : index
    %get3A_8 = arith.constant 0 : index
    %get3A_9 = arith.constant 0 : index
    %get3A_10 = vector.load %arg1[%get3A_7, %get3A_8, %get3A_9] : memref<2x1000x128xf32, #tpu.memory_space<vmem>>, vector<1x1000x128xf32>
    %get3A_11 = vector.shape_cast %get3A_10 : vector<1x1000x128xf32> to vector<1000x128xf32>
    %add3A = arith.addf %get3A_6, %get3A_11 : vector<1000x128xf32>
    %get3A_12 = arith.constant 0 : index
    %get3A_13 = arith.constant 0 : index
    %get3A_14 = vector.load %arg2[%get3A_12, %get3A_13] : memref<1000x128xf32, #tpu.memory_space<vmem>>, vector<1000x128xf32>
    %add3A_15 = arith.addf %add3A, %get3A_14 : vector<1000x128xf32>
    %mul3A = vector.broadcast %get3A_1 : vector<1000x1xf32> to vector<1000x128xf32>
    %mul3A_16 = arith.mulf %mul3A, %add3A_15 : vector<1000x128xf32>
    %get3A_17 = arith.constant 0 : index
    %get3A_18 = arith.constant 0 : index
    %get3A_19 = vector.load %arg4[%get3A_17, %get3A_18] : memref<1x128xf32, #tpu.memory_space<vmem>>, vector<1x128xf32>
    %add3A_20 = vector.broadcast %get3A_19 : vector<1x128xf32> to vector<1000x128xf32>
    %add3A_21 = arith.addf %mul3A_16, %add3A_20 : vector<1000x128xf32>
    %reduce_sum3A = arith.constant dense<0.000000e+00> : vector<1000xf32>
    %reduce_sum3A_22 = vector.multi_reduction <add>, %add3A_21, %reduce_sum3A [1] : vector<1000x128xf32> to vector<1000xf32>
    %broadcast_in_dim3A = vector.shape_cast %reduce_sum3A_22 : vector<1000xf32> to vector<1000x1xf32>
    %div3A = arith.constant 1.280000e+02 : f32
    %div3A_23 = vector.broadcast %div3A : f32 to vector<1000x1xf32>
    %div3A_24 = arith.divf %broadcast_in_dim3A, %div3A_23 : vector<1000x1xf32>
    %sub3A = vector.broadcast %div3A_24 : vector<1000x1xf32> to vector<1000x128xf32>
    %sub3A_25 = arith.subf %add3A_21, %sub3A : vector<1000x128xf32>
    %integer_pow3A = arith.mulf %sub3A_25, %sub3A_25 : vector<1000x128xf32>
    %reduce_sum3A_26 = arith.constant dense<0.000000e+00> : vector<1000xf32>
    %reduce_sum3A_27 = vector.multi_reduction <add>, %integer_pow3A, %reduce_sum3A_26 [1] : vector<1000x128xf32> to vector<1000xf32>
    %broadcast_in_dim3A_28 = vector.shape_cast %reduce_sum3A_27 : vector<1000xf32> to vector<1000x1xf32>
    %div3A_29 = arith.constant 1.280000e+02 : f32
    %div3A_30 = vector.broadcast %div3A_29 : f32 to vector<1000x1xf32>
    %div3A_31 = arith.divf %broadcast_in_dim3A_28, %div3A_30 : vector<1000x1xf32>
    %sub3A_32 = vector.broadcast %div3A_24 : vector<1000x1xf32> to vector<1000x128xf32>
    %sub3A_33 = arith.subf %add3A_21, %sub3A_32 : vector<1000x128xf32>
    %add3A_34 = arith.constant 9.99999974E-6 : f32
    %add3A_35 = vector.broadcast %add3A_34 : f32 to vector<1000x1xf32>
    %add3A_36 = arith.addf %div3A_31, %add3A_35 : vector<1000x1xf32>
    %rsqrt3A = math.rsqrt %add3A_36 : vector<1000x1xf32>
    %mul3A_37 = vector.broadcast %rsqrt3A : vector<1000x1xf32> to vector<1000x128xf32>
    %mul3A_38 = arith.mulf %sub3A_33, %mul3A_37 : vector<1000x128xf32>
    %get3A_39 = arith.constant 0 : index
    %get3A_40 = arith.constant 0 : index
    %get3A_41 = vector.load %arg5[%get3A_39, %get3A_40] : memref<1x128xf32, #tpu.memory_space<vmem>>, vector<1x128xf32>
    %mul3A_42 = vector.broadcast %get3A_41 : vector<1x128xf32> to vector<1000x128xf32>
    %mul3A_43 = arith.mulf %mul3A_38, %mul3A_42 : vector<1000x128xf32>
    %get3A_44 = arith.constant 0 : index
    %get3A_45 = arith.constant 0 : index
    %get3A_46 = vector.load %arg6[%get3A_44, %get3A_45] : memref<1x128xf32, #tpu.memory_space<vmem>>, vector<1x128xf32>
    %add3A_47 = vector.broadcast %get3A_46 : vector<1x128xf32> to vector<1000x128xf32>
    %add3A_48 = arith.addf %mul3A_43, %add3A_47 : vector<1000x128xf32>
    %swap3A = arith.constant 0 : index
    %swap3A_49 = arith.constant 0 : index
    %swap3A_50 = vector.load %arg7[%swap3A, %swap3A_49] : memref<1000x128xf32, #tpu.memory_space<vmem>>, vector<1000x128xf32>
    tpu.vector_store %arg7[%swap3A, %swap3A_49], %add3A_48 {strides = array<i32>} : memref<1000x128xf32, #tpu.memory_space<vmem>>, vector<1000x128xf32>,
    return
  }
  func.func @transform_0(%arg0: i32) -> (i32, i32, i32) {
    %c0_i32 = arith.constant 0 : i32
    %c0_i32_0 = arith.constant 0 : i32
    %c0_i32_1 = arith.constant 0 : i32
    return %c0_i32, %arg0, %c0_i32_0 : i32, i32, i32
  }
  func.func @transform_1(%arg0: i32) -> (i32, i32) {
    %c0_i32 = arith.constant 0 : i32
    %c0_i32_0 = arith.constant 0 : i32
    return %arg0, %c0_i32 : i32, i32
  }
  func.func @transform_2(%arg0: i32) -> (i32, i32) {
    %c0_i32 = arith.constant 0 : i32
    %c0_i32_0 = arith.constant 0 : i32
    return %arg0, %c0_i32 : i32, i32
  }
  func.func @transform_3(%arg0: i32) -> (i32, i32) {
    %c0_i32 = arith.constant 0 : i32
    %c0_i32_0 = arith.constant 0 : i32
    %c0_i32_1 = arith.constant 0 : i32
    return %c0_i32, %c0_i32_0 : i32, i32
  }
  func.func @transform_4(%arg0: i32) -> (i32, i32) {
    %c0_i32 = arith.constant 0 : i32
    %c0_i32_0 = arith.constant 0 : i32
    %c0_i32_1 = arith.constant 0 : i32
    return %c0_i32, %c0_i32_0 : i32, i32
  }
  func.func @transform_5(%arg0: i32) -> (i32, i32) {
    %c0_i32 = arith.constant 0 : i32
    %c0_i32_0 = arith.constant 0 : i32
    %c0_i32_1 = arith.constant 0 : i32
    return %c0_i32, %c0_i32_0 : i32, i32
  }
  func.func @transform_6(%arg0: i32) -> (i32, i32) {
    %c0_i32 = arith.constant 0 : i32
    %c0_i32_0 = arith.constant 0 : i32
    return %arg0, %c0_i32 : i32, i32
  }
}

</mosaic_0001>

<sc_bundles>
// kernel: kernel.12.cloned.1.call-start
scs
__scs_entry_jumppad:
0x0: {  	(pc) =	sbr.rel $0x88, $3  }
0x1: {  	(tag) =	ssettag $0x0;
	lr =	simm.s32 $0x1  }
0x2: {  	[smem:$0x3F98] =	sst lr;
	_ =	strace $0xD0000000  }
0x3: {  	_ = 	snop  }
0x4: {  	_ = 	snop  }
0x5: {  	_ = 	snop  }
0x6: {  	_ = 	snop  }
0x7: {  	_ = 	snop  }
__scs_overlays_trampoline_lowered:
0x8: {  	[smem:$0x3FA7] =	sst s0  }
0x9: {  	[smem:$0x3FA8] =	sst s1  }
0xa: {  	[smem:$0x3FA9] =	sst s2  }
0xb: {  	[smem:$0x3FAA] =	sst s3  }
0xc: {  	[smem:$0x3FAB] =	sst s4  }
0xd: {  	[smem:$0x3FAC] =	sst s5  }
0xe: {  	[smem:$0x3FAD] =	sst s6  }
0xf: {  	[smem:$0x3FAE] =	sst s7  }
0x10: {  	[smem:$0x3FAF] =	sst s8  }
0x11: {  	[smem:$0x3FB0] =	sst s9;
	s0 =	simm.s32 @!p0 $0x0  }
0x12: {  	s1 =	sld [smem:$0x3F96];
	s0 =	simm.s32 @p0 $0x1  }
0x13: {  	[smem:$0x3FB1] =	sst s0;
	s0 =	simm.s32 @!p1 $0x0  }
0x14: {  	s2 =	sld [smem:$0x3F95];
	s0 =	simm.s32 @p1 $0x1  }
0x15: {  	[smem:$0x3FB2] =	sst s0;
	s0 =	simm.s32 @!p2 $0x0  }
0x16: {  	s3 =	sld [smem:$0x3FDB];
	s0 =	simm.s32 @p2 $0x1  }
0x17: {  	s4 =	simm.s32 $0x1BF5;
	[smem:$0x3FB4] =	sst s0  }
0x18: {  	s0 =	sld [smem:$0x3F97];
	_ =	swait.ge [sflag:s4], $0x0  }
0x19: {  	s7 =	sld [smem:$0x3F98]  }
0x1a: {  	s8 =	sadd.s32 $0xFFFFE003, lr  }
0x1b: {  	s9 =	sadd.s32 $0xFFFFFEF7, lr;
	s5 =	simm.s32 $0xFFFFFFFF;
	p2 =	slt.u32 s8, $0xFFFFF086  }
0x1c: {  	p1 =	slt.u32 s9, $0xF7A;
	s5 =	simm.s32 @!p2 $0x0  }
0x1d: {  	s5 =	simm.s32 @p1 $0x1;
	p0 =	seq.s32 s7, s2  }
0x1e: {  	s7 =	smul.u32 @!p0 $0xF7A, s2;
	p2 =	seq.s32 @!p0 s5, $0x0  }
0x1f: {  	s9 =	smul.u32 $0xF7A, s1;
	s8 =	simm.s32 @!p0 $0x1BF5;
	p2 =	por !p2, p0  }
0x20: {  	[sflag:s8] =	ssyncset.s32 @!p0 $0xFFFFF086;
	s6 =	sadd.s32 @!p0 s3, s7;
	s7 =	simm.s32 @!p0 $0x108  }
0x21: {  	s3 =	sadd.s32 s3, s9;
	s6 =	sadd.s32 @!p0 $0x88, s6;
	s7 =	simm.s32 @p2 $0x1082  }
0x22: {  	[simem:s7], [sflag:s8] =	dma.local @!p0 [hbm:s6], $0xF7A  }
0x23: {  	s9 =	sor.u32 $0xD0000000, s2;
	s6 =	simm.s32 $0x108;
	_ =	swait.ge @!p0 [sflag:s8], $0x0  }
0x24: {  	s3 =	sadd.s32 $0x88, s3;
	s6 =	simm.s32 @!p1 $0x1082;
	[sflag:s4] =	ssyncset.s32 $0xFFFFF086  }
0x25: {  	[simem:s6], [sflag:s4] =	dma.local [hbm:s3], $0xF7A  }
0x26: {  	[smem:$0x3F98] =	sst s1;
	(tag) =	ssettag s2;
	_ =	strace s9  }
0x27: {  	s1 =	sld [smem:$0x3FA8]  }
0x28: {  	s2 =	sld [smem:$0x3FA9]  }
0x29: {  	s4 =	sld [smem:$0x3FAB]  }
0x2a: {  	p0 =	seq.s32 s5, $0x0;
	s5 =	sld [smem:$0x3FAC]  }
0x2b: {  	s6 =	sld [smem:$0x3FAD]  }
0x2c: {  	s7 =	sld [smem:$0x3FAE]  }
0x2d: {  	s3 =	simm.s32 $0x108;
	s8 =	sld [smem:$0x3FAF]  }
0x2e: {  	s3 =	simm.s32 @!p0 $0x1082;
	s9 =	sld [smem:$0x3FB0]  }
0x2f: {  	lr =	sadd.s32 s0, s3;
	s0 =	sld [smem:$0x3FA7]  }
0x30: {  	s3 =	sld [smem:$0x3FAA]  }
0x31: {  	[smem:$0x3FB3] =	sst s10  }
0x32: {  	s10 =	sld [smem:$0x3FB1];
	_ =	sdelay $0x3  }
0x33: {  	p0 =	seq.s32 s10, $0x1;
	s10 =	sld [smem:$0x3FB3];
	_ =	sdelay $0x3  }
0x34: {  	[smem:$0x3FB3] =	sst s10  }
0x35: {  	s10 =	sld [smem:$0x3FB2];
	_ =	sdelay $0x3  }
0x36: {  	p1 =	seq.s32 s10, $0x1;
	s10 =	sld [smem:$0x3FB3];
	_ =	sdelay $0x3  }
0x37: {  	[smem:$0x3FB3] =	sst s10  }
0x38: {  	s10 =	sld [smem:$0x3FB4]  }
0x39: {  	_ = 	snop;
	(pc) =	sbr.ind lr, $3  }
0x3a: {  	_ = 	snop  }
0x3b: {  	_ = 	snop  }
0x3c: {  	p2 =	seq.s32 s10, $0x1;
	s10 =	sld [smem:$0x3FB3]  }
0x3d: {  	_ =	shalt  }
0x3e: {  	_ =	shalt  }
0x3f: {  	_ =	shalt  }
0x40: {  	_ =	shalt  }
0x41: {  	_ =	shalt  }
0x42: {  	_ =	shalt  }
0x43: {  	_ =	shalt  }
0x44: {  	_ =	shalt  }
0x45: {  	_ =	shalt  }
0x46: {  	_ =	shalt  }
0x47: {  	_ =	shalt  }
0x48: {  	_ =	shalt  }
0x49: {  	_ =	shalt  }
0x4a: {  	_ =	shalt  }
0x4b: {  	_ =	shalt  }
0x4c: {  	_ =	shalt  }
0x4d: {  	_ =	shalt  }
0x4e: {  	_ =	shalt  }
0x4f: {  	_ =	shalt  }
0x50: {  	_ =	shalt  }
0x51: {  	_ =	shalt  }
0x52: {  	_ =	shalt  }
0x53: {  	_ =	shalt  }
0x54: {  	_ =	shalt  }
0x55: {  	_ =	shalt  }
0x56: {  	_ =	shalt  }
0x57: {  	_ =	shalt  }
0x58: {  	_ =	shalt  }
0x59: {  	_ =	shalt  }
0x5a: {  	_ =	shalt  }
0x5b: {  	_ =	shalt  }
0x5c: {  	_ =	shalt  }
0x5d: {  	_ =	shalt  }
0x5e: {  	_ =	shalt  }
0x5f: {  	_ =	shalt  }
0x60: {  	_ =	shalt  }
0x61: {  	_ =	shalt  }
0x62: {  	_ =	shalt  }
0x63: {  	_ =	shalt  }
0x64: {  	_ =	shalt  }
0x65: {  	_ =	shalt  }
0x66: {  	_ =	shalt  }
0x67: {  	_ =	shalt  }
0x68: {  	_ =	shalt  }
0x69: {  	_ =	shalt  }
0x6a: {  	_ =	shalt  }
0x6b: {  	_ =	shalt  }
0x6c: {  	_ =	shalt  }
0x6d: {  	_ =	shalt  }
0x6e: {  	_ =	shalt  }
0x6f: {  	_ =	shalt  }
0x70: {  	_ =	shalt  }
0x71: {  	_ =	shalt  }
0x72: {  	_ =	shalt  }
0x73: {  	_ =	shalt  }
0x74: {  	_ =	shalt  }
0x75: {  	_ =	shalt  }
0x76: {  	_ =	shalt  }
0x77: {  	_ =	shalt  }
0x78: {  	_ =	shalt  }
0x79: {  	_ =	shalt  }
0x7a: {  	_ =	shalt  }
0x7b: {  	_ =	shalt  }
0x7c: {  	_ =	shalt  }
0x7d: {  	_ =	shalt  }
0x7e: {  	_ =	shalt  }
0x7f: {  	_ =	shalt  }
0x80: {  	_ =	shalt  }
0x81: {  	_ =	shalt  }
0x82: {  	_ =	shalt  }
0x83: {  	_ =	shalt  }
0x84: {  	_ =	shalt  }
0x85: {  	_ =	shalt  }
0x86: {  	_ =	shalt  }
0x87: {  	_ =	shalt  }
.Lfunc_end0:
.L_simem_size_0:
called_computation.1_lowered:
.L_overlay_start_0:
0x88: {  	s2 =	sld [smem:$0x3FD9]  }
0x89: {  	s3 =	sld [smem:$0x3FFE];
	_ =	sdelay $0x1  }
0x8a: {  	s1 =	srdreg.scid  }
0x8b: {  	s0 =	sand.u32 $0x1, s1  }
0x8c: {  	s17 =	sshll.u32 s0, $0xA;
	s2 =	sadd.s32 s3, s2  }
0x8d: {  	s2 =	sadd.s32 s2, s17  }
0x8e: {  	[smem:$0x3FBF] =	sst s2  }
0x8f: {  	_ = 	snop  }
0x90: {  	s2 =	sld [smem:$0x3FD0];
	(tm) =	ssettm $0x1  }
0x91: {  	s18 =	sld [smem:$0x3FFB];
	_ =	sdelay $0x3  }
0x92: {  	_ =	strace s18  }
0x93: {  	s3 =	sld [smem:$0x3FFC];
	_ =	sdelay $0x3  }
0x94: {  	_ =	strace s3  }
0x95: {  	s3 =	sld [smem:$0x3FFD];
	_ =	sdelay $0x3  }
0x96: {  	_ =	strace s3  }
0x97: {  	_ =	strace $0x8FFFFFFF  }
0x98: {  	s19 =	sld [smem:$0x3FDB];
	_ =	sdelay $0x1  }
0x99: {  	s4 =	simm.s32 $_scs_section_size  }
0x9a: {  	s5 =	simm.s32 $_size__tile_overlayer_lowered;
	s6 =	simm.s32 $_tile_overlayer_lowered  }
0x9b: {  	s22 =	simm.s32 $0x1BFF;
	s21 =	sshll.u32 s6, $0x1;
	s3 =	sadd.s32 s4, s19  }
0x9c: {  	s7 =	simm.s32 $0x0;
	s20 =	sshll.u32 s5, $0x1;
	s5 =	sadd.s32 s21, s3  }
0x9d: {  	[timem:s7], [sflag:s22] =	dma.local [hbm:s5], s20  }
0x9e: {  	_ =	swait.ge [sflag:s22], s20  }
0x9f: {  	s4 =	ssub.s32 $0x0, s20;
	[sflag:s22] =	ssyncset.done $0x0  }
0xa0: {  	[sflag:s22] =	ssyncadd.s32 s4;
	_ =	sdelay $0x1  }
0xa1: {  	s23 =	simm.s32 $0x1B8B  }
0xa2: {  	_ =	swait.ge [sflag:s23], $0x1  }
0xa3: {  	[sflag:s23] =	ssyncset.done $0x0  }
0xa4: {  	s25 =	simm.s32 $0x1B8E;
	s24 =	sld [smem:$0x3FFE];
	[sflag:s23] =	ssyncadd.s32 $0xFFFFFFFF  }
0xa5: {  	s26 =	simm.s32 $execute0_lowered;
	[smem:$0x3FD2] =	sst s25  }
0xa6: {  	s5 =	sshll.u32 s26, $0x1;
	_ =	strace $0x80000049;
	[dreg:$0x1] =	wrdreg $0xFFFFFFFF  }
0xa7: {  	s28 =	simm.s32 $_size_execute0_lowered;
	s3 =	sadd.s32 s3, s5;
	[dreg:$0x0] =	wrdreg $0x0  }
0xa8: {  	s5 =	sshll.u32 s28, $0x1;
	[dreg:$0x2] =	wrdreg s3  }
0xa9: {  	[dreg:$0x3] =	wrdreg s5  }
0xaa: {  	[dreg:$0x4] =	wrdreg $0xC0  }
0xab: {  	_ =	task [dreg:s7], $0x5FFFF  }
0xac: {  	[dreg:$0x1] =	wrdreg $0xFFFFFFFF  }
0xad: {  	[dreg:$0x0] =	wrdreg $0x60  }
0xae: {  	[dreg:$0x2] =	wrdreg s2  }
0xaf: {  	[dreg:$0x3] =	wrdreg s24  }
0xb0: {  	[dreg:$0x4] =	wrdreg $0xB8000  }
0xb1: {  	[dreg:$0x5] =	wrdreg $0x9  }
0xb2: {  	_ =	task.clear_ibuf [dreg:s7], $0x6FFFF;
	_ =	strace $0x90000049  }
0xb3: {  	s29 =	simm.s32 $0x9;
	_ =	strace $0x8000004B  }
0xb4: {  	_ =	swait.ge [sflag:s29], $0x1  }
0xb5: {  	[sflag:s29] =	ssyncadd.s32 $0xFFFFFFFF  }
0xb6: {  	_ =	strace $0x9000004B  }
0xb7: {  	_ =	sfence  }
0xb8: {  	s30 =	sld [smem:$0x0];
	_ =	sdelay $0x2  }
0xb9: {  	s31 =	sshll.u32 s1, $0xD;
	s1 =	sshrl.u32 s1, $0x2  }
0xba: {  	s3 =	sand.u32 $0x4000, s31;
	s1 =	sadd.s32 s1, s30  }
0xbb: {  	s0 =	sor.u32 s3, s0;
	s1 =	sshll.u32 s1, $0x11  }
0xbc: {  	s0 =	sor.u32 s1, s0  }
0xbd: {  	s0 =	sadd.s32 $0x8F2B, s0  }
0xbe: {  	[sflag:s0] =	ssyncadd.remote.s32 $0x1  }
0xbf: {  	_ =	sfence.sel $0xFFFF  }
0xc0: {  	[dreg:$0x0] =	wrdreg $0xFFFFFFFF;
	(pc) =	sbr.abs _section_cstart, $3  }
0xc1: {  	[dreg:$0x1] =	wrdreg $0xFFFFFFFF  }
0xc2: {  	_ =	task.clear_ibuf [dreg:s7], $0x2FFFF;
	_ =	strace $0x9FFFFFFF  }
0xc3: {  	(tm) =	ssettm $0x7FFFFFFF  }
tec
execute0_lowered:
.L_overlay_start_1:
0x0: {  	(tag) =	ssettag $0x1  }
0x1: {  	s1 =	rddreg [dreg:$0x0]  }
0x2: {  	s5 =	rddreg [dreg:$0x1]  }
0x3: {  	s3 =	rddreg [dreg:$0x2];
	s2 =	srdreg.scid  }
0x4: {  	s0 =	rddreg [dreg:$0x3];
	s4 =	simm.s32 $0x0;
	s15 =	simm.s32 $0x1  }
0x5: {  	s16 =	simm.s32 $0x2800;
	s17 =	simm.s32 $0x5000;
	s18 =	simm.s32 $0x7800  }
0x6: {  	s19 =	simm.s32 $0x80;
	s6 =	sand.u32 $0x1, s2;
	s2 =	stileid.u32  }
0x7: {  	s22 =	simm.s32 $0x0;
	[smem:$0x7FF] =	sst s4;
	s7 =	smul.u32 $0x138800, s6  }
0x8: {  	s8 =	sshll.u32 s2, $0x1;
	s9 =	smul.u32 $0x13800, s2;
	_ =	strace $0x8000004A  }
0x9: {  	s30 =	smul.u32 $0x4E000, s2;
	s20 =	sshll.u32 s2, $0x6;
	s8 =	sor.u32 s6, s8  }
0xa: {  	s6 =	ssub.s32 $0x2, s6;
	s20 =	sor.u32 $0x1C01, s20;
	s8 =	smul.u32 $0x500, s8  }
0xb: {  	v0 =	vimm.f32 $0.0e+00;
	v1 =	vimm.s32 $0x0;
	s7 =	sadd.s32 s9, s7;
	s31 =	sshrl.u32 s6, $0x1;
	s9 =	sshrl.u32 s30, $0x2  }
0xc: {  	v2 =	vimm.s32 $0x1;
	v3 =	vimm.s32 $0x2;
	v4 =	vimm.s32 $0x3;
	s7 =	sshrl.u32 s7, $0x3;
	s14 =	ssub.s32 s6, s31;
	s8 =	sadd.s32 s8, s5  }
0xd: {  	v5 =	vimm.s32 $0x4;
	v6 =	vimm.s32 $0x5;
	v7 =	vimm.s32 $0x6;
	s13 =	sadd.s32 s7, s5;
	s14 =	smax.u32 s14, $0x1;
	s5 =	sadd.s32 $0x16600, s8  }
0xe: {  	v8 =	vimm.s32 $0x7;
	v9 =	vimm.s32 $0x8;
	v10 =	vimm.s32 $0x9;
	s6 =	sadd.s32 $0xC600, s8;
	s7 =	sadd.s32 $0x2600, s8;
	s8 =	sadd.s32 s9, s3  }
0xf: {  	v11 =	vimm.s32 $0xA;
	v12 =	vimm.s32 $0xB;
	v13 =	vimm.s32 $0xC;
	s13 =	sadd.s32 $0x20600, s13;
	s9 =	sadd.s32 $0x4000, s8;
	s10 =	sadd.s32 $0x8000, s8  }
0x10: {  	v14 =	vimm.s32 $0xD;
	v15 =	vimm.s32 $0xE;
	v16 =	vimm.s32 $0xF;
	s11 =	sadd.s32 $0xC000, s8;
	s12 =	sadd.s32 $0x10000, s8;
	s21 =	sshrl.u32 s8, $0x3  }
.LBB2_1:
0x11: {  	[tilespmem:s4], [sflag:$0x1] =	stream.linear.gather [hbm4b:s5+s4], $0x2780, $0x38;
	[tilespmem:$0x1F080] =	vst v63  }
0x12: {  	_ =	swait.ge [sflag:s15], $0x2780  }
0x13: {  	[sflag:s15] =	ssyncset.done $0x0  }
0x14: {  	[sflag:s15] =	ssyncadd.s32 $0xFFFFD880  }
0x15: {  	[tilespmem:s16], [sflag:$0x1] =	stream.linear.gather [hbm4b:s6+s4], $0x2780, $0x38;
	[tilespmem:$0x1F080] =	vst v63  }
0x16: {  	_ =	swait.ge [sflag:s15], $0x2780  }
0x17: {  	[sflag:s15] =	ssyncset.done $0x0  }
0x18: {  	[sflag:s15] =	ssyncadd.s32 $0xFFFFD880  }
0x19: {  	[tilespmem:s17], [sflag:$0x1] =	stream.linear.gather [hbm4b:s7+s4], $0x2780, $0x38;
	[tilespmem:$0x1F080] =	vst v63  }
0x1a: {  	s23 =	sand.u32 $0xFE00, s4;
	s24 =	sand.u32 $0x70, s4;
	_ =	swait.ge [sflag:s15], $0x2780  }
0x1b: {  	s25 =	sshrl.u32 s23, $0x2;
	s23 =	simm.s32 $0x40;
	[sflag:s15] =	ssyncset.done $0x0  }
0x1c: {  	s25 =	sor.u32 s24, s25;
	s24 =	simm.s32 $0x0;
	[sflag:s15] =	ssyncadd.s32 $0xFFFFD880  }
.LBB2_2:
0x1d: {  	p0 =	sne.s32 s23, $0xFFC0  }
0x1e: {  	[tilespmem:s25+$0x7800] =	vst v0;
	s24 =	sadd.s32 $0x10, s24;
	s25 =	smov.u32 s23;
	s23 =	sadd.s32 $0x40, s23  }
.Ltmp0:
0x1f: {  	(pc) =	sbr.rel @p0 .LBB2_2-.Ltmp0, $4  }
0x20: {  	_ = 	snop  }
0x21: {  	s25 =	sand.u32 $0xFE00, s25  }
0x22: {  	s26 =	sand.u32 $0x70, s24;
	s25 =	sshrl.u32 s25, $0x2  }
0x23: {  	s25 =	sor.u32 s26, s25  }
0x24: {  	[tilespmem:s25+$0x7800] =	vst v0  }
0x25: {  	[spmem:s8] =	stream.linear.scatter [tilespmem:s18], [sflag:$0x1], $0x4000, $0x38;
	[tilespmem:$0x1F080] =	vst v63  }
0x26: {  	_ =	swait.ge [sflag:s15], $0x4000  }
0x27: {  	[sflag:s15] =	ssyncset.done $0x0  }
0x28: {  	[sflag:s15] =	ssyncadd.s32 $0xFFFFC000  }
0x29: {  	[spmem:s9] =	stream.linear.scatter [tilespmem:s18], [sflag:$0x1], $0x4000, $0x38;
	[tilespmem:$0x1F080] =	vst v63  }
0x2a: {  	_ =	swait.ge [sflag:s15], $0x4000  }
0x2b: {  	[sflag:s15] =	ssyncset.done $0x0  }
0x2c: {  	[sflag:s15] =	ssyncadd.s32 $0xFFFFC000  }
0x2d: {  	[spmem:s10] =	stream.linear.scatter [tilespmem:s18], [sflag:$0x1], $0x4000, $0x38;
	[tilespmem:$0x1F080] =	vst v63  }
0x2e: {  	_ =	swait.ge [sflag:s15], $0x4000  }
0x2f: {  	[sflag:s15] =	ssyncset.done $0x0  }
0x30: {  	[sflag:s15] =	ssyncadd.s32 $0xFFFFC000  }
0x31: {  	[spmem:s11] =	stream.linear.scatter [tilespmem:s18], [sflag:$0x1], $0x4000, $0x38;
	[tilespmem:$0x1F080] =	vst v63  }
0x32: {  	_ =	swait.ge [sflag:s15], $0x4000  }
0x33: {  	[sflag:s15] =	ssyncset.done $0x0  }
0x34: {  	[sflag:s15] =	ssyncadd.s32 $0xFFFFC000  }
0x35: {  	[spmem:s12] =	stream.linear.scatter [tilespmem:s18], [sflag:$0x1], $0x4000, $0x38;
	[tilespmem:$0x1F080] =	vst v63  }
0x36: {  	_ =	swait.ge [sflag:s15], $0x4000  }
0x37: {  	[sflag:s15] =	ssyncset.done $0x0  }
0x38: {  	[sflag:s15] =	ssyncadd.s32 $0xFFFFC000  }
0x39: {  	s23 =	simm.s32 $0x0;
	[bflag:$0x0] =	sbarrier.arrive $0xFFFF  }
.LBB2_4:
0x3a: {  	s24 =	sshll.u32 s23, $0x7  }
0x3b: {  	[tilespmem:s18], [sflag:$0x1] =	stream.indirect.gather [hbm4b:s1+s19], $0x80, s24, s19, $0xb8;
	[tilespmem:$0x1F080] =	vst v63  }
0x3c: {  	s25 =	sadd.s32 $0x5000, s24  }
0x3d: {  	_ =	swait.ge [sflag:s15], $0x4000;
	v17 =	vmov s25  }
0x3e: {  	[sflag:s15] =	ssyncset.done $0x0  }
0x3f: {  	s25 =	simm.s32 $0x0;
	[sflag:s15] =	ssyncadd.s32 $0xFFFFC000  }
.LBB2_5:
0x40: {  	s26 =	sshll.u32 s25, $0x4  }
0x41: {  	s26 =	sand.u32 $0x3FFFFFF0, s26  }
0x42: {  	s31 =	sshll.u32 s25, $0xB;
	v18 =	vld.idx.msk [tilespmem:v17+s26+$0x0 ss:$0x1], $0xffff  }
0x43: {  	s26 =	sand.u32 $0x3FFFF800, s31  }
0x44: {  	v19 =	vld [tilespmem:s26+$0x7800]  }
0x45: {  	v20 =	vld [tilespmem:s26+$0x7810]  }
0x46: {  	v21 =	vld [tilespmem:s26+$0x7820]  }
0x47: {  	v23 =	vld [tilespmem:s26+$0x7830];
	v22 =	vperm.xlane v18, v1  }
0x48: {  	v24 =	vld [tilespmem:s26+$0x7840]  }
0x49: {  	v25 =	vld [tilespmem:s26+$0x7850];
	v19 =	vmul.f32 v19, v22  }
0x4a: {  	v26 =	vld [tilespmem:s26+$0x7860];
	v20 =	vmul.f32 v20, v22  }
0x4b: {  	v43 =	vld [tilespmem:s26+$0x7870];
	[tilespmem:s26+$0x7800] =	vst v19;
	v19 =	vmul.f32 v21, v22  }
0x4c: {  	v45 =	vld [tilespmem:s26+$0x7880];
	v44 =	vmul.f32 v23, v22;
	[tilespmem:s26+$0x7810] =	vst v20  }
0x4d: {  	v46 =	vld [tilespmem:s26+$0x7890];
	[tilespmem:s26+$0x7820] =	vst v19;
	v19 =	vmul.f32 v24, v22  }
0x4e: {  	v48 =	vld [tilespmem:s26+$0x78A0];
	v47 =	vmul.f32 v25, v22;
	[tilespmem:s26+$0x7830] =	vst v44  }
0x4f: {  	v27 =	vld [tilespmem:s26+$0x78B0];
	v49 =	vperm.xlane v18, v2;
	[tilespmem:s26+$0x7840] =	vst v19;
	v19 =	vmul.f32 v26, v22  }
0x50: {  	v51 =	vld [tilespmem:s26+$0x78C0];
	v50 =	vmul.f32 v43, v22;
	[tilespmem:s26+$0x7850] =	vst v47  }
0x51: {  	v52 =	vld [tilespmem:s26+$0x78D0];
	[tilespmem:s26+$0x7860] =	vst v19;
	v19 =	vmul.f32 v45, v49  }
0x52: {  	v54 =	vld [tilespmem:s26+$0x78E0];
	v53 =	vmul.f32 v46, v49;
	[tilespmem:s26+$0x7870] =	vst v50  }
0x53: {  	v55 =	vld [tilespmem:s26+$0x78F0];
	[tilespmem:s26+$0x7880] =	vst v19;
	v19 =	vmul.f32 v48, v49  }
0x54: {  	v57 =	vld [tilespmem:s26+$0x7900];
	v56 =	vmul.f32 v27, v49;
	[tilespmem:s26+$0x7890] =	vst v53  }
0x55: {  	v58 =	vld [tilespmem:s26+$0x7910];
	[tilespmem:s26+$0x78A0] =	vst v19;
	v19 =	vmul.f32 v51, v49  }
0x56: {  	v60 =	vld [tilespmem:s26+$0x7920];
	v59 =	vmul.f32 v52, v49;
	[tilespmem:s26+$0x78B0] =	vst v56  }
0x57: {  	v62 =	vld [tilespmem:s26+$0x7930];
	v61 =	vperm.xlane v18, v3;
	[tilespmem:s26+$0x78C0] =	vst v19;
	v19 =	vmul.f32 v54, v49  }
0x58: {  	v28 =	vld [tilespmem:s26+$0x7940];
	v63 =	vmul.f32 v55, v49;
	[tilespmem:s26+$0x78D0] =	vst v59  }
0x59: {  	v29 =	vld [tilespmem:s26+$0x7950];
	[tilespmem:s26+$0x78E0] =	vst v19;
	v19 =	vmul.f32 v57, v61  }
0x5a: {  	v31 =	vld [tilespmem:s26+$0x7960];
	v30 =	vmul.f32 v58, v61;
	[tilespmem:s26+$0x78F0] =	vst v63  }
0x5b: {  	v32 =	vld [tilespmem:s26+$0x7970];
	[tilespmem:s26+$0x7900] =	vst v19;
	v19 =	vmul.f32 v60, v61  }
0x5c: {  	v34 =	vld [tilespmem:s26+$0x7980];
	v33 =	vmul.f32 v62, v61;
	[tilespmem:s26+$0x7910] =	vst v30  }
0x5d: {  	v35 =	vld [tilespmem:s26+$0x7990];
	[tilespmem:s26+$0x7920] =	vst v19;
	v19 =	vmul.f32 v28, v61  }
0x5e: {  	v37 =	vld [tilespmem:s26+$0x79A0];
	v36 =	vmul.f32 v29, v61;
	[tilespmem:s26+$0x7930] =	vst v33  }
0x5f: {  	v39 =	vld [tilespmem:s26+$0x79B0];
	v38 =	vperm.xlane v18, v4;
	[tilespmem:s26+$0x7940] =	vst v19;
	v19 =	vmul.f32 v31, v61  }
0x60: {  	v41 =	vld [tilespmem:s26+$0x79C0];
	v40 =	vmul.f32 v32, v61;
	[tilespmem:s26+$0x7950] =	vst v36  }
0x61: {  	v45 =	vld [tilespmem:s26+$0x79F0];
	[tilespmem:s26+$0x7960] =	vst v19;
	v19 =	vmul.f32 v34, v38  }
0x62: {  	v43 =	vmul.f32 v35, v38;
	[tilespmem:s26+$0x7970] =	vst v40;
	v44 =	vld [tilespmem:s26+$0x79E0]  }
0x63: {  	v42 =	vld [tilespmem:s26+$0x79D0];
	[tilespmem:s26+$0x7980] =	vst v19;
	v19 =	vmul.f32 v37, v38  }
0x64: {  	v46 =	vmul.f32 v39, v38;
	[tilespmem:s26+$0x7990] =	vst v43;
	v47 =	vld [tilespmem:s26+$0x7A00]  }
0x65: {  	v52 =	vld [tilespmem:s26+$0x7A30];
	[tilespmem:s26+$0x79A0] =	vst v19;
	v19 =	vmul.f32 v41, v38  }
0x66: {  	[tilespmem:s26+$0x79B0] =	vst v46;
	v50 =	vld [tilespmem:s26+$0x7A20];
	v53 =	vmul.f32 v45, v38  }
0x67: {  	v55 =	vld [tilespmem:s26+$0x7A50];
	v51 =	vperm.xlane v18, v5;
	[tilespmem:s26+$0x79C0] =	vst v19;
	v19 =	vmul.f32 v44, v38  }
0x68: {  	v49 =	vmul.f32 v42, v38;
	v54 =	vld [tilespmem:s26+$0x7A40];
	[tilespmem:s26+$0x79F0] =	vst v53  }
0x69: {  	v58 =	vld [tilespmem:s26+$0x7A70];
	[tilespmem:s26+$0x79E0] =	vst v19;
	v19 =	vmul.f32 v47, v51  }
0x6a: {  	v59 =	vmul.f32 v52, v51;
	[tilespmem:s26+$0x79D0] =	vst v49;
	v57 =	vld [tilespmem:s26+$0x7A60]  }
0x6b: {  	v48 =	vld [tilespmem:s26+$0x7A10];
	[tilespmem:s26+$0x7A00] =	vst v19;
	v19 =	vmul.f32 v50, v51  }
0x6c: {  	v62 =	vmul.f32 v55, v51;
	[tilespmem:s26+$0x7A30] =	vst v59;
	v60 =	vld [tilespmem:s26+$0x7A80]  }
0x6d: {  	v40 =	vld [tilespmem:s26+$0x7B10];
	[tilespmem:s26+$0x7A20] =	vst v19;
	v19 =	vmul.f32 v54, v51  }
0x6e: {  	v63 =	vld [tilespmem:s26+$0x7AA0];
	v32 =	vmul.f32 v58, v51;
	[tilespmem:s26+$0x7A50] =	vst v62  }
0x6f: {  	v30 =	vperm.xlane v18, v6;
	v61 =	vld [tilespmem:s26+$0x7A90];
	[tilespmem:s26+$0x7A40] =	vst v19;
	v19 =	vmul.f32 v57, v51  }
0x70: {  	v33 =	vld [tilespmem:s26+$0x7AC0];
	v43 =	vperm.xlane v18, v7;
	v56 =	vmul.f32 v48, v51;
	[tilespmem:s26+$0x7A70] =	vst v32  }
0x71: {  	v53 =	vld [tilespmem:s26+$0x7B90];
	[tilespmem:s26+$0x7A60] =	vst v19;
	v19 =	vmul.f32 v60, v30  }
0x72: {  	v36 =	vld [tilespmem:s26+$0x7AE0];
	v48 =	vmul.f32 v40, v43;
	[tilespmem:s26+$0x7A10] =	vst v56  }
0x73: {  	v31 =	vld [tilespmem:s26+$0x7AB0];
	[tilespmem:s26+$0x7A80] =	vst v19;
	v19 =	vmul.f32 v63, v30  }
0x74: {  	v39 =	vld [tilespmem:s26+$0x7B00];
	[tilespmem:s26+$0x7B10] =	vst v48;
	v56 =	vperm.xlane v18, v8;
	v35 =	vmul.f32 v61, v30  }
0x75: {  	v34 =	vld [tilespmem:s26+$0x7AD0];
	[tilespmem:s26+$0x7AA0] =	vst v19;
	v19 =	vmul.f32 v33, v30  }
0x76: {  	v42 =	vld [tilespmem:s26+$0x7B20];
	v61 =	vmul.f32 v53, v56;
	[tilespmem:s26+$0x7A90] =	vst v35  }
0x77: {  	v37 =	vld [tilespmem:s26+$0x7AF0];
	[tilespmem:s26+$0x7AC0] =	vst v19;
	v19 =	vmul.f32 v36, v30  }
0x78: {  	v46 =	vld [tilespmem:s26+$0x7B40];
	[tilespmem:s26+$0x7B90] =	vst v61;
	v38 =	vmul.f32 v31, v30  }
0x79: {  	v47 =	vld [tilespmem:s26+$0x7B50];
	[tilespmem:s26+$0x7AE0] =	vst v19;
	v19 =	vmul.f32 v39, v43  }
0x7a: {  	v49 =	vld [tilespmem:s26+$0x7B60];
	v41 =	vmul.f32 v34, v30;
	[tilespmem:s26+$0x7AB0] =	vst v38  }
0x7b: {  	v38 =	vld [tilespmem:s26+$0x7C50];
	[tilespmem:s26+$0x7B00] =	vst v19;
	v19 =	vmul.f32 v42, v43  }
0x7c: {  	v52 =	vld [tilespmem:s26+$0x7B80];
	[tilespmem:s26+$0x7AD0] =	vst v41;
	v45 =	vmul.f32 v37, v30  }
0x7d: {  	v44 =	vld [tilespmem:s26+$0x7B30];
	[tilespmem:s26+$0x7B20] =	vst v19;
	v19 =	vmul.f32 v46, v43  }
0x7e: {  	v55 =	vld [tilespmem:s26+$0x7BA0];
	v34 =	vperm.xlane v18, v9;
	[tilespmem:s26+$0x7AF0] =	vst v45;
	v54 =	vmul.f32 v47, v43  }
0x7f: {  	v50 =	vld [tilespmem:s26+$0x7B70];
	[tilespmem:s26+$0x7B40] =	vst v19;
	v19 =	vmul.f32 v49, v43  }
0x80: {  	v59 =	vld [tilespmem:s26+$0x7BC0];
	v45 =	vmul.f32 v38, v34;
	[tilespmem:s26+$0x7B50] =	vst v54  }
0x81: {  	v57 =	vld [tilespmem:s26+$0x7BB0];
	[tilespmem:s26+$0x7B60] =	vst v19;
	v19 =	vmul.f32 v52, v56  }
0x82: {  	v62 =	vld [tilespmem:s26+$0x7BE0];
	v51 =	vmul.f32 v44, v43;
	[tilespmem:s26+$0x7C50] =	vst v45  }
0x83: {  	v60 =	vld [tilespmem:s26+$0x7BD0];
	[tilespmem:s26+$0x7B80] =	vst v19;
	v19 =	vmul.f32 v55, v56  }
0x84: {  	v58 =	vmul.f32 v50, v43;
	[tilespmem:s26+$0x7B30] =	vst v51;
	v30 =	vld [tilespmem:s26+$0x7C00]  }
0x85: {  	v51 =	vld [tilespmem:s26+$0x7CD0];
	[tilespmem:s26+$0x7BA0] =	vst v19;
	v19 =	vmul.f32 v59, v56  }
0x86: {  	[tilespmem:s26+$0x7B70] =	vst v58;
	v29 =	vmul.f32 v57, v56;
	v33 =	vld [tilespmem:s26+$0x7C20]  }
0x87: {  	v63 =	vld [tilespmem:s26+$0x7BF0];
	[tilespmem:s26+$0x7BC0] =	vst v19;
	v19 =	vmul.f32 v62, v56  }
0x88: {  	v37 =	vld [tilespmem:s26+$0x7C40];
	v47 =	vperm.xlane v18, v10;
	[tilespmem:s26+$0x7BB0] =	vst v29;
	v32 =	vmul.f32 v60, v56  }
0x89: {  	v61 =	vld [tilespmem:s26+$0x7D30];
	[tilespmem:s26+$0x7BE0] =	vst v19;
	v19 =	vmul.f32 v30, v34  }
0x8a: {  	v40 =	vld [tilespmem:s26+$0x7C60];
	v58 =	vmul.f32 v51, v47;
	[tilespmem:s26+$0x7BD0] =	vst v32  }
0x8b: {  	v31 =	vld [tilespmem:s26+$0x7C10];
	[tilespmem:s26+$0x7C00] =	vst v19;
	v19 =	vmul.f32 v33, v34  }
0x8c: {  	v60 =	vperm.xlane v18, v11;
	v36 =	vmul.f32 v63, v56;
	[tilespmem:s26+$0x7CD0] =	vst v58;
	v43 =	vld [tilespmem:s26+$0x7C80]  }
0x8d: {  	v57 =	vld [tilespmem:s26+$0x7D10];
	[tilespmem:s26+$0x7C20] =	vst v19;
	v19 =	vmul.f32 v37, v34  }
0x8e: {  	v32 =	vmul.f32 v61, v60;
	[tilespmem:s26+$0x7BF0] =	vst v36;
	v46 =	vld [tilespmem:s26+$0x7CA0]  }
0x8f: {  	v35 =	vld [tilespmem:s26+$0x7C30];
	[tilespmem:s26+$0x7C40] =	vst v19;
	v19 =	vmul.f32 v40, v34  }
0x90: {  	v50 =	vld [tilespmem:s26+$0x7CC0];
	v39 =	vmul.f32 v31, v34;
	[tilespmem:s26+$0x7D30] =	vst v32  }
0x91: {  	v28 =	vld [tilespmem:s26+$0x7D50];
	[tilespmem:s26+$0x7C60] =	vst v19;
	v19 =	vmul.f32 v43, v47  }
0x92: {  	v53 =	vld [tilespmem:s26+$0x7CE0];
	v29 =	vmul.f32 v57, v60;
	[tilespmem:s26+$0x7C10] =	vst v39  }
0x93: {  	v31 =	vld [tilespmem:s26+$0x7D70];
	[tilespmem:s26+$0x7C80] =	vst v19;
	v19 =	vmul.f32 v46, v47  }
0x94: {  	v42 =	vmul.f32 v35, v34;
	[tilespmem:s26+$0x7D10] =	vst v29;
	v56 =	vld [tilespmem:s26+$0x7D00]  }
0x95: {  	v41 =	vld [tilespmem:s26+$0x7C70];
	[tilespmem:s26+$0x7CA0] =	vst v19;
	v19 =	vmul.f32 v50, v47  }
0x96: {  	v35 =	vmul.f32 v28, v60;
	[tilespmem:s26+$0x7C30] =	vst v42;
	v59 =	vld [tilespmem:s26+$0x7D20]  }
0x97: {  	v44 =	vld [tilespmem:s26+$0x7C90];
	[tilespmem:s26+$0x7CC0] =	vst v19;
	v19 =	vmul.f32 v53, v47  }
0x98: {  	v63 =	vld [tilespmem:s26+$0x7D40];
	[tilespmem:s26+$0x7D50] =	vst v35;
	v39 =	vmul.f32 v31, v60  }
0x99: {  	v48 =	vld [tilespmem:s26+$0x7CB0];
	[tilespmem:s26+$0x7CE0] =	vst v19;
	v19 =	vmul.f32 v56, v60  }
0x9a: {  	v49 =	vmul.f32 v41, v34;
	[tilespmem:s26+$0x7D70] =	vst v39;
	v30 =	vld [tilespmem:s26+$0x7D60]  }
0x9b: {  	v54 =	vld [tilespmem:s26+$0x7CF0];
	[tilespmem:s26+$0x7D00] =	vst v19;
	v19 =	vmul.f32 v59, v60  }
0x9c: {  	[tilespmem:s26+$0x7C70] =	vst v49;
	v52 =	vmul.f32 v44, v47;
	v33 =	vld [tilespmem:s26+$0x7D80]  }
0x9d: {  	v38 =	vld [tilespmem:s26+$0x7DB0];
	[tilespmem:s26+$0x7D20] =	vst v19;
	v19 =	vmul.f32 v63, v60  }
0x9e: {  	v36 =	vld [tilespmem:s26+$0x7DA0];
	[tilespmem:s26+$0x7C90] =	vst v52;
	v55 =	vmul.f32 v48, v47  }
0x9f: {  	v41 =	vld [tilespmem:s26+$0x7DD0];
	v37 =	vperm.xlane v18, v12;
	[tilespmem:s26+$0x7D40] =	vst v19;
	v19 =	vmul.f32 v30, v60  }
0xa0: {  	[tilespmem:s26+$0x7CB0] =	vst v55;
	v62 =	vmul.f32 v54, v47;
	v40 =	vld [tilespmem:s26+$0x7DC0]  }
0xa1: {  	v44 =	vld [tilespmem:s26+$0x7DF0];
	[tilespmem:s26+$0x7D60] =	vst v19;
	v19 =	vmul.f32 v33, v37  }
0xa2: {  	[tilespmem:s26+$0x7CF0] =	vst v62;
	v45 =	vmul.f32 v38, v37;
	v43 =	vld [tilespmem:s26+$0x7DE0]  }
0xa3: {  	v34 =	vld [tilespmem:s26+$0x7D90];
	[tilespmem:s26+$0x7D80] =	vst v19;
	v19 =	vmul.f32 v36, v37  }
0xa4: {  	v48 =	vmul.f32 v41, v37;
	[tilespmem:s26+$0x7DB0] =	vst v45;
	v46 =	vld [tilespmem:s26+$0x7E00]  }
0xa5: {  	v51 =	vld [tilespmem:s26+$0x7E30];
	[tilespmem:s26+$0x7DA0] =	vst v19;
	v19 =	vmul.f32 v40, v37  }
0xa6: {  	v49 =	vld [tilespmem:s26+$0x7E20];
	v52 =	vmul.f32 v44, v37;
	[tilespmem:s26+$0x7DD0] =	vst v48  }
0xa7: {  	v54 =	vld [tilespmem:s26+$0x7E50];
	v50 =	vperm.xlane v18, v13;
	[tilespmem:s26+$0x7DC0] =	vst v19;
	v19 =	vmul.f32 v43, v37  }
0xa8: {  	[tilespmem:s26+$0x7DF0] =	vst v52;
	v42 =	vmul.f32 v34, v37;
	v53 =	vld [tilespmem:s26+$0x7E40]  }
0xa9: {  	v57 =	vld [tilespmem:s26+$0x7E70];
	[tilespmem:s26+$0x7DE0] =	vst v19;
	v19 =	vmul.f32 v46, v50  }
0xaa: {  	[tilespmem:s26+$0x7D90] =	vst v42;
	v58 =	vmul.f32 v51, v50;
	v56 =	vld [tilespmem:s26+$0x7E60]  }
0xab: {  	v47 =	vld [tilespmem:s26+$0x7E10];
	[tilespmem:s26+$0x7E00] =	vst v19;
	v19 =	vmul.f32 v49, v50  }
0xac: {  	v61 =	vmul.f32 v54, v50;
	[tilespmem:s26+$0x7E30] =	vst v58;
	v59 =	vld [tilespmem:s26+$0x7E80]  }
0xad: {  	v39 =	vld [tilespmem:s26+$0x7F10];
	[tilespmem:s26+$0x7E20] =	vst v19;
	v19 =	vmul.f32 v53, v50  }
0xae: {  	v62 =	vld [tilespmem:s26+$0x7EA0];
	v31 =	vmul.f32 v57, v50;
	[tilespmem:s26+$0x7E50] =	vst v61  }
0xaf: {  	v63 =	vperm.xlane v18, v14;
	v60 =	vld [tilespmem:s26+$0x7E90];
	[tilespmem:s26+$0x7E40] =	vst v19;
	v19 =	vmul.f32 v56, v50  }
0xb0: {  	v32 =	vld [tilespmem:s26+$0x7EC0];
	v42 =	vperm.xlane v18, v15;
	[tilespmem:s26+$0x7E70] =	vst v31;
	v55 =	vmul.f32 v47, v50  }
0xb1: {  	v33 =	vld [tilespmem:s26+$0x7ED0];
	[tilespmem:s26+$0x7E60] =	vst v19;
	v19 =	vmul.f32 v59, v63  }
0xb2: {  	v35 =	vld [tilespmem:s26+$0x7EE0];
	v47 =	vmul.f32 v39, v42;
	[tilespmem:s26+$0x7E10] =	vst v55  }
0xb3: {  	v30 =	vld [tilespmem:s26+$0x7EB0];
	[tilespmem:s26+$0x7E80] =	vst v19;
	v19 =	vmul.f32 v62, v63  }
0xb4: {  	v38 =	vld [tilespmem:s26+$0x7F00];
	[tilespmem:s26+$0x7F10] =	vst v47;
	v34 =	vmul.f32 v60, v63  }
0xb5: {  	v36 =	vld [tilespmem:s26+$0x7EF0];
	[tilespmem:s26+$0x7EA0] =	vst v19;
	v19 =	vmul.f32 v32, v63  }
0xb6: {  	v41 =	vld [tilespmem:s26+$0x7F20];
	[tilespmem:s26+$0x7E90] =	vst v34;
	v40 =	vmul.f32 v33, v63  }
0xb7: {  	v46 =	vld [tilespmem:s26+$0x7F50];
	[tilespmem:s26+$0x7EC0] =	vst v19;
	v19 =	vmul.f32 v35, v63  }
0xb8: {  	v45 =	vld [tilespmem:s26+$0x7F40];
	v37 =	vmul.f32 v30, v63;
	[tilespmem:s26+$0x7ED0] =	vst v40  }
0xb9: {  	v43 =	vld [tilespmem:s26+$0x7F30];
	[tilespmem:s26+$0x7EE0] =	vst v19;
	v19 =	vmul.f32 v38, v42  }
0xba: {  	v48 =	vld [tilespmem:s26+$0x7F60];
	v44 =	vmul.f32 v36, v63;
	[tilespmem:s26+$0x7EB0] =	vst v37  }
0xbb: {  	v49 =	vld [tilespmem:s26+$0x7F70];
	[tilespmem:s26+$0x7F00] =	vst v19;
	v19 =	vmul.f32 v41, v42  }
0xbc: {  	v51 =	vld [tilespmem:s26+$0x7F80];
	[tilespmem:s26+$0x7EF0] =	vst v44;
	v53 =	vmul.f32 v46, v42  }
0xbd: {  	v52 =	vld [tilespmem:s26+$0x7F90];
	[tilespmem:s26+$0x7F20] =	vst v19;
	v19 =	vmul.f32 v45, v42  }
0xbe: {  	v54 =	vld [tilespmem:s26+$0x7FA0];
	v50 =	vmul.f32 v43, v42;
	[tilespmem:s26+$0x7F50] =	vst v53  }
0xbf: {  	v18 =	vperm.xlane v18, v16;
	v55 =	vld [tilespmem:s26+$0x7FB0];
	[tilespmem:s26+$0x7F40] =	vst v19;
	v19 =	vmul.f32 v48, v42  }
0xc0: {  	v57 =	vld [tilespmem:s26+$0x7FC0];
	v56 =	vmul.f32 v49, v42;
	[tilespmem:s26+$0x7F30] =	vst v50  }
0xc1: {  	v58 =	vld [tilespmem:s26+$0x7FD0];
	[tilespmem:s26+$0x7F60] =	vst v19;
	v19 =	vmul.f32 v51, v18  }
0xc2: {  	v60 =	vld [tilespmem:s26+$0x7FE0];
	v59 =	vmul.f32 v52, v18;
	[tilespmem:s26+$0x7F70] =	vst v56  }
0xc3: {  	v61 =	vld [tilespmem:s26+$0x7FF0];
	[tilespmem:s26+$0x7F80] =	vst v19;
	v19 =	vmul.f32 v54, v18  }
0xc4: {  	[tilespmem:s26+$0x7F90] =	vst v59;
	v62 =	vmul.f32 v55, v18  }
0xc5: {  	p0 =	sne.s32 s25, $0x7;
	[tilespmem:s26+$0x7FA0] =	vst v19;
	v19 =	vmul.f32 v57, v18  }
.Ltmp1:
0xc6: {  	[tilespmem:s26+$0x7FB0] =	vst v62;
	v63 =	vmul.f32 v58, v18;
	(pc) =	sbr.rel @p0 .LBB2_5-.Ltmp1, $4  }
0xc7: {  	[tilespmem:s26+$0x7FC0] =	vst v19;
	v19 =	vmul.f32 v60, v18  }
0xc8: {  	[tilespmem:s26+$0x7FD0] =	vst v63;
	v18 =	vmul.f32 v61, v18  }
0xc9: {  	[tilespmem:s26+$0x7FE0] =	vst v19  }
0xca: {  	s25 =	sadd.s32 $0x1, s25;
	[tilespmem:s26+$0x7FF0] =	vst v18  }
0xcb: {  	s23 =	sadd.s32 $0x1, s23  }
0xcc: {  	p0 =	sne.s32 s23, $0x4F  }
.Ltmp2:
0xcd: {  	s24 =	sadd.s32 $0x2800, s24;
	(pc) =	sbr.rel @p0 .LBB2_4-.Ltmp2, $4  }
0xce: {  	[spmem:s3] =	stream.indirect.scatter.add.f32 [tilespmem:s18], [sflag:$0x1], $0x80, s24, s19, $0xb8;
	[tilespmem:$0x1F080] =	vst v63  }
0xcf: {  	_ =	swait.ge [sflag:s15], $0x4000  }
0xd0: {  	[sflag:s15] =	ssyncset.done $0x0  }
0xd1: {  	[sflag:s15] =	ssyncadd.s32 $0xFFFFC000  }
0xd2: {  	s22 =	sadd.s32 $0x1, s22  }
0xd3: {  	p0 =	sne.s32 s22, s14  }
.Ltmp3:
0xd4: {  	[bflag:$0x0] =	sbarrier.arrive $0xFFFF;
	(pc) =	sbr.rel @p0 .LBB2_1-.Ltmp3, $4  }
0xd5: {  	[hbm:s13], [sflag:s20] =	dma.local [spmem:s21], $0x2800  }
0xd6: {  	_ =	swait.ge [sflag:s15], $0x2800  }
0xd7: {  	[sflag:s15] =	ssyncset.done $0x0  }
0xd8: {  	[sflag:s15] =	ssyncadd.s32 $0xFFFFD800  }
0xd9: {  	_ =	sfence.sel $0x180000  }
0xda: {  	[bflag:$0x0] =	sbarrier.arrive $0xFFFF  }
0xdb: {  	p0 =	sne.s32 s2, $0x0;
	_ =	strace $0x9000004A  }
0xdc: {  	s0 =	sadd.s32 @!p0 $0x100000, s0;
	[bflag:$0x2] =	sbarrier.arrive $0xFFFF  }
0xdd: {  	[sflag:s0] =	ssyncadd.tile.s32 @!p0 $0x1;
	_ =	shalt  }
.Lfunc_end2:
_tile_overlayer_lowered:
.L_overlay_start_2:
0xde: {  	(tag) =	ssettag $0x2  }
0xdf: {  	s0 =	rddreg [dreg:$0x0];
	s2 =	stileid.u32  }
0xe0: {  	s1 =	rddreg [dreg:$0x1];
	p0 =	sne.s32 s2, $0x0  }
0xe1: {  	s3 =	rddreg [dreg:$0x2];
	[bflag:$0x3] =	sbarrier.arrive $0xFFFF;
	s2 =	simm.s32 @!p0 $0x1C01  }
0xe2: {  	[timem:s3], [sflag:s2] =	dma.local @!p0 [hbm:s0], s1  }
0xe3: {  	s0 =	simm.s32 @!p0 $0x1  }
0xe4: {  	_ =	swait.ge @!p0 [sflag:s0], s1  }
0xe5: {  	s1 =	ssub.s32 @!p0 $0x0, s1;
	[sflag:s0] =	ssyncset.done @!p0 $0x0  }
0xe6: {  	[sflag:s0] =	ssyncadd.s32 @!p0 s1  }
0xe7: {  	[bflag:$0x3] =	sbarrier.arrive $0xFFFF  }
0xe8: {  	_ =	shalt  }

// kernel: kernel.15.cloned.1.call-start
scs
__scs_entry_jumppad:
0x0: {  	(pc) =	sbr.rel $0x88, $3  }
0x1: {  	(tag) =	ssettag $0x0;
	lr =	simm.s32 $0x1  }
0x2: {  	[smem:$0x3F98] =	sst lr;
	_ =	strace $0xD0000000  }
0x3: {  	_ = 	snop  }
0x4: {  	_ = 	snop  }
0x5: {  	_ = 	snop  }
0x6: {  	_ = 	snop  }
0x7: {  	_ = 	snop  }
__scs_overlays_trampoline_lowered:
0x8: {  	[smem:$0x3FA7] =	sst s0  }
0x9: {  	[smem:$0x3FA8] =	sst s1  }
0xa: {  	[smem:$0x3FA9] =	sst s2  }
0xb: {  	[smem:$0x3FAA] =	sst s3  }
0xc: {  	[smem:$0x3FAB] =	sst s4  }
0xd: {  	[smem:$0x3FAC] =	sst s5  }
0xe: {  	[smem:$0x3FAD] =	sst s6  }
0xf: {  	[smem:$0x3FAE] =	sst s7  }
0x10: {  	[smem:$0x3FAF] =	sst s8  }
0x11: {  	[smem:$0x3FB0] =	sst s9;
	s0 =	simm.s32 @!p0 $0x0  }
0x12: {  	s1 =	sld [smem:$0x3F96];
	s0 =	simm.s32 @p0 $0x1  }
0x13: {  	[smem:$0x3FB1] =	sst s0;
	s0 =	simm.s32 @!p1 $0x0  }
0x14: {  	s2 =	sld [smem:$0x3F95];
	s0 =	simm.s32 @p1 $0x1  }
0x15: {  	[smem:$0x3FB2] =	sst s0;
	s0 =	simm.s32 @!p2 $0x0  }
0x16: {  	s3 =	sld [smem:$0x3FDB];
	s0 =	simm.s32 @p2 $0x1  }
0x17: {  	s4 =	simm.s32 $0x1BF5;
	[smem:$0x3FB4] =	sst s0  }
0x18: {  	s0 =	sld [smem:$0x3F97];
	_ =	swait.ge [sflag:s4], $0x0  }
0x19: {  	s7 =	sld [smem:$0x3F98]  }
0x1a: {  	s8 =	sadd.s32 $0xFFFFE003, lr  }
0x1b: {  	s9 =	sadd.s32 $0xFFFFFEF7, lr;
	s5 =	simm.s32 $0xFFFFFFFF;
	p2 =	slt.u32 s8, $0xFFFFF086  }
0x1c: {  	p1 =	slt.u32 s9, $0xF7A;
	s5 =	simm.s32 @!p2 $0x0  }
0x1d: {  	s5 =	simm.s32 @p1 $0x1;
	p0 =	seq.s32 s7, s2  }
0x1e: {  	s7 =	smul.u32 @!p0 $0xF7A, s2;
	p2 =	seq.s32 @!p0 s5, $0x0  }
0x1f: {  	s9 =	smul.u32 $0xF7A, s1;
	s8 =	simm.s32 @!p0 $0x1BF5;
	p2 =	por !p2, p0  }
0x20: {  	[sflag:s8] =	ssyncset.s32 @!p0 $0xFFFFF086;
	s6 =	sadd.s32 @!p0 s3, s7;
	s7 =	simm.s32 @!p0 $0x108  }
0x21: {  	s3 =	sadd.s32 s3, s9;
	s6 =	sadd.s32 @!p0 $0x88, s6;
	s7 =	simm.s32 @p2 $0x1082  }
0x22: {  	[simem:s7], [sflag:s8] =	dma.local @!p0 [hbm:s6], $0xF7A  }
0x23: {  	s9 =	sor.u32 $0xD0000000, s2;
	s6 =	simm.s32 $0x108;
	_ =	swait.ge @!p0 [sflag:s8], $0x0  }
0x24: {  	s3 =	sadd.s32 $0x88, s3;
	s6 =	simm.s32 @!p1 $0x1082;
	[sflag:s4] =	ssyncset.s32 $0xFFFFF086  }
0x25: {  	[simem:s6], [sflag:s4] =	dma.local [hbm:s3], $0xF7A  }
0x26: {  	[smem:$0x3F98] =	sst s1;
	(tag) =	ssettag s2;
	_ =	strace s9  }
0x27: {  	s1 =	sld [smem:$0x3FA8]  }
0x28: {  	s2 =	sld [smem:$0x3FA9]  }
0x29: {  	s4 =	sld [smem:$0x3FAB]  }
0x2a: {  	p0 =	seq.s32 s5, $0x0;
	s5 =	sld [smem:$0x3FAC]  }
0x2b: {  	s6 =	sld [smem:$0x3FAD]  }
0x2c: {  	s7 =	sld [smem:$0x3FAE]  }
0x2d: {  	s3 =	simm.s32 $0x108;
	s8 =	sld [smem:$0x3FAF]  }
0x2e: {  	s3 =	simm.s32 @!p0 $0x1082;
	s9 =	sld [smem:$0x3FB0]  }
0x2f: {  	lr =	sadd.s32 s0, s3;
	s0 =	sld [smem:$0x3FA7]  }
0x30: {  	s3 =	sld [smem:$0x3FAA]  }
0x31: {  	[smem:$0x3FB3] =	sst s10  }
0x32: {  	s10 =	sld [smem:$0x3FB1];
	_ =	sdelay $0x3  }
0x33: {  	p0 =	seq.s32 s10, $0x1;
	s10 =	sld [smem:$0x3FB3];
	_ =	sdelay $0x3  }
0x34: {  	[smem:$0x3FB3] =	sst s10  }
0x35: {  	s10 =	sld [smem:$0x3FB2];
	_ =	sdelay $0x3  }
0x36: {  	p1 =	seq.s32 s10, $0x1;
	s10 =	sld [smem:$0x3FB3];
	_ =	sdelay $0x3  }
0x37: {  	[smem:$0x3FB3] =	sst s10  }
0x38: {  	s10 =	sld [smem:$0x3FB4]  }
0x39: {  	_ = 	snop;
	(pc) =	sbr.ind lr, $3  }
0x3a: {  	_ = 	snop  }
0x3b: {  	_ = 	snop  }
0x3c: {  	p2 =	seq.s32 s10, $0x1;
	s10 =	sld [smem:$0x3FB3]  }
0x3d: {  	_ =	shalt  }
0x3e: {  	_ =	shalt  }
0x3f: {  	_ =	shalt  }
0x40: {  	_ =	shalt  }
0x41: {  	_ =	shalt  }
0x42: {  	_ =	shalt  }
0x43: {  	_ =	shalt  }
0x44: {  	_ =	shalt  }
0x45: {  	_ =	shalt  }
0x46: {  	_ =	shalt  }
0x47: {  	_ =	shalt  }
0x48: {  	_ =	shalt  }
0x49: {  	_ =	shalt  }
0x4a: {  	_ =	shalt  }
0x4b: {  	_ =	shalt  }
0x4c: {  	_ =	shalt  }
0x4d: {  	_ =	shalt  }
0x4e: {  	_ =	shalt  }
0x4f: {  	_ =	shalt  }
0x50: {  	_ =	shalt  }
0x51: {  	_ =	shalt  }
0x52: {  	_ =	shalt  }
0x53: {  	_ =	shalt  }
0x54: {  	_ =	shalt  }
0x55: {  	_ =	shalt  }
0x56: {  	_ =	shalt  }
0x57: {  	_ =	shalt  }
0x58: {  	_ =	shalt  }
0x59: {  	_ =	shalt  }
0x5a: {  	_ =	shalt  }
0x5b: {  	_ =	shalt  }
0x5c: {  	_ =	shalt  }
0x5d: {  	_ =	shalt  }
0x5e: {  	_ =	shalt  }
0x5f: {  	_ =	shalt  }
0x60: {  	_ =	shalt  }
0x61: {  	_ =	shalt  }
0x62: {  	_ =	shalt  }
0x63: {  	_ =	shalt  }
0x64: {  	_ =	shalt  }
0x65: {  	_ =	shalt  }
0x66: {  	_ =	shalt  }
0x67: {  	_ =	shalt  }
0x68: {  	_ =	shalt  }
0x69: {  	_ =	shalt  }
0x6a: {  	_ =	shalt  }
0x6b: {  	_ =	shalt  }
0x6c: {  	_ =	shalt  }
0x6d: {  	_ =	shalt  }
0x6e: {  	_ =	shalt  }
0x6f: {  	_ =	shalt  }
0x70: {  	_ =	shalt  }
0x71: {  	_ =	shalt  }
0x72: {  	_ =	shalt  }
0x73: {  	_ =	shalt  }
0x74: {  	_ =	shalt  }
0x75: {  	_ =	shalt  }
0x76: {  	_ =	shalt  }
0x77: {  	_ =	shalt  }
0x78: {  	_ =	shalt  }
0x79: {  	_ =	shalt  }
0x7a: {  	_ =	shalt  }
0x7b: {  	_ =	shalt  }
0x7c: {  	_ =	shalt  }
0x7d: {  	_ =	shalt  }
0x7e: {  	_ =	shalt  }
0x7f: {  	_ =	shalt  }
0x80: {  	_ =	shalt  }
0x81: {  	_ =	shalt  }
0x82: {  	_ =	shalt  }
0x83: {  	_ =	shalt  }
0x84: {  	_ =	shalt  }
0x85: {  	_ =	shalt  }
0x86: {  	_ =	shalt  }
0x87: {  	_ =	shalt  }
.Lfunc_end0:
.L_simem_size_0:
called_computation.2_lowered:
.L_overlay_start_0:
0x88: {  	s2 =	sld [smem:$0x3FD9]  }
0x89: {  	s3 =	sld [smem:$0x3FFE];
	_ =	sdelay $0x1  }
0x8a: {  	s1 =	srdreg.scid  }
0x8b: {  	s0 =	sand.u32 $0x1, s1  }
0x8c: {  	s17 =	sshll.u32 s0, $0xA;
	s2 =	sadd.s32 s3, s2  }
0x8d: {  	s2 =	sadd.s32 s2, s17  }
0x8e: {  	[smem:$0x3FBF] =	sst s2  }
0x8f: {  	_ = 	snop  }
0x90: {  	s2 =	sld [smem:$0x3FD0];
	(tm) =	ssettm $0x1  }
0x91: {  	s18 =	sld [smem:$0x3FFB];
	_ =	sdelay $0x3  }
0x92: {  	_ =	strace s18  }
0x93: {  	s3 =	sld [smem:$0x3FFC];
	_ =	sdelay $0x3  }
0x94: {  	_ =	strace s3  }
0x95: {  	s3 =	sld [smem:$0x3FFD];
	_ =	sdelay $0x3  }
0x96: {  	_ =	strace s3  }
0x97: {  	_ =	strace $0x8FFFFFFF  }
0x98: {  	s19 =	sld [smem:$0x3FDB];
	_ =	sdelay $0x1  }
0x99: {  	s4 =	simm.s32 $_scs_section_size  }
0x9a: {  	s5 =	simm.s32 $_size__tile_overlayer_lowered;
	s6 =	simm.s32 $_tile_overlayer_lowered  }
0x9b: {  	s22 =	simm.s32 $0x1BFF;
	s21 =	sshll.u32 s6, $0x1;
	s3 =	sadd.s32 s4, s19  }
0x9c: {  	s7 =	simm.s32 $0x0;
	s20 =	sshll.u32 s5, $0x1;
	s5 =	sadd.s32 s21, s3  }
0x9d: {  	[timem:s7], [sflag:s22] =	dma.local [hbm:s5], s20  }
0x9e: {  	_ =	swait.ge [sflag:s22], s20  }
0x9f: {  	s4 =	ssub.s32 $0x0, s20;
	[sflag:s22] =	ssyncset.done $0x0  }
0xa0: {  	[sflag:s22] =	ssyncadd.s32 s4;
	_ =	sdelay $0x1  }
0xa1: {  	s23 =	simm.s32 $0x1B8B  }
0xa2: {  	_ =	swait.ge [sflag:s23], $0x1  }
0xa3: {  	[sflag:s23] =	ssyncset.done $0x0  }
0xa4: {  	s25 =	simm.s32 $0x1B8E;
	s24 =	sld [smem:$0x3FFE];
	[sflag:s23] =	ssyncadd.s32 $0xFFFFFFFF  }
0xa5: {  	s26 =	simm.s32 $execute0_lowered;
	[smem:$0x3FD2] =	sst s25  }
0xa6: {  	s5 =	sshll.u32 s26, $0x1;
	_ =	strace $0x8000004C;
	[dreg:$0x1] =	wrdreg $0xFFFFFFFF  }
0xa7: {  	s28 =	simm.s32 $_size_execute0_lowered;
	s3 =	sadd.s32 s3, s5;
	[dreg:$0x0] =	wrdreg $0x0  }
0xa8: {  	s5 =	sshll.u32 s28, $0x1;
	[dreg:$0x2] =	wrdreg s3  }
0xa9: {  	[dreg:$0x3] =	wrdreg s5  }
0xaa: {  	[dreg:$0x4] =	wrdreg $0xC0  }
0xab: {  	_ =	task [dreg:s7], $0x5FFFF  }
0xac: {  	[dreg:$0x1] =	wrdreg $0xFFFFFFFF  }
0xad: {  	[dreg:$0x0] =	wrdreg $0x60  }
0xae: {  	[dreg:$0x2] =	wrdreg s2  }
0xaf: {  	[dreg:$0x3] =	wrdreg s24  }
0xb0: {  	[dreg:$0x4] =	wrdreg $0xB8000  }
0xb1: {  	[dreg:$0x5] =	wrdreg $0x9  }
0xb2: {  	_ =	task.clear_ibuf [dreg:s7], $0x6FFFF;
	_ =	strace $0x9000004C  }
0xb3: {  	s29 =	simm.s32 $0x9;
	_ =	strace $0x8000004E  }
0xb4: {  	_ =	swait.ge [sflag:s29], $0x1  }
0xb5: {  	[sflag:s29] =	ssyncadd.s32 $0xFFFFFFFF  }
0xb6: {  	_ =	strace $0x9000004E  }
0xb7: {  	_ =	sfence  }
0xb8: {  	s30 =	sld [smem:$0x0];
	_ =	sdelay $0x2  }
0xb9: {  	s31 =	sshll.u32 s1, $0xD;
	s1 =	sshrl.u32 s1, $0x2  }
0xba: {  	s3 =	sand.u32 $0x4000, s31;
	s1 =	sadd.s32 s1, s30  }
0xbb: {  	s0 =	sor.u32 s3, s0;
	s1 =	sshll.u32 s1, $0x11  }
0xbc: {  	s0 =	sor.u32 s1, s0  }
0xbd: {  	s0 =	sadd.s32 $0x8F2B, s0  }
0xbe: {  	[sflag:s0] =	ssyncadd.remote.s32 $0x1  }
0xbf: {  	_ =	sfence.sel $0xFFFF  }
0xc0: {  	[dreg:$0x0] =	wrdreg $0xFFFFFFFF;
	(pc) =	sbr.abs _section_cstart, $3  }
0xc1: {  	[dreg:$0x1] =	wrdreg $0xFFFFFFFF  }
0xc2: {  	_ =	task.clear_ibuf [dreg:s7], $0x2FFFF;
	_ =	strace $0x9FFFFFFF  }
0xc3: {  	(tm) =	ssettm $0x7FFFFFFF  }
tec
execute0_lowered:
.L_overlay_start_1:
0x0: {  	(tag) =	ssettag $0x1  }
0x1: {  	s1 =	rddreg [dreg:$0x0]  }
0x2: {  	s5 =	rddreg [dreg:$0x1]  }
0x3: {  	s3 =	rddreg [dreg:$0x2];
	s2 =	srdreg.scid  }
0x4: {  	s0 =	rddreg [dreg:$0x3];
	s4 =	simm.s32 $0x0;
	s15 =	simm.s32 $0x1  }
0x5: {  	s16 =	simm.s32 $0x2800;
	s17 =	simm.s32 $0x5000;
	s18 =	simm.s32 $0x7800  }
0x6: {  	s19 =	simm.s32 $0x80;
	s6 =	sand.u32 $0x1, s2;
	s2 =	stileid.u32  }
0x7: {  	s22 =	simm.s32 $0x0;
	[smem:$0x7FF] =	sst s4;
	s7 =	smul.u32 $0x138800, s6  }
0x8: {  	s8 =	sshll.u32 s2, $0x1;
	s9 =	smul.u32 $0x13800, s2;
	_ =	strace $0x8000004D  }
0x9: {  	s30 =	smul.u32 $0x4E000, s2;
	s20 =	sshll.u32 s2, $0x6;
	s8 =	sor.u32 s6, s8  }
0xa: {  	s6 =	ssub.s32 $0x2, s6;
	s20 =	sor.u32 $0x1C01, s20;
	s8 =	smul.u32 $0x500, s8  }
0xb: {  	v0 =	vimm.f32 $0.0e+00;
	v1 =	vimm.s32 $0x0;
	s7 =	sadd.s32 s9, s7;
	s31 =	sshrl.u32 s6, $0x1;
	s9 =	sshrl.u32 s30, $0x2  }
0xc: {  	v2 =	vimm.s32 $0x1;
	v3 =	vimm.s32 $0x2;
	v4 =	vimm.s32 $0x3;
	s7 =	sshrl.u32 s7, $0x3;
	s14 =	ssub.s32 s6, s31;
	s8 =	sadd.s32 s8, s5  }
0xd: {  	v5 =	vimm.s32 $0x4;
	v6 =	vimm.s32 $0x5;
	v7 =	vimm.s32 $0x6;
	s13 =	sadd.s32 s7, s5;
	s14 =	smax.u32 s14, $0x1;
	s5 =	sadd.s32 $0x16600, s8  }
0xe: {  	v8 =	vimm.s32 $0x7;
	v9 =	vimm.s32 $0x8;
	v10 =	vimm.s32 $0x9;
	s6 =	sadd.s32 $0xC600, s8;
	s7 =	sadd.s32 $0x2600, s8;
	s8 =	sadd.s32 s9, s3  }
0xf: {  	v11 =	vimm.s32 $0xA;
	v12 =	vimm.s32 $0xB;
	v13 =	vimm.s32 $0xC;
	s13 =	sadd.s32 $0x20600, s13;
	s9 =	sadd.s32 $0x4000, s8;
	s10 =	sadd.s32 $0x8000, s8  }
0x10: {  	v14 =	vimm.s32 $0xD;
	v15 =	vimm.s32 $0xE;
	v16 =	vimm.s32 $0xF;
	s11 =	sadd.s32 $0xC000, s8;
	s12 =	sadd.s32 $0x10000, s8;
	s21 =	sshrl.u32 s8, $0x3  }
.LBB2_1:
0x11: {  	[tilespmem:s4], [sflag:$0x1] =	stream.linear.gather [hbm4b:s5+s4], $0x2780, $0x38;
	[tilespmem:$0x1F080] =	vst v63  }
0x12: {  	_ =	swait.ge [sflag:s15], $0x2780  }
0x13: {  	[sflag:s15] =	ssyncset.done $0x0  }
0x14: {  	[sflag:s15] =	ssyncadd.s32 $0xFFFFD880  }
0x15: {  	[tilespmem:s16], [sflag:$0x1] =	stream.linear.gather [hbm4b:s6+s4], $0x2780, $0x38;
	[tilespmem:$0x1F080] =	vst v63  }
0x16: {  	_ =	swait.ge [sflag:s15], $0x2780  }
0x17: {  	[sflag:s15] =	ssyncset.done $0x0  }
0x18: {  	[sflag:s15] =	ssyncadd.s32 $0xFFFFD880  }
0x19: {  	[tilespmem:s17], [sflag:$0x1] =	stream.linear.gather [hbm4b:s7+s4], $0x2780, $0x38;
	[tilespmem:$0x1F080] =	vst v63  }
0x1a: {  	s23 =	sand.u32 $0xFE00, s4;
	s24 =	sand.u32 $0x70, s4;
	_ =	swait.ge [sflag:s15], $0x2780  }
0x1b: {  	s25 =	sshrl.u32 s23, $0x2;
	s23 =	simm.s32 $0x40;
	[sflag:s15] =	ssyncset.done $0x0  }
0x1c: {  	s25 =	sor.u32 s24, s25;
	s24 =	simm.s32 $0x0;
	[sflag:s15] =	ssyncadd.s32 $0xFFFFD880  }
.LBB2_2:
0x1d: {  	p0 =	sne.s32 s23, $0xFFC0  }
0x1e: {  	[tilespmem:s25+$0x7800] =	vst v0;
	s24 =	sadd.s32 $0x10, s24;
	s25 =	smov.u32 s23;
	s23 =	sadd.s32 $0x40, s23  }
.Ltmp0:
0x1f: {  	(pc) =	sbr.rel @p0 .LBB2_2-.Ltmp0, $4  }
0x20: {  	_ = 	snop  }
0x21: {  	s25 =	sand.u32 $0xFE00, s25  }
0x22: {  	s26 =	sand.u32 $0x70, s24;
	s25 =	sshrl.u32 s25, $0x2  }
0x23: {  	s25 =	sor.u32 s26, s25  }
0x24: {  	[tilespmem:s25+$0x7800] =	vst v0  }
0x25: {  	[spmem:s8] =	stream.linear.scatter [tilespmem:s18], [sflag:$0x1], $0x4000, $0x38;
	[tilespmem:$0x1F080] =	vst v63  }
0x26: {  	_ =	swait.ge [sflag:s15], $0x4000  }
0x27: {  	[sflag:s15] =	ssyncset.done $0x0  }
0x28: {  	[sflag:s15] =	ssyncadd.s32 $0xFFFFC000  }
0x29: {  	[spmem:s9] =	stream.linear.scatter [tilespmem:s18], [sflag:$0x1], $0x4000, $0x38;
	[tilespmem:$0x1F080] =	vst v63  }
0x2a: {  	_ =	swait.ge [sflag:s15], $0x4000  }
0x2b: {  	[sflag:s15] =	ssyncset.done $0x0  }
0x2c: {  	[sflag:s15] =	ssyncadd.s32 $0xFFFFC000  }
0x2d: {  	[spmem:s10] =	stream.linear.scatter [tilespmem:s18], [sflag:$0x1], $0x4000, $0x38;
	[tilespmem:$0x1F080] =	vst v63  }
0x2e: {  	_ =	swait.ge [sflag:s15], $0x4000  }
0x2f: {  	[sflag:s15] =	ssyncset.done $0x0  }
0x30: {  	[sflag:s15] =	ssyncadd.s32 $0xFFFFC000  }
0x31: {  	[spmem:s11] =	stream.linear.scatter [tilespmem:s18], [sflag:$0x1], $0x4000, $0x38;
	[tilespmem:$0x1F080] =	vst v63  }
0x32: {  	_ =	swait.ge [sflag:s15], $0x4000  }
0x33: {  	[sflag:s15] =	ssyncset.done $0x0  }
0x34: {  	[sflag:s15] =	ssyncadd.s32 $0xFFFFC000  }
0x35: {  	[spmem:s12] =	stream.linear.scatter [tilespmem:s18], [sflag:$0x1], $0x4000, $0x38;
	[tilespmem:$0x1F080] =	vst v63  }
0x36: {  	_ =	swait.ge [sflag:s15], $0x4000  }
0x37: {  	[sflag:s15] =	ssyncset.done $0x0  }
0x38: {  	[sflag:s15] =	ssyncadd.s32 $0xFFFFC000  }
0x39: {  	s23 =	simm.s32 $0x0;
	[bflag:$0x0] =	sbarrier.arrive $0xFFFF  }
.LBB2_4:
0x3a: {  	s24 =	sshll.u32 s23, $0x7  }
0x3b: {  	[tilespmem:s18], [sflag:$0x1] =	stream.indirect.gather [hbm4b:s1+s19], $0x80, s24, s19, $0xb8;
	[tilespmem:$0x1F080] =	vst v63  }
0x3c: {  	s25 =	sadd.s32 $0x5000, s24  }
0x3d: {  	_ =	swait.ge [sflag:s15], $0x4000;
	v17 =	vmov s25  }
0x3e: {  	[sflag:s15] =	ssyncset.done $0x0  }
0x3f: {  	s25 =	simm.s32 $0x0;
	[sflag:s15] =	ssyncadd.s32 $0xFFFFC000  }
.LBB2_5:
0x40: {  	s26 =	sshll.u32 s25, $0x4  }
0x41: {  	s26 =	sand.u32 $0x3FFFFFF0, s26  }
0x42: {  	s31 =	sshll.u32 s25, $0xB;
	v18 =	vld.idx.msk [tilespmem:v17+s26+$0x0 ss:$0x1], $0xffff  }
0x43: {  	s26 =	sand.u32 $0x3FFFF800, s31  }
0x44: {  	v19 =	vld [tilespmem:s26+$0x7800]  }
0x45: {  	v20 =	vld [tilespmem:s26+$0x7810]  }
0x46: {  	v21 =	vld [tilespmem:s26+$0x7820]  }
0x47: {  	v23 =	vld [tilespmem:s26+$0x7830];
	v22 =	vperm.xlane v18, v1  }
0x48: {  	v24 =	vld [tilespmem:s26+$0x7840]  }
0x49: {  	v25 =	vld [tilespmem:s26+$0x7850];
	v19 =	vmul.f32 v19, v22  }
0x4a: {  	v26 =	vld [tilespmem:s26+$0x7860];
	v20 =	vmul.f32 v20, v22  }
0x4b: {  	v43 =	vld [tilespmem:s26+$0x7870];
	[tilespmem:s26+$0x7800] =	vst v19;
	v19 =	vmul.f32 v21, v22  }
0x4c: {  	v45 =	vld [tilespmem:s26+$0x7880];
	v44 =	vmul.f32 v23, v22;
	[tilespmem:s26+$0x7810] =	vst v20  }
0x4d: {  	v46 =	vld [tilespmem:s26+$0x7890];
	[tilespmem:s26+$0x7820] =	vst v19;
	v19 =	vmul.f32 v24, v22  }
0x4e: {  	v48 =	vld [tilespmem:s26+$0x78A0];
	v47 =	vmul.f32 v25, v22;
	[tilespmem:s26+$0x7830] =	vst v44  }
0x4f: {  	v27 =	vld [tilespmem:s26+$0x78B0];
	v49 =	vperm.xlane v18, v2;
	[tilespmem:s26+$0x7840] =	vst v19;
	v19 =	vmul.f32 v26, v22  }
0x50: {  	v51 =	vld [tilespmem:s26+$0x78C0];
	v50 =	vmul.f32 v43, v22;
	[tilespmem:s26+$0x7850] =	vst v47  }
0x51: {  	v52 =	vld [tilespmem:s26+$0x78D0];
	[tilespmem:s26+$0x7860] =	vst v19;
	v19 =	vmul.f32 v45, v49  }
0x52: {  	v54 =	vld [tilespmem:s26+$0x78E0];
	v53 =	vmul.f32 v46, v49;
	[tilespmem:s26+$0x7870] =	vst v50  }
0x53: {  	v55 =	vld [tilespmem:s26+$0x78F0];
	[tilespmem:s26+$0x7880] =	vst v19;
	v19 =	vmul.f32 v48, v49  }
0x54: {  	v57 =	vld [tilespmem:s26+$0x7900];
	v56 =	vmul.f32 v27, v49;
	[tilespmem:s26+$0x7890] =	vst v53  }
0x55: {  	v58 =	vld [tilespmem:s26+$0x7910];
	[tilespmem:s26+$0x78A0] =	vst v19;
	v19 =	vmul.f32 v51, v49  }
0x56: {  	v60 =	vld [tilespmem:s26+$0x7920];
	v59 =	vmul.f32 v52, v49;
	[tilespmem:s26+$0x78B0] =	vst v56  }
0x57: {  	v62 =	vld [tilespmem:s26+$0x7930];
	v61 =	vperm.xlane v18, v3;
	[tilespmem:s26+$0x78C0] =	vst v19;
	v19 =	vmul.f32 v54, v49  }
0x58: {  	v28 =	vld [tilespmem:s26+$0x7940];
	v63 =	vmul.f32 v55, v49;
	[tilespmem:s26+$0x78D0] =	vst v59  }
0x59: {  	v29 =	vld [tilespmem:s26+$0x7950];
	[tilespmem:s26+$0x78E0] =	vst v19;
	v19 =	vmul.f32 v57, v61  }
0x5a: {  	v31 =	vld [tilespmem:s26+$0x7960];
	v30 =	vmul.f32 v58, v61;
	[tilespmem:s26+$0x78F0] =	vst v63  }
0x5b: {  	v32 =	vld [tilespmem:s26+$0x7970];
	[tilespmem:s26+$0x7900] =	vst v19;
	v19 =	vmul.f32 v60, v61  }
0x5c: {  	v34 =	vld [tilespmem:s26+$0x7980];
	v33 =	vmul.f32 v62, v61;
	[tilespmem:s26+$0x7910] =	vst v30  }
0x5d: {  	v35 =	vld [tilespmem:s26+$0x7990];
	[tilespmem:s26+$0x7920] =	vst v19;
	v19 =	vmul.f32 v28, v61  }
0x5e: {  	v37 =	vld [tilespmem:s26+$0x79A0];
	v36 =	vmul.f32 v29, v61;
	[tilespmem:s26+$0x7930] =	vst v33  }
0x5f: {  	v39 =	vld [tilespmem:s26+$0x79B0];
	v38 =	vperm.xlane v18, v4;
	[tilespmem:s26+$0x7940] =	vst v19;
	v19 =	vmul.f32 v31, v61  }
0x60: {  	v41 =	vld [tilespmem:s26+$0x79C0];
	v40 =	vmul.f32 v32, v61;
	[tilespmem:s26+$0x7950] =	vst v36  }
0x61: {  	v45 =	vld [tilespmem:s26+$0x79F0];
	[tilespmem:s26+$0x7960] =	vst v19;
	v19 =	vmul.f32 v34, v38  }
0x62: {  	v43 =	vmul.f32 v35, v38;
	[tilespmem:s26+$0x7970] =	vst v40;
	v44 =	vld [tilespmem:s26+$0x79E0]  }
0x63: {  	v42 =	vld [tilespmem:s26+$0x79D0];
	[tilespmem:s26+$0x7980] =	vst v19;
	v19 =	vmul.f32 v37, v38  }
0x64: {  	v46 =	vmul.f32 v39, v38;
	[tilespmem:s26+$0x7990] =	vst v43;
	v47 =	vld [tilespmem:s26+$0x7A00]  }
0x65: {  	v52 =	vld [tilespmem:s26+$0x7A30];
	[tilespmem:s26+$0x79A0] =	vst v19;
	v19 =	vmul.f32 v41, v38  }
0x66: {  	[tilespmem:s26+$0x79B0] =	vst v46;
	v50 =	vld [tilespmem:s26+$0x7A20];
	v53 =	vmul.f32 v45, v38  }
0x67: {  	v55 =	vld [tilespmem:s26+$0x7A50];
	v51 =	vperm.xlane v18, v5;
	[tilespmem:s26+$0x79C0] =	vst v19;
	v19 =	vmul.f32 v44, v38  }
0x68: {  	v49 =	vmul.f32 v42, v38;
	v54 =	vld [tilespmem:s26+$0x7A40];
	[tilespmem:s26+$0x79F0] =	vst v53  }
0x69: {  	v58 =	vld [tilespmem:s26+$0x7A70];
	[tilespmem:s26+$0x79E0] =	vst v19;
	v19 =	vmul.f32 v47, v51  }
0x6a: {  	v59 =	vmul.f32 v52, v51;
	[tilespmem:s26+$0x79D0] =	vst v49;
	v57 =	vld [tilespmem:s26+$0x7A60]  }
0x6b: {  	v48 =	vld [tilespmem:s26+$0x7A10];
	[tilespmem:s26+$0x7A00] =	vst v19;
	v19 =	vmul.f32 v50, v51  }
0x6c: {  	v62 =	vmul.f32 v55, v51;
	[tilespmem:s26+$0x7A30] =	vst v59;
	v60 =	vld [tilespmem:s26+$0x7A80]  }
0x6d: {  	v40 =	vld [tilespmem:s26+$0x7B10];
	[tilespmem:s26+$0x7A20] =	vst v19;
	v19 =	vmul.f32 v54, v51  }
0x6e: {  	v63 =	vld [tilespmem:s26+$0x7AA0];
	v32 =	vmul.f32 v58, v51;
	[tilespmem:s26+$0x7A50] =	vst v62  }
0x6f: {  	v30 =	vperm.xlane v18, v6;
	v61 =	vld [tilespmem:s26+$0x7A90];
	[tilespmem:s26+$0x7A40] =	vst v19;
	v19 =	vmul.f32 v57, v51  }
0x70: {  	v33 =	vld [tilespmem:s26+$0x7AC0];
	v43 =	vperm.xlane v18, v7;
	v56 =	vmul.f32 v48, v51;
	[tilespmem:s26+$0x7A70] =	vst v32  }
0x71: {  	v53 =	vld [tilespmem:s26+$0x7B90];
	[tilespmem:s26+$0x7A60] =	vst v19;
	v19 =	vmul.f32 v60, v30  }
0x72: {  	v36 =	vld [tilespmem:s26+$0x7AE0];
	v48 =	vmul.f32 v40, v43;
	[tilespmem:s26+$0x7A10] =	vst v56  }
0x73: {  	v31 =	vld [tilespmem:s26+$0x7AB0];
	[tilespmem:s26+$0x7A80] =	vst v19;
	v19 =	vmul.f32 v63, v30  }
0x74: {  	v39 =	vld [tilespmem:s26+$0x7B00];
	[tilespmem:s26+$0x7B10] =	vst v48;
	v56 =	vperm.xlane v18, v8;
	v35 =	vmul.f32 v61, v30  }
0x75: {  	v34 =	vld [tilespmem:s26+$0x7AD0];
	[tilespmem:s26+$0x7AA0] =	vst v19;
	v19 =	vmul.f32 v33, v30  }
0x76: {  	v42 =	vld [tilespmem:s26+$0x7B20];
	v61 =	vmul.f32 v53, v56;
	[tilespmem:s26+$0x7A90] =	vst v35  }
0x77: {  	v37 =	vld [tilespmem:s26+$0x7AF0];
	[tilespmem:s26+$0x7AC0] =	vst v19;
	v19 =	vmul.f32 v36, v30  }
0x78: {  	v46 =	vld [tilespmem:s26+$0x7B40];
	[tilespmem:s26+$0x7B90] =	vst v61;
	v38 =	vmul.f32 v31, v30  }
0x79: {  	v47 =	vld [tilespmem:s26+$0x7B50];
	[tilespmem:s26+$0x7AE0] =	vst v19;
	v19 =	vmul.f32 v39, v43  }
0x7a: {  	v49 =	vld [tilespmem:s26+$0x7B60];
	v41 =	vmul.f32 v34, v30;
	[tilespmem:s26+$0x7AB0] =	vst v38  }
0x7b: {  	v38 =	vld [tilespmem:s26+$0x7C50];
	[tilespmem:s26+$0x7B00] =	vst v19;
	v19 =	vmul.f32 v42, v43  }
0x7c: {  	v52 =	vld [tilespmem:s26+$0x7B80];
	[tilespmem:s26+$0x7AD0] =	vst v41;
	v45 =	vmul.f32 v37, v30  }
0x7d: {  	v44 =	vld [tilespmem:s26+$0x7B30];
	[tilespmem:s26+$0x7B20] =	vst v19;
	v19 =	vmul.f32 v46, v43  }
0x7e: {  	v55 =	vld [tilespmem:s26+$0x7BA0];
	v34 =	vperm.xlane v18, v9;
	[tilespmem:s26+$0x7AF0] =	vst v45;
	v54 =	vmul.f32 v47, v43  }
0x7f: {  	v50 =	vld [tilespmem:s26+$0x7B70];
	[tilespmem:s26+$0x7B40] =	vst v19;
	v19 =	vmul.f32 v49, v43  }
0x80: {  	v59 =	vld [tilespmem:s26+$0x7BC0];
	v45 =	vmul.f32 v38, v34;
	[tilespmem:s26+$0x7B50] =	vst v54  }
0x81: {  	v57 =	vld [tilespmem:s26+$0x7BB0];
	[tilespmem:s26+$0x7B60] =	vst v19;
	v19 =	vmul.f32 v52, v56  }
0x82: {  	v62 =	vld [tilespmem:s26+$0x7BE0];
	v51 =	vmul.f32 v44, v43;
	[tilespmem:s26+$0x7C50] =	vst v45  }
0x83: {  	v60 =	vld [tilespmem:s26+$0x7BD0];
	[tilespmem:s26+$0x7B80] =	vst v19;
	v19 =	vmul.f32 v55, v56  }
0x84: {  	v58 =	vmul.f32 v50, v43;
	[tilespmem:s26+$0x7B30] =	vst v51;
	v30 =	vld [tilespmem:s26+$0x7C00]  }
0x85: {  	v51 =	vld [tilespmem:s26+$0x7CD0];
	[tilespmem:s26+$0x7BA0] =	vst v19;
	v19 =	vmul.f32 v59, v56  }
0x86: {  	[tilespmem:s26+$0x7B70] =	vst v58;
	v29 =	vmul.f32 v57, v56;
	v33 =	vld [tilespmem:s26+$0x7C20]  }
0x87: {  	v63 =	vld [tilespmem:s26+$0x7BF0];
	[tilespmem:s26+$0x7BC0] =	vst v19;
	v19 =	vmul.f32 v62, v56  }
0x88: {  	v37 =	vld [tilespmem:s26+$0x7C40];
	v47 =	vperm.xlane v18, v10;
	[tilespmem:s26+$0x7BB0] =	vst v29;
	v32 =	vmul.f32 v60, v56  }
0x89: {  	v61 =	vld [tilespmem:s26+$0x7D30];
	[tilespmem:s26+$0x7BE0] =	vst v19;
	v19 =	vmul.f32 v30, v34  }
0x8a: {  	v40 =	vld [tilespmem:s26+$0x7C60];
	v58 =	vmul.f32 v51, v47;
	[tilespmem:s26+$0x7BD0] =	vst v32  }
0x8b: {  	v31 =	vld [tilespmem:s26+$0x7C10];
	[tilespmem:s26+$0x7C00] =	vst v19;
	v19 =	vmul.f32 v33, v34  }
0x8c: {  	v60 =	vperm.xlane v18, v11;
	v36 =	vmul.f32 v63, v56;
	[tilespmem:s26+$0x7CD0] =	vst v58;
	v43 =	vld [tilespmem:s26+$0x7C80]  }
0x8d: {  	v57 =	vld [tilespmem:s26+$0x7D10];
	[tilespmem:s26+$0x7C20] =	vst v19;
	v19 =	vmul.f32 v37, v34  }
0x8e: {  	v32 =	vmul.f32 v61, v60;
	[tilespmem:s26+$0x7BF0] =	vst v36;
	v46 =	vld [tilespmem:s26+$0x7CA0]  }
0x8f: {  	v35 =	vld [tilespmem:s26+$0x7C30];
	[tilespmem:s26+$0x7C40] =	vst v19;
	v19 =	vmul.f32 v40, v34  }
0x90: {  	v50 =	vld [tilespmem:s26+$0x7CC0];
	v39 =	vmul.f32 v31, v34;
	[tilespmem:s26+$0x7D30] =	vst v32  }
0x91: {  	v28 =	vld [tilespmem:s26+$0x7D50];
	[tilespmem:s26+$0x7C60] =	vst v19;
	v19 =	vmul.f32 v43, v47  }
0x92: {  	v53 =	vld [tilespmem:s26+$0x7CE0];
	v29 =	vmul.f32 v57, v60;
	[tilespmem:s26+$0x7C10] =	vst v39  }
0x93: {  	v31 =	vld [tilespmem:s26+$0x7D70];
	[tilespmem:s26+$0x7C80] =	vst v19;
	v19 =	vmul.f32 v46, v47  }
0x94: {  	v42 =	vmul.f32 v35, v34;
	[tilespmem:s26+$0x7D10] =	vst v29;
	v56 =	vld [tilespmem:s26+$0x7D00]  }
0x95: {  	v41 =	vld [tilespmem:s26+$0x7C70];
	[tilespmem:s26+$0x7CA0] =	vst v19;
	v19 =	vmul.f32 v50, v47  }
0x96: {  	v35 =	vmul.f32 v28, v60;
	[tilespmem:s26+$0x7C30] =	vst v42;
	v59 =	vld [tilespmem:s26+$0x7D20]  }
0x97: {  	v44 =	vld [tilespmem:s26+$0x7C90];
	[tilespmem:s26+$0x7CC0] =	vst v19;
	v19 =	vmul.f32 v53, v47  }
0x98: {  	v63 =	vld [tilespmem:s26+$0x7D40];
	[tilespmem:s26+$0x7D50] =	vst v35;
	v39 =	vmul.f32 v31, v60  }
0x99: {  	v48 =	vld [tilespmem:s26+$0x7CB0];
	[tilespmem:s26+$0x7CE0] =	vst v19;
	v19 =	vmul.f32 v56, v60  }
0x9a: {  	v49 =	vmul.f32 v41, v34;
	[tilespmem:s26+$0x7D70] =	vst v39;
	v30 =	vld [tilespmem:s26+$0x7D60]  }
0x9b: {  	v54 =	vld [tilespmem:s26+$0x7CF0];
	[tilespmem:s26+$0x7D00] =	vst v19;
	v19 =	vmul.f32 v59, v60  }
0x9c: {  	[tilespmem:s26+$0x7C70] =	vst v49;
	v52 =	vmul.f32 v44, v47;
	v33 =	vld [tilespmem:s26+$0x7D80]  }
0x9d: {  	v38 =	vld [tilespmem:s26+$0x7DB0];
	[tilespmem:s26+$0x7D20] =	vst v19;
	v19 =	vmul.f32 v63, v60  }
0x9e: {  	v36 =	vld [tilespmem:s26+$0x7DA0];
	[tilespmem:s26+$0x7C90] =	vst v52;
	v55 =	vmul.f32 v48, v47  }
0x9f: {  	v41 =	vld [tilespmem:s26+$0x7DD0];
	v37 =	vperm.xlane v18, v12;
	[tilespmem:s26+$0x7D40] =	vst v19;
	v19 =	vmul.f32 v30, v60  }
0xa0: {  	[tilespmem:s26+$0x7CB0] =	vst v55;
	v62 =	vmul.f32 v54, v47;
	v40 =	vld [tilespmem:s26+$0x7DC0]  }
0xa1: {  	v44 =	vld [tilespmem:s26+$0x7DF0];
	[tilespmem:s26+$0x7D60] =	vst v19;
	v19 =	vmul.f32 v33, v37  }
0xa2: {  	[tilespmem:s26+$0x7CF0] =	vst v62;
	v45 =	vmul.f32 v38, v37;
	v43 =	vld [tilespmem:s26+$0x7DE0]  }
0xa3: {  	v34 =	vld [tilespmem:s26+$0x7D90];
	[tilespmem:s26+$0x7D80] =	vst v19;
	v19 =	vmul.f32 v36, v37  }
0xa4: {  	v48 =	vmul.f32 v41, v37;
	[tilespmem:s26+$0x7DB0] =	vst v45;
	v46 =	vld [tilespmem:s26+$0x7E00]  }
0xa5: {  	v51 =	vld [tilespmem:s26+$0x7E30];
	[tilespmem:s26+$0x7DA0] =	vst v19;
	v19 =	vmul.f32 v40, v37  }
0xa6: {  	v49 =	vld [tilespmem:s26+$0x7E20];
	v52 =	vmul.f32 v44, v37;
	[tilespmem:s26+$0x7DD0] =	vst v48  }
0xa7: {  	v54 =	vld [tilespmem:s26+$0x7E50];
	v50 =	vperm.xlane v18, v13;
	[tilespmem:s26+$0x7DC0] =	vst v19;
	v19 =	vmul.f32 v43, v37  }
0xa8: {  	[tilespmem:s26+$0x7DF0] =	vst v52;
	v42 =	vmul.f32 v34, v37;
	v53 =	vld [tilespmem:s26+$0x7E40]  }
0xa9: {  	v57 =	vld [tilespmem:s26+$0x7E70];
	[tilespmem:s26+$0x7DE0] =	vst v19;
	v19 =	vmul.f32 v46, v50  }
0xaa: {  	[tilespmem:s26+$0x7D90] =	vst v42;
	v58 =	vmul.f32 v51, v50;
	v56 =	vld [tilespmem:s26+$0x7E60]  }
0xab: {  	v47 =	vld [tilespmem:s26+$0x7E10];
	[tilespmem:s26+$0x7E00] =	vst v19;
	v19 =	vmul.f32 v49, v50  }
0xac: {  	v61 =	vmul.f32 v54, v50;
	[tilespmem:s26+$0x7E30] =	vst v58;
	v59 =	vld [tilespmem:s26+$0x7E80]  }
0xad: {  	v39 =	vld [tilespmem:s26+$0x7F10];
	[tilespmem:s26+$0x7E20] =	vst v19;
	v19 =	vmul.f32 v53, v50  }
0xae: {  	v62 =	vld [tilespmem:s26+$0x7EA0];
	v31 =	vmul.f32 v57, v50;
	[tilespmem:s26+$0x7E50] =	vst v61  }
0xaf: {  	v63 =	vperm.xlane v18, v14;
	v60 =	vld [tilespmem:s26+$0x7E90];
	[tilespmem:s26+$0x7E40] =	vst v19;
	v19 =	vmul.f32 v56, v50  }
0xb0: {  	v32 =	vld [tilespmem:s26+$0x7EC0];
	v42 =	vperm.xlane v18, v15;
	[tilespmem:s26+$0x7E70] =	vst v31;
	v55 =	vmul.f32 v47, v50  }
0xb1: {  	v33 =	vld [tilespmem:s26+$0x7ED0];
	[tilespmem:s26+$0x7E60] =	vst v19;
	v19 =	vmul.f32 v59, v63  }
0xb2: {  	v35 =	vld [tilespmem:s26+$0x7EE0];
	v47 =	vmul.f32 v39, v42;
	[tilespmem:s26+$0x7E10] =	vst v55  }
0xb3: {  	v30 =	vld [tilespmem:s26+$0x7EB0];
	[tilespmem:s26+$0x7E80] =	vst v19;
	v19 =	vmul.f32 v62, v63  }
0xb4: {  	v38 =	vld [tilespmem:s26+$0x7F00];
	[tilespmem:s26+$0x7F10] =	vst v47;
	v34 =	vmul.f32 v60, v63  }
0xb5: {  	v36 =	vld [tilespmem:s26+$0x7EF0];
	[tilespmem:s26+$0x7EA0] =	vst v19;
	v19 =	vmul.f32 v32, v63  }
0xb6: {  	v41 =	vld [tilespmem:s26+$0x7F20];
	[tilespmem:s26+$0x7E90] =	vst v34;
	v40 =	vmul.f32 v33, v63  }
0xb7: {  	v46 =	vld [tilespmem:s26+$0x7F50];
	[tilespmem:s26+$0x7EC0] =	vst v19;
	v19 =	vmul.f32 v35, v63  }
0xb8: {  	v45 =	vld [tilespmem:s26+$0x7F40];
	v37 =	vmul.f32 v30, v63;
	[tilespmem:s26+$0x7ED0] =	vst v40  }
0xb9: {  	v43 =	vld [tilespmem:s26+$0x7F30];
	[tilespmem:s26+$0x7EE0] =	vst v19;
	v19 =	vmul.f32 v38, v42  }
0xba: {  	v48 =	vld [tilespmem:s26+$0x7F60];
	v44 =	vmul.f32 v36, v63;
	[tilespmem:s26+$0x7EB0] =	vst v37  }
0xbb: {  	v49 =	vld [tilespmem:s26+$0x7F70];
	[tilespmem:s26+$0x7F00] =	vst v19;
	v19 =	vmul.f32 v41, v42  }
0xbc: {  	v51 =	vld [tilespmem:s26+$0x7F80];
	[tilespmem:s26+$0x7EF0] =	vst v44;
	v53 =	vmul.f32 v46, v42  }
0xbd: {  	v52 =	vld [tilespmem:s26+$0x7F90];
	[tilespmem:s26+$0x7F20] =	vst v19;
	v19 =	vmul.f32 v45, v42  }
0xbe: {  	v54 =	vld [tilespmem:s26+$0x7FA0];
	v50 =	vmul.f32 v43, v42;
	[tilespmem:s26+$0x7F50] =	vst v53  }
0xbf: {  	v18 =	vperm.xlane v18, v16;
	v55 =	vld [tilespmem:s26+$0x7FB0];
	[tilespmem:s26+$0x7F40] =	vst v19;
	v19 =	vmul.f32 v48, v42  }
0xc0: {  	v57 =	vld [tilespmem:s26+$0x7FC0];
	v56 =	vmul.f32 v49, v42;
	[tilespmem:s26+$0x7F30] =	vst v50  }
0xc1: {  	v58 =	vld [tilespmem:s26+$0x7FD0];
	[tilespmem:s26+$0x7F60] =	vst v19;
	v19 =	vmul.f32 v51, v18  }
0xc2: {  	v60 =	vld [tilespmem:s26+$0x7FE0];
	v59 =	vmul.f32 v52, v18;
	[tilespmem:s26+$0x7F70] =	vst v56  }
0xc3: {  	v61 =	vld [tilespmem:s26+$0x7FF0];
	[tilespmem:s26+$0x7F80] =	vst v19;
	v19 =	vmul.f32 v54, v18  }
0xc4: {  	[tilespmem:s26+$0x7F90] =	vst v59;
	v62 =	vmul.f32 v55, v18  }
0xc5: {  	p0 =	sne.s32 s25, $0x7;
	[tilespmem:s26+$0x7FA0] =	vst v19;
	v19 =	vmul.f32 v57, v18  }
.Ltmp1:
0xc6: {  	[tilespmem:s26+$0x7FB0] =	vst v62;
	v63 =	vmul.f32 v58, v18;
	(pc) =	sbr.rel @p0 .LBB2_5-.Ltmp1, $4  }
0xc7: {  	[tilespmem:s26+$0x7FC0] =	vst v19;
	v19 =	vmul.f32 v60, v18  }
0xc8: {  	[tilespmem:s26+$0x7FD0] =	vst v63;
	v18 =	vmul.f32 v61, v18  }
0xc9: {  	[tilespmem:s26+$0x7FE0] =	vst v19  }
0xca: {  	s25 =	sadd.s32 $0x1, s25;
	[tilespmem:s26+$0x7FF0] =	vst v18  }
0xcb: {  	s23 =	sadd.s32 $0x1, s23  }
0xcc: {  	p0 =	sne.s32 s23, $0x4F  }
.Ltmp2:
0xcd: {  	s24 =	sadd.s32 $0x2800, s24;
	(pc) =	sbr.rel @p0 .LBB2_4-.Ltmp2, $4  }
0xce: {  	[spmem:s3] =	stream.indirect.scatter.add.f32 [tilespmem:s18], [sflag:$0x1], $0x80, s24, s19, $0xb8;
	[tilespmem:$0x1F080] =	vst v63  }
0xcf: {  	_ =	swait.ge [sflag:s15], $0x4000  }
0xd0: {  	[sflag:s15] =	ssyncset.done $0x0  }
0xd1: {  	[sflag:s15] =	ssyncadd.s32 $0xFFFFC000  }
0xd2: {  	s22 =	sadd.s32 $0x1, s22  }
0xd3: {  	p0 =	sne.s32 s22, s14  }
.Ltmp3:
0xd4: {  	[bflag:$0x0] =	sbarrier.arrive $0xFFFF;
	(pc) =	sbr.rel @p0 .LBB2_1-.Ltmp3, $4  }
0xd5: {  	[hbm:s13], [sflag:s20] =	dma.local [spmem:s21], $0x2800  }
0xd6: {  	_ =	swait.ge [sflag:s15], $0x2800  }
0xd7: {  	[sflag:s15] =	ssyncset.done $0x0  }
0xd8: {  	[sflag:s15] =	ssyncadd.s32 $0xFFFFD800  }
0xd9: {  	_ =	sfence.sel $0x180000  }
0xda: {  	[bflag:$0x0] =	sbarrier.arrive $0xFFFF  }
0xdb: {  	p0 =	sne.s32 s2, $0x0;
	_ =	strace $0x9000004D  }
0xdc: {  	s0 =	sadd.s32 @!p0 $0x100000, s0;
	[bflag:$0x2] =	sbarrier.arrive $0xFFFF  }
0xdd: {  	[sflag:s0] =	ssyncadd.tile.s32 @!p0 $0x1;
	_ =	shalt  }
.Lfunc_end2:
_tile_overlayer_lowered:
.L_overlay_start_2:
0xde: {  	(tag) =	ssettag $0x2  }
0xdf: {  	s0 =	rddreg [dreg:$0x0];
	s2 =	stileid.u32  }
0xe0: {  	s1 =	rddreg [dreg:$0x1];
	p0 =	sne.s32 s2, $0x0  }
0xe1: {  	s3 =	rddreg [dreg:$0x2];
	[bflag:$0x3] =	sbarrier.arrive $0xFFFF;
	s2 =	simm.s32 @!p0 $0x1C01  }
0xe2: {  	[timem:s3], [sflag:s2] =	dma.local @!p0 [hbm:s0], s1  }
0xe3: {  	s0 =	simm.s32 @!p0 $0x1  }
0xe4: {  	_ =	swait.ge @!p0 [sflag:s0], s1  }
0xe5: {  	s1 =	ssub.s32 @!p0 $0x0, s1;
	[sflag:s0] =	ssyncset.done @!p0 $0x0  }
0xe6: {  	[sflag:s0] =	ssyncadd.s32 @!p0 s1  }
0xe7: {  	[bflag:$0x3] =	sbarrier.arrive $0xFFFF  }
0xe8: {  	_ =	shalt  }

// kernel: kernel.9.cloned.1.call-start
scs
__scs_entry_jumppad:
0x0: {  	(pc) =	sbr.rel $0x88, $3  }
0x1: {  	(tag) =	ssettag $0x0;
	lr =	simm.s32 $0x1  }
0x2: {  	[smem:$0x3F98] =	sst lr;
	_ =	strace $0xD0000000  }
0x3: {  	_ = 	snop  }
0x4: {  	_ = 	snop  }
0x5: {  	_ = 	snop  }
0x6: {  	_ = 	snop  }
0x7: {  	_ = 	snop  }
__scs_overlays_trampoline_lowered:
0x8: {  	[smem:$0x3FA7] =	sst s0  }
0x9: {  	[smem:$0x3FA8] =	sst s1  }
0xa: {  	[smem:$0x3FA9] =	sst s2  }
0xb: {  	[smem:$0x3FAA] =	sst s3  }
0xc: {  	[smem:$0x3FAB] =	sst s4  }
0xd: {  	[smem:$0x3FAC] =	sst s5  }
0xe: {  	[smem:$0x3FAD] =	sst s6  }
0xf: {  	[smem:$0x3FAE] =	sst s7  }
0x10: {  	[smem:$0x3FAF] =	sst s8  }
0x11: {  	[smem:$0x3FB0] =	sst s9;
	s0 =	simm.s32 @!p0 $0x0  }
0x12: {  	s1 =	sld [smem:$0x3F96];
	s0 =	simm.s32 @p0 $0x1  }
0x13: {  	[smem:$0x3FB1] =	sst s0;
	s0 =	simm.s32 @!p1 $0x0  }
0x14: {  	s2 =	sld [smem:$0x3F95];
	s0 =	simm.s32 @p1 $0x1  }
0x15: {  	[smem:$0x3FB2] =	sst s0;
	s0 =	simm.s32 @!p2 $0x0  }
0x16: {  	s3 =	sld [smem:$0x3FDB];
	s0 =	simm.s32 @p2 $0x1  }
0x17: {  	s4 =	simm.s32 $0x1BF5;
	[smem:$0x3FB4] =	sst s0  }
0x18: {  	s0 =	sld [smem:$0x3F97];
	_ =	swait.ge [sflag:s4], $0x0  }
0x19: {  	s7 =	sld [smem:$0x3F98]  }
0x1a: {  	s8 =	sadd.s32 $0xFFFFE003, lr  }
0x1b: {  	s9 =	sadd.s32 $0xFFFFFEF7, lr;
	s5 =	simm.s32 $0xFFFFFFFF;
	p2 =	slt.u32 s8, $0xFFFFF086  }
0x1c: {  	p1 =	slt.u32 s9, $0xF7A;
	s5 =	simm.s32 @!p2 $0x0  }
0x1d: {  	s5 =	simm.s32 @p1 $0x1;
	p0 =	seq.s32 s7, s2  }
0x1e: {  	s7 =	smul.u32 @!p0 $0xF7A, s2;
	p2 =	seq.s32 @!p0 s5, $0x0  }
0x1f: {  	s9 =	smul.u32 $0xF7A, s1;
	s8 =	simm.s32 @!p0 $0x1BF5;
	p2 =	por !p2, p0  }
0x20: {  	[sflag:s8] =	ssyncset.s32 @!p0 $0xFFFFF086;
	s6 =	sadd.s32 @!p0 s3, s7;
	s7 =	simm.s32 @!p0 $0x108  }
0x21: {  	s3 =	sadd.s32 s3, s9;
	s6 =	sadd.s32 @!p0 $0x88, s6;
	s7 =	simm.s32 @p2 $0x1082  }
0x22: {  	[simem:s7], [sflag:s8] =	dma.local @!p0 [hbm:s6], $0xF7A  }
0x23: {  	s9 =	sor.u32 $0xD0000000, s2;
	s6 =	simm.s32 $0x108;
	_ =	swait.ge @!p0 [sflag:s8], $0x0  }
0x24: {  	s3 =	sadd.s32 $0x88, s3;
	s6 =	simm.s32 @!p1 $0x1082;
	[sflag:s4] =	ssyncset.s32 $0xFFFFF086  }
0x25: {  	[simem:s6], [sflag:s4] =	dma.local [hbm:s3], $0xF7A  }
0x26: {  	[smem:$0x3F98] =	sst s1;
	(tag) =	ssettag s2;
	_ =	strace s9  }
0x27: {  	s1 =	sld [smem:$0x3FA8]  }
0x28: {  	s2 =	sld [smem:$0x3FA9]  }
0x29: {  	s4 =	sld [smem:$0x3FAB]  }
0x2a: {  	p0 =	seq.s32 s5, $0x0;
	s5 =	sld [smem:$0x3FAC]  }
0x2b: {  	s6 =	sld [smem:$0x3FAD]  }
0x2c: {  	s7 =	sld [smem:$0x3FAE]  }
0x2d: {  	s3 =	simm.s32 $0x108;
	s8 =	sld [smem:$0x3FAF]  }
0x2e: {  	s3 =	simm.s32 @!p0 $0x1082;
	s9 =	sld [smem:$0x3FB0]  }
0x2f: {  	lr =	sadd.s32 s0, s3;
	s0 =	sld [smem:$0x3FA7]  }
0x30: {  	s3 =	sld [smem:$0x3FAA]  }
0x31: {  	[smem:$0x3FB3] =	sst s10  }
0x32: {  	s10 =	sld [smem:$0x3FB1];
	_ =	sdelay $0x3  }
0x33: {  	p0 =	seq.s32 s10, $0x1;
	s10 =	sld [smem:$0x3FB3];
	_ =	sdelay $0x3  }
0x34: {  	[smem:$0x3FB3] =	sst s10  }
0x35: {  	s10 =	sld [smem:$0x3FB2];
	_ =	sdelay $0x3  }
0x36: {  	p1 =	seq.s32 s10, $0x1;
	s10 =	sld [smem:$0x3FB3];
	_ =	sdelay $0x3  }
0x37: {  	[smem:$0x3FB3] =	sst s10  }
0x38: {  	s10 =	sld [smem:$0x3FB4]  }
0x39: {  	_ = 	snop;
	(pc) =	sbr.ind lr, $3  }
0x3a: {  	_ = 	snop  }
0x3b: {  	_ = 	snop  }
0x3c: {  	p2 =	seq.s32 s10, $0x1;
	s10 =	sld [smem:$0x3FB3]  }
0x3d: {  	_ =	shalt  }
0x3e: {  	_ =	shalt  }
0x3f: {  	_ =	shalt  }
0x40: {  	_ =	shalt  }
0x41: {  	_ =	shalt  }
0x42: {  	_ =	shalt  }
0x43: {  	_ =	shalt  }
0x44: {  	_ =	shalt  }
0x45: {  	_ =	shalt  }
0x46: {  	_ =	shalt  }
0x47: {  	_ =	shalt  }
0x48: {  	_ =	shalt  }
0x49: {  	_ =	shalt  }
0x4a: {  	_ =	shalt  }
0x4b: {  	_ =	shalt  }
0x4c: {  	_ =	shalt  }
0x4d: {  	_ =	shalt  }
0x4e: {  	_ =	shalt  }
0x4f: {  	_ =	shalt  }
0x50: {  	_ =	shalt  }
0x51: {  	_ =	shalt  }
0x52: {  	_ =	shalt  }
0x53: {  	_ =	shalt  }
0x54: {  	_ =	shalt  }
0x55: {  	_ =	shalt  }
0x56: {  	_ =	shalt  }
0x57: {  	_ =	shalt  }
0x58: {  	_ =	shalt  }
0x59: {  	_ =	shalt  }
0x5a: {  	_ =	shalt  }
0x5b: {  	_ =	shalt  }
0x5c: {  	_ =	shalt  }
0x5d: {  	_ =	shalt  }
0x5e: {  	_ =	shalt  }
0x5f: {  	_ =	shalt  }
0x60: {  	_ =	shalt  }
0x61: {  	_ =	shalt  }
0x62: {  	_ =	shalt  }
0x63: {  	_ =	shalt  }
0x64: {  	_ =	shalt  }
0x65: {  	_ =	shalt  }
0x66: {  	_ =	shalt  }
0x67: {  	_ =	shalt  }
0x68: {  	_ =	shalt  }
0x69: {  	_ =	shalt  }
0x6a: {  	_ =	shalt  }
0x6b: {  	_ =	shalt  }
0x6c: {  	_ =	shalt  }
0x6d: {  	_ =	shalt  }
0x6e: {  	_ =	shalt  }
0x6f: {  	_ =	shalt  }
0x70: {  	_ =	shalt  }
0x71: {  	_ =	shalt  }
0x72: {  	_ =	shalt  }
0x73: {  	_ =	shalt  }
0x74: {  	_ =	shalt  }
0x75: {  	_ =	shalt  }
0x76: {  	_ =	shalt  }
0x77: {  	_ =	shalt  }
0x78: {  	_ =	shalt  }
0x79: {  	_ =	shalt  }
0x7a: {  	_ =	shalt  }
0x7b: {  	_ =	shalt  }
0x7c: {  	_ =	shalt  }
0x7d: {  	_ =	shalt  }
0x7e: {  	_ =	shalt  }
0x7f: {  	_ =	shalt  }
0x80: {  	_ =	shalt  }
0x81: {  	_ =	shalt  }
0x82: {  	_ =	shalt  }
0x83: {  	_ =	shalt  }
0x84: {  	_ =	shalt  }
0x85: {  	_ =	shalt  }
0x86: {  	_ =	shalt  }
0x87: {  	_ =	shalt  }
.Lfunc_end0:
.L_simem_size_0:
called_computation_lowered:
.L_overlay_start_0:
0x88: {  	s2 =	sld [smem:$0x3FD9]  }
0x89: {  	s3 =	sld [smem:$0x3FFE];
	_ =	sdelay $0x1  }
0x8a: {  	s1 =	srdreg.scid  }
0x8b: {  	s0 =	sand.u32 $0x1, s1  }
0x8c: {  	s17 =	sshll.u32 s0, $0xA;
	s2 =	sadd.s32 s3, s2  }
0x8d: {  	s2 =	sadd.s32 s2, s17  }
0x8e: {  	[smem:$0x3FBF] =	sst s2  }
0x8f: {  	_ = 	snop  }
0x90: {  	s2 =	sld [smem:$0x3FD0];
	(tm) =	ssettm $0x1  }
0x91: {  	s18 =	sld [smem:$0x3FFB];
	_ =	sdelay $0x3  }
0x92: {  	_ =	strace s18  }
0x93: {  	s3 =	sld [smem:$0x3FFC];
	_ =	sdelay $0x3  }
0x94: {  	_ =	strace s3  }
0x95: {  	s3 =	sld [smem:$0x3FFD];
	_ =	sdelay $0x3  }
0x96: {  	_ =	strace s3  }
0x97: {  	_ =	strace $0x8FFFFFFF  }
0x98: {  	s19 =	sld [smem:$0x3FDB];
	_ =	sdelay $0x1  }
0x99: {  	s4 =	simm.s32 $_scs_section_size  }
0x9a: {  	s5 =	simm.s32 $_size__tile_overlayer_lowered;
	s6 =	simm.s32 $_tile_overlayer_lowered  }
0x9b: {  	s22 =	simm.s32 $0x1BFF;
	s21 =	sshll.u32 s6, $0x1;
	s3 =	sadd.s32 s4, s19  }
0x9c: {  	s7 =	simm.s32 $0x0;
	s20 =	sshll.u32 s5, $0x1;
	s5 =	sadd.s32 s21, s3  }
0x9d: {  	[timem:s7], [sflag:s22] =	dma.local [hbm:s5], s20  }
0x9e: {  	_ =	swait.ge [sflag:s22], s20  }
0x9f: {  	s4 =	ssub.s32 $0x0, s20;
	[sflag:s22] =	ssyncset.done $0x0  }
0xa0: {  	[sflag:s22] =	ssyncadd.s32 s4;
	_ =	sdelay $0x1  }
0xa1: {  	s23 =	simm.s32 $0x1B8B  }
0xa2: {  	_ =	swait.ge [sflag:s23], $0x1  }
0xa3: {  	[sflag:s23] =	ssyncset.done $0x0  }
0xa4: {  	s25 =	simm.s32 $0x1B8E;
	s24 =	sld [smem:$0x3FFE];
	[sflag:s23] =	ssyncadd.s32 $0xFFFFFFFF  }
0xa5: {  	s26 =	simm.s32 $execute0_lowered;
	[smem:$0x3FD2] =	sst s25  }
0xa6: {  	s5 =	sshll.u32 s26, $0x1;
	_ =	strace $0x80000046;
	[dreg:$0x1] =	wrdreg $0xFFFFFFFF  }
0xa7: {  	s28 =	simm.s32 $_size_execute0_lowered;
	s3 =	sadd.s32 s3, s5;
	[dreg:$0x0] =	wrdreg $0x0  }
0xa8: {  	s5 =	sshll.u32 s28, $0x1;
	[dreg:$0x2] =	wrdreg s3  }
0xa9: {  	[dreg:$0x3] =	wrdreg s5  }
0xaa: {  	[dreg:$0x4] =	wrdreg $0xC0  }
0xab: {  	_ =	task [dreg:s7], $0x5FFFF  }
0xac: {  	[dreg:$0x1] =	wrdreg $0xFFFFFFFF  }
0xad: {  	[dreg:$0x0] =	wrdreg $0x60  }
0xae: {  	[dreg:$0x2] =	wrdreg s24  }
0xaf: {  	[dreg:$0x3] =	wrdreg s2  }
0xb0: {  	[dreg:$0x4] =	wrdreg $0x9  }
0xb1: {  	_ =	task.clear_ibuf [dreg:s7], $0x5FFFF;
	_ =	strace $0x90000046  }
0xb2: {  	s29 =	simm.s32 $0x9;
	_ =	strace $0x80000048  }
0xb3: {  	_ =	swait.ge [sflag:s29], $0x1  }
0xb4: {  	[sflag:s29] =	ssyncadd.s32 $0xFFFFFFFF  }
0xb5: {  	_ =	strace $0x90000048  }
0xb6: {  	_ =	sfence  }
0xb7: {  	s30 =	sld [smem:$0x0];
	_ =	sdelay $0x2  }
0xb8: {  	s31 =	sshll.u32 s1, $0xD;
	s1 =	sshrl.u32 s1, $0x2  }
0xb9: {  	s3 =	sand.u32 $0x4000, s31;
	s1 =	sadd.s32 s1, s30  }
0xba: {  	s0 =	sor.u32 s3, s0;
	s1 =	sshll.u32 s1, $0x11  }
0xbb: {  	s0 =	sor.u32 s1, s0  }
0xbc: {  	s0 =	sadd.s32 $0x8F2B, s0  }
0xbd: {  	[sflag:s0] =	ssyncadd.remote.s32 $0x1  }
0xbe: {  	_ =	sfence.sel $0xFFFF  }
0xbf: {  	[dreg:$0x0] =	wrdreg $0xFFFFFFFF;
	(pc) =	sbr.abs _section_cstart, $3  }
0xc0: {  	[dreg:$0x1] =	wrdreg $0xFFFFFFFF  }
0xc1: {  	_ =	task.clear_ibuf [dreg:s7], $0x2FFFF;
	_ =	strace $0x9FFFFFFF  }
0xc2: {  	(tm) =	ssettm $0x7FFFFFFF  }
0xc3: {  	_ =	shalt  }
tec
execute0_lowered:
.L_overlay_start_1:
0x0: {  	(tag) =	ssettag $0x1  }
0x1: {  	s3 =	rddreg [dreg:$0x0];
	s1 =	srdreg.scid  }
0x2: {  	s0 =	stileid.u32;
	s5 =	rddreg [dreg:$0x1];
	s9 =	simm.s32 $0x5000  }
0x3: {  	s10 =	simm.s32 $0x80;
	s11 =	simm.s32 $0x400;
	s12 =	simm.s32 $0x0  }
0x4: {  	s4 =	sand.u32 $0x1, s1;
	s2 =	sshll.u32 s0, $0x1;
	s8 =	sshrl.u32 s0, $0x2  }
0x5: {  	s1 =	rddreg [dreg:$0x2];
	s6 =	sor.u32 s4, s2;
	s8 =	smul.u32 $0x13C00, s8  }
0x6: {  	s2 =	simm.s32 $0x0;
	s4 =	ssub.s32 $0x2, s4;
	s7 =	smul.u32 $0x500, s6  }
0x7: {  	[smem:$0x7FF] =	sst s2;
	s6 =	sshll.u32 s6, $0x7;
	s30 =	sshrl.u32 s4, $0x1  }
0x8: {  	_ =	strace $0x80000047;
	s6 =	sand.u32 $0x380, s6;
	s31 =	ssub.s32 s4, s30  }
0x9: {  	s7 =	sadd.s32 s7, s3;
	s6 =	sor.u32 s8, s6;
	s8 =	simm.s32 $0x2800  }
0xa: {  	s3 =	sadd.s32 $0xC600, s7;
	s6 =	sshrl.u32 s6, $0x3;
	s4 =	sadd.s32 $0x2600, s7  }
0xb: {  	v0 =	vimm.f32 $0.0e+00;
	s7 =	simm.s32 $0x1;
	s5 =	sadd.s32 s5, s6;
	s6 =	smax.u32 s31, $0x1  }
.LBB2_1:
0xc: {  	[tilespmem:s2], [sflag:$0x1] =	stream.linear.gather [hbm4b:s3+s2], $0x2780, $0x38;
	[tilespmem:$0x7780] =	vst v63  }
0xd: {  	_ =	swait.ge [sflag:s7], $0x2780  }
0xe: {  	[sflag:s7] =	ssyncset.done $0x0  }
0xf: {  	[sflag:s7] =	ssyncadd.s32 $0xFFFFD880  }
0x10: {  	[tilespmem:s8], [sflag:$0x1] =	stream.linear.gather [hbm4b:s4+s2], $0x2780, $0x38;
	[tilespmem:$0x7780] =	vst v63  }
0x11: {  	_ =	swait.ge [sflag:s7], $0x2780  }
0x12: {  	[sflag:s7] =	ssyncset.done $0x0  }
0x13: {  	s13 =	simm.s32 $0x0;
	[sflag:s7] =	ssyncadd.s32 $0xFFFFD880  }
.LBB2_2:
0x14: {  	p0 =	sne.s32 s13, $0x9C00  }
.Ltmp0:
0x15: {  	_ = 	snop;
	(pc) =	sbr.rel @p0 .LBB2_2-.Ltmp0, $3  }
0x16: {  	_ =	sdelay $0x1  }
0x17: {  	s14 =	sshra.s32 s13, $0x2  }
0x18: {  	s13 =	sadd.s32 $0x40, s13;
	[tilespmem:s14+$0x5000] =	vst v0  }
0x19: {  	s14 =	simm.s32 $0x0;
	s13 =	simm.s32 $0x40  }
.LBB2_4:
0x1a: {  	p0 =	sne.s32 s13, $0x9DC0;
	v1 =	vld [tilespmem:s14+$0x0];
	_ =	sdelay $0x2  }
0x1b: {  	v2 =	vld [tilespmem:s14+$0x2800]  }
.Ltmp1:
0x1c: {  	(pc) =	sbr.rel @p0 .LBB2_4-.Ltmp1, $2  }
0x1d: {  	_ =	sdelay $0x2  }
0x1e: {  	s14 =	sshra.s32 s13, $0x2;
	s13 =	sadd.s32 $0x40, s13;
	[tilespmem:v1+s9+$0x0] =	vst.idx.add.f32.msk $0xffff, v2  }
0x1f: {  	v1 =	vld [tilespmem:s14+$0x0];
	_ =	sdelay $0x2  }
0x20: {  	v2 =	vld [tilespmem:s14+$0x2800];
	_ =	sdelay $0x2  }
0x21: {  	s12 =	sadd.s32 $0x1, s12  }
0x22: {  	p0 =	sne.s32 s12, s6  }
.Ltmp2:
0x23: {  	[tilespmem:v1+s9+$0x0] =	vst.idx.add.f32.msk $0xffff, v2;
	(pc) =	sbr.rel @p0 .LBB2_1-.Ltmp2, $4  }
0x24: {  	[hbm4b:s5+s10] =	stream.strided.scatter [tilespmem:s9], [sflag:$0x1], $0x2780, s11, s10, $0x38;
	[tilespmem:$0x7780] =	vst v63  }
0x25: {  	_ =	swait.ge [sflag:s7], $0x2780  }
0x26: {  	[sflag:s7] =	ssyncset.done $0x0  }
0x27: {  	[sflag:s7] =	ssyncadd.s32 $0xFFFFD880  }
0x28: {  	_ =	sfence.sel $0x180000  }
0x29: {  	[bflag:$0x0] =	sbarrier.arrive $0xFFFF  }
0x2a: {  	p0 =	sne.s32 s0, $0x0;
	_ =	strace $0x90000047  }
0x2b: {  	s0 =	sadd.s32 @!p0 $0x100000, s1;
	[bflag:$0x2] =	sbarrier.arrive $0xFFFF  }
0x2c: {  	[sflag:s0] =	ssyncadd.tile.s32 @!p0 $0x1;
	_ =	shalt  }
.Lfunc_end2:
_tile_overlayer_lowered:
.L_overlay_start_2:
0x2d: {  	(tag) =	ssettag $0x2  }
0x2e: {  	s0 =	rddreg [dreg:$0x0];
	s2 =	stileid.u32  }
0x2f: {  	s1 =	rddreg [dreg:$0x1];
	p0 =	sne.s32 s2, $0x0  }
0x30: {  	s3 =	rddreg [dreg:$0x2];
	[bflag:$0x3] =	sbarrier.arrive $0xFFFF;
	s2 =	simm.s32 @!p0 $0x1C01  }
0x31: {  	[timem:s3], [sflag:s2] =	dma.local @!p0 [hbm:s0], s1  }
0x32: {  	s0 =	simm.s32 @!p0 $0x1  }
0x33: {  	_ =	swait.ge @!p0 [sflag:s0], s1  }
0x34: {  	s1 =	ssub.s32 @!p0 $0x0, s1;
	[sflag:s0] =	ssyncset.done @!p0 $0x0  }
0x35: {  	[sflag:s0] =	ssyncadd.s32 @!p0 s1  }
0x36: {  	[bflag:$0x3] =	sbarrier.arrive $0xFFFF  }
0x37: {  	_ =	shalt  }

</sc_bundles>
